<compile_context>
chip_gen: v7x
topology: tpu7x:2x2x1
jax: 0.10.2.dev20260603
libtpu: 0.0.44.dev20260713+nightly
codegen_flags: <defaults>
</compile_context>

<pallas_src>
import functools

import jax
import jax.numpy as jnp
from jax import lax
from jax.experimental import pallas as pl
from jax.experimental.pallas import tpu as pltpu
from jax.experimental.pallas import tpu_sc as plsc

B = 8
N = 2048
NZ = 128
DIM = 128
K = 10
HALF = DIM // 2
GF = 512
EPS = 1e-5
NT = 512
RT = 256
CH = 128
R = B * K * N

F32 = jnp.float32


def _lrelu(v, s):
    return jnp.where(v >= 0, v, s * v)


def _style_body(xr_ref, zr_ref, w1x_ref, b1_ref, w2_ref, b2_ref,
                style_ref, tab_ref):
    xr = xr_ref[0]
    zr = zr_ref[0]
    nrm = jnp.sqrt(jnp.sum(zr * zr, axis=1, keepdims=True))
    zn = zr / (nrm + 1e-8)
    cat = jnp.concatenate([xr, zn], axis=1)
    s = jnp.dot(cat, w1x_ref[...], preferred_element_type=F32) + b1_ref[...]
    s = _lrelu(s, 0.01)
    s = jnp.dot(s, w2_ref[...], preferred_element_type=F32) + b2_ref[...]
    s = _lrelu(s, 0.01)
    style_ref[0] = s
    tab_ref[0] = jnp.concatenate(
        [xr, jnp.zeros((xr.shape[0], DIM - 3), F32)], axis=1)


def _style_tab0(x, z, w1x, b1, w2, b2):
    nt = N // NT
    return pl.pallas_call(
        _style_body,
        grid=(B, nt),
        in_specs=[
            pl.BlockSpec((1, NT, 3), lambda b, i: (b, i, 0)),
            pl.BlockSpec((1, NT, NZ), lambda b, i: (b, i, 0)),
            pl.BlockSpec(w1x.shape, lambda b, i: (0, 0)),
            pl.BlockSpec(b1.shape, lambda b, i: (0, 0)),
            pl.BlockSpec(w2.shape, lambda b, i: (0, 0)),
            pl.BlockSpec(b2.shape, lambda b, i: (0, 0)),
        ],
        out_specs=[
            pl.BlockSpec((1, NT, DIM), lambda b, i: (b, i, 0)),
            pl.BlockSpec((1, NT, DIM), lambda b, i: (b, i, 0)),
        ],
        out_shape=[
            jax.ShapeDtypeStruct((B, N, DIM), F32),
            jax.ShapeDtypeStruct((B, N, DIM), F32),
        ],
    )(x, z, w1x, b1, w2, b2)


def _topk_from_dist(dist, idx_ref):
    iota = lax.broadcasted_iota(jnp.int32, dist.shape, 1)
    boff = pl.program_id(0) * N
    cols = []
    for j in range(K + 1):
        m = jnp.min(dist, axis=1, keepdims=True)
        am = jnp.min(jnp.where(dist == m, iota, N), axis=1, keepdims=True)
        if j > 0:
            cols.append(am + boff)
        dist = jnp.where(iota == am, jnp.float32(jnp.inf), dist)
    idx_ref[0] = jnp.concatenate(cols, axis=1)


def _knn_body(xr_ref, xt_ref, sqr_ref, sqc_ref, idx_ref):
    xr = xr_ref[0]
    xt = xt_ref[0]
    p = jnp.dot(xr, xt, preferred_element_type=F32)
    dist = (-2.0 * p + sqr_ref[0]) + sqc_ref[0]
    _topk_from_dist(dist, idx_ref)


def _knn(xrows, xt, sq, d):
    nt = N // RT
    return pl.pallas_call(
        _knn_body,
        grid=(B, nt),
        in_specs=[
            pl.BlockSpec((1, RT, d), lambda b, i: (b, i, 0)),
            pl.BlockSpec((1, d, N), lambda b, i: (b, 0, 0)),
            pl.BlockSpec((1, RT, 1), lambda b, i: (b, i, 0)),
            pl.BlockSpec((1, 1, N), lambda b, i: (b, 0, 0)),
        ],
        out_specs=pl.BlockSpec((1, RT, K), lambda b, i: (b, i, 0)),
        out_shape=jax.ShapeDtypeStruct((B, N, K), jnp.int32),
    )(xrows, xt, sq[:, :, None], sq[:, None, :])


def _sc_gather(tab, idx_flat):
    info = plsc.get_sparse_core_info()
    nc, ns = info.num_cores, info.num_subcores
    nw = nc * ns
    per_w = R // nw
    nch = per_w // CH
    mesh = plsc.VectorSubcoreMesh(core_axis_name="c", subcore_axis_name="s")

    @functools.partial(
        pl.kernel, mesh=mesh,
        out_type=jax.ShapeDtypeStruct((R, DIM), F32),
        scratch_types=[pltpu.VMEM((CH,), jnp.int32),
                       pltpu.VMEM((CH, DIM), F32),
                       pltpu.SemaphoreType.DMA])
    def gk(t_hbm, idx_hbm, o_hbm, idx_v, rbuf, sem):
        wid = lax.axis_index("s") * nc + lax.axis_index("c")

        def body(i, carry):
            base = wid * per_w + i * CH
            pltpu.sync_copy(idx_hbm.at[pl.ds(base, CH)], idx_v)
            pltpu.async_copy(t_hbm.at[idx_v], rbuf, sem).wait()
            pltpu.sync_copy(rbuf, o_hbm.at[pl.ds(base, CH)])
            return carry

        lax.fori_loop(0, nch, body, 0)

    return gk(tab, idx_flat)


def _e1_body(g_ref, tab_ref, w1p_ref, cxt_ref, bw_ref, bx_ref,
             sw_ref, sh_ref):
    first = (pl.program_id(0) == 0) & (pl.program_id(1) == 0)
    d = cxt_ref.shape[0] // 2
    cen = tab_ref[0]
    cend = cen[:, :d]
    ws = jnp.zeros((1, HALF), F32)
    wq = jnp.zeros((1, HALF), F32)
    hs = jnp.zeros((1, DIM), F32)
    hq = jnp.zeros((1, DIM), F32)
    for k in range(K):
        rel = g_ref[0, k] - cen
        w = jnp.dot(rel, w1p_ref[...], preferred_element_type=F32) + bw_ref[...]
        ws += jnp.sum(w, axis=0, keepdims=True)
        wq += jnp.sum(w * w, axis=0, keepdims=True)
        ee = jnp.concatenate([cend, rel[:, :d]], axis=1)
        h = jnp.dot(ee, cxt_ref[...], preferred_element_type=F32) + bx_ref[...]
        hs += jnp.sum(h, axis=0, keepdims=True)
        hq += jnp.sum(h * h, axis=0, keepdims=True)

    @pl.when(first)
    def _():
        sw_ref[...] = jnp.zeros_like(sw_ref)
        sh_ref[...] = jnp.zeros_like(sh_ref)

    sw_ref[...] += jnp.concatenate([ws, wq], axis=0)
    sh_ref[...] += jnp.concatenate([hs, hq], axis=0)


def _e1(g, tab, w1p, cxt, bw, bx):
    nt = N // NT
    return pl.pallas_call(
        _e1_body,
        grid=(B, nt),
        in_specs=[
            pl.BlockSpec((1, K, NT, DIM), lambda b, i: (b, 0, i, 0)),
            pl.BlockSpec((1, NT, DIM), lambda b, i: (b, i, 0)),
            pl.BlockSpec((DIM, HALF), lambda b, i: (0, 0)),
            pl.BlockSpec(cxt.shape, lambda b, i: (0, 0)),
            pl.BlockSpec((1, HALF), lambda b, i: (0, 0)),
            pl.BlockSpec((1, DIM), lambda b, i: (0, 0)),
        ],
        out_specs=[
            pl.BlockSpec((2, HALF), lambda b, i: (0, 0)),
            pl.BlockSpec((2, DIM), lambda b, i: (0, 0)),
        ],
        out_shape=[
            jax.ShapeDtypeStruct((2, HALF), F32),
            jax.ShapeDtypeStruct((2, DIM), F32),
        ],
    )(g, tab, w1p, cxt, bw, bx)


def _e1v_body(g_ref, tab_ref, w1p_ref, cxt_ref, bw_ref, bx_ref,
              mw_ref, mh_ref, vw_ref, vh_ref):
    first = (pl.program_id(0) == 0) & (pl.program_id(1) == 0)
    d = cxt_ref.shape[0] // 2
    cen = tab_ref[0]
    cend = cen[:, :d]
    mw = mw_ref[...]
    mh = mh_ref[...]
    wq = jnp.zeros((1, HALF), F32)
    hq = jnp.zeros((1, DIM), F32)
    for k in range(K):
        rel = g_ref[0, k] - cen
        w = jnp.dot(rel, w1p_ref[...], preferred_element_type=F32) + bw_ref[...]
        dw = w - mw
        wq += jnp.sum(dw * dw, axis=0, keepdims=True)
        ee = jnp.concatenate([cend, rel[:, :d]], axis=1)
        h = jnp.dot(ee, cxt_ref[...], preferred_element_type=F32) + bx_ref[...]
        dh = h - mh
        hq += jnp.sum(dh * dh, axis=0, keepdims=True)

    @pl.when(first)
    def _():
        vw_ref[...] = jnp.zeros_like(vw_ref)
        vh_ref[...] = jnp.zeros_like(vh_ref)

    vw_ref[...] += wq
    vh_ref[...] += hq


def _e1v(g, tab, w1p, cxt, bw, bx, mw, mh):
    nt = N // NT
    return pl.pallas_call(
        _e1v_body,
        grid=(B, nt),
        in_specs=[
            pl.BlockSpec((1, K, NT, DIM), lambda b, i: (b, 0, i, 0)),
            pl.BlockSpec((1, NT, DIM), lambda b, i: (b, i, 0)),
            pl.BlockSpec((DIM, HALF), lambda b, i: (0, 0)),
            pl.BlockSpec(cxt.shape, lambda b, i: (0, 0)),
            pl.BlockSpec((1, HALF), lambda b, i: (0, 0)),
            pl.BlockSpec((1, DIM), lambda b, i: (0, 0)),
            pl.BlockSpec((1, HALF), lambda b, i: (0, 0)),
            pl.BlockSpec((1, DIM), lambda b, i: (0, 0)),
        ],
        out_specs=[
            pl.BlockSpec((1, HALF), lambda b, i: (0, 0)),
            pl.BlockSpec((1, DIM), lambda b, i: (0, 0)),
        ],
        out_shape=[
            jax.ShapeDtypeStruct((1, HALF), F32),
            jax.ShapeDtypeStruct((1, DIM), F32),
        ],
    )(g, tab, w1p, cxt, bw, bx, mw, mh)


def _e2v_body(w2_ref, m2_ref, v2_ref):
    first = (pl.program_id(0) == 0) & (pl.program_id(1) == 0)
    m2 = m2_ref[...]
    q = jnp.zeros((1, DIM), F32)
    for k in range(K):
        dv = w2_ref[0, k] - m2
        q += jnp.sum(dv * dv, axis=0, keepdims=True)

    @pl.when(first)
    def _():
        v2_ref[...] = jnp.zeros_like(v2_ref)

    v2_ref[...] += q


def _e2v(w2, m2):
    nt = N // NT
    return pl.pallas_call(
        _e2v_body,
        grid=(B, nt),
        in_specs=[
            pl.BlockSpec((1, K, NT, DIM), lambda b, i: (b, 0, i, 0)),
            pl.BlockSpec((1, DIM), lambda b, i: (0, 0)),
        ],
        out_specs=pl.BlockSpec((1, DIM), lambda b, i: (0, 0)),
        out_shape=jax.ShapeDtypeStruct((1, DIM), F32),
    )(w2, m2)


def _e2_body(g_ref, tab_ref, w1p_ref, bw_ref, gw_ref, mw_ref, svw_ref,
             bbw_ref, w2w_ref, w2b_ref, w2_ref, s2_ref):
    first = (pl.program_id(0) == 0) & (pl.program_id(1) == 0)
    cen = tab_ref[0]
    gw = gw_ref[...]
    mw = mw_ref[...]
    svw = svw_ref[...]
    bbw = bbw_ref[...]
    ss = jnp.zeros((1, DIM), F32)
    sq = jnp.zeros((1, DIM), F32)
    for k in range(K):
        rel = g_ref[0, k] - cen
        wpre = jnp.dot(rel, w1p_ref[...], preferred_element_type=F32) + bw_ref[...]
        u = _lrelu(gw * (wpre - mw) / svw + bbw, 0.2)
        w2k = jnp.dot(u, w2w_ref[...], preferred_element_type=F32) + w2b_ref[...]
        w2_ref[0, k] = w2k
        ss += jnp.sum(w2k, axis=0, keepdims=True)
        sq += jnp.sum(w2k * w2k, axis=0, keepdims=True)

    @pl.when(first)
    def _():
        s2_ref[...] = jnp.zeros_like(s2_ref)

    s2_ref[...] += jnp.concatenate([ss, sq], axis=0)


def _e2(g, tab, w1p, bw, gw, mw, svw, bbw, w2w, w2b):
    nt = N // NT
    vec64 = pl.BlockSpec((1, HALF), lambda b, i: (0, 0))
    return pl.pallas_call(
        _e2_body,
        grid=(B, nt),
        in_specs=[
            pl.BlockSpec((1, K, NT, DIM), lambda b, i: (b, 0, i, 0)),
            pl.BlockSpec((1, NT, DIM), lambda b, i: (b, i, 0)),
            pl.BlockSpec((DIM, HALF), lambda b, i: (0, 0)),
            vec64, vec64, vec64, vec64, vec64,
            pl.BlockSpec((HALF, DIM), lambda b, i: (0, 0)),
            pl.BlockSpec((1, DIM), lambda b, i: (0, 0)),
        ],
        out_specs=[
            pl.BlockSpec((1, K, NT, DIM), lambda b, i: (b, 0, i, 0)),
            pl.BlockSpec((2, DIM), lambda b, i: (0, 0)),
        ],
        out_shape=[
            jax.ShapeDtypeStruct((B, K, N, DIM), F32),
            jax.ShapeDtypeStruct((2, DIM), F32),
        ],
    )(g, tab, w1p, bw, gw, mw, svw, bbw, w2w, w2b)


def _e3_body(w2_ref, g_ref, tab_ref, cxt_ref, bx_ref, g2_ref, m2_ref,
             sv2_ref, b2_ref, gh_ref, mh_ref, svh_ref, bh_ref,
             cof_ref, cob_ref, h_ref, sb_ref):
    first = pl.program_id(1) == 0
    d = cxt_ref.shape[0] // 2
    g2 = g2_ref[...]
    m2 = m2_ref[...]
    sv2 = sv2_ref[...]
    b2 = b2_ref[...]
    acts = [_lrelu(g2 * (w2_ref[0, k] - m2) / sv2 + b2, 0.2) for k in range(K)]
    mx = acts[0]
    for k in range(1, K):
        mx = jnp.maximum(mx, acts[k])
    es = [jnp.exp(a - mx) for a in acts]
    tot = es[0]
    for k in range(1, K):
        tot = tot + es[k]
    cen = tab_ref[0]
    cend = cen[:, :d]
    gh = gh_ref[...]
    mh = mh_ref[...]
    svh = svh_ref[...]
    bh = bh_ref[...]
    prods = []
    for k in range(K):
        w = es[k] / tot
        rel = g_ref[0, k] - cen
        ee = jnp.concatenate([cend, rel[:, :d]], axis=1)
        hpre = jnp.dot(ee, cxt_ref[...], preferred_element_type=F32) + bx_ref[...]
        h = _lrelu(gh * (hpre - mh) / svh + bh, 0.2)
        prods.append(h * w)
    stacked = jnp.concatenate(prods, axis=1)
    out = jnp.dot(stacked, cof_ref[...], preferred_element_type=F32) + cob_ref[...]
    h_ref[0] = out

    @pl.when(first)
    def _():
        sb_ref[...] = jnp.zeros_like(sb_ref)

    sb_ref[0] += jnp.sum(out, axis=0, keepdims=True)


def _e3(w2, g, tab, cxt, bx, g2, m2, sv2, b2, gh, mh, svh, bh, cof, cob):
    nt = N // NT
    vec = pl.BlockSpec((1, DIM), lambda b, i: (0, 0))
    return pl.pallas_call(
        _e3_body,
        grid=(B, nt),
        in_specs=[
            pl.BlockSpec((1, K, NT, DIM), lambda b, i: (b, 0, i, 0)),
            pl.BlockSpec((1, K, NT, DIM), lambda b, i: (b, 0, i, 0)),
            pl.BlockSpec((1, NT, DIM), lambda b, i: (b, i, 0)),
            pl.BlockSpec(cxt.shape, lambda b, i: (0, 0)),
            vec, vec, vec, vec, vec, vec, vec, vec, vec,
            pl.BlockSpec((DIM * K, DIM), lambda b, i: (0, 0)),
            vec,
        ],
        out_specs=[
            pl.BlockSpec((1, NT, DIM), lambda b, i: (b, i, 0)),
            pl.BlockSpec((1, 1, DIM), lambda b, i: (b, 0, 0)),
        ],
        out_shape=[
            jax.ShapeDtypeStruct((B, N, DIM), F32),
            jax.ShapeDtypeStruct((B, 1, DIM), F32),
        ],
    )(w2, g, tab, cxt, bx, g2, m2, sv2, b2, gh, mh, svh, bh, cof, cob)


def _e3v_body(h_ref, m_ref, sv_ref):
    first = pl.program_id(1) == 0
    dv = h_ref[0] - m_ref[0]

    @pl.when(first)
    def _():
        sv_ref[...] = jnp.zeros_like(sv_ref)

    sv_ref[0] += jnp.sum(dv * dv, axis=0, keepdims=True)


def _e3v(heb, mb):
    nt = N // NT
    return pl.pallas_call(
        _e3v_body,
        grid=(B, nt),
        in_specs=[
            pl.BlockSpec((1, NT, DIM), lambda b, i: (b, i, 0)),
            pl.BlockSpec((1, 1, DIM), lambda b, i: (b, 0, 0)),
        ],
        out_specs=pl.BlockSpec((1, 1, DIM), lambda b, i: (b, 0, 0)),
        out_shape=jax.ShapeDtypeStruct((B, 1, DIM), F32),
    )(heb, mb)


def _e4_block0_body(h_ref, st_ref, m_ref, sv_ref, adw_ref, adb_ref,
                    h1_ref, h1t_ref):
    xh = (h_ref[0] - m_ref[0]) / sv_ref[0]
    s = jnp.dot(st_ref[0], adw_ref[...], preferred_element_type=F32) + adb_ref[...]
    o = _lrelu(s[:, :DIM] * xh + s[:, DIM:], 0.2)
    h1_ref[0] = o
    h1t_ref[0] = jnp.transpose(o)


def _e4_block0(h, st, m, r, adw, adb):
    nt = N // NT
    return pl.pallas_call(
        _e4_block0_body,
        grid=(B, nt),
        in_specs=[
            pl.BlockSpec((1, NT, DIM), lambda b, i: (b, i, 0)),
            pl.BlockSpec((1, NT, DIM), lambda b, i: (b, i, 0)),
            pl.BlockSpec((1, 1, DIM), lambda b, i: (b, 0, 0)),
            pl.BlockSpec((1, 1, DIM), lambda b, i: (b, 0, 0)),
            pl.BlockSpec((DIM, 2 * DIM), lambda b, i: (0, 0)),
            pl.BlockSpec((1, 2 * DIM), lambda b, i: (0, 0)),
        ],
        out_specs=[
            pl.BlockSpec((1, NT, DIM), lambda b, i: (b, i, 0)),
            pl.BlockSpec((1, DIM, NT), lambda b, i: (b, 0, i)),
        ],
        out_shape=[
            jax.ShapeDtypeStruct((B, N, DIM), F32),
            jax.ShapeDtypeStruct((B, DIM, N), F32),
        ],
    )(h, st, m, r, adw, adb)


def _e4_block1_body(h_ref, st_ref, m_ref, sv_ref, adw_ref, adb_ref,
                    h2_ref, mx_ref):
    i = pl.program_id(1)
    xh = (h_ref[0] - m_ref[0]) / sv_ref[0]
    s = jnp.dot(st_ref[0], adw_ref[...], preferred_element_type=F32) + adb_ref[...]
    o = _lrelu(s[:, :DIM] * xh + s[:, DIM:], 0.2)
    h2_ref[0] = o
    pm = jnp.max(o, axis=0, keepdims=True)

    @pl.when(i == 0)
    def _():
        mx_ref[0] = pm

    @pl.when(i > 0)
    def _():
        mx_ref[0] = jnp.maximum(mx_ref[0], pm)


def _e4_block1(h, st, m, r, adw, adb):
    nt = N // NT
    return pl.pallas_call(
        _e4_block1_body,
        grid=(B, nt),
        in_specs=[
            pl.BlockSpec((1, NT, DIM), lambda b, i: (b, i, 0)),
            pl.BlockSpec((1, NT, DIM), lambda b, i: (b, i, 0)),
            pl.BlockSpec((1, 1, DIM), lambda b, i: (b, 0, 0)),
            pl.BlockSpec((1, 1, DIM), lambda b, i: (b, 0, 0)),
            pl.BlockSpec((DIM, 2 * DIM), lambda b, i: (0, 0)),
            pl.BlockSpec((1, 2 * DIM), lambda b, i: (0, 0)),
        ],
        out_specs=[
            pl.BlockSpec((1, NT, DIM), lambda b, i: (b, i, 0)),
            pl.BlockSpec((1, 1, DIM), lambda b, i: (b, 0, 0)),
        ],
        out_shape=[
            jax.ShapeDtypeStruct((B, N, DIM), F32),
            jax.ShapeDtypeStruct((B, 1, DIM), F32),
        ],
    )(h, st, m, r, adw, adb)


def _g_body(mx_ref, w1_ref, b1_ref, g1_ref, be1_ref, w2_ref, b2_ref,
            g2_ref, be2_ref, fg_ref):
    f = jnp.dot(mx_ref[...], w1_ref[...], preferred_element_type=F32) + b1_ref[...]
    m = jnp.mean(f, axis=0, keepdims=True)
    v = jnp.mean((f - m) * (f - m), axis=0, keepdims=True)
    f = _lrelu(g1_ref[...] * (f - m) / jnp.sqrt(v + EPS) + be1_ref[...], 0.01)
    f = jnp.dot(f, w2_ref[...], preferred_element_type=F32) + b2_ref[...]
    m = jnp.mean(f, axis=0, keepdims=True)
    v = jnp.mean((f - m) * (f - m), axis=0, keepdims=True)
    fg_ref[...] = _lrelu(g2_ref[...] * (f - m) / jnp.sqrt(v + EPS) + be2_ref[...], 0.01)


def _g_head(mx, w1, b1, g1, be1, w2, b2, g2, be2):
    args = (mx, w1, b1, g1, be1, w2, b2, g2, be2)
    return pl.pallas_call(
        _g_body,
        grid=(1,),
        in_specs=[pl.BlockSpec(a.shape, lambda i: (0, 0)) for a in args],
        out_specs=pl.BlockSpec((B, GF), lambda i: (0, 0)),
        out_shape=jax.ShapeDtypeStruct((B, GF), F32),
    )(*args)


def _asm_body(fg_ref, h2_ref, o_ref):
    o_ref[0, :, :GF] = jnp.broadcast_to(fg_ref[0], (NT, GF))
    o_ref[0, :, GF:] = h2_ref[0]


def _assemble(fg, h2):
    fg = fg.reshape(B, 1, GF)
    nt = N // NT
    return pl.pallas_call(
        _asm_body,
        grid=(B, nt),
        in_specs=[
            pl.BlockSpec((1, 1, GF), lambda b, i: (b, 0, 0)),
            pl.BlockSpec((1, NT, DIM), lambda b, i: (b, i, 0)),
        ],
        out_specs=pl.BlockSpec((1, NT, GF + DIM), lambda b, i: (b, i, 0)),
        out_shape=jax.ShapeDtypeStruct((B, N, GF + DIM), F32),
    )(fg, h2)


def _pad_rows(w):
    d = w.shape[0]
    if d == DIM:
        return w
    return jnp.concatenate([w, jnp.zeros((DIM - d, w.shape[1]), F32)], axis=0)


def _edge_block(pfx, h_rows, h_t, d, tab, style, p, adw, adb, extra):
    sq = jnp.sum(h_rows * h_rows, axis=2)
    idx = _knn(h_rows, h_t, sq, d)
    idxf = jnp.transpose(idx, (0, 2, 1)).reshape(R)
    g = _sc_gather(tab.reshape(B * N, DIM), idxf)
    g = g.reshape(B, K, N, DIM)
    cxw = p[pfx + 'cx_w']
    w1p = _pad_rows(p[pfx + 'cw1_w'].T)
    cxt = cxw.T
    bw = p[pfx + 'cw1_b'][None]
    bx = p[pfx + 'cx_b'][None]
    sw, shst = _e1(g, tab, w1p, cxt, bw, bx)
    m_cnt = float(B * K * N)
    mw = sw[0][None] / m_cnt
    mh = shst[0][None] / m_cnt
    vwq, vhq = _e1v(g, tab, w1p, cxt, bw, bx, mw, mh)
    svw = jnp.sqrt(vwq / m_cnt + EPS)
    svh = jnp.sqrt(vhq / m_cnt + EPS)
    w2, s2 = _e2(g, tab, w1p, bw, p[pfx + 'bnw1_g'][None], mw, svw,
                 p[pfx + 'bnw1_b'][None], p[pfx + 'cw2_w'].T,
                 p[pfx + 'cw2_b'][None])
    m2 = s2[0][None] / m_cnt
    v2q = _e2v(w2, m2)
    sv2 = jnp.sqrt(v2q / m_cnt + EPS)
    cof = jnp.transpose(p[pfx + 'co_w'], (2, 1, 0)).reshape(K * DIM, DIM)
    heb, sb = _e3(w2, g, tab, cxt, bx,
                  p[pfx + 'bnw2_g'][None], m2, sv2, p[pfx + 'bnw2_b'][None],
                  p[pfx + 'bnx_g'][None], mh, svh, p[pfx + 'bnx_b'][None],
                  cof, p[pfx + 'co_b'][None])
    mb = sb / N
    vq = _e3v(heb, mb)
    svb = jnp.sqrt(vq / N + EPS)
    if extra:
        return _e4_block0(heb, style, mb, svb, adw, adb)
    return _e4_block1(heb, style, mb, svb, adw, adb)


def kernel(x, z, params):
    p = params
    style, tab0 = _style_tab0(
        x, z, p['head_w1'].T, p['head_b1'][None], p['head_w2'].T,
        p['head_b2'][None])

    h1, h1t = _edge_block(
        'eb0_', x, jnp.transpose(x, (0, 2, 1)), 3, tab0, style, p,
        p['ad0_w'].T, p['ad0_b'][None], extra=True)

    h2, mx = _edge_block(
        'eb1_', h1, h1t, DIM, h1, style, p,
        p['ad1_w'].T, p['ad1_b'][None], extra=False)

    fg = _g_head(mx.reshape(B, DIM),
                 p['g_w1'].T, p['g_b1'][None], p['g_bn1_g'][None],
                 p['g_bn1_b'][None],
                 p['g_w2'].T, p['g_b2'][None], p['g_bn2_g'][None],
                 p['g_bn2_b'][None])
    return _assemble(fg, h2)

# --- scband reference (transcript-rebuilt; emitter-appended) ---
"""Pipeline reference for scband-gaussians-generator-38001870635132 (READ-ONLY COPY).

The authoritative reference and input builder live on the scoring server;
editing this copy changes nothing except your own understanding.
"""

import jax, jax.numpy as jnp
import numpy as np

B, N, NZ, DIM, K = 8, 2048, 128, 128, 10
EPS = 1e-5


def _p(key, shape, scale=0.1):
    return jax.random.normal(key, shape, dtype=jnp.float32) * scale


def setup_inputs(seed: int = 0):
    key = jax.random.key(seed)
    ks = list(jax.random.split(key, 32))
    x = jax.random.normal(ks.pop(), (B, N, 3), dtype=jnp.float32)
    z = jax.random.normal(ks.pop(), (B, N, NZ), dtype=jnp.float32)
    params = {}
    params['head_w1'] = _p(ks.pop(), (DIM, 3 + NZ)); params['head_b1'] = jnp.zeros((DIM,), jnp.float32)
    params['head_w2'] = _p(ks.pop(), (DIM, DIM)); params['head_b2'] = jnp.zeros((DIM,), jnp.float32)
    params['g_w1'] = _p(ks.pop(), (DIM, DIM)); params['g_b1'] = jnp.zeros((DIM,), jnp.float32)
    params['g_bn1_g'] = jnp.ones((DIM,), jnp.float32); params['g_bn1_b'] = jnp.zeros((DIM,), jnp.float32)
    params['g_w2'] = _p(ks.pop(), (512, DIM)); params['g_b2'] = jnp.zeros((512,), jnp.float32)
    params['g_bn2_g'] = jnp.ones((512,), jnp.float32); params['g_bn2_b'] = jnp.zeros((512,), jnp.float32)
    for i, fin in enumerate([3, DIM]):
        p = 'eb%d_' % i
        params[p + 'cw1_w'] = _p(ks.pop(), (DIM // 2, fin)); params[p + 'cw1_b'] = jnp.zeros((DIM // 2,), jnp.float32)
        params[p + 'bnw1_g'] = jnp.ones((DIM // 2,), jnp.float32); params[p + 'bnw1_b'] = jnp.zeros((DIM // 2,), jnp.float32)
        params[p + 'cw2_w'] = _p(ks.pop(), (DIM, DIM // 2)); params[p + 'cw2_b'] = jnp.zeros((DIM,), jnp.float32)
        params[p + 'bnw2_g'] = jnp.ones((DIM,), jnp.float32); params[p + 'bnw2_b'] = jnp.zeros((DIM,), jnp.float32)
        params[p + 'cx_w'] = _p(ks.pop(), (DIM, 2 * fin)); params[p + 'cx_b'] = jnp.zeros((DIM,), jnp.float32)
        params[p + 'bnx_g'] = jnp.ones((DIM,), jnp.float32); params[p + 'bnx_b'] = jnp.zeros((DIM,), jnp.float32)
        params[p + 'co_w'] = _p(ks.pop(), (DIM, DIM, K)); params[p + 'co_b'] = jnp.zeros((DIM,), jnp.float32)
        params['ad%d_w' % i] = jax.random.normal(ks.pop(), (2 * DIM, DIM), dtype=jnp.float32)
        params['ad%d_b' % i] = jnp.concatenate([jnp.ones((DIM,), jnp.float32), jnp.zeros((DIM,), jnp.float32)])
    return {'x': x, 'z': z, 'params': params}


def _lrelu(x, s):
    return jnp.where(x >= 0, x, s * x)


def _bn(x, g, b, axes):
    m = jnp.mean(x, axis=axes, keepdims=True)
    v = jnp.var(x, axis=axes, keepdims=True)
    sh = [1] * x.ndim
    sh[1] = -1
    return g.reshape(sh) * (x - m) / jnp.sqrt(v + EPS) + b.reshape(sh)


def _inorm(x):
    m = jnp.mean(x, axis=2, keepdims=True)
    v = jnp.var(x, axis=2, keepdims=True)
    return (x - m) / jnp.sqrt(v + EPS)


def _edge_feats(x, k):
    # x: [B, d, N] -> [B, 2d, N, k]  (kNN graph + central/relative features)
    xt = jnp.transpose(x, (0, 2, 1))
    sq = jnp.sum(xt * xt, axis=2)
    dist = -2.0 * jnp.einsum('bnd,bmd->bnm', xt, xt) + sq[:, :, None] + sq[:, None, :]
    idx = jnp.argsort(dist, axis=2)[:, :, 1:k + 1]  # [B, N, k]

    def g1(xb, ib):
        return jnp.take(xb, ib.reshape(-1), axis=1).reshape(xb.shape[0], ib.shape[0], ib.shape[1])

    nb = jax.vmap(g1)(x, idx)  # [B, d, N, k]
    cen = jnp.broadcast_to(x[:, :, :, None], nb.shape)
    return jnp.concatenate([cen, nb - cen], axis=1)


def _edgeblock(params, p, x, fin):
    ee = _edge_feats(x, K)
    w = jnp.einsum('oi,bink->bonk', params[p + 'cw1_w'], ee[:, fin:, :, :]) + params[p + 'cw1_b'][None, :, None, None]
    w = _lrelu(_bn(w, params[p + 'bnw1_g'], params[p + 'bnw1_b'], (0, 2, 3)), 0.2)
    w = jnp.einsum('oi,bink->bonk', params[p + 'cw2_w'], w) + params[p + 'cw2_b'][None, :, None, None]
    w = _lrelu(_bn(w, params[p + 'bnw2_g'], params[p + 'bnw2_b'], (0, 2, 3)), 0.2)
    w = jax.nn.softmax(w, axis=-1)
    h = jnp.einsum('oi,bink->bonk', params[p + 'cx_w'], ee) + params[p + 'cx_b'][None, :, None, None]
    h = _lrelu(_bn(h, params[p + 'bnx_g'], params[p + 'bnx_b'], (0, 2, 3)), 0.2)
    h = h * w
    return jnp.einsum('oik,bink->bon', params[p + 'co_w'], h) + params[p + 'co_b'][None, :, None]


def _adain(params, i, x, style):
    s = jnp.einsum('oi,bin->bon', params['ad%d_w' % i], style) + params['ad%d_b' % i][None, :, None]
    gamma, beta = s[:, :DIM, :], s[:, DIM:, :]
    return gamma * _inorm(x) + beta


def _forward(x, z, params):
    zn = z / (jnp.linalg.norm(z, axis=-1, keepdims=True) + 1e-8)
    style = jnp.concatenate([x, zn], axis=-1)
    style = jnp.transpose(style, (0, 2, 1))
    style = _lrelu(jnp.einsum('oi,bin->bon', params['head_w1'], style) + params['head_b1'][None, :, None], 0.01)
    style = _lrelu(jnp.einsum('oi,bin->bon', params['head_w2'], style) + params['head_b2'][None, :, None], 0.01)
    h = jnp.transpose(x, (0, 2, 1))
    for i, fin in enumerate([3, DIM]):
        h = _edgeblock(params, 'eb%d_' % i, h, fin)
        h = _adain(params, i, h, style)
        h = _lrelu(h, 0.2)
    fg = jnp.max(h, axis=2)
    fg = fg @ params['g_w1'].T + params['g_b1']
    fg = _lrelu(_bn(fg, params['g_bn1_g'], params['g_bn1_b'], (0,)), 0.01)
    fg = fg @ params['g_w2'].T + params['g_b2']
    fg = _lrelu(_bn(fg, params['g_bn2_g'], params['g_bn2_b'], (0,)), 0.01)
    fg = jnp.broadcast_to(fg[:, :, None], (fg.shape[0], fg.shape[1], h.shape[2]))
    cat = jnp.concatenate([fg, h], axis=1)
    return jnp.transpose(cat, (0, 2, 1))


def reference(x, z, params):
    return _forward(x, z, params)

if __name__ == "__main__":
    import jax
    _d = setup_inputs()
    print(jax.jit(kernel)(*tuple(_d.values())))

</pallas_src>

<mosaic_0001>
#map = affine_map<(d0, d1) -> (0, 0)>
#map1 = affine_map<(d0, d1) -> (0)>
module attributes {stable_mosaic.version = 14 : i64} {
  func.func @gk(%arg0: i32, %arg1: i32, %arg2: memref<16384x128xf32, #tpu.memory_space<hbm>>, %arg3: memref<163840xi32, #tpu.memory_space<hbm>>, %arg4: memref<163840x128xf32, #tpu.memory_space<hbm>>, %arg5: memref<128xi32, #tpu.memory_space<vmem>>, %arg6: memref<128x128xf32, #tpu.memory_space<vmem>>, %arg7: memref<!tpu.dma_semaphore, #tpu.memory_space<semaphore_mem>>) attributes {dimension_semantics = [#tpu.dimension_semantics<core_parallel>, #tpu.dimension_semantics<subcore_parallel>], iteration_bounds = array<i64: 2, 16>, scalar_prefetch = 0 : i64, scratch_operands = 3 : i64, tpu.core_type = #tpu.core_type<sc_vector_subcore>, window_params = [{transform_indices = #map}, {transform_indices = #map1}, {transform_indices = #map}]} {
    %mul3A = arith.constant 2 : i32
    %mul3A_0 = arith.muli %arg1, %mul3A : i32
    %add3A = arith.addi %mul3A_0, %arg0 : i32
    %scan3A = arith.constant 0 : i32
    %scan3A_1 = arith.constant 0 : i32
    %scan3A_2 = arith.constant 40 : i32
    %scan3A_3 = arith.addi %scan3A_1, %scan3A_2 : i32
    %scan3A_4 = arith.constant 1 : i32
    scf.for %scan3A_6 = %scan3A_1 to %scan3A_3 step %scan3A_4  : i32 {
      %mul3A_7 = arith.constant 5120 : i32
      %mul3A_8 = arith.muli %add3A, %mul3A_7 : i32
      %mul3A_9 = arith.constant 128 : i32
      %mul3A_10 = arith.muli %scan3A_6, %mul3A_9 : i32
      %add3A_11 = arith.addi %mul3A_8, %mul3A_10 : i32
      "tpu.region"() ({
        %run_scoped3A = tpu.sem_alloc : memref<!tpu.dma_semaphore, #tpu.memory_space<semaphore_mem>>
        %dma_start3A_16 = tpu.memref_slice %arg3[%add3A_11] : memref<163840xi32, #tpu.memory_space<hbm>> -> memref<128xi32, #tpu.memory_space<hbm>>
        %dma_start3A_17 = tpu.memref_slice %arg3[%add3A_11] : memref<163840xi32, #tpu.memory_space<hbm>> -> memref<128xi32, #tpu.memory_space<hbm>>
        tpu.enqueue_dma source(%dma_start3A_17 : memref<128xi32, #tpu.memory_space<hbm>>) target(%arg5 : memref<128xi32, #tpu.memory_space<vmem>>) target_semaphore(%run_scoped3A : memref<!tpu.dma_semaphore, #tpu.memory_space<semaphore_mem>>)
        %dma_wait3A_18 = tpu.memref_slice %arg3[%add3A_11] : memref<163840xi32, #tpu.memory_space<hbm>> -> memref<128xi32, #tpu.memory_space<hbm>>
        %dma_wait3A_19 = tpu.memref_slice %arg3[%add3A_11] : memref<163840xi32, #tpu.memory_space<hbm>> -> memref<128xi32, #tpu.memory_space<hbm>>
        tpu.wait_dma2 semaphore(%run_scoped3A : memref<!tpu.dma_semaphore, #tpu.memory_space<semaphore_mem>>) src(%dma_wait3A_19 : memref<128xi32, #tpu.memory_space<hbm>>) dst(%arg5 : memref<128xi32, #tpu.memory_space<vmem>>)
        tpu.yield
      }) : () -> ()
      %dma_start3A = arith.constant 0 : i32
      %dma_start3A_12 = arith.constant 0 : i32
      %dma_start3A_13 = tpu.memref_slice %arg2[%dma_start3A, %dma_start3A_12] : memref<16384x128xf32, #tpu.memory_space<hbm>> -> memref<16384x128xf32, #tpu.memory_space<hbm>>
      tpu.enqueue_indirect_dma source(%dma_start3A_13 : memref<16384x128xf32, #tpu.memory_space<hbm>>) target(%arg6 : memref<128x128xf32, #tpu.memory_space<vmem>>) offsets(%arg5 : memref<128xi32, #tpu.memory_space<vmem>>) semaphore(%arg7 : memref<!tpu.dma_semaphore, #tpu.memory_space<semaphore_mem>>)
      %dma_wait3A = arith.constant 0 : i32
      %dma_wait3A_14 = arith.constant 0 : i32
      %dma_wait3A_15 = tpu.memref_slice %arg2[%dma_wait3A, %dma_wait3A_14] : memref<16384x128xf32, #tpu.memory_space<hbm>> -> memref<16384x128xf32, #tpu.memory_space<hbm>>
      tpu.wait_indirect_dma semaphore(%arg7 : memref<!tpu.dma_semaphore, #tpu.memory_space<semaphore_mem>>) src(%dma_wait3A_15 : memref<16384x128xf32, #tpu.memory_space<hbm>>) dst(%arg6 : memref<128x128xf32, #tpu.memory_space<vmem>>)
      "tpu.region"() ({
        %run_scoped3A = tpu.sem_alloc : memref<!tpu.dma_semaphore, #tpu.memory_space<semaphore_mem>>
        %dma_start3A_16 = arith.constant 0 : i32
        %dma_start3A_17 = tpu.memref_slice %arg4[%add3A_11, %dma_start3A_16] : memref<163840x128xf32, #tpu.memory_space<hbm>> -> memref<128x128xf32, #tpu.memory_space<hbm>>
        %dma_start3A_18 = arith.constant 0 : i32
        %dma_start3A_19 = tpu.memref_slice %arg4[%add3A_11, %dma_start3A_18] : memref<163840x128xf32, #tpu.memory_space<hbm>> -> memref<128x128xf32, #tpu.memory_space<hbm>>
        tpu.enqueue_dma source(%arg6 : memref<128x128xf32, #tpu.memory_space<vmem>>) target(%dma_start3A_19 : memref<128x128xf32, #tpu.memory_space<hbm>>) target_semaphore(%run_scoped3A : memref<!tpu.dma_semaphore, #tpu.memory_space<semaphore_mem>>)
        %dma_wait3A_20 = arith.constant 0 : i32
        %dma_wait3A_21 = tpu.memref_slice %arg4[%add3A_11, %dma_wait3A_20] : memref<163840x128xf32, #tpu.memory_space<hbm>> -> memref<128x128xf32, #tpu.memory_space<hbm>>
        %dma_wait3A_22 = arith.constant 0 : i32
        %dma_wait3A_23 = tpu.memref_slice %arg4[%add3A_11, %dma_wait3A_22] : memref<163840x128xf32, #tpu.memory_space<hbm>> -> memref<128x128xf32, #tpu.memory_space<hbm>>
        tpu.wait_dma2 semaphore(%run_scoped3A : memref<!tpu.dma_semaphore, #tpu.memory_space<semaphore_mem>>) src(%arg6 : memref<128x128xf32, #tpu.memory_space<vmem>>) dst(%dma_wait3A_23 : memref<128x128xf32, #tpu.memory_space<hbm>>)
        tpu.yield
      }) : () -> ()
    }
    %scan3A_5 = arith.constant 40 : i32
    return
  }
}

#map = affine_map<(d0, d1) -> (0, 0)>
#map1 = affine_map<(d0, d1) -> (0)>
module attributes {stable_mosaic.version = 14 : i64} {
  func.func @gk(%arg0: i32, %arg1: i32, %arg2: memref<16384x128xf32, #tpu.memory_space<hbm>>, %arg3: memref<163840xi32, #tpu.memory_space<hbm>>, %arg4: memref<163840x128xf32, #tpu.memory_space<hbm>>, %arg5: memref<128xi32, #tpu.memory_space<vmem>>, %arg6: memref<128x128xf32, #tpu.memory_space<vmem>>, %arg7: memref<!tpu.dma_semaphore, #tpu.memory_space<semaphore_mem>>) attributes {dimension_semantics = [#tpu.dimension_semantics<core_parallel>, #tpu.dimension_semantics<subcore_parallel>], iteration_bounds = array<i64: 2, 16>, scalar_prefetch = 0 : i64, scratch_operands = 3 : i64, tpu.core_type = #tpu.core_type<sc_vector_subcore>, window_params = [{transform_indices = #map}, {transform_indices = #map1}, {transform_indices = #map}]} {
    %mul3A = arith.constant 2 : i32
    %mul3A_0 = arith.muli %arg1, %mul3A : i32
    %add3A = arith.addi %mul3A_0, %arg0 : i32
    %scan3A = arith.constant 0 : i32
    %scan3A_1 = arith.constant 0 : i32
    %scan3A_2 = arith.constant 40 : i32
    %scan3A_3 = arith.addi %scan3A_1, %scan3A_2 : i32
    %scan3A_4 = arith.constant 1 : i32
    scf.for %scan3A_6 = %scan3A_1 to %scan3A_3 step %scan3A_4  : i32 {
      %mul3A_7 = arith.constant 5120 : i32
      %mul3A_8 = arith.muli %add3A, %mul3A_7 : i32
      %mul3A_9 = arith.constant 128 : i32
      %mul3A_10 = arith.muli %scan3A_6, %mul3A_9 : i32
      %add3A_11 = arith.addi %mul3A_8, %mul3A_10 : i32
      "tpu.region"() ({
        %run_scoped3A = tpu.sem_alloc : memref<!tpu.dma_semaphore, #tpu.memory_space<semaphore_mem>>
        %dma_start3A_16 = tpu.memref_slice %arg3[%add3A_11] : memref<163840xi32, #tpu.memory_space<hbm>> -> memref<128xi32, #tpu.memory_space<hbm>>
        %dma_start3A_17 = tpu.memref_slice %arg3[%add3A_11] : memref<163840xi32, #tpu.memory_space<hbm>> -> memref<128xi32, #tpu.memory_space<hbm>>
        tpu.enqueue_dma source(%dma_start3A_17 : memref<128xi32, #tpu.memory_space<hbm>>) target(%arg5 : memref<128xi32, #tpu.memory_space<vmem>>) target_semaphore(%run_scoped3A : memref<!tpu.dma_semaphore, #tpu.memory_space<semaphore_mem>>)
        %dma_wait3A_18 = tpu.memref_slice %arg3[%add3A_11] : memref<163840xi32, #tpu.memory_space<hbm>> -> memref<128xi32, #tpu.memory_space<hbm>>
        %dma_wait3A_19 = tpu.memref_slice %arg3[%add3A_11] : memref<163840xi32, #tpu.memory_space<hbm>> -> memref<128xi32, #tpu.memory_space<hbm>>
        tpu.wait_dma2 semaphore(%run_scoped3A : memref<!tpu.dma_semaphore, #tpu.memory_space<semaphore_mem>>) src(%dma_wait3A_19 : memref<128xi32, #tpu.memory_space<hbm>>) dst(%arg5 : memref<128xi32, #tpu.memory_space<vmem>>)
        tpu.yield
      }) : () -> ()
      %dma_start3A = arith.constant 0 : i32
      %dma_start3A_12 = arith.constant 0 : i32
      %dma_start3A_13 = tpu.memref_slice %arg2[%dma_start3A, %dma_start3A_12] : memref<16384x128xf32, #tpu.memory_space<hbm>> -> memref<16384x128xf32, #tpu.memory_space<hbm>>
      tpu.enqueue_indirect_dma source(%dma_start3A_13 : memref<16384x128xf32, #tpu.memory_space<hbm>>) target(%arg6 : memref<128x128xf32, #tpu.memory_space<vmem>>) offsets(%arg5 : memref<128xi32, #tpu.memory_space<vmem>>) semaphore(%arg7 : memref<!tpu.dma_semaphore, #tpu.memory_space<semaphore_mem>>)
      %dma_wait3A = arith.constant 0 : i32
      %dma_wait3A_14 = arith.constant 0 : i32
      %dma_wait3A_15 = tpu.memref_slice %arg2[%dma_wait3A, %dma_wait3A_14] : memref<16384x128xf32, #tpu.memory_space<hbm>> -> memref<16384x128xf32, #tpu.memory_space<hbm>>
      tpu.wait_indirect_dma semaphore(%arg7 : memref<!tpu.dma_semaphore, #tpu.memory_space<semaphore_mem>>) src(%dma_wait3A_15 : memref<16384x128xf32, #tpu.memory_space<hbm>>) dst(%arg6 : memref<128x128xf32, #tpu.memory_space<vmem>>)
      "tpu.region"() ({
        %run_scoped3A = tpu.sem_alloc : memref<!tpu.dma_semaphore, #tpu.memory_space<semaphore_mem>>
        %dma_start3A_16 = arith.constant 0 : i32
        %dma_start3A_17 = tpu.memref_slice %arg4[%add3A_11, %dma_start3A_16] : memref<163840x128xf32, #tpu.memory_space<hbm>> -> memref<128x128xf32, #tpu.memory_space<hbm>>
        %dma_start3A_18 = arith.constant 0 : i32
        %dma_start3A_19 = tpu.memref_slice %arg4[%add3A_11, %dma_start3A_18] : memref<163840x128xf32, #tpu.memory_space<hbm>> -> memref<128x128xf32, #tpu.memory_space<hbm>>
        tpu.enqueue_dma source(%arg6 : memref<128x128xf32, #tpu.memory_space<vmem>>) target(%dma_start3A_19 : memref<128x128xf32, #tpu.memory_space<hbm>>) target_semaphore(%run_scoped3A : memref<!tpu.dma_semaphore, #tpu.memory_space<semaphore_mem>>)
        %dma_wait3A_20 = arith.constant 0 : i32
        %dma_wait3A_21 = tpu.memref_slice %arg4[%add3A_11, %dma_wait3A_20] : memref<163840x128xf32, #tpu.memory_space<hbm>> -> memref<128x128xf32, #tpu.memory_space<hbm>>
        %dma_wait3A_22 = arith.constant 0 : i32
        %dma_wait3A_23 = tpu.memref_slice %arg4[%add3A_11, %dma_wait3A_22] : memref<163840x128xf32, #tpu.memory_space<hbm>> -> memref<128x128xf32, #tpu.memory_space<hbm>>
        tpu.wait_dma2 semaphore(%run_scoped3A : memref<!tpu.dma_semaphore, #tpu.memory_space<semaphore_mem>>) src(%arg6 : memref<128x128xf32, #tpu.memory_space<vmem>>) dst(%dma_wait3A_23 : memref<128x128xf32, #tpu.memory_space<hbm>>)
        tpu.yield
      }) : () -> ()
    }
    %scan3A_5 = arith.constant 40 : i32
    return
  }
}

module attributes {stable_mosaic.version = 14 : i64} {
  func.func @_knn_body(%arg0: i32, %arg1: i32, %arg2: memref<1x256x3xf32, #tpu.memory_space<vmem>>, %arg3: memref<1x3x2048xf32, #tpu.memory_space<vmem>>, %arg4: memref<1x256x1xf32, #tpu.memory_space<vmem>>, %arg5: memref<1x1x2048xf32, #tpu.memory_space<vmem>>, %arg6: memref<1x256x10xi32, #tpu.memory_space<vmem>>) attributes {dimension_semantics = [#tpu.dimension_semantics<arbitrary>, #tpu.dimension_semantics<arbitrary>], iteration_bounds = array<i64: 8, 8>, scalar_prefetch = 0 : i64, scratch_operands = 0 : i64, tpu.core_type = #tpu.core_type<tc>, window_params = [{transform_indices = @transform_0, window_bounds = array<i64: 1, 256, 3>}, {transform_indices = @transform_1, window_bounds = array<i64: 1, 3, 2048>}, {transform_indices = @transform_2, window_bounds = array<i64: 1, 256, 1>}, {transform_indices = @transform_3, window_bounds = array<i64: 1, 1, 2048>}, {transform_indices = @transform_4, window_bounds = array<i64: 1, 256, 10>}]} {
    %get3A = arith.constant 0 : index
    %get3A_0 = arith.constant 0 : index
    %get3A_1 = arith.constant 0 : index
    %get3A_2 = vector.load %arg2[%get3A, %get3A_0, %get3A_1] : memref<1x256x3xf32, #tpu.memory_space<vmem>>, vector<1x256x3xf32>
    %get3A_3 = vector.shape_cast %get3A_2 : vector<1x256x3xf32> to vector<256x3xf32>
    %get3A_4 = arith.constant 0 : index
    %get3A_5 = arith.constant 0 : index
    %get3A_6 = arith.constant 0 : index
    %get3A_7 = vector.load %arg3[%get3A_4, %get3A_5, %get3A_6] : memref<1x3x2048xf32, #tpu.memory_space<vmem>>, vector<1x3x2048xf32>
    %get3A_8 = vector.shape_cast %get3A_7 : vector<1x3x2048xf32> to vector<3x2048xf32>
    %dot_general3A = arith.constant dense<0.000000e+00> : vector<256x2048xf32>
    %dot_general3A_9 = tpu.matmul %get3A_3, %get3A_8, %dot_general3A {dimension_numbers = #tpu.dot_dimension_numbers<[1], [0], [0], [1], [0, 0, 1, 1], [], []>, transpose_lhs_hint = false} : vector<256x3xf32>, vector<3x2048xf32>, vector<256x2048xf32> -> vector<256x2048xf32>
    %mul3A = arith.constant -2.000000e+00 : f32
    %mul3A_10 = vector.broadcast %mul3A : f32 to vector<256x2048xf32>
    %mul3A_11 = arith.mulf %mul3A_10, %dot_general3A_9 : vector<256x2048xf32>
    %get3A_12 = arith.constant 0 : index
    %get3A_13 = arith.constant 0 : index
    %get3A_14 = arith.constant 0 : index
    %get3A_15 = vector.load %arg4[%get3A_12, %get3A_13, %get3A_14] : memref<1x256x1xf32, #tpu.memory_space<vmem>>, vector<1x256x1xf32>
    %get3A_16 = vector.shape_cast %get3A_15 : vector<1x256x1xf32> to vector<256x1xf32>
    %add3A = vector.broadcast %get3A_16 : vector<256x1xf32> to vector<256x2048xf32>
    %add3A_17 = arith.addf %mul3A_11, %add3A : vector<256x2048xf32>
    %get3A_18 = arith.constant 0 : index
    %get3A_19 = arith.constant 0 : index
    %get3A_20 = arith.constant 0 : index
    %get3A_21 = vector.load %arg5[%get3A_18, %get3A_19, %get3A_20] : memref<1x1x2048xf32, #tpu.memory_space<vmem>>, vector<1x1x2048xf32>
    %get3A_22 = vector.shape_cast %get3A_21 : vector<1x1x2048xf32> to vector<1x2048xf32>
    %add3A_23 = vector.broadcast %get3A_22 : vector<1x2048xf32> to vector<256x2048xf32>
    %add3A_24 = arith.addf %add3A_17, %add3A_23 : vector<256x2048xf32>
    %iota3A = tpu.iota {dimensions = array<i32: 1>} : vector<256x2048xi32>
    %mul3A_25 = arith.constant 2048 : i32
    %mul3A_26 = arith.muli %arg0, %mul3A_25 : i32
    %reduce_min3A = arith.constant dense<0x7F800000> : vector<256xf32>
    %reduce_min3A_27 = vector.multi_reduction <minimumf>, %add3A_24, %reduce_min3A [1] : vector<256x2048xf32> to vector<256xf32>
    %broadcast_in_dim3A = vector.shape_cast %reduce_min3A_27 : vector<256xf32> to vector<256x1xf32>
    %eq3A = vector.broadcast %broadcast_in_dim3A : vector<256x1xf32> to vector<256x2048xf32>
    %eq3A_28 = arith.cmpf oeq, %add3A_24, %eq3A : vector<256x2048xf32>
    %jit3A = arith.constant 2048 : i32
    %broadcast_in_dim3A_29 = vector.broadcast %jit3A : i32 to vector<256x2048xi32>
    %select_n3A = arith.select %eq3A_28, %iota3A, %broadcast_in_dim3A_29 : vector<256x2048xi1>, vector<256x2048xi32>
    %reduce_min3A_30 = arith.constant dense<2147483647> : vector<256xi32>
    %reduce_min3A_31 = vector.multi_reduction <minsi>, %select_n3A, %reduce_min3A_30 [1] : vector<256x2048xi32> to vector<256xi32>
    %broadcast_in_dim3A_32 = vector.shape_cast %reduce_min3A_31 : vector<256xi32> to vector<256x1xi32>
    %eq3A_33 = vector.broadcast %broadcast_in_dim3A_32 : vector<256x1xi32> to vector<256x2048xi32>
    %eq3A_34 = arith.cmpi eq, %iota3A, %eq3A_33 : vector<256x2048xi32>
    %jit3A_35 = arith.constant 0x7F800000 : f32
    %broadcast_in_dim3A_36 = vector.broadcast %jit3A_35 : f32 to vector<256x2048xf32>
    %select_n3A_37 = arith.select %eq3A_34, %broadcast_in_dim3A_36, %add3A_24 : vector<256x2048xi1>, vector<256x2048xf32>
    %reduce_min3A_38 = arith.constant dense<0x7F800000> : vector<256xf32>
    %reduce_min3A_39 = vector.multi_reduction <minimumf>, %select_n3A_37, %reduce_min3A_38 [1] : vector<256x2048xf32> to vector<256xf32>
    %broadcast_in_dim3A_40 = vector.shape_cast %reduce_min3A_39 : vector<256xf32> to vector<256x1xf32>
    %eq3A_41 = vector.broadcast %broadcast_in_dim3A_40 : vector<256x1xf32> to vector<256x2048xf32>
    %eq3A_42 = arith.cmpf oeq, %select_n3A_37, %eq3A_41 : vector<256x2048xf32>
    %jit3A_43 = arith.constant 2048 : i32
    %broadcast_in_dim3A_44 = vector.broadcast %jit3A_43 : i32 to vector<256x2048xi32>
    %select_n3A_45 = arith.select %eq3A_42, %iota3A, %broadcast_in_dim3A_44 : vector<256x2048xi1>, vector<256x2048xi32>
    %reduce_min3A_46 = arith.constant dense<2147483647> : vector<256xi32>
    %reduce_min3A_47 = vector.multi_reduction <minsi>, %select_n3A_45, %reduce_min3A_46 [1] : vector<256x2048xi32> to vector<256xi32>
    %broadcast_in_dim3A_48 = vector.shape_cast %reduce_min3A_47 : vector<256xi32> to vector<256x1xi32>
    %add3A_49 = vector.broadcast %mul3A_26 : i32 to vector<256x1xi32>
    %add3A_50 = arith.addi %broadcast_in_dim3A_48, %add3A_49 : vector<256x1xi32>
    %eq3A_51 = vector.broadcast %broadcast_in_dim3A_48 : vector<256x1xi32> to vector<256x2048xi32>
    %eq3A_52 = arith.cmpi eq, %iota3A, %eq3A_51 : vector<256x2048xi32>
    %jit3A_53 = arith.constant 0x7F800000 : f32
    %broadcast_in_dim3A_54 = vector.broadcast %jit3A_53 : f32 to vector<256x2048xf32>
    %select_n3A_55 = arith.select %eq3A_52, %broadcast_in_dim3A_54, %select_n3A_37 : vector<256x2048xi1>, vector<256x2048xf32>
    %reduce_min3A_56 = arith.constant dense<0x7F800000> : vector<256xf32>
    %reduce_min3A_57 = vector.multi_reduction <minimumf>, %select_n3A_55, %reduce_min3A_56 [1] : vector<256x2048xf32> to vector<256xf32>
    %broadcast_in_dim3A_58 = vector.shape_cast %reduce_min3A_57 : vector<256xf32> to vector<256x1xf32>
    %eq3A_59 = vector.broadcast %broadcast_in_dim3A_58 : vector<256x1xf32> to vector<256x2048xf32>
    %eq3A_60 = arith.cmpf oeq, %select_n3A_55, %eq3A_59 : vector<256x2048xf32>
    %jit3A_61 = arith.constant 2048 : i32
    %broadcast_in_dim3A_62 = vector.broadcast %jit3A_61 : i32 to vector<256x2048xi32>
    %select_n3A_63 = arith.select %eq3A_60, %iota3A, %broadcast_in_dim3A_62 : vector<256x2048xi1>, vector<256x2048xi32>
    %reduce_min3A_64 = arith.constant dense<2147483647> : vector<256xi32>
    %reduce_min3A_65 = vector.multi_reduction <minsi>, %select_n3A_63, %reduce_min3A_64 [1] : vector<256x2048xi32> to vector<256xi32>
    %broadcast_in_dim3A_66 = vector.shape_cast %reduce_min3A_65 : vector<256xi32> to vector<256x1xi32>
    %add3A_67 = vector.broadcast %mul3A_26 : i32 to vector<256x1xi32>
    %add3A_68 = arith.addi %broadcast_in_dim3A_66, %add3A_67 : vector<256x1xi32>
    %eq3A_69 = vector.broadcast %broadcast_in_dim3A_66 : vector<256x1xi32> to vector<256x2048xi32>
    %eq3A_70 = arith.cmpi eq, %iota3A, %eq3A_69 : vector<256x2048xi32>
    %jit3A_71 = arith.constant 0x7F800000 : f32
    %broadcast_in_dim3A_72 = vector.broadcast %jit3A_71 : f32 to vector<256x2048xf32>
    %select_n3A_73 = arith.select %eq3A_70, %broadcast_in_dim3A_72, %select_n3A_55 : vector<256x2048xi1>, vector<256x2048xf32>
    %reduce_min3A_74 = arith.constant dense<0x7F800000> : vector<256xf32>
    %reduce_min3A_75 = vector.multi_reduction <minimumf>, %select_n3A_73, %reduce_min3A_74 [1] : vector<256x2048xf32> to vector<256xf32>
    %broadcast_in_dim3A_76 = vector.shape_cast %reduce_min3A_75 : vector<256xf32> to vector<256x1xf32>
    %eq3A_77 = vector.broadcast %broadcast_in_dim3A_76 : vector<256x1xf32> to vector<256x2048xf32>
    %eq3A_78 = arith.cmpf oeq, %select_n3A_73, %eq3A_77 : vector<256x2048xf32>
    %jit3A_79 = arith.constant 2048 : i32
    %broadcast_in_dim3A_80 = vector.broadcast %jit3A_79 : i32 to vector<256x2048xi32>
    %select_n3A_81 = arith.select %eq3A_78, %iota3A, %broadcast_in_dim3A_80 : vector<256x2048xi1>, vector<256x2048xi32>
    %reduce_min3A_82 = arith.constant dense<2147483647> : vector<256xi32>
    %reduce_min3A_83 = vector.multi_reduction <minsi>, %select_n3A_81, %reduce_min3A_82 [1] : vector<256x2048xi32> to vector<256xi32>
    %broadcast_in_dim3A_84 = vector.shape_cast %reduce_min3A_83 : vector<256xi32> to vector<256x1xi32>
    %add3A_85 = vector.broadcast %mul3A_26 : i32 to vector<256x1xi32>
    %add3A_86 = arith.addi %broadcast_in_dim3A_84, %add3A_85 : vector<256x1xi32>
    %eq3A_87 = vector.broadcast %broadcast_in_dim3A_84 : vector<256x1xi32> to vector<256x2048xi32>
    %eq3A_88 = arith.cmpi eq, %iota3A, %eq3A_87 : vector<256x2048xi32>
    %jit3A_89 = arith.constant 0x7F800000 : f32
    %broadcast_in_dim3A_90 = vector.broadcast %jit3A_89 : f32 to vector<256x2048xf32>
    %select_n3A_91 = arith.select %eq3A_88, %broadcast_in_dim3A_90, %select_n3A_73 : vector<256x2048xi1>, vector<256x2048xf32>
    %reduce_min3A_92 = arith.constant dense<0x7F800000> : vector<256xf32>
    %reduce_min3A_93 = vector.multi_reduction <minimumf>, %select_n3A_91, %reduce_min3A_92 [1] : vector<256x2048xf32> to vector<256xf32>
    %broadcast_in_dim3A_94 = vector.shape_cast %reduce_min3A_93 : vector<256xf32> to vector<256x1xf32>
    %eq3A_95 = vector.broadcast %broadcast_in_dim3A_94 : vector<256x1xf32> to vector<256x2048xf32>
    %eq3A_96 = arith.cmpf oeq, %select_n3A_91, %eq3A_95 : vector<256x2048xf32>
    %jit3A_97 = arith.constant 2048 : i32
    %broadcast_in_dim3A_98 = vector.broadcast %jit3A_97 : i32 to vector<256x2048xi32>
    %select_n3A_99 = arith.select %eq3A_96, %iota3A, %broadcast_in_dim3A_98 : vector<256x2048xi1>, vector<256x2048xi32>
    %reduce_min3A_100 = arith.constant dense<2147483647> : vector<256xi32>
    %reduce_min3A_101 = vector.multi_reduction <minsi>, %select_n3A_99, %reduce_min3A_100 [1] : vector<256x2048xi32> to vector<256xi32>
    %broadcast_in_dim3A_102 = vector.shape_cast %reduce_min3A_101 : vector<256xi32> to vector<256x1xi32>
    %add3A_103 = vector.broadcast %mul3A_26 : i32 to vector<256x1xi32>
    %add3A_104 = arith.addi %broadcast_in_dim3A_102, %add3A_103 : vector<256x1xi32>
    %eq3A_105 = vector.broadcast %broadcast_in_dim3A_102 : vector<256x1xi32> to vector<256x2048xi32>
    %eq3A_106 = arith.cmpi eq, %iota3A, %eq3A_105 : vector<256x2048xi32>
    %jit3A_107 = arith.constant 0x7F800000 : f32
    %broadcast_in_dim3A_108 = vector.broadcast %jit3A_107 : f32 to vector<256x2048xf32>
    %select_n3A_109 = arith.select %eq3A_106, %broadcast_in_dim3A_108, %select_n3A_91 : vector<256x2048xi1>, vector<256x2048xf32>
    %reduce_min3A_110 = arith.constant dense<0x7F800000> : vector<256xf32>
    %reduce_min3A_111 = vector.multi_reduction <minimumf>, %select_n3A_109, %reduce_min3A_110 [1] : vector<256x2048xf32> to vector<256xf32>
    %broadcast_in_dim3A_112 = vector.shape_cast %reduce_min3A_111 : vector<256xf32> to vector<256x1xf32>
    %eq3A_113 = vector.broadcast %broadcast_in_dim3A_112 : vector<256x1xf32> to vector<256x2048xf32>
    %eq3A_114 = arith.cmpf oeq, %select_n3A_109, %eq3A_113 : vector<256x2048xf32>
    %jit3A_115 = arith.constant 2048 : i32
    %broadcast_in_dim3A_116 = vector.broadcast %jit3A_115 : i32 to vector<256x2048xi32>
    %select_n3A_117 = arith.select %eq3A_114, %iota3A, %broadcast_in_dim3A_116 : vector<256x2048xi1>, vector<256x2048xi32>
    %reduce_min3A_118 = arith.constant dense<2147483647> : vector<256xi32>
    %reduce_min3A_119 = vector.multi_reduction <minsi>, %select_n3A_117, %reduce_min3A_118 [1] : vector<256x2048xi32> to vector<256xi32>
    %broadcast_in_dim3A_120 = vector.shape_cast %reduce_min3A_119 : vector<256xi32> to vector<256x1xi32>
    %add3A_121 = vector.broadcast %mul3A_26 : i32 to vector<256x1xi32>
    %add3A_122 = arith.addi %broadcast_in_dim3A_120, %add3A_121 : vector<256x1xi32>
    %eq3A_123 = vector.broadcast %broadcast_in_dim3A_120 : vector<256x1xi32> to vector<256x2048xi32>
    %eq3A_124 = arith.cmpi eq, %iota3A, %eq3A_123 : vector<256x2048xi32>
    %jit3A_125 = arith.constant 0x7F800000 : f32
    %broadcast_in_dim3A_126 = vector.broadcast %jit3A_125 : f32 to vector<256x2048xf32>
    %select_n3A_127 = arith.select %eq3A_124, %broadcast_in_dim3A_126, %select_n3A_109 : vector<256x2048xi1>, vector<256x2048xf32>
    %reduce_min3A_128 = arith.constant dense<0x7F800000> : vector<256xf32>
    %reduce_min3A_129 = vector.multi_reduction <minimumf>, %select_n3A_127, %reduce_min3A_128 [1] : vector<256x2048xf32> to vector<256xf32>
    %broadcast_in_dim3A_130 = vector.shape_cast %reduce_min3A_129 : vector<256xf32> to vector<256x1xf32>
    %eq3A_131 = vector.broadcast %broadcast_in_dim3A_130 : vector<256x1xf32> to vector<256x2048xf32>
    %eq3A_132 = arith.cmpf oeq, %select_n3A_127, %eq3A_131 : vector<256x2048xf32>
    %jit3A_133 = arith.constant 2048 : i32
    %broadcast_in_dim3A_134 = vector.broadcast %jit3A_133 : i32 to vector<256x2048xi32>
    %select_n3A_135 = arith.select %eq3A_132, %iota3A, %broadcast_in_dim3A_134 : vector<256x2048xi1>, vector<256x2048xi32>
    %reduce_min3A_136 = arith.constant dense<2147483647> : vector<256xi32>
    %reduce_min3A_137 = vector.multi_reduction <minsi>, %select_n3A_135, %reduce_min3A_136 [1] : vector<256x2048xi32> to vector<256xi32>
    %broadcast_in_dim3A_138 = vector.shape_cast %reduce_min3A_137 : vector<256xi32> to vector<256x1xi32>
    %add3A_139 = vector.broadcast %mul3A_26 : i32 to vector<256x1xi32>
    %add3A_140 = arith.addi %broadcast_in_dim3A_138, %add3A_139 : vector<256x1xi32>
    %eq3A_141 = vector.broadcast %broadcast_in_dim3A_138 : vector<256x1xi32> to vector<256x2048xi32>
    %eq3A_142 = arith.cmpi eq, %iota3A, %eq3A_141 : vector<256x2048xi32>
    %jit3A_143 = arith.constant 0x7F800000 : f32
    %broadcast_in_dim3A_144 = vector.broadcast %jit3A_143 : f32 to vector<256x2048xf32>
    %select_n3A_145 = arith.select %eq3A_142, %broadcast_in_dim3A_144, %select_n3A_127 : vector<256x2048xi1>, vector<256x2048xf32>
    %reduce_min3A_146 = arith.constant dense<0x7F800000> : vector<256xf32>
    %reduce_min3A_147 = vector.multi_reduction <minimumf>, %select_n3A_145, %reduce_min3A_146 [1] : vector<256x2048xf32> to vector<256xf32>
    %broadcast_in_dim3A_148 = vector.shape_cast %reduce_min3A_147 : vector<256xf32> to vector<256x1xf32>
    %eq3A_149 = vector.broadcast %broadcast_in_dim3A_148 : vector<256x1xf32> to vector<256x2048xf32>
    %eq3A_150 = arith.cmpf oeq, %select_n3A_145, %eq3A_149 : vector<256x2048xf32>
    %jit3A_151 = arith.constant 2048 : i32
    %broadcast_in_dim3A_152 = vector.broadcast %jit3A_151 : i32 to vector<256x2048xi32>
    %select_n3A_153 = arith.select %eq3A_150, %iota3A, %broadcast_in_dim3A_152 : vector<256x2048xi1>, vector<256x2048xi32>
    %reduce_min3A_154 = arith.constant dense<2147483647> : vector<256xi32>
    %reduce_min3A_155 = vector.multi_reduction <minsi>, %select_n3A_153, %reduce_min3A_154 [1] : vector<256x2048xi32> to vector<256xi32>
    %broadcast_in_dim3A_156 = vector.shape_cast %reduce_min3A_155 : vector<256xi32> to vector<256x1xi32>
    %add3A_157 = vector.broadcast %mul3A_26 : i32 to vector<256x1xi32>
    %add3A_158 = arith.addi %broadcast_in_dim3A_156, %add3A_157 : vector<256x1xi32>
    %eq3A_159 = vector.broadcast %broadcast_in_dim3A_156 : vector<256x1xi32> to vector<256x2048xi32>
    %eq3A_160 = arith.cmpi eq, %iota3A, %eq3A_159 : vector<256x2048xi32>
    %jit3A_161 = arith.constant 0x7F800000 : f32
    %broadcast_in_dim3A_162 = vector.broadcast %jit3A_161 : f32 to vector<256x2048xf32>
    %select_n3A_163 = arith.select %eq3A_160, %broadcast_in_dim3A_162, %select_n3A_145 : vector<256x2048xi1>, vector<256x2048xf32>
    %reduce_min3A_164 = arith.constant dense<0x7F800000> : vector<256xf32>
    %reduce_min3A_165 = vector.multi_reduction <minimumf>, %select_n3A_163, %reduce_min3A_164 [1] : vector<256x2048xf32> to vector<256xf32>
    %broadcast_in_dim3A_166 = vector.shape_cast %reduce_min3A_165 : vector<256xf32> to vector<256x1xf32>
    %eq3A_167 = vector.broadcast %broadcast_in_dim3A_166 : vector<256x1xf32> to vector<256x2048xf32>
    %eq3A_168 = arith.cmpf oeq, %select_n3A_163, %eq3A_167 : vector<256x2048xf32>
    %jit3A_169 = arith.constant 2048 : i32
    %broadcast_in_dim3A_170 = vector.broadcast %jit3A_169 : i32 to vector<256x2048xi32>
    %select_n3A_171 = arith.select %eq3A_168, %iota3A, %broadcast_in_dim3A_170 : vector<256x2048xi1>, vector<256x2048xi32>
    %reduce_min3A_172 = arith.constant dense<2147483647> : vector<256xi32>
    %reduce_min3A_173 = vector.multi_reduction <minsi>, %select_n3A_171, %reduce_min3A_172 [1] : vector<256x2048xi32> to vector<256xi32>
    %broadcast_in_dim3A_174 = vector.shape_cast %reduce_min3A_173 : vector<256xi32> to vector<256x1xi32>
    %add3A_175 = vector.broadcast %mul3A_26 : i32 to vector<256x1xi32>
    %add3A_176 = arith.addi %broadcast_in_dim3A_174, %add3A_175 : vector<256x1xi32>
    %eq3A_177 = vector.broadcast %broadcast_in_dim3A_174 : vector<256x1xi32> to vector<256x2048xi32>
    %eq3A_178 = arith.cmpi eq, %iota3A, %eq3A_177 : vector<256x2048xi32>
    %jit3A_179 = arith.constant 0x7F800000 : f32
    %broadcast_in_dim3A_180 = vector.broadcast %jit3A_179 : f32 to vector<256x2048xf32>
    %select_n3A_181 = arith.select %eq3A_178, %broadcast_in_dim3A_180, %select_n3A_163 : vector<256x2048xi1>, vector<256x2048xf32>
    %reduce_min3A_182 = arith.constant dense<0x7F800000> : vector<256xf32>
    %reduce_min3A_183 = vector.multi_reduction <minimumf>, %select_n3A_181, %reduce_min3A_182 [1] : vector<256x2048xf32> to vector<256xf32>
    %broadcast_in_dim3A_184 = vector.shape_cast %reduce_min3A_183 : vector<256xf32> to vector<256x1xf32>
    %eq3A_185 = vector.broadcast %broadcast_in_dim3A_184 : vector<256x1xf32> to vector<256x2048xf32>
    %eq3A_186 = arith.cmpf oeq, %select_n3A_181, %eq3A_185 : vector<256x2048xf32>
    %jit3A_187 = arith.constant 2048 : i32
    %broadcast_in_dim3A_188 = vector.broadcast %jit3A_187 : i32 to vector<256x2048xi32>
    %select_n3A_189 = arith.select %eq3A_186, %iota3A, %broadcast_in_dim3A_188 : vector<256x2048xi1>, vector<256x2048xi32>
    %reduce_min3A_190 = arith.constant dense<2147483647> : vector<256xi32>
    %reduce_min3A_191 = vector.multi_reduction <minsi>, %select_n3A_189, %reduce_min3A_190 [1] : vector<256x2048xi32> to vector<256xi32>
    %broadcast_in_dim3A_192 = vector.shape_cast %reduce_min3A_191 : vector<256xi32> to vector<256x1xi32>
    %add3A_193 = vector.broadcast %mul3A_26 : i32 to vector<256x1xi32>
    %add3A_194 = arith.addi %broadcast_in_dim3A_192, %add3A_193 : vector<256x1xi32>
    %eq3A_195 = vector.broadcast %broadcast_in_dim3A_192 : vector<256x1xi32> to vector<256x2048xi32>
    %eq3A_196 = arith.cmpi eq, %iota3A, %eq3A_195 : vector<256x2048xi32>
    %jit3A_197 = arith.constant 0x7F800000 : f32
    %broadcast_in_dim3A_198 = vector.broadcast %jit3A_197 : f32 to vector<256x2048xf32>
    %select_n3A_199 = arith.select %eq3A_196, %broadcast_in_dim3A_198, %select_n3A_181 : vector<256x2048xi1>, vector<256x2048xf32>
    %reduce_min3A_200 = arith.constant dense<0x7F800000> : vector<256xf32>
    %reduce_min3A_201 = vector.multi_reduction <minimumf>, %select_n3A_199, %reduce_min3A_200 [1] : vector<256x2048xf32> to vector<256xf32>
    %broadcast_in_dim3A_202 = vector.shape_cast %reduce_min3A_201 : vector<256xf32> to vector<256x1xf32>
    %eq3A_203 = vector.broadcast %broadcast_in_dim3A_202 : vector<256x1xf32> to vector<256x2048xf32>
    %eq3A_204 = arith.cmpf oeq, %select_n3A_199, %eq3A_203 : vector<256x2048xf32>
    %jit3A_205 = arith.constant 2048 : i32
    %broadcast_in_dim3A_206 = vector.broadcast %jit3A_205 : i32 to vector<256x2048xi32>
    %select_n3A_207 = arith.select %eq3A_204, %iota3A, %broadcast_in_dim3A_206 : vector<256x2048xi1>, vector<256x2048xi32>
    %reduce_min3A_208 = arith.constant dense<2147483647> : vector<256xi32>
    %reduce_min3A_209 = vector.multi_reduction <minsi>, %select_n3A_207, %reduce_min3A_208 [1] : vector<256x2048xi32> to vector<256xi32>
    %broadcast_in_dim3A_210 = vector.shape_cast %reduce_min3A_209 : vector<256xi32> to vector<256x1xi32>
    %add3A_211 = vector.broadcast %mul3A_26 : i32 to vector<256x1xi32>
    %add3A_212 = arith.addi %broadcast_in_dim3A_210, %add3A_211 : vector<256x1xi32>
    %concatenate3A = tpu.concatenate %add3A_50, %add3A_68, %add3A_86, %add3A_104, %add3A_122, %add3A_140, %add3A_158, %add3A_176, %add3A_194, %add3A_212 in 1 : vector<256x1xi32>, vector<256x1xi32>, vector<256x1xi32>, vector<256x1xi32>, vector<256x1xi32>, vector<256x1xi32>, vector<256x1xi32>, vector<256x1xi32>, vector<256x1xi32>, vector<256x1xi32> -> vector<256x10xi32>
    %swap3A = arith.constant 0 : index
    %swap3A_213 = arith.constant 0 : index
    %swap3A_214 = arith.constant 0 : index
    %swap3A_215 = vector.load %arg6[%swap3A, %swap3A_213, %swap3A_214] : memref<1x256x10xi32, #tpu.memory_space<vmem>>, vector<1x256x10xi32>
    %swap3A_216 = vector.shape_cast %swap3A_215 : vector<1x256x10xi32> to vector<256x10xi32>
    %swap3A_217 = vector.shape_cast %concatenate3A : vector<256x10xi32> to vector<1x256x10xi32>
    tpu.vector_store %arg6[%swap3A, %swap3A_213, %swap3A_214], %swap3A_217 {strides = array<i32>} : memref<1x256x10xi32, #tpu.memory_space<vmem>>, vector<1x256x10xi32>,
    return
  }
  func.func @transform_0(%arg0: i32, %arg1: i32) -> (i32, i32, i32) {
    %c0_i32 = arith.constant 0 : i32
    %c0_i32_0 = arith.constant 0 : i32
    return %arg0, %arg1, %c0_i32 : i32, i32, i32
  }
  func.func @transform_1(%arg0: i32, %arg1: i32) -> (i32, i32, i32) {
    %c0_i32 = arith.constant 0 : i32
    %c0_i32_0 = arith.constant 0 : i32
    %c0_i32_1 = arith.constant 0 : i32
    return %arg0, %c0_i32, %c0_i32_0 : i32, i32, i32
  }
  func.func @transform_2(%arg0: i32, %arg1: i32) -> (i32, i32, i32) {
    %c0_i32 = arith.constant 0 : i32
    %c0_i32_0 = arith.constant 0 : i32
    return %arg0, %arg1, %c0_i32 : i32, i32, i32
  }
  func.func @transform_3(%arg0: i32, %arg1: i32) -> (i32, i32, i32) {
    %c0_i32 = arith.constant 0 : i32
    %c0_i32_0 = arith.constant 0 : i32
    %c0_i32_1 = arith.constant 0 : i32
    return %arg0, %c0_i32, %c0_i32_0 : i32, i32, i32
  }
  func.func @transform_4(%arg0: i32, %arg1: i32) -> (i32, i32, i32) {
    %c0_i32 = arith.constant 0 : i32
    %c0_i32_0 = arith.constant 0 : i32
    return %arg0, %arg1, %c0_i32 : i32, i32, i32
  }
}

module attributes {stable_mosaic.version = 14 : i64} {
  func.func @_style_body(%arg0: i32, %arg1: i32, %arg2: memref<1x512x3xf32, #tpu.memory_space<vmem>>, %arg3: memref<1x512x128xf32, #tpu.memory_space<vmem>>, %arg4: memref<131x128xf32, #tpu.memory_space<vmem>>, %arg5: memref<1x128xf32, #tpu.memory_space<vmem>>, %arg6: memref<128x128xf32, #tpu.memory_space<vmem>>, %arg7: memref<1x128xf32, #tpu.memory_space<vmem>>, %arg8: memref<1x512x128xf32, #tpu.memory_space<vmem>>, %arg9: memref<1x512x128xf32, #tpu.memory_space<vmem>>) attributes {dimension_semantics = [#tpu.dimension_semantics<arbitrary>, #tpu.dimension_semantics<arbitrary>], iteration_bounds = array<i64: 8, 4>, scalar_prefetch = 0 : i64, scratch_operands = 0 : i64, tpu.core_type = #tpu.core_type<tc>, window_params = [{transform_indices = @transform_0, window_bounds = array<i64: 1, 512, 3>}, {transform_indices = @transform_1, window_bounds = array<i64: 1, 512, 128>}, {pipeline_mode = #tpu.pipeline_mode<synchronous>, transform_indices = @transform_2, window_bounds = array<i64: 131, 128>}, {pipeline_mode = #tpu.pipeline_mode<synchronous>, transform_indices = @transform_3, window_bounds = array<i64: 1, 128>}, {pipeline_mode = #tpu.pipeline_mode<synchronous>, transform_indices = @transform_4, window_bounds = array<i64: 128, 128>}, {pipeline_mode = #tpu.pipeline_mode<synchronous>, transform_indices = @transform_5, window_bounds = array<i64: 1, 128>}, {transform_indices = @transform_6, window_bounds = array<i64: 1, 512, 128>}, {transform_indices = @transform_7, window_bounds = array<i64: 1, 512, 128>}]} {
    %get3A = arith.constant 0 : index
    %get3A_0 = arith.constant 0 : index
    %get3A_1 = arith.constant 0 : index
    %get3A_2 = vector.load %arg2[%get3A, %get3A_0, %get3A_1] : memref<1x512x3xf32, #tpu.memory_space<vmem>>, vector<1x512x3xf32>
    %get3A_3 = vector.shape_cast %get3A_2 : vector<1x512x3xf32> to vector<512x3xf32>
    %get3A_4 = arith.constant 0 : index
    %get3A_5 = arith.constant 0 : index
    %get3A_6 = arith.constant 0 : index
    %get3A_7 = vector.load %arg3[%get3A_4, %get3A_5, %get3A_6] : memref<1x512x128xf32, #tpu.memory_space<vmem>>, vector<1x512x128xf32>
    %get3A_8 = vector.shape_cast %get3A_7 : vector<1x512x128xf32> to vector<512x128xf32>
    %mul3A = arith.mulf %get3A_8, %get3A_8 : vector<512x128xf32>
    %reduce_sum3A = arith.constant dense<0.000000e+00> : vector<512xf32>
    %reduce_sum3A_9 = vector.multi_reduction <add>, %mul3A, %reduce_sum3A [1] : vector<512x128xf32> to vector<512xf32>
    %broadcast_in_dim3A = vector.shape_cast %reduce_sum3A_9 : vector<512xf32> to vector<512x1xf32>
    %sqrt3A = math.sqrt %broadcast_in_dim3A : vector<512x1xf32>
    %add3A = arith.constant 9.99999993E-9 : f32
    %add3A_10 = vector.broadcast %add3A : f32 to vector<512x1xf32>
    %add3A_11 = arith.addf %sqrt3A, %add3A_10 : vector<512x1xf32>
    %div3A = vector.broadcast %add3A_11 : vector<512x1xf32> to vector<512x128xf32>
    %div3A_12 = arith.divf %get3A_8, %div3A : vector<512x128xf32>
    %concatenate3A = tpu.concatenate %get3A_3, %div3A_12 in 1 : vector<512x3xf32>, vector<512x128xf32> -> vector<512x131xf32>
    %get3A_13 = arith.constant 0 : index
    %get3A_14 = arith.constant 0 : index
    %get3A_15 = vector.load %arg4[%get3A_13, %get3A_14] : memref<131x128xf32, #tpu.memory_space<vmem>>, vector<131x128xf32>
    %dot_general3A = arith.constant dense<0.000000e+00> : vector<512x128xf32>
    %dot_general3A_16 = tpu.matmul %concatenate3A, %get3A_15, %dot_general3A {dimension_numbers = #tpu.dot_dimension_numbers<[1], [0], [0], [1], [0, 0, 1, 1], [], []>, transpose_lhs_hint = false} : vector<512x131xf32>, vector<131x128xf32>, vector<512x128xf32> -> vector<512x128xf32>
    %get3A_17 = arith.constant 0 : index
    %get3A_18 = arith.constant 0 : index
    %get3A_19 = vector.load %arg5[%get3A_17, %get3A_18] : memref<1x128xf32, #tpu.memory_space<vmem>>, vector<1x128xf32>
    %add3A_20 = vector.broadcast %get3A_19 : vector<1x128xf32> to vector<512x128xf32>
    %add3A_21 = arith.addf %dot_general3A_16, %add3A_20 : vector<512x128xf32>
    %ge3A = arith.constant 0.000000e+00 : f32
    %ge3A_22 = vector.broadcast %ge3A : f32 to vector<512x128xf32>
    %ge3A_23 = arith.cmpf oge, %add3A_21, %ge3A_22 : vector<512x128xf32>
    %mul3A_24 = arith.constant 0.00999999977 : f32
    %mul3A_25 = vector.broadcast %mul3A_24 : f32 to vector<512x128xf32>
    %mul3A_26 = arith.mulf %mul3A_25, %add3A_21 : vector<512x128xf32>
    %select_n3A = arith.select %ge3A_23, %add3A_21, %mul3A_26 : vector<512x128xi1>, vector<512x128xf32>
    %get3A_27 = arith.constant 0 : index
    %get3A_28 = arith.constant 0 : index
    %get3A_29 = vector.load %arg6[%get3A_27, %get3A_28] : memref<128x128xf32, #tpu.memory_space<vmem>>, vector<128x128xf32>
    %dot_general3A_30 = arith.constant dense<0.000000e+00> : vector<512x128xf32>
    %dot_general3A_31 = tpu.matmul %select_n3A, %get3A_29, %dot_general3A_30 {dimension_numbers = #tpu.dot_dimension_numbers<[1], [0], [0], [1], [0, 0, 1, 1], [], []>, transpose_lhs_hint = false} : vector<512x128xf32>, vector<128x128xf32>, vector<512x128xf32> -> vector<512x128xf32>
    %get3A_32 = arith.constant 0 : index
    %get3A_33 = arith.constant 0 : index
    %get3A_34 = vector.load %arg7[%get3A_32, %get3A_33] : memref<1x128xf32, #tpu.memory_space<vmem>>, vector<1x128xf32>
    %add3A_35 = vector.broadcast %get3A_34 : vector<1x128xf32> to vector<512x128xf32>
    %add3A_36 = arith.addf %dot_general3A_31, %add3A_35 : vector<512x128xf32>
    %ge3A_37 = arith.constant 0.000000e+00 : f32
    %ge3A_38 = vector.broadcast %ge3A_37 : f32 to vector<512x128xf32>
    %ge3A_39 = arith.cmpf oge, %add3A_36, %ge3A_38 : vector<512x128xf32>
    %mul3A_40 = arith.constant 0.00999999977 : f32
    %mul3A_41 = vector.broadcast %mul3A_40 : f32 to vector<512x128xf32>
    %mul3A_42 = arith.mulf %mul3A_41, %add3A_36 : vector<512x128xf32>
    %select_n3A_43 = arith.select %ge3A_39, %add3A_36, %mul3A_42 : vector<512x128xi1>, vector<512x128xf32>
    %swap3A = arith.constant 0 : index
    %swap3A_44 = arith.constant 0 : index
    %swap3A_45 = arith.constant 0 : index
    %swap3A_46 = vector.load %arg8[%swap3A, %swap3A_44, %swap3A_45] : memref<1x512x128xf32, #tpu.memory_space<vmem>>, vector<1x512x128xf32>
    %swap3A_47 = vector.shape_cast %swap3A_46 : vector<1x512x128xf32> to vector<512x128xf32>
    %swap3A_48 = vector.shape_cast %select_n3A_43 : vector<512x128xf32> to vector<1x512x128xf32>
    tpu.vector_store %arg8[%swap3A, %swap3A_44, %swap3A_45], %swap3A_48 {strides = array<i32>} : memref<1x512x128xf32, #tpu.memory_space<vmem>>, vector<1x512x128xf32>,
    %broadcast_in_dim3A_49 = arith.constant 0.000000e+00 : f32
    %broadcast_in_dim3A_50 = vector.broadcast %broadcast_in_dim3A_49 : f32 to vector<512x125xf32>
    %concatenate3A_51 = tpu.concatenate %get3A_3, %broadcast_in_dim3A_50 in 1 : vector<512x3xf32>, vector<512x125xf32> -> vector<512x128xf32>
    %swap3A_52 = arith.constant 0 : index
    %swap3A_53 = arith.constant 0 : index
    %swap3A_54 = arith.constant 0 : index
    %swap3A_55 = vector.load %arg9[%swap3A_52, %swap3A_53, %swap3A_54] : memref<1x512x128xf32, #tpu.memory_space<vmem>>, vector<1x512x128xf32>
    %swap3A_56 = vector.shape_cast %swap3A_55 : vector<1x512x128xf32> to vector<512x128xf32>
    %swap3A_57 = vector.shape_cast %concatenate3A_51 : vector<512x128xf32> to vector<1x512x128xf32>
    tpu.vector_store %arg9[%swap3A_52, %swap3A_53, %swap3A_54], %swap3A_57 {strides = array<i32>} : memref<1x512x128xf32, #tpu.memory_space<vmem>>, vector<1x512x128xf32>,
    return
  }
  func.func @transform_0(%arg0: i32, %arg1: i32) -> (i32, i32, i32) {
    %c0_i32 = arith.constant 0 : i32
    %c0_i32_0 = arith.constant 0 : i32
    return %arg0, %arg1, %c0_i32 : i32, i32, i32
  }
  func.func @transform_1(%arg0: i32, %arg1: i32) -> (i32, i32, i32) {
    %c0_i32 = arith.constant 0 : i32
    %c0_i32_0 = arith.constant 0 : i32
    return %arg0, %arg1, %c0_i32 : i32, i32, i32
  }
  func.func @transform_2(%arg0: i32, %arg1: i32) -> (i32, i32) {
    %c0_i32 = arith.constant 0 : i32
    %c0_i32_0 = arith.constant 0 : i32
    %c0_i32_1 = arith.constant 0 : i32
    return %c0_i32, %c0_i32_0 : i32, i32
  }
  func.func @transform_3(%arg0: i32, %arg1: i32) -> (i32, i32) {
    %c0_i32 = arith.constant 0 : i32
    %c0_i32_0 = arith.constant 0 : i32
    %c0_i32_1 = arith.constant 0 : i32
    return %c0_i32, %c0_i32_0 : i32, i32
  }
  func.func @transform_4(%arg0: i32, %arg1: i32) -> (i32, i32) {
    %c0_i32 = arith.constant 0 : i32
    %c0_i32_0 = arith.constant 0 : i32
    %c0_i32_1 = arith.constant 0 : i32
    return %c0_i32, %c0_i32_0 : i32, i32
  }
  func.func @transform_5(%arg0: i32, %arg1: i32) -> (i32, i32) {
    %c0_i32 = arith.constant 0 : i32
    %c0_i32_0 = arith.constant 0 : i32
    %c0_i32_1 = arith.constant 0 : i32
    return %c0_i32, %c0_i32_0 : i32, i32
  }
  func.func @transform_6(%arg0: i32, %arg1: i32) -> (i32, i32, i32) {
    %c0_i32 = arith.constant 0 : i32
    %c0_i32_0 = arith.constant 0 : i32
    return %arg0, %arg1, %c0_i32 : i32, i32, i32
  }
  func.func @transform_7(%arg0: i32, %arg1: i32) -> (i32, i32, i32) {
    %c0_i32 = arith.constant 0 : i32
    %c0_i32_0 = arith.constant 0 : i32
    return %arg0, %arg1, %c0_i32 : i32, i32, i32
  }
}

module attributes {stable_mosaic.version = 14 : i64} {
  func.func @_e1_body(%arg0: i32, %arg1: i32, %arg2: memref<1x10x512x128xf32, #tpu.memory_space<vmem>>, %arg3: memref<1x512x128xf32, #tpu.memory_space<vmem>>, %arg4: memref<128x64xf32, #tpu.memory_space<vmem>>, %arg5: memref<6x128xf32, #tpu.memory_space<vmem>>, %arg6: memref<1x64xf32, #tpu.memory_space<vmem>>, %arg7: memref<1x128xf32, #tpu.memory_space<vmem>>, %arg8: memref<2x64xf32, #tpu.memory_space<vmem>>, %arg9: memref<2x128xf32, #tpu.memory_space<vmem>>) attributes {dimension_semantics = [#tpu.dimension_semantics<arbitrary>, #tpu.dimension_semantics<arbitrary>], iteration_bounds = array<i64: 8, 4>, scalar_prefetch = 0 : i64, scratch_operands = 0 : i64, tpu.core_type = #tpu.core_type<tc>, window_params = [{transform_indices = @transform_0, window_bounds = array<i64: 1, 10, 512, 128>}, {transform_indices = @transform_1, window_bounds = array<i64: 1, 512, 128>}, {pipeline_mode = #tpu.pipeline_mode<synchronous>, transform_indices = @transform_2, window_bounds = array<i64: 128, 64>}, {pipeline_mode = #tpu.pipeline_mode<synchronous>, transform_indices = @transform_3, window_bounds = array<i64: 6, 128>}, {pipeline_mode = #tpu.pipeline_mode<synchronous>, transform_indices = @transform_4, window_bounds = array<i64: 1, 64>}, {pipeline_mode = #tpu.pipeline_mode<synchronous>, transform_indices = @transform_5, window_bounds = array<i64: 1, 128>}, {pipeline_mode = #tpu.pipeline_mode<synchronous>, transform_indices = @transform_6, window_bounds = array<i64: 2, 64>}, {pipeline_mode = #tpu.pipeline_mode<synchronous>, transform_indices = @transform_7, window_bounds = array<i64: 2, 128>}]} {
    %eq3A = arith.constant 0 : i32
    %eq3A_0 = arith.cmpi eq, %arg0, %eq3A : i32
    %eq3A_1 = arith.constant 0 : i32
    %eq3A_2 = arith.cmpi eq, %arg1, %eq3A_1 : i32
    %and3A = arith.andi %eq3A_0, %eq3A_2 : i1
    %get3A = arith.constant 0 : index
    %get3A_3 = arith.constant 0 : index
    %get3A_4 = arith.constant 0 : index
    %get3A_5 = vector.load %arg3[%get3A, %get3A_3, %get3A_4] : memref<1x512x128xf32, #tpu.memory_space<vmem>>, vector<1x512x128xf32>
    %get3A_6 = vector.shape_cast %get3A_5 : vector<1x512x128xf32> to vector<512x128xf32>
    %slice3A = vector.extract_strided_slice %get3A_6 {offsets = [0, 0], sizes = [512, 3], strides = [1, 1]} : vector<512x128xf32> to vector<512x3xf32>
    %broadcast_in_dim3A = arith.constant 0.000000e+00 : f32
    %broadcast_in_dim3A_7 = vector.broadcast %broadcast_in_dim3A : f32 to vector<1x64xf32>
    %broadcast_in_dim3A_8 = arith.constant 0.000000e+00 : f32
    %broadcast_in_dim3A_9 = vector.broadcast %broadcast_in_dim3A_8 : f32 to vector<1x64xf32>
    %broadcast_in_dim3A_10 = arith.constant 0.000000e+00 : f32
    %broadcast_in_dim3A_11 = vector.broadcast %broadcast_in_dim3A_10 : f32 to vector<1x128xf32>
    %broadcast_in_dim3A_12 = arith.constant 0.000000e+00 : f32
    %broadcast_in_dim3A_13 = vector.broadcast %broadcast_in_dim3A_12 : f32 to vector<1x128xf32>
    %get3A_14 = arith.constant 0 : index
    %get3A_15 = arith.constant 0 : index
    %get3A_16 = arith.constant 0 : index
    %get3A_17 = arith.constant 0 : index
    %get3A_18 = vector.load %arg2[%get3A_14, %get3A_15, %get3A_16, %get3A_17] : memref<1x10x512x128xf32, #tpu.memory_space<vmem>>, vector<1x1x512x128xf32>
    %get3A_19 = vector.shape_cast %get3A_18 : vector<1x1x512x128xf32> to vector<512x128xf32>
    %sub3A = arith.subf %get3A_19, %get3A_6 : vector<512x128xf32>
    %get3A_20 = arith.constant 0 : index
    %get3A_21 = arith.constant 0 : index
    %get3A_22 = vector.load %arg4[%get3A_20, %get3A_21] : memref<128x64xf32, #tpu.memory_space<vmem>>, vector<128x64xf32>
    %dot_general3A = arith.constant dense<0.000000e+00> : vector<512x64xf32>
    %dot_general3A_23 = tpu.matmul %sub3A, %get3A_22, %dot_general3A {dimension_numbers = #tpu.dot_dimension_numbers<[1], [0], [0], [1], [0, 0, 1, 1], [], []>, transpose_lhs_hint = false} : vector<512x128xf32>, vector<128x64xf32>, vector<512x64xf32> -> vector<512x64xf32>
    %get3A_24 = arith.constant 0 : index
    %get3A_25 = arith.constant 0 : index
    %get3A_26 = vector.load %arg6[%get3A_24, %get3A_25] : memref<1x64xf32, #tpu.memory_space<vmem>>, vector<1x64xf32>
    %add3A = vector.broadcast %get3A_26 : vector<1x64xf32> to vector<512x64xf32>
    %add3A_27 = arith.addf %dot_general3A_23, %add3A : vector<512x64xf32>
    %reduce_sum3A = arith.constant dense<0.000000e+00> : vector<64xf32>
    %reduce_sum3A_28 = vector.multi_reduction <add>, %add3A_27, %reduce_sum3A [0] : vector<512x64xf32> to vector<64xf32>
    %broadcast_in_dim3A_29 = vector.shape_cast %reduce_sum3A_28 : vector<64xf32> to vector<1x64xf32>
    %add3A_30 = arith.addf %broadcast_in_dim3A_7, %broadcast_in_dim3A_29 : vector<1x64xf32>
    %mul3A = arith.mulf %add3A_27, %add3A_27 : vector<512x64xf32>
    %reduce_sum3A_31 = arith.constant dense<0.000000e+00> : vector<64xf32>
    %reduce_sum3A_32 = vector.multi_reduction <add>, %mul3A, %reduce_sum3A_31 [0] : vector<512x64xf32> to vector<64xf32>
    %broadcast_in_dim3A_33 = vector.shape_cast %reduce_sum3A_32 : vector<64xf32> to vector<1x64xf32>
    %add3A_34 = arith.addf %broadcast_in_dim3A_9, %broadcast_in_dim3A_33 : vector<1x64xf32>
    %slice3A_35 = vector.extract_strided_slice %sub3A {offsets = [0, 0], sizes = [512, 3], strides = [1, 1]} : vector<512x128xf32> to vector<512x3xf32>
    %concatenate3A = tpu.concatenate %slice3A, %slice3A_35 in 1 : vector<512x3xf32>, vector<512x3xf32> -> vector<512x6xf32>
    %get3A_36 = arith.constant 0 : index
    %get3A_37 = arith.constant 0 : index
    %get3A_38 = vector.load %arg5[%get3A_36, %get3A_37] : memref<6x128xf32, #tpu.memory_space<vmem>>, vector<6x128xf32>
    %dot_general3A_39 = arith.constant dense<0.000000e+00> : vector<512x128xf32>
    %dot_general3A_40 = tpu.matmul %concatenate3A, %get3A_38, %dot_general3A_39 {dimension_numbers = #tpu.dot_dimension_numbers<[1], [0], [0], [1], [0, 0, 1, 1], [], []>, transpose_lhs_hint = false} : vector<512x6xf32>, vector<6x128xf32>, vector<512x128xf32> -> vector<512x128xf32>
    %get3A_41 = arith.constant 0 : index
    %get3A_42 = arith.constant 0 : index
    %get3A_43 = vector.load %arg7[%get3A_41, %get3A_42] : memref<1x128xf32, #tpu.memory_space<vmem>>, vector<1x128xf32>
    %add3A_44 = vector.broadcast %get3A_43 : vector<1x128xf32> to vector<512x128xf32>
    %add3A_45 = arith.addf %dot_general3A_40, %add3A_44 : vector<512x128xf32>
    %reduce_sum3A_46 = arith.constant dense<0.000000e+00> : vector<128xf32>
    %reduce_sum3A_47 = vector.multi_reduction <add>, %add3A_45, %reduce_sum3A_46 [0] : vector<512x128xf32> to vector<128xf32>
    %broadcast_in_dim3A_48 = vector.shape_cast %reduce_sum3A_47 : vector<128xf32> to vector<1x128xf32>
    %add3A_49 = arith.addf %broadcast_in_dim3A_11, %broadcast_in_dim3A_48 : vector<1x128xf32>
    %mul3A_50 = arith.mulf %add3A_45, %add3A_45 : vector<512x128xf32>
    %reduce_sum3A_51 = arith.constant dense<0.000000e+00> : vector<128xf32>
    %reduce_sum3A_52 = vector.multi_reduction <add>, %mul3A_50, %reduce_sum3A_51 [0] : vector<512x128xf32> to vector<128xf32>
    %broadcast_in_dim3A_53 = vector.shape_cast %reduce_sum3A_52 : vector<128xf32> to vector<1x128xf32>
    %add3A_54 = arith.addf %broadcast_in_dim3A_13, %broadcast_in_dim3A_53 : vector<1x128xf32>
    %get3A_55 = arith.constant 0 : index
    %get3A_56 = arith.constant 1 : index
    %get3A_57 = arith.constant 0 : index
    %get3A_58 = arith.constant 0 : index
    %get3A_59 = vector.load %arg2[%get3A_55, %get3A_56, %get3A_57, %get3A_58] : memref<1x10x512x128xf32, #tpu.memory_space<vmem>>, vector<1x1x512x128xf32>
    %get3A_60 = vector.shape_cast %get3A_59 : vector<1x1x512x128xf32> to vector<512x128xf32>
    %sub3A_61 = arith.subf %get3A_60, %get3A_6 : vector<512x128xf32>
    %get3A_62 = arith.constant 0 : index
    %get3A_63 = arith.constant 0 : index
    %get3A_64 = vector.load %arg4[%get3A_62, %get3A_63] : memref<128x64xf32, #tpu.memory_space<vmem>>, vector<128x64xf32>
    %dot_general3A_65 = arith.constant dense<0.000000e+00> : vector<512x64xf32>
    %dot_general3A_66 = tpu.matmul %sub3A_61, %get3A_64, %dot_general3A_65 {dimension_numbers = #tpu.dot_dimension_numbers<[1], [0], [0], [1], [0, 0, 1, 1], [], []>, transpose_lhs_hint = false} : vector<512x128xf32>, vector<128x64xf32>, vector<512x64xf32> -> vector<512x64xf32>
    %get3A_67 = arith.constant 0 : index
    %get3A_68 = arith.constant 0 : index
    %get3A_69 = vector.load %arg6[%get3A_67, %get3A_68] : memref<1x64xf32, #tpu.memory_space<vmem>>, vector<1x64xf32>
    %add3A_70 = vector.broadcast %get3A_69 : vector<1x64xf32> to vector<512x64xf32>
    %add3A_71 = arith.addf %dot_general3A_66, %add3A_70 : vector<512x64xf32>
    %reduce_sum3A_72 = arith.constant dense<0.000000e+00> : vector<64xf32>
    %reduce_sum3A_73 = vector.multi_reduction <add>, %add3A_71, %reduce_sum3A_72 [0] : vector<512x64xf32> to vector<64xf32>
    %broadcast_in_dim3A_74 = vector.shape_cast %reduce_sum3A_73 : vector<64xf32> to vector<1x64xf32>
    %add3A_75 = arith.addf %add3A_30, %broadcast_in_dim3A_74 : vector<1x64xf32>
    %mul3A_76 = arith.mulf %add3A_71, %add3A_71 : vector<512x64xf32>
    %reduce_sum3A_77 = arith.constant dense<0.000000e+00> : vector<64xf32>
    %reduce_sum3A_78 = vector.multi_reduction <add>, %mul3A_76, %reduce_sum3A_77 [0] : vector<512x64xf32> to vector<64xf32>
    %broadcast_in_dim3A_79 = vector.shape_cast %reduce_sum3A_78 : vector<64xf32> to vector<1x64xf32>
    %add3A_80 = arith.addf %add3A_34, %broadcast_in_dim3A_79 : vector<1x64xf32>
    %slice3A_81 = vector.extract_strided_slice %sub3A_61 {offsets = [0, 0], sizes = [512, 3], strides = [1, 1]} : vector<512x128xf32> to vector<512x3xf32>
    %concatenate3A_82 = tpu.concatenate %slice3A, %slice3A_81 in 1 : vector<512x3xf32>, vector<512x3xf32> -> vector<512x6xf32>
    %get3A_83 = arith.constant 0 : index
    %get3A_84 = arith.constant 0 : index
    %get3A_85 = vector.load %arg5[%get3A_83, %get3A_84] : memref<6x128xf32, #tpu.memory_space<vmem>>, vector<6x128xf32>
    %dot_general3A_86 = arith.constant dense<0.000000e+00> : vector<512x128xf32>
    %dot_general3A_87 = tpu.matmul %concatenate3A_82, %get3A_85, %dot_general3A_86 {dimension_numbers = #tpu.dot_dimension_numbers<[1], [0], [0], [1], [0, 0, 1, 1], [], []>, transpose_lhs_hint = false} : vector<512x6xf32>, vector<6x128xf32>, vector<512x128xf32> -> vector<512x128xf32>
    %get3A_88 = arith.constant 0 : index
    %get3A_89 = arith.constant 0 : index
    %get3A_90 = vector.load %arg7[%get3A_88, %get3A_89] : memref<1x128xf32, #tpu.memory_space<vmem>>, vector<1x128xf32>
    %add3A_91 = vector.broadcast %get3A_90 : vector<1x128xf32> to vector<512x128xf32>
    %add3A_92 = arith.addf %dot_general3A_87, %add3A_91 : vector<512x128xf32>
    %reduce_sum3A_93 = arith.constant dense<0.000000e+00> : vector<128xf32>
    %reduce_sum3A_94 = vector.multi_reduction <add>, %add3A_92, %reduce_sum3A_93 [0] : vector<512x128xf32> to vector<128xf32>
    %broadcast_in_dim3A_95 = vector.shape_cast %reduce_sum3A_94 : vector<128xf32> to vector<1x128xf32>
    %add3A_96 = arith.addf %add3A_49, %broadcast_in_dim3A_95 : vector<1x128xf32>
    %mul3A_97 = arith.mulf %add3A_92, %add3A_92 : vector<512x128xf32>
    %reduce_sum3A_98 = arith.constant dense<0.000000e+00> : vector<128xf32>
    %reduce_sum3A_99 = vector.multi_reduction <add>, %mul3A_97, %reduce_sum3A_98 [0] : vector<512x128xf32> to vector<128xf32>
    %broadcast_in_dim3A_100 = vector.shape_cast %reduce_sum3A_99 : vector<128xf32> to vector<1x128xf32>
    %add3A_101 = arith.addf %add3A_54, %broadcast_in_dim3A_100 : vector<1x128xf32>
    %get3A_102 = arith.constant 0 : index
    %get3A_103 = arith.constant 2 : index
    %get3A_104 = arith.constant 0 : index
    %get3A_105 = arith.constant 0 : index
    %get3A_106 = vector.load %arg2[%get3A_102, %get3A_103, %get3A_104, %get3A_105] : memref<1x10x512x128xf32, #tpu.memory_space<vmem>>, vector<1x1x512x128xf32>
    %get3A_107 = vector.shape_cast %get3A_106 : vector<1x1x512x128xf32> to vector<512x128xf32>
    %sub3A_108 = arith.subf %get3A_107, %get3A_6 : vector<512x128xf32>
    %get3A_109 = arith.constant 0 : index
    %get3A_110 = arith.constant 0 : index
    %get3A_111 = vector.load %arg4[%get3A_109, %get3A_110] : memref<128x64xf32, #tpu.memory_space<vmem>>, vector<128x64xf32>
    %dot_general3A_112 = arith.constant dense<0.000000e+00> : vector<512x64xf32>
    %dot_general3A_113 = tpu.matmul %sub3A_108, %get3A_111, %dot_general3A_112 {dimension_numbers = #tpu.dot_dimension_numbers<[1], [0], [0], [1], [0, 0, 1, 1], [], []>, transpose_lhs_hint = false} : vector<512x128xf32>, vector<128x64xf32>, vector<512x64xf32> -> vector<512x64xf32>
    %get3A_114 = arith.constant 0 : index
    %get3A_115 = arith.constant 0 : index
    %get3A_116 = vector.load %arg6[%get3A_114, %get3A_115] : memref<1x64xf32, #tpu.memory_space<vmem>>, vector<1x64xf32>
    %add3A_117 = vector.broadcast %get3A_116 : vector<1x64xf32> to vector<512x64xf32>
    %add3A_118 = arith.addf %dot_general3A_113, %add3A_117 : vector<512x64xf32>
    %reduce_sum3A_119 = arith.constant dense<0.000000e+00> : vector<64xf32>
    %reduce_sum3A_120 = vector.multi_reduction <add>, %add3A_118, %reduce_sum3A_119 [0] : vector<512x64xf32> to vector<64xf32>
    %broadcast_in_dim3A_121 = vector.shape_cast %reduce_sum3A_120 : vector<64xf32> to vector<1x64xf32>
    %add3A_122 = arith.addf %add3A_75, %broadcast_in_dim3A_121 : vector<1x64xf32>
    %mul3A_123 = arith.mulf %add3A_118, %add3A_118 : vector<512x64xf32>
    %reduce_sum3A_124 = arith.constant dense<0.000000e+00> : vector<64xf32>
    %reduce_sum3A_125 = vector.multi_reduction <add>, %mul3A_123, %reduce_sum3A_124 [0] : vector<512x64xf32> to vector<64xf32>
    %broadcast_in_dim3A_126 = vector.shape_cast %reduce_sum3A_125 : vector<64xf32> to vector<1x64xf32>
    %add3A_127 = arith.addf %add3A_80, %broadcast_in_dim3A_126 : vector<1x64xf32>
    %slice3A_128 = vector.extract_strided_slice %sub3A_108 {offsets = [0, 0], sizes = [512, 3], strides = [1, 1]} : vector<512x128xf32> to vector<512x3xf32>
    %concatenate3A_129 = tpu.concatenate %slice3A, %slice3A_128 in 1 : vector<512x3xf32>, vector<512x3xf32> -> vector<512x6xf32>
    %get3A_130 = arith.constant 0 : index
    %get3A_131 = arith.constant 0 : index
    %get3A_132 = vector.load %arg5[%get3A_130, %get3A_131] : memref<6x128xf32, #tpu.memory_space<vmem>>, vector<6x128xf32>
    %dot_general3A_133 = arith.constant dense<0.000000e+00> : vector<512x128xf32>
    %dot_general3A_134 = tpu.matmul %concatenate3A_129, %get3A_132, %dot_general3A_133 {dimension_numbers = #tpu.dot_dimension_numbers<[1], [0], [0], [1], [0, 0, 1, 1], [], []>, transpose_lhs_hint = false} : vector<512x6xf32>, vector<6x128xf32>, vector<512x128xf32> -> vector<512x128xf32>
    %get3A_135 = arith.constant 0 : index
    %get3A_136 = arith.constant 0 : index
    %get3A_137 = vector.load %arg7[%get3A_135, %get3A_136] : memref<1x128xf32, #tpu.memory_space<vmem>>, vector<1x128xf32>
    %add3A_138 = vector.broadcast %get3A_137 : vector<1x128xf32> to vector<512x128xf32>
    %add3A_139 = arith.addf %dot_general3A_134, %add3A_138 : vector<512x128xf32>
    %reduce_sum3A_140 = arith.constant dense<0.000000e+00> : vector<128xf32>
    %reduce_sum3A_141 = vector.multi_reduction <add>, %add3A_139, %reduce_sum3A_140 [0] : vector<512x128xf32> to vector<128xf32>
    %broadcast_in_dim3A_142 = vector.shape_cast %reduce_sum3A_141 : vector<128xf32> to vector<1x128xf32>
    %add3A_143 = arith.addf %add3A_96, %broadcast_in_dim3A_142 : vector<1x128xf32>
    %mul3A_144 = arith.mulf %add3A_139, %add3A_139 : vector<512x128xf32>
    %reduce_sum3A_145 = arith.constant dense<0.000000e+00> : vector<128xf32>
    %reduce_sum3A_146 = vector.multi_reduction <add>, %mul3A_144, %reduce_sum3A_145 [0] : vector<512x128xf32> to vector<128xf32>
    %broadcast_in_dim3A_147 = vector.shape_cast %reduce_sum3A_146 : vector<128xf32> to vector<1x128xf32>
    %add3A_148 = arith.addf %add3A_101, %broadcast_in_dim3A_147 : vector<1x128xf32>
    %get3A_149 = arith.constant 0 : index
    %get3A_150 = arith.constant 3 : index
    %get3A_151 = arith.constant 0 : index
    %get3A_152 = arith.constant 0 : index
    %get3A_153 = vector.load %arg2[%get3A_149, %get3A_150, %get3A_151, %get3A_152] : memref<1x10x512x128xf32, #tpu.memory_space<vmem>>, vector<1x1x512x128xf32>
    %get3A_154 = vector.shape_cast %get3A_153 : vector<1x1x512x128xf32> to vector<512x128xf32>
    %sub3A_155 = arith.subf %get3A_154, %get3A_6 : vector<512x128xf32>
    %get3A_156 = arith.constant 0 : index
    %get3A_157 = arith.constant 0 : index
    %get3A_158 = vector.load %arg4[%get3A_156, %get3A_157] : memref<128x64xf32, #tpu.memory_space<vmem>>, vector<128x64xf32>
    %dot_general3A_159 = arith.constant dense<0.000000e+00> : vector<512x64xf32>
    %dot_general3A_160 = tpu.matmul %sub3A_155, %get3A_158, %dot_general3A_159 {dimension_numbers = #tpu.dot_dimension_numbers<[1], [0], [0], [1], [0, 0, 1, 1], [], []>, transpose_lhs_hint = false} : vector<512x128xf32>, vector<128x64xf32>, vector<512x64xf32> -> vector<512x64xf32>
    %get3A_161 = arith.constant 0 : index
    %get3A_162 = arith.constant 0 : index
    %get3A_163 = vector.load %arg6[%get3A_161, %get3A_162] : memref<1x64xf32, #tpu.memory_space<vmem>>, vector<1x64xf32>
    %add3A_164 = vector.broadcast %get3A_163 : vector<1x64xf32> to vector<512x64xf32>
    %add3A_165 = arith.addf %dot_general3A_160, %add3A_164 : vector<512x64xf32>
    %reduce_sum3A_166 = arith.constant dense<0.000000e+00> : vector<64xf32>
    %reduce_sum3A_167 = vector.multi_reduction <add>, %add3A_165, %reduce_sum3A_166 [0] : vector<512x64xf32> to vector<64xf32>
    %broadcast_in_dim3A_168 = vector.shape_cast %reduce_sum3A_167 : vector<64xf32> to vector<1x64xf32>
    %add3A_169 = arith.addf %add3A_122, %broadcast_in_dim3A_168 : vector<1x64xf32>
    %mul3A_170 = arith.mulf %add3A_165, %add3A_165 : vector<512x64xf32>
    %reduce_sum3A_171 = arith.constant dense<0.000000e+00> : vector<64xf32>
    %reduce_sum3A_172 = vector.multi_reduction <add>, %mul3A_170, %reduce_sum3A_171 [0] : vector<512x64xf32> to vector<64xf32>
    %broadcast_in_dim3A_173 = vector.shape_cast %reduce_sum3A_172 : vector<64xf32> to vector<1x64xf32>
    %add3A_174 = arith.addf %add3A_127, %broadcast_in_dim3A_173 : vector<1x64xf32>
    %slice3A_175 = vector.extract_strided_slice %sub3A_155 {offsets = [0, 0], sizes = [512, 3], strides = [1, 1]} : vector<512x128xf32> to vector<512x3xf32>
    %concatenate3A_176 = tpu.concatenate %slice3A, %slice3A_175 in 1 : vector<512x3xf32>, vector<512x3xf32> -> vector<512x6xf32>
    %get3A_177 = arith.constant 0 : index
    %get3A_178 = arith.constant 0 : index
    %get3A_179 = vector.load %arg5[%get3A_177, %get3A_178] : memref<6x128xf32, #tpu.memory_space<vmem>>, vector<6x128xf32>
    %dot_general3A_180 = arith.constant dense<0.000000e+00> : vector<512x128xf32>
    %dot_general3A_181 = tpu.matmul %concatenate3A_176, %get3A_179, %dot_general3A_180 {dimension_numbers = #tpu.dot_dimension_numbers<[1], [0], [0], [1], [0, 0, 1, 1], [], []>, transpose_lhs_hint = false} : vector<512x6xf32>, vector<6x128xf32>, vector<512x128xf32> -> vector<512x128xf32>
    %get3A_182 = arith.constant 0 : index
    %get3A_183 = arith.constant 0 : index
    %get3A_184 = vector.load %arg7[%get3A_182, %get3A_183] : memref<1x128xf32, #tpu.memory_space<vmem>>, vector<1x128xf32>
    %add3A_185 = vector.broadcast %get3A_184 : vector<1x128xf32> to vector<512x128xf32>
    %add3A_186 = arith.addf %dot_general3A_181, %add3A_185 : vector<512x128xf32>
    %reduce_sum3A_187 = arith.constant dense<0.000000e+00> : vector<128xf32>
    %reduce_sum3A_188 = vector.multi_reduction <add>, %add3A_186, %reduce_sum3A_187 [0] : vector<512x128xf32> to vector<128xf32>
    %broadcast_in_dim3A_189 = vector.shape_cast %reduce_sum3A_188 : vector<128xf32> to vector<1x128xf32>
    %add3A_190 = arith.addf %add3A_143, %broadcast_in_dim3A_189 : vector<1x128xf32>
    %mul3A_191 = arith.mulf %add3A_186, %add3A_186 : vector<512x128xf32>
    %reduce_sum3A_192 = arith.constant dense<0.000000e+00> : vector<128xf32>
    %reduce_sum3A_193 = vector.multi_reduction <add>, %mul3A_191, %reduce_sum3A_192 [0] : vector<512x128xf32> to vector<128xf32>
    %broadcast_in_dim3A_194 = vector.shape_cast %reduce_sum3A_193 : vector<128xf32> to vector<1x128xf32>
    %add3A_195 = arith.addf %add3A_148, %broadcast_in_dim3A_194 : vector<1x128xf32>
    %get3A_196 = arith.constant 0 : index
    %get3A_197 = arith.constant 4 : index
    %get3A_198 = arith.constant 0 : index
    %get3A_199 = arith.constant 0 : index
    %get3A_200 = vector.load %arg2[%get3A_196, %get3A_197, %get3A_198, %get3A_199] : memref<1x10x512x128xf32, #tpu.memory_space<vmem>>, vector<1x1x512x128xf32>
    %get3A_201 = vector.shape_cast %get3A_200 : vector<1x1x512x128xf32> to vector<512x128xf32>
    %sub3A_202 = arith.subf %get3A_201, %get3A_6 : vector<512x128xf32>
    %get3A_203 = arith.constant 0 : index
    %get3A_204 = arith.constant 0 : index
    %get3A_205 = vector.load %arg4[%get3A_203, %get3A_204] : memref<128x64xf32, #tpu.memory_space<vmem>>, vector<128x64xf32>
    %dot_general3A_206 = arith.constant dense<0.000000e+00> : vector<512x64xf32>
    %dot_general3A_207 = tpu.matmul %sub3A_202, %get3A_205, %dot_general3A_206 {dimension_numbers = #tpu.dot_dimension_numbers<[1], [0], [0], [1], [0, 0, 1, 1], [], []>, transpose_lhs_hint = false} : vector<512x128xf32>, vector<128x64xf32>, vector<512x64xf32> -> vector<512x64xf32>
    %get3A_208 = arith.constant 0 : index
    %get3A_209 = arith.constant 0 : index
    %get3A_210 = vector.load %arg6[%get3A_208, %get3A_209] : memref<1x64xf32, #tpu.memory_space<vmem>>, vector<1x64xf32>
    %add3A_211 = vector.broadcast %get3A_210 : vector<1x64xf32> to vector<512x64xf32>
    %add3A_212 = arith.addf %dot_general3A_207, %add3A_211 : vector<512x64xf32>
    %reduce_sum3A_213 = arith.constant dense<0.000000e+00> : vector<64xf32>
    %reduce_sum3A_214 = vector.multi_reduction <add>, %add3A_212, %reduce_sum3A_213 [0] : vector<512x64xf32> to vector<64xf32>
    %broadcast_in_dim3A_215 = vector.shape_cast %reduce_sum3A_214 : vector<64xf32> to vector<1x64xf32>
    %add3A_216 = arith.addf %add3A_169, %broadcast_in_dim3A_215 : vector<1x64xf32>
    %mul3A_217 = arith.mulf %add3A_212, %add3A_212 : vector<512x64xf32>
    %reduce_sum3A_218 = arith.constant dense<0.000000e+00> : vector<64xf32>
    %reduce_sum3A_219 = vector.multi_reduction <add>, %mul3A_217, %reduce_sum3A_218 [0] : vector<512x64xf32> to vector<64xf32>
    %broadcast_in_dim3A_220 = vector.shape_cast %reduce_sum3A_219 : vector<64xf32> to vector<1x64xf32>
    %add3A_221 = arith.addf %add3A_174, %broadcast_in_dim3A_220 : vector<1x64xf32>
    %slice3A_222 = vector.extract_strided_slice %sub3A_202 {offsets = [0, 0], sizes = [512, 3], strides = [1, 1]} : vector<512x128xf32> to vector<512x3xf32>
    %concatenate3A_223 = tpu.concatenate %slice3A, %slice3A_222 in 1 : vector<512x3xf32>, vector<512x3xf32> -> vector<512x6xf32>
    %get3A_224 = arith.constant 0 : index
    %get3A_225 = arith.constant 0 : index
    %get3A_226 = vector.load %arg5[%get3A_224, %get3A_225] : memref<6x128xf32, #tpu.memory_space<vmem>>, vector<6x128xf32>
    %dot_general3A_227 = arith.constant dense<0.000000e+00> : vector<512x128xf32>
    %dot_general3A_228 = tpu.matmul %concatenate3A_223, %get3A_226, %dot_general3A_227 {dimension_numbers = #tpu.dot_dimension_numbers<[1], [0], [0], [1], [0, 0, 1, 1], [], []>, transpose_lhs_hint = false} : vector<512x6xf32>, vector<6x128xf32>, vector<512x128xf32> -> vector<512x128xf32>
    %get3A_229 = arith.constant 0 : index
    %get3A_230 = arith.constant 0 : index
    %get3A_231 = vector.load %arg7[%get3A_229, %get3A_230] : memref<1x128xf32, #tpu.memory_space<vmem>>, vector<1x128xf32>
    %add3A_232 = vector.broadcast %get3A_231 : vector<1x128xf32> to vector<512x128xf32>
    %add3A_233 = arith.addf %dot_general3A_228, %add3A_232 : vector<512x128xf32>
    %reduce_sum3A_234 = arith.constant dense<0.000000e+00> : vector<128xf32>
    %reduce_sum3A_235 = vector.multi_reduction <add>, %add3A_233, %reduce_sum3A_234 [0] : vector<512x128xf32> to vector<128xf32>
    %broadcast_in_dim3A_236 = vector.shape_cast %reduce_sum3A_235 : vector<128xf32> to vector<1x128xf32>
    %add3A_237 = arith.addf %add3A_190, %broadcast_in_dim3A_236 : vector<1x128xf32>
    %mul3A_238 = arith.mulf %add3A_233, %add3A_233 : vector<512x128xf32>
    %reduce_sum3A_239 = arith.constant dense<0.000000e+00> : vector<128xf32>
    %reduce_sum3A_240 = vector.multi_reduction <add>, %mul3A_238, %reduce_sum3A_239 [0] : vector<512x128xf32> to vector<128xf32>
    %broadcast_in_dim3A_241 = vector.shape_cast %reduce_sum3A_240 : vector<128xf32> to vector<1x128xf32>
    %add3A_242 = arith.addf %add3A_195, %broadcast_in_dim3A_241 : vector<1x128xf32>
    %get3A_243 = arith.constant 0 : index
    %get3A_244 = arith.constant 5 : index
    %get3A_245 = arith.constant 0 : index
    %get3A_246 = arith.constant 0 : index
    %get3A_247 = vector.load %arg2[%get3A_243, %get3A_244, %get3A_245, %get3A_246] : memref<1x10x512x128xf32, #tpu.memory_space<vmem>>, vector<1x1x512x128xf32>
    %get3A_248 = vector.shape_cast %get3A_247 : vector<1x1x512x128xf32> to vector<512x128xf32>
    %sub3A_249 = arith.subf %get3A_248, %get3A_6 : vector<512x128xf32>
    %get3A_250 = arith.constant 0 : index
    %get3A_251 = arith.constant 0 : index
    %get3A_252 = vector.load %arg4[%get3A_250, %get3A_251] : memref<128x64xf32, #tpu.memory_space<vmem>>, vector<128x64xf32>
    %dot_general3A_253 = arith.constant dense<0.000000e+00> : vector<512x64xf32>
    %dot_general3A_254 = tpu.matmul %sub3A_249, %get3A_252, %dot_general3A_253 {dimension_numbers = #tpu.dot_dimension_numbers<[1], [0], [0], [1], [0, 0, 1, 1], [], []>, transpose_lhs_hint = false} : vector<512x128xf32>, vector<128x64xf32>, vector<512x64xf32> -> vector<512x64xf32>
    %get3A_255 = arith.constant 0 : index
    %get3A_256 = arith.constant 0 : index
    %get3A_257 = vector.load %arg6[%get3A_255, %get3A_256] : memref<1x64xf32, #tpu.memory_space<vmem>>, vector<1x64xf32>
    %add3A_258 = vector.broadcast %get3A_257 : vector<1x64xf32> to vector<512x64xf32>
    %add3A_259 = arith.addf %dot_general3A_254, %add3A_258 : vector<512x64xf32>
    %reduce_sum3A_260 = arith.constant dense<0.000000e+00> : vector<64xf32>
    %reduce_sum3A_261 = vector.multi_reduction <add>, %add3A_259, %reduce_sum3A_260 [0] : vector<512x64xf32> to vector<64xf32>
    %broadcast_in_dim3A_262 = vector.shape_cast %reduce_sum3A_261 : vector<64xf32> to vector<1x64xf32>
    %add3A_263 = arith.addf %add3A_216, %broadcast_in_dim3A_262 : vector<1x64xf32>
    %mul3A_264 = arith.mulf %add3A_259, %add3A_259 : vector<512x64xf32>
    %reduce_sum3A_265 = arith.constant dense<0.000000e+00> : vector<64xf32>
    %reduce_sum3A_266 = vector.multi_reduction <add>, %mul3A_264, %reduce_sum3A_265 [0] : vector<512x64xf32> to vector<64xf32>
    %broadcast_in_dim3A_267 = vector.shape_cast %reduce_sum3A_266 : vector<64xf32> to vector<1x64xf32>
    %add3A_268 = arith.addf %add3A_221, %broadcast_in_dim3A_267 : vector<1x64xf32>
    %slice3A_269 = vector.extract_strided_slice %sub3A_249 {offsets = [0, 0], sizes = [512, 3], strides = [1, 1]} : vector<512x128xf32> to vector<512x3xf32>
    %concatenate3A_270 = tpu.concatenate %slice3A, %slice3A_269 in 1 : vector<512x3xf32>, vector<512x3xf32> -> vector<512x6xf32>
    %get3A_271 = arith.constant 0 : index
    %get3A_272 = arith.constant 0 : index
    %get3A_273 = vector.load %arg5[%get3A_271, %get3A_272] : memref<6x128xf32, #tpu.memory_space<vmem>>, vector<6x128xf32>
    %dot_general3A_274 = arith.constant dense<0.000000e+00> : vector<512x128xf32>
    %dot_general3A_275 = tpu.matmul %concatenate3A_270, %get3A_273, %dot_general3A_274 {dimension_numbers = #tpu.dot_dimension_numbers<[1], [0], [0], [1], [0, 0, 1, 1], [], []>, transpose_lhs_hint = false} : vector<512x6xf32>, vector<6x128xf32>, vector<512x128xf32> -> vector<512x128xf32>
    %get3A_276 = arith.constant 0 : index
    %get3A_277 = arith.constant 0 : index
    %get3A_278 = vector.load %arg7[%get3A_276, %get3A_277] : memref<1x128xf32, #tpu.memory_space<vmem>>, vector<1x128xf32>
    %add3A_279 = vector.broadcast %get3A_278 : vector<1x128xf32> to vector<512x128xf32>
    %add3A_280 = arith.addf %dot_general3A_275, %add3A_279 : vector<512x128xf32>
    %reduce_sum3A_281 = arith.constant dense<0.000000e+00> : vector<128xf32>
    %reduce_sum3A_282 = vector.multi_reduction <add>, %add3A_280, %reduce_sum3A_281 [0] : vector<512x128xf32> to vector<128xf32>
    %broadcast_in_dim3A_283 = vector.shape_cast %reduce_sum3A_282 : vector<128xf32> to vector<1x128xf32>
    %add3A_284 = arith.addf %add3A_237, %broadcast_in_dim3A_283 : vector<1x128xf32>
    %mul3A_285 = arith.mulf %add3A_280, %add3A_280 : vector<512x128xf32>
    %reduce_sum3A_286 = arith.constant dense<0.000000e+00> : vector<128xf32>
    %reduce_sum3A_287 = vector.multi_reduction <add>, %mul3A_285, %reduce_sum3A_286 [0] : vector<512x128xf32> to vector<128xf32>
    %broadcast_in_dim3A_288 = vector.shape_cast %reduce_sum3A_287 : vector<128xf32> to vector<1x128xf32>
    %add3A_289 = arith.addf %add3A_242, %broadcast_in_dim3A_288 : vector<1x128xf32>
    %get3A_290 = arith.constant 0 : index
    %get3A_291 = arith.constant 6 : index
    %get3A_292 = arith.constant 0 : index
    %get3A_293 = arith.constant 0 : index
    %get3A_294 = vector.load %arg2[%get3A_290, %get3A_291, %get3A_292, %get3A_293] : memref<1x10x512x128xf32, #tpu.memory_space<vmem>>, vector<1x1x512x128xf32>
    %get3A_295 = vector.shape_cast %get3A_294 : vector<1x1x512x128xf32> to vector<512x128xf32>
    %sub3A_296 = arith.subf %get3A_295, %get3A_6 : vector<512x128xf32>
    %get3A_297 = arith.constant 0 : index
    %get3A_298 = arith.constant 0 : index
    %get3A_299 = vector.load %arg4[%get3A_297, %get3A_298] : memref<128x64xf32, #tpu.memory_space<vmem>>, vector<128x64xf32>
    %dot_general3A_300 = arith.constant dense<0.000000e+00> : vector<512x64xf32>
    %dot_general3A_301 = tpu.matmul %sub3A_296, %get3A_299, %dot_general3A_300 {dimension_numbers = #tpu.dot_dimension_numbers<[1], [0], [0], [1], [0, 0, 1, 1], [], []>, transpose_lhs_hint = false} : vector<512x128xf32>, vector<128x64xf32>, vector<512x64xf32> -> vector<512x64xf32>
    %get3A_302 = arith.constant 0 : index
    %get3A_303 = arith.constant 0 : index
    %get3A_304 = vector.load %arg6[%get3A_302, %get3A_303] : memref<1x64xf32, #tpu.memory_space<vmem>>, vector<1x64xf32>
    %add3A_305 = vector.broadcast %get3A_304 : vector<1x64xf32> to vector<512x64xf32>
    %add3A_306 = arith.addf %dot_general3A_301, %add3A_305 : vector<512x64xf32>
    %reduce_sum3A_307 = arith.constant dense<0.000000e+00> : vector<64xf32>
    %reduce_sum3A_308 = vector.multi_reduction <add>, %add3A_306, %reduce_sum3A_307 [0] : vector<512x64xf32> to vector<64xf32>
    %broadcast_in_dim3A_309 = vector.shape_cast %reduce_sum3A_308 : vector<64xf32> to vector<1x64xf32>
    %add3A_310 = arith.addf %add3A_263, %broadcast_in_dim3A_309 : vector<1x64xf32>
    %mul3A_311 = arith.mulf %add3A_306, %add3A_306 : vector<512x64xf32>
    %reduce_sum3A_312 = arith.constant dense<0.000000e+00> : vector<64xf32>
    %reduce_sum3A_313 = vector.multi_reduction <add>, %mul3A_311, %reduce_sum3A_312 [0] : vector<512x64xf32> to vector<64xf32>
    %broadcast_in_dim3A_314 = vector.shape_cast %reduce_sum3A_313 : vector<64xf32> to vector<1x64xf32>
    %add3A_315 = arith.addf %add3A_268, %broadcast_in_dim3A_314 : vector<1x64xf32>
    %slice3A_316 = vector.extract_strided_slice %sub3A_296 {offsets = [0, 0], sizes = [512, 3], strides = [1, 1]} : vector<512x128xf32> to vector<512x3xf32>
    %concatenate3A_317 = tpu.concatenate %slice3A, %slice3A_316 in 1 : vector<512x3xf32>, vector<512x3xf32> -> vector<512x6xf32>
    %get3A_318 = arith.constant 0 : index
    %get3A_319 = arith.constant 0 : index
    %get3A_320 = vector.load %arg5[%get3A_318, %get3A_319] : memref<6x128xf32, #tpu.memory_space<vmem>>, vector<6x128xf32>
    %dot_general3A_321 = arith.constant dense<0.000000e+00> : vector<512x128xf32>
    %dot_general3A_322 = tpu.matmul %concatenate3A_317, %get3A_320, %dot_general3A_321 {dimension_numbers = #tpu.dot_dimension_numbers<[1], [0], [0], [1], [0, 0, 1, 1], [], []>, transpose_lhs_hint = false} : vector<512x6xf32>, vector<6x128xf32>, vector<512x128xf32> -> vector<512x128xf32>
    %get3A_323 = arith.constant 0 : index
    %get3A_324 = arith.constant 0 : index
    %get3A_325 = vector.load %arg7[%get3A_323, %get3A_324] : memref<1x128xf32, #tpu.memory_space<vmem>>, vector<1x128xf32>
    %add3A_326 = vector.broadcast %get3A_325 : vector<1x128xf32> to vector<512x128xf32>
    %add3A_327 = arith.addf %dot_general3A_322, %add3A_326 : vector<512x128xf32>
    %reduce_sum3A_328 = arith.constant dense<0.000000e+00> : vector<128xf32>
    %reduce_sum3A_329 = vector.multi_reduction <add>, %add3A_327, %reduce_sum3A_328 [0] : vector<512x128xf32> to vector<128xf32>
    %broadcast_in_dim3A_330 = vector.shape_cast %reduce_sum3A_329 : vector<128xf32> to vector<1x128xf32>
    %add3A_331 = arith.addf %add3A_284, %broadcast_in_dim3A_330 : vector<1x128xf32>
    %mul3A_332 = arith.mulf %add3A_327, %add3A_327 : vector<512x128xf32>
    %reduce_sum3A_333 = arith.constant dense<0.000000e+00> : vector<128xf32>
    %reduce_sum3A_334 = vector.multi_reduction <add>, %mul3A_332, %reduce_sum3A_333 [0] : vector<512x128xf32> to vector<128xf32>
    %broadcast_in_dim3A_335 = vector.shape_cast %reduce_sum3A_334 : vector<128xf32> to vector<1x128xf32>
    %add3A_336 = arith.addf %add3A_289, %broadcast_in_dim3A_335 : vector<1x128xf32>
    %get3A_337 = arith.constant 0 : index
    %get3A_338 = arith.constant 7 : index
    %get3A_339 = arith.constant 0 : index
    %get3A_340 = arith.constant 0 : index
    %get3A_341 = vector.load %arg2[%get3A_337, %get3A_338, %get3A_339, %get3A_340] : memref<1x10x512x128xf32, #tpu.memory_space<vmem>>, vector<1x1x512x128xf32>
    %get3A_342 = vector.shape_cast %get3A_341 : vector<1x1x512x128xf32> to vector<512x128xf32>
    %sub3A_343 = arith.subf %get3A_342, %get3A_6 : vector<512x128xf32>
    %get3A_344 = arith.constant 0 : index
    %get3A_345 = arith.constant 0 : index
    %get3A_346 = vector.load %arg4[%get3A_344, %get3A_345] : memref<128x64xf32, #tpu.memory_space<vmem>>, vector<128x64xf32>
    %dot_general3A_347 = arith.constant dense<0.000000e+00> : vector<512x64xf32>
    %dot_general3A_348 = tpu.matmul %sub3A_343, %get3A_346, %dot_general3A_347 {dimension_numbers = #tpu.dot_dimension_numbers<[1], [0], [0], [1], [0, 0, 1, 1], [], []>, transpose_lhs_hint = false} : vector<512x128xf32>, vector<128x64xf32>, vector<512x64xf32> -> vector<512x64xf32>
    %get3A_349 = arith.constant 0 : index
    %get3A_350 = arith.constant 0 : index
    %get3A_351 = vector.load %arg6[%get3A_349, %get3A_350] : memref<1x64xf32, #tpu.memory_space<vmem>>, vector<1x64xf32>
    %add3A_352 = vector.broadcast %get3A_351 : vector<1x64xf32> to vector<512x64xf32>
    %add3A_353 = arith.addf %dot_general3A_348, %add3A_352 : vector<512x64xf32>
    %reduce_sum3A_354 = arith.constant dense<0.000000e+00> : vector<64xf32>
    %reduce_sum3A_355 = vector.multi_reduction <add>, %add3A_353, %reduce_sum3A_354 [0] : vector<512x64xf32> to vector<64xf32>
    %broadcast_in_dim3A_356 = vector.shape_cast %reduce_sum3A_355 : vector<64xf32> to vector<1x64xf32>
    %add3A_357 = arith.addf %add3A_310, %broadcast_in_dim3A_356 : vector<1x64xf32>
    %mul3A_358 = arith.mulf %add3A_353, %add3A_353 : vector<512x64xf32>
    %reduce_sum3A_359 = arith.constant dense<0.000000e+00> : vector<64xf32>
    %reduce_sum3A_360 = vector.multi_reduction <add>, %mul3A_358, %reduce_sum3A_359 [0] : vector<512x64xf32> to vector<64xf32>
    %broadcast_in_dim3A_361 = vector.shape_cast %reduce_sum3A_360 : vector<64xf32> to vector<1x64xf32>
    %add3A_362 = arith.addf %add3A_315, %broadcast_in_dim3A_361 : vector<1x64xf32>
    %slice3A_363 = vector.extract_strided_slice %sub3A_343 {offsets = [0, 0], sizes = [512, 3], strides = [1, 1]} : vector<512x128xf32> to vector<512x3xf32>
    %concatenate3A_364 = tpu.concatenate %slice3A, %slice3A_363 in 1 : vector<512x3xf32>, vector<512x3xf32> -> vector<512x6xf32>
    %get3A_365 = arith.constant 0 : index
    %get3A_366 = arith.constant 0 : index
    %get3A_367 = vector.load %arg5[%get3A_365, %get3A_366] : memref<6x128xf32, #tpu.memory_space<vmem>>, vector<6x128xf32>
    %dot_general3A_368 = arith.constant dense<0.000000e+00> : vector<512x128xf32>
    %dot_general3A_369 = tpu.matmul %concatenate3A_364, %get3A_367, %dot_general3A_368 {dimension_numbers = #tpu.dot_dimension_numbers<[1], [0], [0], [1], [0, 0, 1, 1], [], []>, transpose_lhs_hint = false} : vector<512x6xf32>, vector<6x128xf32>, vector<512x128xf32> -> vector<512x128xf32>
    %get3A_370 = arith.constant 0 : index
    %get3A_371 = arith.constant 0 : index
    %get3A_372 = vector.load %arg7[%get3A_370, %get3A_371] : memref<1x128xf32, #tpu.memory_space<vmem>>, vector<1x128xf32>
    %add3A_373 = vector.broadcast %get3A_372 : vector<1x128xf32> to vector<512x128xf32>
    %add3A_374 = arith.addf %dot_general3A_369, %add3A_373 : vector<512x128xf32>
    %reduce_sum3A_375 = arith.constant dense<0.000000e+00> : vector<128xf32>
    %reduce_sum3A_376 = vector.multi_reduction <add>, %add3A_374, %reduce_sum3A_375 [0] : vector<512x128xf32> to vector<128xf32>
    %broadcast_in_dim3A_377 = vector.shape_cast %reduce_sum3A_376 : vector<128xf32> to vector<1x128xf32>
    %add3A_378 = arith.addf %add3A_331, %broadcast_in_dim3A_377 : vector<1x128xf32>
    %mul3A_379 = arith.mulf %add3A_374, %add3A_374 : vector<512x128xf32>
    %reduce_sum3A_380 = arith.constant dense<0.000000e+00> : vector<128xf32>
    %reduce_sum3A_381 = vector.multi_reduction <add>, %mul3A_379, %reduce_sum3A_380 [0] : vector<512x128xf32> to vector<128xf32>
    %broadcast_in_dim3A_382 = vector.shape_cast %reduce_sum3A_381 : vector<128xf32> to vector<1x128xf32>
    %add3A_383 = arith.addf %add3A_336, %broadcast_in_dim3A_382 : vector<1x128xf32>
    %get3A_384 = arith.constant 0 : index
    %get3A_385 = arith.constant 8 : index
    %get3A_386 = arith.constant 0 : index
    %get3A_387 = arith.constant 0 : index
    %get3A_388 = vector.load %arg2[%get3A_384, %get3A_385, %get3A_386, %get3A_387] : memref<1x10x512x128xf32, #tpu.memory_space<vmem>>, vector<1x1x512x128xf32>
    %get3A_389 = vector.shape_cast %get3A_388 : vector<1x1x512x128xf32> to vector<512x128xf32>
    %sub3A_390 = arith.subf %get3A_389, %get3A_6 : vector<512x128xf32>
    %get3A_391 = arith.constant 0 : index
    %get3A_392 = arith.constant 0 : index
    %get3A_393 = vector.load %arg4[%get3A_391, %get3A_392] : memref<128x64xf32, #tpu.memory_space<vmem>>, vector<128x64xf32>
    %dot_general3A_394 = arith.constant dense<0.000000e+00> : vector<512x64xf32>
    %dot_general3A_395 = tpu.matmul %sub3A_390, %get3A_393, %dot_general3A_394 {dimension_numbers = #tpu.dot_dimension_numbers<[1], [0], [0], [1], [0, 0, 1, 1], [], []>, transpose_lhs_hint = false} : vector<512x128xf32>, vector<128x64xf32>, vector<512x64xf32> -> vector<512x64xf32>
    %get3A_396 = arith.constant 0 : index
    %get3A_397 = arith.constant 0 : index
    %get3A_398 = vector.load %arg6[%get3A_396, %get3A_397] : memref<1x64xf32, #tpu.memory_space<vmem>>, vector<1x64xf32>
    %add3A_399 = vector.broadcast %get3A_398 : vector<1x64xf32> to vector<512x64xf32>
    %add3A_400 = arith.addf %dot_general3A_395, %add3A_399 : vector<512x64xf32>
    %reduce_sum3A_401 = arith.constant dense<0.000000e+00> : vector<64xf32>
    %reduce_sum3A_402 = vector.multi_reduction <add>, %add3A_400, %reduce_sum3A_401 [0] : vector<512x64xf32> to vector<64xf32>
    %broadcast_in_dim3A_403 = vector.shape_cast %reduce_sum3A_402 : vector<64xf32> to vector<1x64xf32>
    %add3A_404 = arith.addf %add3A_357, %broadcast_in_dim3A_403 : vector<1x64xf32>
    %mul3A_405 = arith.mulf %add3A_400, %add3A_400 : vector<512x64xf32>
    %reduce_sum3A_406 = arith.constant dense<0.000000e+00> : vector<64xf32>
    %reduce_sum3A_407 = vector.multi_reduction <add>, %mul3A_405, %reduce_sum3A_406 [0] : vector<512x64xf32> to vector<64xf32>
    %broadcast_in_dim3A_408 = vector.shape_cast %reduce_sum3A_407 : vector<64xf32> to vector<1x64xf32>
    %add3A_409 = arith.addf %add3A_362, %broadcast_in_dim3A_408 : vector<1x64xf32>
    %slice3A_410 = vector.extract_strided_slice %sub3A_390 {offsets = [0, 0], sizes = [512, 3], strides = [1, 1]} : vector<512x128xf32> to vector<512x3xf32>
    %concatenate3A_411 = tpu.concatenate %slice3A, %slice3A_410 in 1 : vector<512x3xf32>, vector<512x3xf32> -> vector<512x6xf32>
    %get3A_412 = arith.constant 0 : index
    %get3A_413 = arith.constant 0 : index
    %get3A_414 = vector.load %arg5[%get3A_412, %get3A_413] : memref<6x128xf32, #tpu.memory_space<vmem>>, vector<6x128xf32>
    %dot_general3A_415 = arith.constant dense<0.000000e+00> : vector<512x128xf32>
    %dot_general3A_416 = tpu.matmul %concatenate3A_411, %get3A_414, %dot_general3A_415 {dimension_numbers = #tpu.dot_dimension_numbers<[1], [0], [0], [1], [0, 0, 1, 1], [], []>, transpose_lhs_hint = false} : vector<512x6xf32>, vector<6x128xf32>, vector<512x128xf32> -> vector<512x128xf32>
    %get3A_417 = arith.constant 0 : index
    %get3A_418 = arith.constant 0 : index
    %get3A_419 = vector.load %arg7[%get3A_417, %get3A_418] : memref<1x128xf32, #tpu.memory_space<vmem>>, vector<1x128xf32>
    %add3A_420 = vector.broadcast %get3A_419 : vector<1x128xf32> to vector<512x128xf32>
    %add3A_421 = arith.addf %dot_general3A_416, %add3A_420 : vector<512x128xf32>
    %reduce_sum3A_422 = arith.constant dense<0.000000e+00> : vector<128xf32>
    %reduce_sum3A_423 = vector.multi_reduction <add>, %add3A_421, %reduce_sum3A_422 [0] : vector<512x128xf32> to vector<128xf32>
    %broadcast_in_dim3A_424 = vector.shape_cast %reduce_sum3A_423 : vector<128xf32> to vector<1x128xf32>
    %add3A_425 = arith.addf %add3A_378, %broadcast_in_dim3A_424 : vector<1x128xf32>
    %mul3A_426 = arith.mulf %add3A_421, %add3A_421 : vector<512x128xf32>
    %reduce_sum3A_427 = arith.constant dense<0.000000e+00> : vector<128xf32>
    %reduce_sum3A_428 = vector.multi_reduction <add>, %mul3A_426, %reduce_sum3A_427 [0] : vector<512x128xf32> to vector<128xf32>
    %broadcast_in_dim3A_429 = vector.shape_cast %reduce_sum3A_428 : vector<128xf32> to vector<1x128xf32>
    %add3A_430 = arith.addf %add3A_383, %broadcast_in_dim3A_429 : vector<1x128xf32>
    %get3A_431 = arith.constant 0 : index
    %get3A_432 = arith.constant 9 : index
    %get3A_433 = arith.constant 0 : index
    %get3A_434 = arith.constant 0 : index
    %get3A_435 = vector.load %arg2[%get3A_431, %get3A_432, %get3A_433, %get3A_434] : memref<1x10x512x128xf32, #tpu.memory_space<vmem>>, vector<1x1x512x128xf32>
    %get3A_436 = vector.shape_cast %get3A_435 : vector<1x1x512x128xf32> to vector<512x128xf32>
    %sub3A_437 = arith.subf %get3A_436, %get3A_6 : vector<512x128xf32>
    %get3A_438 = arith.constant 0 : index
    %get3A_439 = arith.constant 0 : index
    %get3A_440 = vector.load %arg4[%get3A_438, %get3A_439] : memref<128x64xf32, #tpu.memory_space<vmem>>, vector<128x64xf32>
    %dot_general3A_441 = arith.constant dense<0.000000e+00> : vector<512x64xf32>
    %dot_general3A_442 = tpu.matmul %sub3A_437, %get3A_440, %dot_general3A_441 {dimension_numbers = #tpu.dot_dimension_numbers<[1], [0], [0], [1], [0, 0, 1, 1], [], []>, transpose_lhs_hint = false} : vector<512x128xf32>, vector<128x64xf32>, vector<512x64xf32> -> vector<512x64xf32>
    %get3A_443 = arith.constant 0 : index
    %get3A_444 = arith.constant 0 : index
    %get3A_445 = vector.load %arg6[%get3A_443, %get3A_444] : memref<1x64xf32, #tpu.memory_space<vmem>>, vector<1x64xf32>
    %add3A_446 = vector.broadcast %get3A_445 : vector<1x64xf32> to vector<512x64xf32>
    %add3A_447 = arith.addf %dot_general3A_442, %add3A_446 : vector<512x64xf32>
    %reduce_sum3A_448 = arith.constant dense<0.000000e+00> : vector<64xf32>
    %reduce_sum3A_449 = vector.multi_reduction <add>, %add3A_447, %reduce_sum3A_448 [0] : vector<512x64xf32> to vector<64xf32>
    %broadcast_in_dim3A_450 = vector.shape_cast %reduce_sum3A_449 : vector<64xf32> to vector<1x64xf32>
    %add3A_451 = arith.addf %add3A_404, %broadcast_in_dim3A_450 : vector<1x64xf32>
    %mul3A_452 = arith.mulf %add3A_447, %add3A_447 : vector<512x64xf32>
    %reduce_sum3A_453 = arith.constant dense<0.000000e+00> : vector<64xf32>
    %reduce_sum3A_454 = vector.multi_reduction <add>, %mul3A_452, %reduce_sum3A_453 [0] : vector<512x64xf32> to vector<64xf32>
    %broadcast_in_dim3A_455 = vector.shape_cast %reduce_sum3A_454 : vector<64xf32> to vector<1x64xf32>
    %add3A_456 = arith.addf %add3A_409, %broadcast_in_dim3A_455 : vector<1x64xf32>
    %slice3A_457 = vector.extract_strided_slice %sub3A_437 {offsets = [0, 0], sizes = [512, 3], strides = [1, 1]} : vector<512x128xf32> to vector<512x3xf32>
    %concatenate3A_458 = tpu.concatenate %slice3A, %slice3A_457 in 1 : vector<512x3xf32>, vector<512x3xf32> -> vector<512x6xf32>
    %get3A_459 = arith.constant 0 : index
    %get3A_460 = arith.constant 0 : index
    %get3A_461 = vector.load %arg5[%get3A_459, %get3A_460] : memref<6x128xf32, #tpu.memory_space<vmem>>, vector<6x128xf32>
    %dot_general3A_462 = arith.constant dense<0.000000e+00> : vector<512x128xf32>
    %dot_general3A_463 = tpu.matmul %concatenate3A_458, %get3A_461, %dot_general3A_462 {dimension_numbers = #tpu.dot_dimension_numbers<[1], [0], [0], [1], [0, 0, 1, 1], [], []>, transpose_lhs_hint = false} : vector<512x6xf32>, vector<6x128xf32>, vector<512x128xf32> -> vector<512x128xf32>
    %get3A_464 = arith.constant 0 : index
    %get3A_465 = arith.constant 0 : index
    %get3A_466 = vector.load %arg7[%get3A_464, %get3A_465] : memref<1x128xf32, #tpu.memory_space<vmem>>, vector<1x128xf32>
    %add3A_467 = vector.broadcast %get3A_466 : vector<1x128xf32> to vector<512x128xf32>
    %add3A_468 = arith.addf %dot_general3A_463, %add3A_467 : vector<512x128xf32>
    %reduce_sum3A_469 = arith.constant dense<0.000000e+00> : vector<128xf32>
    %reduce_sum3A_470 = vector.multi_reduction <add>, %add3A_468, %reduce_sum3A_469 [0] : vector<512x128xf32> to vector<128xf32>
    %broadcast_in_dim3A_471 = vector.shape_cast %reduce_sum3A_470 : vector<128xf32> to vector<1x128xf32>
    %add3A_472 = arith.addf %add3A_425, %broadcast_in_dim3A_471 : vector<1x128xf32>
    %mul3A_473 = arith.mulf %add3A_468, %add3A_468 : vector<512x128xf32>
    %reduce_sum3A_474 = arith.constant dense<0.000000e+00> : vector<128xf32>
    %reduce_sum3A_475 = vector.multi_reduction <add>, %mul3A_473, %reduce_sum3A_474 [0] : vector<512x128xf32> to vector<128xf32>
    %broadcast_in_dim3A_476 = vector.shape_cast %reduce_sum3A_475 : vector<128xf32> to vector<1x128xf32>
    %add3A_477 = arith.addf %add3A_430, %broadcast_in_dim3A_476 : vector<1x128xf32>
    %convert_element_type3A = arith.extui %and3A : i1 to i32
    %cond3A = arith.constant 0 : i32
    %cond3A_478 = arith.cmpi ne, %convert_element_type3A, %cond3A : i32
    scf.if %cond3A_478 {
      %broadcast_in_dim3A_494 = arith.constant 0.000000e+00 : f32
      %broadcast_in_dim3A_495 = vector.broadcast %broadcast_in_dim3A_494 : f32 to vector<2x64xf32>
      %swap3A_496 = arith.constant 0 : index
      %swap3A_497 = arith.constant 0 : index
      %swap3A_498 = vector.load %arg8[%swap3A_496, %swap3A_497] : memref<2x64xf32, #tpu.memory_space<vmem>>, vector<2x64xf32>
      tpu.vector_store %arg8[%swap3A_496, %swap3A_497], %broadcast_in_dim3A_495 {strides = array<i32>} : memref<2x64xf32, #tpu.memory_space<vmem>>, vector<2x64xf32>,
      %broadcast_in_dim3A_499 = arith.constant 0.000000e+00 : f32
      %broadcast_in_dim3A_500 = vector.broadcast %broadcast_in_dim3A_499 : f32 to vector<2x128xf32>
      %swap3A_501 = arith.constant 0 : index
      %swap3A_502 = arith.constant 0 : index
      %swap3A_503 = vector.load %arg9[%swap3A_501, %swap3A_502] : memref<2x128xf32, #tpu.memory_space<vmem>>, vector<2x128xf32>
      tpu.vector_store %arg9[%swap3A_501, %swap3A_502], %broadcast_in_dim3A_500 {strides = array<i32>} : memref<2x128xf32, #tpu.memory_space<vmem>>, vector<2x128xf32>,
    } else {
    }
    %get3A_479 = arith.constant 0 : index
    %get3A_480 = arith.constant 0 : index
    %get3A_481 = vector.load %arg8[%get3A_479, %get3A_480] : memref<2x64xf32, #tpu.memory_space<vmem>>, vector<2x64xf32>
    %concatenate3A_482 = tpu.concatenate %add3A_451, %add3A_456 in 0 : vector<1x64xf32>, vector<1x64xf32> -> vector<2x64xf32>
    %add3A_483 = arith.addf %get3A_481, %concatenate3A_482 : vector<2x64xf32>
    %swap3A = arith.constant 0 : index
    %swap3A_484 = arith.constant 0 : index
    %swap3A_485 = vector.load %arg8[%swap3A, %swap3A_484] : memref<2x64xf32, #tpu.memory_space<vmem>>, vector<2x64xf32>
    tpu.vector_store %arg8[%swap3A, %swap3A_484], %add3A_483 {strides = array<i32>} : memref<2x64xf32, #tpu.memory_space<vmem>>, vector<2x64xf32>,
    %get3A_486 = arith.constant 0 : index
    %get3A_487 = arith.constant 0 : index
    %get3A_488 = vector.load %arg9[%get3A_486, %get3A_487] : memref<2x128xf32, #tpu.memory_space<vmem>>, vector<2x128xf32>
    %concatenate3A_489 = tpu.concatenate %add3A_472, %add3A_477 in 0 : vector<1x128xf32>, vector<1x128xf32> -> vector<2x128xf32>
    %add3A_490 = arith.addf %get3A_488, %concatenate3A_489 : vector<2x128xf32>
    %swap3A_491 = arith.constant 0 : index
    %swap3A_492 = arith.constant 0 : index
    %swap3A_493 = vector.load %arg9[%swap3A_491, %swap3A_492] : memref<2x128xf32, #tpu.memory_space<vmem>>, vector<2x128xf32>
    tpu.vector_store %arg9[%swap3A_491, %swap3A_492], %add3A_490 {strides = array<i32>} : memref<2x128xf32, #tpu.memory_space<vmem>>, vector<2x128xf32>,
    return
  }
  func.func @transform_0(%arg0: i32, %arg1: i32) -> (i32, i32, i32, i32) {
    %c0_i32 = arith.constant 0 : i32
    %c0_i32_0 = arith.constant 0 : i32
    %c0_i32_1 = arith.constant 0 : i32
    return %arg0, %c0_i32, %arg1, %c0_i32_0 : i32, i32, i32, i32
  }
  func.func @transform_1(%arg0: i32, %arg1: i32) -> (i32, i32, i32) {
    %c0_i32 = arith.constant 0 : i32
    %c0_i32_0 = arith.constant 0 : i32
    return %arg0, %arg1, %c0_i32 : i32, i32, i32
  }
  func.func @transform_2(%arg0: i32, %arg1: i32) -> (i32, i32) {
    %c0_i32 = arith.constant 0 : i32
    %c0_i32_0 = arith.constant 0 : i32
    %c0_i32_1 = arith.constant 0 : i32
    return %c0_i32, %c0_i32_0 : i32, i32
  }
  func.func @transform_3(%arg0: i32, %arg1: i32) -> (i32, i32) {
    %c0_i32 = arith.constant 0 : i32
    %c0_i32_0 = arith.constant 0 : i32
    %c0_i32_1 = arith.constant 0 : i32
    return %c0_i32, %c0_i32_0 : i32, i32
  }
  func.func @transform_4(%arg0: i32, %arg1: i32) -> (i32, i32) {
    %c0_i32 = arith.constant 0 : i32
    %c0_i32_0 = arith.constant 0 : i32
    %c0_i32_1 = arith.constant 0 : i32
    return %c0_i32, %c0_i32_0 : i32, i32
  }
  func.func @transform_5(%arg0: i32, %arg1: i32) -> (i32, i32) {
    %c0_i32 = arith.constant 0 : i32
    %c0_i32_0 = arith.constant 0 : i32
    %c0_i32_1 = arith.constant 0 : i32
    return %c0_i32, %c0_i32_0 : i32, i32
  }
  func.func @transform_6(%arg0: i32, %arg1: i32) -> (i32, i32) {
    %c0_i32 = arith.constant 0 : i32
    %c0_i32_0 = arith.constant 0 : i32
    %c0_i32_1 = arith.constant 0 : i32
    return %c0_i32, %c0_i32_0 : i32, i32
  }
  func.func @transform_7(%arg0: i32, %arg1: i32) -> (i32, i32) {
    %c0_i32 = arith.constant 0 : i32
    %c0_i32_0 = arith.constant 0 : i32
    %c0_i32_1 = arith.constant 0 : i32
    return %c0_i32, %c0_i32_0 : i32, i32
  }
}

module attributes {stable_mosaic.version = 14 : i64} {
  func.func @_e1v_body(%arg0: i32, %arg1: i32, %arg2: memref<1x10x512x128xf32, #tpu.memory_space<vmem>>, %arg3: memref<1x512x128xf32, #tpu.memory_space<vmem>>, %arg4: memref<128x64xf32, #tpu.memory_space<vmem>>, %arg5: memref<6x128xf32, #tpu.memory_space<vmem>>, %arg6: memref<1x64xf32, #tpu.memory_space<vmem>>, %arg7: memref<1x128xf32, #tpu.memory_space<vmem>>, %arg8: memref<1x64xf32, #tpu.memory_space<vmem>>, %arg9: memref<1x128xf32, #tpu.memory_space<vmem>>, %arg10: memref<1x64xf32, #tpu.memory_space<vmem>>, %arg11: memref<1x128xf32, #tpu.memory_space<vmem>>) attributes {dimension_semantics = [#tpu.dimension_semantics<arbitrary>, #tpu.dimension_semantics<arbitrary>], iteration_bounds = array<i64: 8, 4>, scalar_prefetch = 0 : i64, scratch_operands = 0 : i64, tpu.core_type = #tpu.core_type<tc>, window_params = [{transform_indices = @transform_0, window_bounds = array<i64: 1, 10, 512, 128>}, {transform_indices = @transform_1, window_bounds = array<i64: 1, 512, 128>}, {pipeline_mode = #tpu.pipeline_mode<synchronous>, transform_indices = @transform_2, window_bounds = array<i64: 128, 64>}, {pipeline_mode = #tpu.pipeline_mode<synchronous>, transform_indices = @transform_3, window_bounds = array<i64: 6, 128>}, {pipeline_mode = #tpu.pipeline_mode<synchronous>, transform_indices = @transform_4, window_bounds = array<i64: 1, 64>}, {pipeline_mode = #tpu.pipeline_mode<synchronous>, transform_indices = @transform_5, window_bounds = array<i64: 1, 128>}, {pipeline_mode = #tpu.pipeline_mode<synchronous>, transform_indices = @transform_6, window_bounds = array<i64: 1, 64>}, {pipeline_mode = #tpu.pipeline_mode<synchronous>, transform_indices = @transform_7, window_bounds = array<i64: 1, 128>}, {pipeline_mode = #tpu.pipeline_mode<synchronous>, transform_indices = @transform_8, window_bounds = array<i64: 1, 64>}, {pipeline_mode = #tpu.pipeline_mode<synchronous>, transform_indices = @transform_9, window_bounds = array<i64: 1, 128>}]} {
    %eq3A = arith.constant 0 : i32
    %eq3A_0 = arith.cmpi eq, %arg0, %eq3A : i32
    %eq3A_1 = arith.constant 0 : i32
    %eq3A_2 = arith.cmpi eq, %arg1, %eq3A_1 : i32
    %and3A = arith.andi %eq3A_0, %eq3A_2 : i1
    %get3A = arith.constant 0 : index
    %get3A_3 = arith.constant 0 : index
    %get3A_4 = arith.constant 0 : index
    %get3A_5 = vector.load %arg3[%get3A, %get3A_3, %get3A_4] : memref<1x512x128xf32, #tpu.memory_space<vmem>>, vector<1x512x128xf32>
    %get3A_6 = vector.shape_cast %get3A_5 : vector<1x512x128xf32> to vector<512x128xf32>
    %slice3A = vector.extract_strided_slice %get3A_6 {offsets = [0, 0], sizes = [512, 3], strides = [1, 1]} : vector<512x128xf32> to vector<512x3xf32>
    %get3A_7 = arith.constant 0 : index
    %get3A_8 = arith.constant 0 : index
    %get3A_9 = vector.load %arg8[%get3A_7, %get3A_8] : memref<1x64xf32, #tpu.memory_space<vmem>>, vector<1x64xf32>
    %get3A_10 = arith.constant 0 : index
    %get3A_11 = arith.constant 0 : index
    %get3A_12 = vector.load %arg9[%get3A_10, %get3A_11] : memref<1x128xf32, #tpu.memory_space<vmem>>, vector<1x128xf32>
    %broadcast_in_dim3A = arith.constant 0.000000e+00 : f32
    %broadcast_in_dim3A_13 = vector.broadcast %broadcast_in_dim3A : f32 to vector<1x64xf32>
    %broadcast_in_dim3A_14 = arith.constant 0.000000e+00 : f32
    %broadcast_in_dim3A_15 = vector.broadcast %broadcast_in_dim3A_14 : f32 to vector<1x128xf32>
    %get3A_16 = arith.constant 0 : index
    %get3A_17 = arith.constant 0 : index
    %get3A_18 = arith.constant 0 : index
    %get3A_19 = arith.constant 0 : index
    %get3A_20 = vector.load %arg2[%get3A_16, %get3A_17, %get3A_18, %get3A_19] : memref<1x10x512x128xf32, #tpu.memory_space<vmem>>, vector<1x1x512x128xf32>
    %get3A_21 = vector.shape_cast %get3A_20 : vector<1x1x512x128xf32> to vector<512x128xf32>
    %sub3A = arith.subf %get3A_21, %get3A_6 : vector<512x128xf32>
    %get3A_22 = arith.constant 0 : index
    %get3A_23 = arith.constant 0 : index
    %get3A_24 = vector.load %arg4[%get3A_22, %get3A_23] : memref<128x64xf32, #tpu.memory_space<vmem>>, vector<128x64xf32>
    %dot_general3A = arith.constant dense<0.000000e+00> : vector<512x64xf32>
    %dot_general3A_25 = tpu.matmul %sub3A, %get3A_24, %dot_general3A {dimension_numbers = #tpu.dot_dimension_numbers<[1], [0], [0], [1], [0, 0, 1, 1], [], []>, transpose_lhs_hint = false} : vector<512x128xf32>, vector<128x64xf32>, vector<512x64xf32> -> vector<512x64xf32>
    %get3A_26 = arith.constant 0 : index
    %get3A_27 = arith.constant 0 : index
    %get3A_28 = vector.load %arg6[%get3A_26, %get3A_27] : memref<1x64xf32, #tpu.memory_space<vmem>>, vector<1x64xf32>
    %add3A = vector.broadcast %get3A_28 : vector<1x64xf32> to vector<512x64xf32>
    %add3A_29 = arith.addf %dot_general3A_25, %add3A : vector<512x64xf32>
    %sub3A_30 = vector.broadcast %get3A_9 : vector<1x64xf32> to vector<512x64xf32>
    %sub3A_31 = arith.subf %add3A_29, %sub3A_30 : vector<512x64xf32>
    %mul3A = arith.mulf %sub3A_31, %sub3A_31 : vector<512x64xf32>
    %reduce_sum3A = arith.constant dense<0.000000e+00> : vector<64xf32>
    %reduce_sum3A_32 = vector.multi_reduction <add>, %mul3A, %reduce_sum3A [0] : vector<512x64xf32> to vector<64xf32>
    %broadcast_in_dim3A_33 = vector.shape_cast %reduce_sum3A_32 : vector<64xf32> to vector<1x64xf32>
    %add3A_34 = arith.addf %broadcast_in_dim3A_13, %broadcast_in_dim3A_33 : vector<1x64xf32>
    %slice3A_35 = vector.extract_strided_slice %sub3A {offsets = [0, 0], sizes = [512, 3], strides = [1, 1]} : vector<512x128xf32> to vector<512x3xf32>
    %concatenate3A = tpu.concatenate %slice3A, %slice3A_35 in 1 : vector<512x3xf32>, vector<512x3xf32> -> vector<512x6xf32>
    %get3A_36 = arith.constant 0 : index
    %get3A_37 = arith.constant 0 : index
    %get3A_38 = vector.load %arg5[%get3A_36, %get3A_37] : memref<6x128xf32, #tpu.memory_space<vmem>>, vector<6x128xf32>
    %dot_general3A_39 = arith.constant dense<0.000000e+00> : vector<512x128xf32>
    %dot_general3A_40 = tpu.matmul %concatenate3A, %get3A_38, %dot_general3A_39 {dimension_numbers = #tpu.dot_dimension_numbers<[1], [0], [0], [1], [0, 0, 1, 1], [], []>, transpose_lhs_hint = false} : vector<512x6xf32>, vector<6x128xf32>, vector<512x128xf32> -> vector<512x128xf32>
    %get3A_41 = arith.constant 0 : index
    %get3A_42 = arith.constant 0 : index
    %get3A_43 = vector.load %arg7[%get3A_41, %get3A_42] : memref<1x128xf32, #tpu.memory_space<vmem>>, vector<1x128xf32>
    %add3A_44 = vector.broadcast %get3A_43 : vector<1x128xf32> to vector<512x128xf32>
    %add3A_45 = arith.addf %dot_general3A_40, %add3A_44 : vector<512x128xf32>
    %sub3A_46 = vector.broadcast %get3A_12 : vector<1x128xf32> to vector<512x128xf32>
    %sub3A_47 = arith.subf %add3A_45, %sub3A_46 : vector<512x128xf32>
    %mul3A_48 = arith.mulf %sub3A_47, %sub3A_47 : vector<512x128xf32>
    %reduce_sum3A_49 = arith.constant dense<0.000000e+00> : vector<128xf32>
    %reduce_sum3A_50 = vector.multi_reduction <add>, %mul3A_48, %reduce_sum3A_49 [0] : vector<512x128xf32> to vector<128xf32>
    %broadcast_in_dim3A_51 = vector.shape_cast %reduce_sum3A_50 : vector<128xf32> to vector<1x128xf32>
    %add3A_52 = arith.addf %broadcast_in_dim3A_15, %broadcast_in_dim3A_51 : vector<1x128xf32>
    %get3A_53 = arith.constant 0 : index
    %get3A_54 = arith.constant 1 : index
    %get3A_55 = arith.constant 0 : index
    %get3A_56 = arith.constant 0 : index
    %get3A_57 = vector.load %arg2[%get3A_53, %get3A_54, %get3A_55, %get3A_56] : memref<1x10x512x128xf32, #tpu.memory_space<vmem>>, vector<1x1x512x128xf32>
    %get3A_58 = vector.shape_cast %get3A_57 : vector<1x1x512x128xf32> to vector<512x128xf32>
    %sub3A_59 = arith.subf %get3A_58, %get3A_6 : vector<512x128xf32>
    %get3A_60 = arith.constant 0 : index
    %get3A_61 = arith.constant 0 : index
    %get3A_62 = vector.load %arg4[%get3A_60, %get3A_61] : memref<128x64xf32, #tpu.memory_space<vmem>>, vector<128x64xf32>
    %dot_general3A_63 = arith.constant dense<0.000000e+00> : vector<512x64xf32>
    %dot_general3A_64 = tpu.matmul %sub3A_59, %get3A_62, %dot_general3A_63 {dimension_numbers = #tpu.dot_dimension_numbers<[1], [0], [0], [1], [0, 0, 1, 1], [], []>, transpose_lhs_hint = false} : vector<512x128xf32>, vector<128x64xf32>, vector<512x64xf32> -> vector<512x64xf32>
    %get3A_65 = arith.constant 0 : index
    %get3A_66 = arith.constant 0 : index
    %get3A_67 = vector.load %arg6[%get3A_65, %get3A_66] : memref<1x64xf32, #tpu.memory_space<vmem>>, vector<1x64xf32>
    %add3A_68 = vector.broadcast %get3A_67 : vector<1x64xf32> to vector<512x64xf32>
    %add3A_69 = arith.addf %dot_general3A_64, %add3A_68 : vector<512x64xf32>
    %sub3A_70 = vector.broadcast %get3A_9 : vector<1x64xf32> to vector<512x64xf32>
    %sub3A_71 = arith.subf %add3A_69, %sub3A_70 : vector<512x64xf32>
    %mul3A_72 = arith.mulf %sub3A_71, %sub3A_71 : vector<512x64xf32>
    %reduce_sum3A_73 = arith.constant dense<0.000000e+00> : vector<64xf32>
    %reduce_sum3A_74 = vector.multi_reduction <add>, %mul3A_72, %reduce_sum3A_73 [0] : vector<512x64xf32> to vector<64xf32>
    %broadcast_in_dim3A_75 = vector.shape_cast %reduce_sum3A_74 : vector<64xf32> to vector<1x64xf32>
    %add3A_76 = arith.addf %add3A_34, %broadcast_in_dim3A_75 : vector<1x64xf32>
    %slice3A_77 = vector.extract_strided_slice %sub3A_59 {offsets = [0, 0], sizes = [512, 3], strides = [1, 1]} : vector<512x128xf32> to vector<512x3xf32>
    %concatenate3A_78 = tpu.concatenate %slice3A, %slice3A_77 in 1 : vector<512x3xf32>, vector<512x3xf32> -> vector<512x6xf32>
    %get3A_79 = arith.constant 0 : index
    %get3A_80 = arith.constant 0 : index
    %get3A_81 = vector.load %arg5[%get3A_79, %get3A_80] : memref<6x128xf32, #tpu.memory_space<vmem>>, vector<6x128xf32>
    %dot_general3A_82 = arith.constant dense<0.000000e+00> : vector<512x128xf32>
    %dot_general3A_83 = tpu.matmul %concatenate3A_78, %get3A_81, %dot_general3A_82 {dimension_numbers = #tpu.dot_dimension_numbers<[1], [0], [0], [1], [0, 0, 1, 1], [], []>, transpose_lhs_hint = false} : vector<512x6xf32>, vector<6x128xf32>, vector<512x128xf32> -> vector<512x128xf32>
    %get3A_84 = arith.constant 0 : index
    %get3A_85 = arith.constant 0 : index
    %get3A_86 = vector.load %arg7[%get3A_84, %get3A_85] : memref<1x128xf32, #tpu.memory_space<vmem>>, vector<1x128xf32>
    %add3A_87 = vector.broadcast %get3A_86 : vector<1x128xf32> to vector<512x128xf32>
    %add3A_88 = arith.addf %dot_general3A_83, %add3A_87 : vector<512x128xf32>
    %sub3A_89 = vector.broadcast %get3A_12 : vector<1x128xf32> to vector<512x128xf32>
    %sub3A_90 = arith.subf %add3A_88, %sub3A_89 : vector<512x128xf32>
    %mul3A_91 = arith.mulf %sub3A_90, %sub3A_90 : vector<512x128xf32>
    %reduce_sum3A_92 = arith.constant dense<0.000000e+00> : vector<128xf32>
    %reduce_sum3A_93 = vector.multi_reduction <add>, %mul3A_91, %reduce_sum3A_92 [0] : vector<512x128xf32> to vector<128xf32>
    %broadcast_in_dim3A_94 = vector.shape_cast %reduce_sum3A_93 : vector<128xf32> to vector<1x128xf32>
    %add3A_95 = arith.addf %add3A_52, %broadcast_in_dim3A_94 : vector<1x128xf32>
    %get3A_96 = arith.constant 0 : index
    %get3A_97 = arith.constant 2 : index
    %get3A_98 = arith.constant 0 : index
    %get3A_99 = arith.constant 0 : index
    %get3A_100 = vector.load %arg2[%get3A_96, %get3A_97, %get3A_98, %get3A_99] : memref<1x10x512x128xf32, #tpu.memory_space<vmem>>, vector<1x1x512x128xf32>
    %get3A_101 = vector.shape_cast %get3A_100 : vector<1x1x512x128xf32> to vector<512x128xf32>
    %sub3A_102 = arith.subf %get3A_101, %get3A_6 : vector<512x128xf32>
    %get3A_103 = arith.constant 0 : index
    %get3A_104 = arith.constant 0 : index
    %get3A_105 = vector.load %arg4[%get3A_103, %get3A_104] : memref<128x64xf32, #tpu.memory_space<vmem>>, vector<128x64xf32>
    %dot_general3A_106 = arith.constant dense<0.000000e+00> : vector<512x64xf32>
    %dot_general3A_107 = tpu.matmul %sub3A_102, %get3A_105, %dot_general3A_106 {dimension_numbers = #tpu.dot_dimension_numbers<[1], [0], [0], [1], [0, 0, 1, 1], [], []>, transpose_lhs_hint = false} : vector<512x128xf32>, vector<128x64xf32>, vector<512x64xf32> -> vector<512x64xf32>
    %get3A_108 = arith.constant 0 : index
    %get3A_109 = arith.constant 0 : index
    %get3A_110 = vector.load %arg6[%get3A_108, %get3A_109] : memref<1x64xf32, #tpu.memory_space<vmem>>, vector<1x64xf32>
    %add3A_111 = vector.broadcast %get3A_110 : vector<1x64xf32> to vector<512x64xf32>
    %add3A_112 = arith.addf %dot_general3A_107, %add3A_111 : vector<512x64xf32>
    %sub3A_113 = vector.broadcast %get3A_9 : vector<1x64xf32> to vector<512x64xf32>
    %sub3A_114 = arith.subf %add3A_112, %sub3A_113 : vector<512x64xf32>
    %mul3A_115 = arith.mulf %sub3A_114, %sub3A_114 : vector<512x64xf32>
    %reduce_sum3A_116 = arith.constant dense<0.000000e+00> : vector<64xf32>
    %reduce_sum3A_117 = vector.multi_reduction <add>, %mul3A_115, %reduce_sum3A_116 [0] : vector<512x64xf32> to vector<64xf32>
    %broadcast_in_dim3A_118 = vector.shape_cast %reduce_sum3A_117 : vector<64xf32> to vector<1x64xf32>
    %add3A_119 = arith.addf %add3A_76, %broadcast_in_dim3A_118 : vector<1x64xf32>
    %slice3A_120 = vector.extract_strided_slice %sub3A_102 {offsets = [0, 0], sizes = [512, 3], strides = [1, 1]} : vector<512x128xf32> to vector<512x3xf32>
    %concatenate3A_121 = tpu.concatenate %slice3A, %slice3A_120 in 1 : vector<512x3xf32>, vector<512x3xf32> -> vector<512x6xf32>
    %get3A_122 = arith.constant 0 : index
    %get3A_123 = arith.constant 0 : index
    %get3A_124 = vector.load %arg5[%get3A_122, %get3A_123] : memref<6x128xf32, #tpu.memory_space<vmem>>, vector<6x128xf32>
    %dot_general3A_125 = arith.constant dense<0.000000e+00> : vector<512x128xf32>
    %dot_general3A_126 = tpu.matmul %concatenate3A_121, %get3A_124, %dot_general3A_125 {dimension_numbers = #tpu.dot_dimension_numbers<[1], [0], [0], [1], [0, 0, 1, 1], [], []>, transpose_lhs_hint = false} : vector<512x6xf32>, vector<6x128xf32>, vector<512x128xf32> -> vector<512x128xf32>
    %get3A_127 = arith.constant 0 : index
    %get3A_128 = arith.constant 0 : index
    %get3A_129 = vector.load %arg7[%get3A_127, %get3A_128] : memref<1x128xf32, #tpu.memory_space<vmem>>, vector<1x128xf32>
    %add3A_130 = vector.broadcast %get3A_129 : vector<1x128xf32> to vector<512x128xf32>
    %add3A_131 = arith.addf %dot_general3A_126, %add3A_130 : vector<512x128xf32>
    %sub3A_132 = vector.broadcast %get3A_12 : vector<1x128xf32> to vector<512x128xf32>
    %sub3A_133 = arith.subf %add3A_131, %sub3A_132 : vector<512x128xf32>
    %mul3A_134 = arith.mulf %sub3A_133, %sub3A_133 : vector<512x128xf32>
    %reduce_sum3A_135 = arith.constant dense<0.000000e+00> : vector<128xf32>
    %reduce_sum3A_136 = vector.multi_reduction <add>, %mul3A_134, %reduce_sum3A_135 [0] : vector<512x128xf32> to vector<128xf32>
    %broadcast_in_dim3A_137 = vector.shape_cast %reduce_sum3A_136 : vector<128xf32> to vector<1x128xf32>
    %add3A_138 = arith.addf %add3A_95, %broadcast_in_dim3A_137 : vector<1x128xf32>
    %get3A_139 = arith.constant 0 : index
    %get3A_140 = arith.constant 3 : index
    %get3A_141 = arith.constant 0 : index
    %get3A_142 = arith.constant 0 : index
    %get3A_143 = vector.load %arg2[%get3A_139, %get3A_140, %get3A_141, %get3A_142] : memref<1x10x512x128xf32, #tpu.memory_space<vmem>>, vector<1x1x512x128xf32>
    %get3A_144 = vector.shape_cast %get3A_143 : vector<1x1x512x128xf32> to vector<512x128xf32>
    %sub3A_145 = arith.subf %get3A_144, %get3A_6 : vector<512x128xf32>
    %get3A_146 = arith.constant 0 : index
    %get3A_147 = arith.constant 0 : index
    %get3A_148 = vector.load %arg4[%get3A_146, %get3A_147] : memref<128x64xf32, #tpu.memory_space<vmem>>, vector<128x64xf32>
    %dot_general3A_149 = arith.constant dense<0.000000e+00> : vector<512x64xf32>
    %dot_general3A_150 = tpu.matmul %sub3A_145, %get3A_148, %dot_general3A_149 {dimension_numbers = #tpu.dot_dimension_numbers<[1], [0], [0], [1], [0, 0, 1, 1], [], []>, transpose_lhs_hint = false} : vector<512x128xf32>, vector<128x64xf32>, vector<512x64xf32> -> vector<512x64xf32>
    %get3A_151 = arith.constant 0 : index
    %get3A_152 = arith.constant 0 : index
    %get3A_153 = vector.load %arg6[%get3A_151, %get3A_152] : memref<1x64xf32, #tpu.memory_space<vmem>>, vector<1x64xf32>
    %add3A_154 = vector.broadcast %get3A_153 : vector<1x64xf32> to vector<512x64xf32>
    %add3A_155 = arith.addf %dot_general3A_150, %add3A_154 : vector<512x64xf32>
    %sub3A_156 = vector.broadcast %get3A_9 : vector<1x64xf32> to vector<512x64xf32>
    %sub3A_157 = arith.subf %add3A_155, %sub3A_156 : vector<512x64xf32>
    %mul3A_158 = arith.mulf %sub3A_157, %sub3A_157 : vector<512x64xf32>
    %reduce_sum3A_159 = arith.constant dense<0.000000e+00> : vector<64xf32>
    %reduce_sum3A_160 = vector.multi_reduction <add>, %mul3A_158, %reduce_sum3A_159 [0] : vector<512x64xf32> to vector<64xf32>
    %broadcast_in_dim3A_161 = vector.shape_cast %reduce_sum3A_160 : vector<64xf32> to vector<1x64xf32>
    %add3A_162 = arith.addf %add3A_119, %broadcast_in_dim3A_161 : vector<1x64xf32>
    %slice3A_163 = vector.extract_strided_slice %sub3A_145 {offsets = [0, 0], sizes = [512, 3], strides = [1, 1]} : vector<512x128xf32> to vector<512x3xf32>
    %concatenate3A_164 = tpu.concatenate %slice3A, %slice3A_163 in 1 : vector<512x3xf32>, vector<512x3xf32> -> vector<512x6xf32>
    %get3A_165 = arith.constant 0 : index
    %get3A_166 = arith.constant 0 : index
    %get3A_167 = vector.load %arg5[%get3A_165, %get3A_166] : memref<6x128xf32, #tpu.memory_space<vmem>>, vector<6x128xf32>
    %dot_general3A_168 = arith.constant dense<0.000000e+00> : vector<512x128xf32>
    %dot_general3A_169 = tpu.matmul %concatenate3A_164, %get3A_167, %dot_general3A_168 {dimension_numbers = #tpu.dot_dimension_numbers<[1], [0], [0], [1], [0, 0, 1, 1], [], []>, transpose_lhs_hint = false} : vector<512x6xf32>, vector<6x128xf32>, vector<512x128xf32> -> vector<512x128xf32>
    %get3A_170 = arith.constant 0 : index
    %get3A_171 = arith.constant 0 : index
    %get3A_172 = vector.load %arg7[%get3A_170, %get3A_171] : memref<1x128xf32, #tpu.memory_space<vmem>>, vector<1x128xf32>
    %add3A_173 = vector.broadcast %get3A_172 : vector<1x128xf32> to vector<512x128xf32>
    %add3A_174 = arith.addf %dot_general3A_169, %add3A_173 : vector<512x128xf32>
    %sub3A_175 = vector.broadcast %get3A_12 : vector<1x128xf32> to vector<512x128xf32>
    %sub3A_176 = arith.subf %add3A_174, %sub3A_175 : vector<512x128xf32>
    %mul3A_177 = arith.mulf %sub3A_176, %sub3A_176 : vector<512x128xf32>
    %reduce_sum3A_178 = arith.constant dense<0.000000e+00> : vector<128xf32>
    %reduce_sum3A_179 = vector.multi_reduction <add>, %mul3A_177, %reduce_sum3A_178 [0] : vector<512x128xf32> to vector<128xf32>
    %broadcast_in_dim3A_180 = vector.shape_cast %reduce_sum3A_179 : vector<128xf32> to vector<1x128xf32>
    %add3A_181 = arith.addf %add3A_138, %broadcast_in_dim3A_180 : vector<1x128xf32>
    %get3A_182 = arith.constant 0 : index
    %get3A_183 = arith.constant 4 : index
    %get3A_184 = arith.constant 0 : index
    %get3A_185 = arith.constant 0 : index
    %get3A_186 = vector.load %arg2[%get3A_182, %get3A_183, %get3A_184, %get3A_185] : memref<1x10x512x128xf32, #tpu.memory_space<vmem>>, vector<1x1x512x128xf32>
    %get3A_187 = vector.shape_cast %get3A_186 : vector<1x1x512x128xf32> to vector<512x128xf32>
    %sub3A_188 = arith.subf %get3A_187, %get3A_6 : vector<512x128xf32>
    %get3A_189 = arith.constant 0 : index
    %get3A_190 = arith.constant 0 : index
    %get3A_191 = vector.load %arg4[%get3A_189, %get3A_190] : memref<128x64xf32, #tpu.memory_space<vmem>>, vector<128x64xf32>
    %dot_general3A_192 = arith.constant dense<0.000000e+00> : vector<512x64xf32>
    %dot_general3A_193 = tpu.matmul %sub3A_188, %get3A_191, %dot_general3A_192 {dimension_numbers = #tpu.dot_dimension_numbers<[1], [0], [0], [1], [0, 0, 1, 1], [], []>, transpose_lhs_hint = false} : vector<512x128xf32>, vector<128x64xf32>, vector<512x64xf32> -> vector<512x64xf32>
    %get3A_194 = arith.constant 0 : index
    %get3A_195 = arith.constant 0 : index
    %get3A_196 = vector.load %arg6[%get3A_194, %get3A_195] : memref<1x64xf32, #tpu.memory_space<vmem>>, vector<1x64xf32>
    %add3A_197 = vector.broadcast %get3A_196 : vector<1x64xf32> to vector<512x64xf32>
    %add3A_198 = arith.addf %dot_general3A_193, %add3A_197 : vector<512x64xf32>
    %sub3A_199 = vector.broadcast %get3A_9 : vector<1x64xf32> to vector<512x64xf32>
    %sub3A_200 = arith.subf %add3A_198, %sub3A_199 : vector<512x64xf32>
    %mul3A_201 = arith.mulf %sub3A_200, %sub3A_200 : vector<512x64xf32>
    %reduce_sum3A_202 = arith.constant dense<0.000000e+00> : vector<64xf32>
    %reduce_sum3A_203 = vector.multi_reduction <add>, %mul3A_201, %reduce_sum3A_202 [0] : vector<512x64xf32> to vector<64xf32>
    %broadcast_in_dim3A_204 = vector.shape_cast %reduce_sum3A_203 : vector<64xf32> to vector<1x64xf32>
    %add3A_205 = arith.addf %add3A_162, %broadcast_in_dim3A_204 : vector<1x64xf32>
    %slice3A_206 = vector.extract_strided_slice %sub3A_188 {offsets = [0, 0], sizes = [512, 3], strides = [1, 1]} : vector<512x128xf32> to vector<512x3xf32>
    %concatenate3A_207 = tpu.concatenate %slice3A, %slice3A_206 in 1 : vector<512x3xf32>, vector<512x3xf32> -> vector<512x6xf32>
    %get3A_208 = arith.constant 0 : index
    %get3A_209 = arith.constant 0 : index
    %get3A_210 = vector.load %arg5[%get3A_208, %get3A_209] : memref<6x128xf32, #tpu.memory_space<vmem>>, vector<6x128xf32>
    %dot_general3A_211 = arith.constant dense<0.000000e+00> : vector<512x128xf32>
    %dot_general3A_212 = tpu.matmul %concatenate3A_207, %get3A_210, %dot_general3A_211 {dimension_numbers = #tpu.dot_dimension_numbers<[1], [0], [0], [1], [0, 0, 1, 1], [], []>, transpose_lhs_hint = false} : vector<512x6xf32>, vector<6x128xf32>, vector<512x128xf32> -> vector<512x128xf32>
    %get3A_213 = arith.constant 0 : index
    %get3A_214 = arith.constant 0 : index
    %get3A_215 = vector.load %arg7[%get3A_213, %get3A_214] : memref<1x128xf32, #tpu.memory_space<vmem>>, vector<1x128xf32>
    %add3A_216 = vector.broadcast %get3A_215 : vector<1x128xf32> to vector<512x128xf32>
    %add3A_217 = arith.addf %dot_general3A_212, %add3A_216 : vector<512x128xf32>
    %sub3A_218 = vector.broadcast %get3A_12 : vector<1x128xf32> to vector<512x128xf32>
    %sub3A_219 = arith.subf %add3A_217, %sub3A_218 : vector<512x128xf32>
    %mul3A_220 = arith.mulf %sub3A_219, %sub3A_219 : vector<512x128xf32>
    %reduce_sum3A_221 = arith.constant dense<0.000000e+00> : vector<128xf32>
    %reduce_sum3A_222 = vector.multi_reduction <add>, %mul3A_220, %reduce_sum3A_221 [0] : vector<512x128xf32> to vector<128xf32>
    %broadcast_in_dim3A_223 = vector.shape_cast %reduce_sum3A_222 : vector<128xf32> to vector<1x128xf32>
    %add3A_224 = arith.addf %add3A_181, %broadcast_in_dim3A_223 : vector<1x128xf32>
    %get3A_225 = arith.constant 0 : index
    %get3A_226 = arith.constant 5 : index
    %get3A_227 = arith.constant 0 : index
    %get3A_228 = arith.constant 0 : index
    %get3A_229 = vector.load %arg2[%get3A_225, %get3A_226, %get3A_227, %get3A_228] : memref<1x10x512x128xf32, #tpu.memory_space<vmem>>, vector<1x1x512x128xf32>
    %get3A_230 = vector.shape_cast %get3A_229 : vector<1x1x512x128xf32> to vector<512x128xf32>
    %sub3A_231 = arith.subf %get3A_230, %get3A_6 : vector<512x128xf32>
    %get3A_232 = arith.constant 0 : index
    %get3A_233 = arith.constant 0 : index
    %get3A_234 = vector.load %arg4[%get3A_232, %get3A_233] : memref<128x64xf32, #tpu.memory_space<vmem>>, vector<128x64xf32>
    %dot_general3A_235 = arith.constant dense<0.000000e+00> : vector<512x64xf32>
    %dot_general3A_236 = tpu.matmul %sub3A_231, %get3A_234, %dot_general3A_235 {dimension_numbers = #tpu.dot_dimension_numbers<[1], [0], [0], [1], [0, 0, 1, 1], [], []>, transpose_lhs_hint = false} : vector<512x128xf32>, vector<128x64xf32>, vector<512x64xf32> -> vector<512x64xf32>
    %get3A_237 = arith.constant 0 : index
    %get3A_238 = arith.constant 0 : index
    %get3A_239 = vector.load %arg6[%get3A_237, %get3A_238] : memref<1x64xf32, #tpu.memory_space<vmem>>, vector<1x64xf32>
    %add3A_240 = vector.broadcast %get3A_239 : vector<1x64xf32> to vector<512x64xf32>
    %add3A_241 = arith.addf %dot_general3A_236, %add3A_240 : vector<512x64xf32>
    %sub3A_242 = vector.broadcast %get3A_9 : vector<1x64xf32> to vector<512x64xf32>
    %sub3A_243 = arith.subf %add3A_241, %sub3A_242 : vector<512x64xf32>
    %mul3A_244 = arith.mulf %sub3A_243, %sub3A_243 : vector<512x64xf32>
    %reduce_sum3A_245 = arith.constant dense<0.000000e+00> : vector<64xf32>
    %reduce_sum3A_246 = vector.multi_reduction <add>, %mul3A_244, %reduce_sum3A_245 [0] : vector<512x64xf32> to vector<64xf32>
    %broadcast_in_dim3A_247 = vector.shape_cast %reduce_sum3A_246 : vector<64xf32> to vector<1x64xf32>
    %add3A_248 = arith.addf %add3A_205, %broadcast_in_dim3A_247 : vector<1x64xf32>
    %slice3A_249 = vector.extract_strided_slice %sub3A_231 {offsets = [0, 0], sizes = [512, 3], strides = [1, 1]} : vector<512x128xf32> to vector<512x3xf32>
    %concatenate3A_250 = tpu.concatenate %slice3A, %slice3A_249 in 1 : vector<512x3xf32>, vector<512x3xf32> -> vector<512x6xf32>
    %get3A_251 = arith.constant 0 : index
    %get3A_252 = arith.constant 0 : index
    %get3A_253 = vector.load %arg5[%get3A_251, %get3A_252] : memref<6x128xf32, #tpu.memory_space<vmem>>, vector<6x128xf32>
    %dot_general3A_254 = arith.constant dense<0.000000e+00> : vector<512x128xf32>
    %dot_general3A_255 = tpu.matmul %concatenate3A_250, %get3A_253, %dot_general3A_254 {dimension_numbers = #tpu.dot_dimension_numbers<[1], [0], [0], [1], [0, 0, 1, 1], [], []>, transpose_lhs_hint = false} : vector<512x6xf32>, vector<6x128xf32>, vector<512x128xf32> -> vector<512x128xf32>
    %get3A_256 = arith.constant 0 : index
    %get3A_257 = arith.constant 0 : index
    %get3A_258 = vector.load %arg7[%get3A_256, %get3A_257] : memref<1x128xf32, #tpu.memory_space<vmem>>, vector<1x128xf32>
    %add3A_259 = vector.broadcast %get3A_258 : vector<1x128xf32> to vector<512x128xf32>
    %add3A_260 = arith.addf %dot_general3A_255, %add3A_259 : vector<512x128xf32>
    %sub3A_261 = vector.broadcast %get3A_12 : vector<1x128xf32> to vector<512x128xf32>
    %sub3A_262 = arith.subf %add3A_260, %sub3A_261 : vector<512x128xf32>
    %mul3A_263 = arith.mulf %sub3A_262, %sub3A_262 : vector<512x128xf32>
    %reduce_sum3A_264 = arith.constant dense<0.000000e+00> : vector<128xf32>
    %reduce_sum3A_265 = vector.multi_reduction <add>, %mul3A_263, %reduce_sum3A_264 [0] : vector<512x128xf32> to vector<128xf32>
    %broadcast_in_dim3A_266 = vector.shape_cast %reduce_sum3A_265 : vector<128xf32> to vector<1x128xf32>
    %add3A_267 = arith.addf %add3A_224, %broadcast_in_dim3A_266 : vector<1x128xf32>
    %get3A_268 = arith.constant 0 : index
    %get3A_269 = arith.constant 6 : index
    %get3A_270 = arith.constant 0 : index
    %get3A_271 = arith.constant 0 : index
    %get3A_272 = vector.load %arg2[%get3A_268, %get3A_269, %get3A_270, %get3A_271] : memref<1x10x512x128xf32, #tpu.memory_space<vmem>>, vector<1x1x512x128xf32>
    %get3A_273 = vector.shape_cast %get3A_272 : vector<1x1x512x128xf32> to vector<512x128xf32>
    %sub3A_274 = arith.subf %get3A_273, %get3A_6 : vector<512x128xf32>
    %get3A_275 = arith.constant 0 : index
    %get3A_276 = arith.constant 0 : index
    %get3A_277 = vector.load %arg4[%get3A_275, %get3A_276] : memref<128x64xf32, #tpu.memory_space<vmem>>, vector<128x64xf32>
    %dot_general3A_278 = arith.constant dense<0.000000e+00> : vector<512x64xf32>
    %dot_general3A_279 = tpu.matmul %sub3A_274, %get3A_277, %dot_general3A_278 {dimension_numbers = #tpu.dot_dimension_numbers<[1], [0], [0], [1], [0, 0, 1, 1], [], []>, transpose_lhs_hint = false} : vector<512x128xf32>, vector<128x64xf32>, vector<512x64xf32> -> vector<512x64xf32>
    %get3A_280 = arith.constant 0 : index
    %get3A_281 = arith.constant 0 : index
    %get3A_282 = vector.load %arg6[%get3A_280, %get3A_281] : memref<1x64xf32, #tpu.memory_space<vmem>>, vector<1x64xf32>
    %add3A_283 = vector.broadcast %get3A_282 : vector<1x64xf32> to vector<512x64xf32>
    %add3A_284 = arith.addf %dot_general3A_279, %add3A_283 : vector<512x64xf32>
    %sub3A_285 = vector.broadcast %get3A_9 : vector<1x64xf32> to vector<512x64xf32>
    %sub3A_286 = arith.subf %add3A_284, %sub3A_285 : vector<512x64xf32>
    %mul3A_287 = arith.mulf %sub3A_286, %sub3A_286 : vector<512x64xf32>
    %reduce_sum3A_288 = arith.constant dense<0.000000e+00> : vector<64xf32>
    %reduce_sum3A_289 = vector.multi_reduction <add>, %mul3A_287, %reduce_sum3A_288 [0] : vector<512x64xf32> to vector<64xf32>
    %broadcast_in_dim3A_290 = vector.shape_cast %reduce_sum3A_289 : vector<64xf32> to vector<1x64xf32>
    %add3A_291 = arith.addf %add3A_248, %broadcast_in_dim3A_290 : vector<1x64xf32>
    %slice3A_292 = vector.extract_strided_slice %sub3A_274 {offsets = [0, 0], sizes = [512, 3], strides = [1, 1]} : vector<512x128xf32> to vector<512x3xf32>
    %concatenate3A_293 = tpu.concatenate %slice3A, %slice3A_292 in 1 : vector<512x3xf32>, vector<512x3xf32> -> vector<512x6xf32>
    %get3A_294 = arith.constant 0 : index
    %get3A_295 = arith.constant 0 : index
    %get3A_296 = vector.load %arg5[%get3A_294, %get3A_295] : memref<6x128xf32, #tpu.memory_space<vmem>>, vector<6x128xf32>
    %dot_general3A_297 = arith.constant dense<0.000000e+00> : vector<512x128xf32>
    %dot_general3A_298 = tpu.matmul %concatenate3A_293, %get3A_296, %dot_general3A_297 {dimension_numbers = #tpu.dot_dimension_numbers<[1], [0], [0], [1], [0, 0, 1, 1], [], []>, transpose_lhs_hint = false} : vector<512x6xf32>, vector<6x128xf32>, vector<512x128xf32> -> vector<512x128xf32>
    %get3A_299 = arith.constant 0 : index
    %get3A_300 = arith.constant 0 : index
    %get3A_301 = vector.load %arg7[%get3A_299, %get3A_300] : memref<1x128xf32, #tpu.memory_space<vmem>>, vector<1x128xf32>
    %add3A_302 = vector.broadcast %get3A_301 : vector<1x128xf32> to vector<512x128xf32>
    %add3A_303 = arith.addf %dot_general3A_298, %add3A_302 : vector<512x128xf32>
    %sub3A_304 = vector.broadcast %get3A_12 : vector<1x128xf32> to vector<512x128xf32>
    %sub3A_305 = arith.subf %add3A_303, %sub3A_304 : vector<512x128xf32>
    %mul3A_306 = arith.mulf %sub3A_305, %sub3A_305 : vector<512x128xf32>
    %reduce_sum3A_307 = arith.constant dense<0.000000e+00> : vector<128xf32>
    %reduce_sum3A_308 = vector.multi_reduction <add>, %mul3A_306, %reduce_sum3A_307 [0] : vector<512x128xf32> to vector<128xf32>
    %broadcast_in_dim3A_309 = vector.shape_cast %reduce_sum3A_308 : vector<128xf32> to vector<1x128xf32>
    %add3A_310 = arith.addf %add3A_267, %broadcast_in_dim3A_309 : vector<1x128xf32>
    %get3A_311 = arith.constant 0 : index
    %get3A_312 = arith.constant 7 : index
    %get3A_313 = arith.constant 0 : index
    %get3A_314 = arith.constant 0 : index
    %get3A_315 = vector.load %arg2[%get3A_311, %get3A_312, %get3A_313, %get3A_314] : memref<1x10x512x128xf32, #tpu.memory_space<vmem>>, vector<1x1x512x128xf32>
    %get3A_316 = vector.shape_cast %get3A_315 : vector<1x1x512x128xf32> to vector<512x128xf32>
    %sub3A_317 = arith.subf %get3A_316, %get3A_6 : vector<512x128xf32>
    %get3A_318 = arith.constant 0 : index
    %get3A_319 = arith.constant 0 : index
    %get3A_320 = vector.load %arg4[%get3A_318, %get3A_319] : memref<128x64xf32, #tpu.memory_space<vmem>>, vector<128x64xf32>
    %dot_general3A_321 = arith.constant dense<0.000000e+00> : vector<512x64xf32>
    %dot_general3A_322 = tpu.matmul %sub3A_317, %get3A_320, %dot_general3A_321 {dimension_numbers = #tpu.dot_dimension_numbers<[1], [0], [0], [1], [0, 0, 1, 1], [], []>, transpose_lhs_hint = false} : vector<512x128xf32>, vector<128x64xf32>, vector<512x64xf32> -> vector<512x64xf32>
    %get3A_323 = arith.constant 0 : index
    %get3A_324 = arith.constant 0 : index
    %get3A_325 = vector.load %arg6[%get3A_323, %get3A_324] : memref<1x64xf32, #tpu.memory_space<vmem>>, vector<1x64xf32>
    %add3A_326 = vector.broadcast %get3A_325 : vector<1x64xf32> to vector<512x64xf32>
    %add3A_327 = arith.addf %dot_general3A_322, %add3A_326 : vector<512x64xf32>
    %sub3A_328 = vector.broadcast %get3A_9 : vector<1x64xf32> to vector<512x64xf32>
    %sub3A_329 = arith.subf %add3A_327, %sub3A_328 : vector<512x64xf32>
    %mul3A_330 = arith.mulf %sub3A_329, %sub3A_329 : vector<512x64xf32>
    %reduce_sum3A_331 = arith.constant dense<0.000000e+00> : vector<64xf32>
    %reduce_sum3A_332 = vector.multi_reduction <add>, %mul3A_330, %reduce_sum3A_331 [0] : vector<512x64xf32> to vector<64xf32>
    %broadcast_in_dim3A_333 = vector.shape_cast %reduce_sum3A_332 : vector<64xf32> to vector<1x64xf32>
    %add3A_334 = arith.addf %add3A_291, %broadcast_in_dim3A_333 : vector<1x64xf32>
    %slice3A_335 = vector.extract_strided_slice %sub3A_317 {offsets = [0, 0], sizes = [512, 3], strides = [1, 1]} : vector<512x128xf32> to vector<512x3xf32>
    %concatenate3A_336 = tpu.concatenate %slice3A, %slice3A_335 in 1 : vector<512x3xf32>, vector<512x3xf32> -> vector<512x6xf32>
    %get3A_337 = arith.constant 0 : index
    %get3A_338 = arith.constant 0 : index
    %get3A_339 = vector.load %arg5[%get3A_337, %get3A_338] : memref<6x128xf32, #tpu.memory_space<vmem>>, vector<6x128xf32>
    %dot_general3A_340 = arith.constant dense<0.000000e+00> : vector<512x128xf32>
    %dot_general3A_341 = tpu.matmul %concatenate3A_336, %get3A_339, %dot_general3A_340 {dimension_numbers = #tpu.dot_dimension_numbers<[1], [0], [0], [1], [0, 0, 1, 1], [], []>, transpose_lhs_hint = false} : vector<512x6xf32>, vector<6x128xf32>, vector<512x128xf32> -> vector<512x128xf32>
    %get3A_342 = arith.constant 0 : index
    %get3A_343 = arith.constant 0 : index
    %get3A_344 = vector.load %arg7[%get3A_342, %get3A_343] : memref<1x128xf32, #tpu.memory_space<vmem>>, vector<1x128xf32>
    %add3A_345 = vector.broadcast %get3A_344 : vector<1x128xf32> to vector<512x128xf32>
    %add3A_346 = arith.addf %dot_general3A_341, %add3A_345 : vector<512x128xf32>
    %sub3A_347 = vector.broadcast %get3A_12 : vector<1x128xf32> to vector<512x128xf32>
    %sub3A_348 = arith.subf %add3A_346, %sub3A_347 : vector<512x128xf32>
    %mul3A_349 = arith.mulf %sub3A_348, %sub3A_348 : vector<512x128xf32>
    %reduce_sum3A_350 = arith.constant dense<0.000000e+00> : vector<128xf32>
    %reduce_sum3A_351 = vector.multi_reduction <add>, %mul3A_349, %reduce_sum3A_350 [0] : vector<512x128xf32> to vector<128xf32>
    %broadcast_in_dim3A_352 = vector.shape_cast %reduce_sum3A_351 : vector<128xf32> to vector<1x128xf32>
    %add3A_353 = arith.addf %add3A_310, %broadcast_in_dim3A_352 : vector<1x128xf32>
    %get3A_354 = arith.constant 0 : index
    %get3A_355 = arith.constant 8 : index
    %get3A_356 = arith.constant 0 : index
    %get3A_357 = arith.constant 0 : index
    %get3A_358 = vector.load %arg2[%get3A_354, %get3A_355, %get3A_356, %get3A_357] : memref<1x10x512x128xf32, #tpu.memory_space<vmem>>, vector<1x1x512x128xf32>
    %get3A_359 = vector.shape_cast %get3A_358 : vector<1x1x512x128xf32> to vector<512x128xf32>
    %sub3A_360 = arith.subf %get3A_359, %get3A_6 : vector<512x128xf32>
    %get3A_361 = arith.constant 0 : index
    %get3A_362 = arith.constant 0 : index
    %get3A_363 = vector.load %arg4[%get3A_361, %get3A_362] : memref<128x64xf32, #tpu.memory_space<vmem>>, vector<128x64xf32>
    %dot_general3A_364 = arith.constant dense<0.000000e+00> : vector<512x64xf32>
    %dot_general3A_365 = tpu.matmul %sub3A_360, %get3A_363, %dot_general3A_364 {dimension_numbers = #tpu.dot_dimension_numbers<[1], [0], [0], [1], [0, 0, 1, 1], [], []>, transpose_lhs_hint = false} : vector<512x128xf32>, vector<128x64xf32>, vector<512x64xf32> -> vector<512x64xf32>
    %get3A_366 = arith.constant 0 : index
    %get3A_367 = arith.constant 0 : index
    %get3A_368 = vector.load %arg6[%get3A_366, %get3A_367] : memref<1x64xf32, #tpu.memory_space<vmem>>, vector<1x64xf32>
    %add3A_369 = vector.broadcast %get3A_368 : vector<1x64xf32> to vector<512x64xf32>
    %add3A_370 = arith.addf %dot_general3A_365, %add3A_369 : vector<512x64xf32>
    %sub3A_371 = vector.broadcast %get3A_9 : vector<1x64xf32> to vector<512x64xf32>
    %sub3A_372 = arith.subf %add3A_370, %sub3A_371 : vector<512x64xf32>
    %mul3A_373 = arith.mulf %sub3A_372, %sub3A_372 : vector<512x64xf32>
    %reduce_sum3A_374 = arith.constant dense<0.000000e+00> : vector<64xf32>
    %reduce_sum3A_375 = vector.multi_reduction <add>, %mul3A_373, %reduce_sum3A_374 [0] : vector<512x64xf32> to vector<64xf32>
    %broadcast_in_dim3A_376 = vector.shape_cast %reduce_sum3A_375 : vector<64xf32> to vector<1x64xf32>
    %add3A_377 = arith.addf %add3A_334, %broadcast_in_dim3A_376 : vector<1x64xf32>
    %slice3A_378 = vector.extract_strided_slice %sub3A_360 {offsets = [0, 0], sizes = [512, 3], strides = [1, 1]} : vector<512x128xf32> to vector<512x3xf32>
    %concatenate3A_379 = tpu.concatenate %slice3A, %slice3A_378 in 1 : vector<512x3xf32>, vector<512x3xf32> -> vector<512x6xf32>
    %get3A_380 = arith.constant 0 : index
    %get3A_381 = arith.constant 0 : index
    %get3A_382 = vector.load %arg5[%get3A_380, %get3A_381] : memref<6x128xf32, #tpu.memory_space<vmem>>, vector<6x128xf32>
    %dot_general3A_383 = arith.constant dense<0.000000e+00> : vector<512x128xf32>
    %dot_general3A_384 = tpu.matmul %concatenate3A_379, %get3A_382, %dot_general3A_383 {dimension_numbers = #tpu.dot_dimension_numbers<[1], [0], [0], [1], [0, 0, 1, 1], [], []>, transpose_lhs_hint = false} : vector<512x6xf32>, vector<6x128xf32>, vector<512x128xf32> -> vector<512x128xf32>
    %get3A_385 = arith.constant 0 : index
    %get3A_386 = arith.constant 0 : index
    %get3A_387 = vector.load %arg7[%get3A_385, %get3A_386] : memref<1x128xf32, #tpu.memory_space<vmem>>, vector<1x128xf32>
    %add3A_388 = vector.broadcast %get3A_387 : vector<1x128xf32> to vector<512x128xf32>
    %add3A_389 = arith.addf %dot_general3A_384, %add3A_388 : vector<512x128xf32>
    %sub3A_390 = vector.broadcast %get3A_12 : vector<1x128xf32> to vector<512x128xf32>
    %sub3A_391 = arith.subf %add3A_389, %sub3A_390 : vector<512x128xf32>
    %mul3A_392 = arith.mulf %sub3A_391, %sub3A_391 : vector<512x128xf32>
    %reduce_sum3A_393 = arith.constant dense<0.000000e+00> : vector<128xf32>
    %reduce_sum3A_394 = vector.multi_reduction <add>, %mul3A_392, %reduce_sum3A_393 [0] : vector<512x128xf32> to vector<128xf32>
    %broadcast_in_dim3A_395 = vector.shape_cast %reduce_sum3A_394 : vector<128xf32> to vector<1x128xf32>
    %add3A_396 = arith.addf %add3A_353, %broadcast_in_dim3A_395 : vector<1x128xf32>
    %get3A_397 = arith.constant 0 : index
    %get3A_398 = arith.constant 9 : index
    %get3A_399 = arith.constant 0 : index
    %get3A_400 = arith.constant 0 : index
    %get3A_401 = vector.load %arg2[%get3A_397, %get3A_398, %get3A_399, %get3A_400] : memref<1x10x512x128xf32, #tpu.memory_space<vmem>>, vector<1x1x512x128xf32>
    %get3A_402 = vector.shape_cast %get3A_401 : vector<1x1x512x128xf32> to vector<512x128xf32>
    %sub3A_403 = arith.subf %get3A_402, %get3A_6 : vector<512x128xf32>
    %get3A_404 = arith.constant 0 : index
    %get3A_405 = arith.constant 0 : index
    %get3A_406 = vector.load %arg4[%get3A_404, %get3A_405] : memref<128x64xf32, #tpu.memory_space<vmem>>, vector<128x64xf32>
    %dot_general3A_407 = arith.constant dense<0.000000e+00> : vector<512x64xf32>
    %dot_general3A_408 = tpu.matmul %sub3A_403, %get3A_406, %dot_general3A_407 {dimension_numbers = #tpu.dot_dimension_numbers<[1], [0], [0], [1], [0, 0, 1, 1], [], []>, transpose_lhs_hint = false} : vector<512x128xf32>, vector<128x64xf32>, vector<512x64xf32> -> vector<512x64xf32>
    %get3A_409 = arith.constant 0 : index
    %get3A_410 = arith.constant 0 : index
    %get3A_411 = vector.load %arg6[%get3A_409, %get3A_410] : memref<1x64xf32, #tpu.memory_space<vmem>>, vector<1x64xf32>
    %add3A_412 = vector.broadcast %get3A_411 : vector<1x64xf32> to vector<512x64xf32>
    %add3A_413 = arith.addf %dot_general3A_408, %add3A_412 : vector<512x64xf32>
    %sub3A_414 = vector.broadcast %get3A_9 : vector<1x64xf32> to vector<512x64xf32>
    %sub3A_415 = arith.subf %add3A_413, %sub3A_414 : vector<512x64xf32>
    %mul3A_416 = arith.mulf %sub3A_415, %sub3A_415 : vector<512x64xf32>
    %reduce_sum3A_417 = arith.constant dense<0.000000e+00> : vector<64xf32>
    %reduce_sum3A_418 = vector.multi_reduction <add>, %mul3A_416, %reduce_sum3A_417 [0] : vector<512x64xf32> to vector<64xf32>
    %broadcast_in_dim3A_419 = vector.shape_cast %reduce_sum3A_418 : vector<64xf32> to vector<1x64xf32>
    %add3A_420 = arith.addf %add3A_377, %broadcast_in_dim3A_419 : vector<1x64xf32>
    %slice3A_421 = vector.extract_strided_slice %sub3A_403 {offsets = [0, 0], sizes = [512, 3], strides = [1, 1]} : vector<512x128xf32> to vector<512x3xf32>
    %concatenate3A_422 = tpu.concatenate %slice3A, %slice3A_421 in 1 : vector<512x3xf32>, vector<512x3xf32> -> vector<512x6xf32>
    %get3A_423 = arith.constant 0 : index
    %get3A_424 = arith.constant 0 : index
    %get3A_425 = vector.load %arg5[%get3A_423, %get3A_424] : memref<6x128xf32, #tpu.memory_space<vmem>>, vector<6x128xf32>
    %dot_general3A_426 = arith.constant dense<0.000000e+00> : vector<512x128xf32>
    %dot_general3A_427 = tpu.matmul %concatenate3A_422, %get3A_425, %dot_general3A_426 {dimension_numbers = #tpu.dot_dimension_numbers<[1], [0], [0], [1], [0, 0, 1, 1], [], []>, transpose_lhs_hint = false} : vector<512x6xf32>, vector<6x128xf32>, vector<512x128xf32> -> vector<512x128xf32>
    %get3A_428 = arith.constant 0 : index
    %get3A_429 = arith.constant 0 : index
    %get3A_430 = vector.load %arg7[%get3A_428, %get3A_429] : memref<1x128xf32, #tpu.memory_space<vmem>>, vector<1x128xf32>
    %add3A_431 = vector.broadcast %get3A_430 : vector<1x128xf32> to vector<512x128xf32>
    %add3A_432 = arith.addf %dot_general3A_427, %add3A_431 : vector<512x128xf32>
    %sub3A_433 = vector.broadcast %get3A_12 : vector<1x128xf32> to vector<512x128xf32>
    %sub3A_434 = arith.subf %add3A_432, %sub3A_433 : vector<512x128xf32>
    %mul3A_435 = arith.mulf %sub3A_434, %sub3A_434 : vector<512x128xf32>
    %reduce_sum3A_436 = arith.constant dense<0.000000e+00> : vector<128xf32>
    %reduce_sum3A_437 = vector.multi_reduction <add>, %mul3A_435, %reduce_sum3A_436 [0] : vector<512x128xf32> to vector<128xf32>
    %broadcast_in_dim3A_438 = vector.shape_cast %reduce_sum3A_437 : vector<128xf32> to vector<1x128xf32>
    %add3A_439 = arith.addf %add3A_396, %broadcast_in_dim3A_438 : vector<1x128xf32>
    %convert_element_type3A = arith.extui %and3A : i1 to i32
    %cond3A = arith.constant 0 : i32
    %cond3A_440 = arith.cmpi ne, %convert_element_type3A, %cond3A : i32
    scf.if %cond3A_440 {
      %broadcast_in_dim3A_454 = arith.constant 0.000000e+00 : f32
      %broadcast_in_dim3A_455 = vector.broadcast %broadcast_in_dim3A_454 : f32 to vector<1x64xf32>
      %swap3A_456 = arith.constant 0 : index
      %swap3A_457 = arith.constant 0 : index
      %swap3A_458 = vector.load %arg10[%swap3A_456, %swap3A_457] : memref<1x64xf32, #tpu.memory_space<vmem>>, vector<1x64xf32>
      tpu.vector_store %arg10[%swap3A_456, %swap3A_457], %broadcast_in_dim3A_455 {strides = array<i32>} : memref<1x64xf32, #tpu.memory_space<vmem>>, vector<1x64xf32>,
      %broadcast_in_dim3A_459 = arith.constant 0.000000e+00 : f32
      %broadcast_in_dim3A_460 = vector.broadcast %broadcast_in_dim3A_459 : f32 to vector<1x128xf32>
      %swap3A_461 = arith.constant 0 : index
      %swap3A_462 = arith.constant 0 : index
      %swap3A_463 = vector.load %arg11[%swap3A_461, %swap3A_462] : memref<1x128xf32, #tpu.memory_space<vmem>>, vector<1x128xf32>
      tpu.vector_store %arg11[%swap3A_461, %swap3A_462], %broadcast_in_dim3A_460 {strides = array<i32>} : memref<1x128xf32, #tpu.memory_space<vmem>>, vector<1x128xf32>,
    } else {
    }
    %get3A_441 = arith.constant 0 : index
    %get3A_442 = arith.constant 0 : index
    %get3A_443 = vector.load %arg10[%get3A_441, %get3A_442] : memref<1x64xf32, #tpu.memory_space<vmem>>, vector<1x64xf32>
    %add3A_444 = arith.addf %get3A_443, %add3A_420 : vector<1x64xf32>
    %swap3A = arith.constant 0 : index
    %swap3A_445 = arith.constant 0 : index
    %swap3A_446 = vector.load %arg10[%swap3A, %swap3A_445] : memref<1x64xf32, #tpu.memory_space<vmem>>, vector<1x64xf32>
    tpu.vector_store %arg10[%swap3A, %swap3A_445], %add3A_444 {strides = array<i32>} : memref<1x64xf32, #tpu.memory_space<vmem>>, vector<1x64xf32>,
    %get3A_447 = arith.constant 0 : index
    %get3A_448 = arith.constant 0 : index
    %get3A_449 = vector.load %arg11[%get3A_447, %get3A_448] : memref<1x128xf32, #tpu.memory_space<vmem>>, vector<1x128xf32>
    %add3A_450 = arith.addf %get3A_449, %add3A_439 : vector<1x128xf32>
    %swap3A_451 = arith.constant 0 : index
    %swap3A_452 = arith.constant 0 : index
    %swap3A_453 = vector.load %arg11[%swap3A_451, %swap3A_452] : memref<1x128xf32, #tpu.memory_space<vmem>>, vector<1x128xf32>
    tpu.vector_store %arg11[%swap3A_451, %swap3A_452], %add3A_450 {strides = array<i32>} : memref<1x128xf32, #tpu.memory_space<vmem>>, vector<1x128xf32>,
    return
  }
  func.func @transform_0(%arg0: i32, %arg1: i32) -> (i32, i32, i32, i32) {
    %c0_i32 = arith.constant 0 : i32
    %c0_i32_0 = arith.constant 0 : i32
    %c0_i32_1 = arith.constant 0 : i32
    return %arg0, %c0_i32, %arg1, %c0_i32_0 : i32, i32, i32, i32
  }
  func.func @transform_1(%arg0: i32, %arg1: i32) -> (i32, i32, i32) {
    %c0_i32 = arith.constant 0 : i32
    %c0_i32_0 = arith.constant 0 : i32
    return %arg0, %arg1, %c0_i32 : i32, i32, i32
  }
  func.func @transform_2(%arg0: i32, %arg1: i32) -> (i32, i32) {
    %c0_i32 = arith.constant 0 : i32
    %c0_i32_0 = arith.constant 0 : i32
    %c0_i32_1 = arith.constant 0 : i32
    return %c0_i32, %c0_i32_0 : i32, i32
  }
  func.func @transform_3(%arg0: i32, %arg1: i32) -> (i32, i32) {
    %c0_i32 = arith.constant 0 : i32
    %c0_i32_0 = arith.constant 0 : i32
    %c0_i32_1 = arith.constant 0 : i32
    return %c0_i32, %c0_i32_0 : i32, i32
  }
  func.func @transform_4(%arg0: i32, %arg1: i32) -> (i32, i32) {
    %c0_i32 = arith.constant 0 : i32
    %c0_i32_0 = arith.constant 0 : i32
    %c0_i32_1 = arith.constant 0 : i32
    return %c0_i32, %c0_i32_0 : i32, i32
  }
  func.func @transform_5(%arg0: i32, %arg1: i32) -> (i32, i32) {
    %c0_i32 = arith.constant 0 : i32
    %c0_i32_0 = arith.constant 0 : i32
    %c0_i32_1 = arith.constant 0 : i32
    return %c0_i32, %c0_i32_0 : i32, i32
  }
  func.func @transform_6(%arg0: i32, %arg1: i32) -> (i32, i32) {
    %c0_i32 = arith.constant 0 : i32
    %c0_i32_0 = arith.constant 0 : i32
    %c0_i32_1 = arith.constant 0 : i32
    return %c0_i32, %c0_i32_0 : i32, i32
  }
  func.func @transform_7(%arg0: i32, %arg1: i32) -> (i32, i32) {
    %c0_i32 = arith.constant 0 : i32
    %c0_i32_0 = arith.constant 0 : i32
    %c0_i32_1 = arith.constant 0 : i32
    return %c0_i32, %c0_i32_0 : i32, i32
  }
  func.func @transform_8(%arg0: i32, %arg1: i32) -> (i32, i32) {
    %c0_i32 = arith.constant 0 : i32
    %c0_i32_0 = arith.constant 0 : i32
    %c0_i32_1 = arith.constant 0 : i32
    return %c0_i32, %c0_i32_0 : i32, i32
  }
  func.func @transform_9(%arg0: i32, %arg1: i32) -> (i32, i32) {
    %c0_i32 = arith.constant 0 : i32
    %c0_i32_0 = arith.constant 0 : i32
    %c0_i32_1 = arith.constant 0 : i32
    return %c0_i32, %c0_i32_0 : i32, i32
  }
}

module attributes {stable_mosaic.version = 14 : i64} {
  func.func @_e2_body(%arg0: i32, %arg1: i32, %arg2: memref<1x10x512x128xf32, #tpu.memory_space<vmem>>, %arg3: memref<1x512x128xf32, #tpu.memory_space<vmem>>, %arg4: memref<128x64xf32, #tpu.memory_space<vmem>>, %arg5: memref<1x64xf32, #tpu.memory_space<vmem>>, %arg6: memref<1x64xf32, #tpu.memory_space<vmem>>, %arg7: memref<1x64xf32, #tpu.memory_space<vmem>>, %arg8: memref<1x64xf32, #tpu.memory_space<vmem>>, %arg9: memref<1x64xf32, #tpu.memory_space<vmem>>, %arg10: memref<64x128xf32, #tpu.memory_space<vmem>>, %arg11: memref<1x128xf32, #tpu.memory_space<vmem>>, %arg12: memref<1x10x512x128xf32, #tpu.memory_space<vmem>>, %arg13: memref<2x128xf32, #tpu.memory_space<vmem>>) attributes {dimension_semantics = [#tpu.dimension_semantics<arbitrary>, #tpu.dimension_semantics<arbitrary>], iteration_bounds = array<i64: 8, 4>, scalar_prefetch = 0 : i64, scratch_operands = 0 : i64, tpu.core_type = #tpu.core_type<tc>, window_params = [{transform_indices = @transform_0, window_bounds = array<i64: 1, 10, 512, 128>}, {transform_indices = @transform_1, window_bounds = array<i64: 1, 512, 128>}, {pipeline_mode = #tpu.pipeline_mode<synchronous>, transform_indices = @transform_2, window_bounds = array<i64: 128, 64>}, {pipeline_mode = #tpu.pipeline_mode<synchronous>, transform_indices = @transform_3, window_bounds = array<i64: 1, 64>}, {pipeline_mode = #tpu.pipeline_mode<synchronous>, transform_indices = @transform_4, window_bounds = array<i64: 1, 64>}, {pipeline_mode = #tpu.pipeline_mode<synchronous>, transform_indices = @transform_5, window_bounds = array<i64: 1, 64>}, {pipeline_mode = #tpu.pipeline_mode<synchronous>, transform_indices = @transform_6, window_bounds = array<i64: 1, 64>}, {pipeline_mode = #tpu.pipeline_mode<synchronous>, transform_indices = @transform_7, window_bounds = array<i64: 1, 64>}, {pipeline_mode = #tpu.pipeline_mode<synchronous>, transform_indices = @transform_8, window_bounds = array<i64: 64, 128>}, {pipeline_mode = #tpu.pipeline_mode<synchronous>, transform_indices = @transform_9, window_bounds = array<i64: 1, 128>}, {transform_indices = @transform_10, window_bounds = array<i64: 1, 10, 512, 128>}, {pipeline_mode = #tpu.pipeline_mode<synchronous>, transform_indices = @transform_11, window_bounds = array<i64: 2, 128>}]} {
    %eq3A = arith.constant 0 : i32
    %eq3A_0 = arith.cmpi eq, %arg0, %eq3A : i32
    %eq3A_1 = arith.constant 0 : i32
    %eq3A_2 = arith.cmpi eq, %arg1, %eq3A_1 : i32
    %and3A = arith.andi %eq3A_0, %eq3A_2 : i1
    %get3A = arith.constant 0 : index
    %get3A_3 = arith.constant 0 : index
    %get3A_4 = arith.constant 0 : index
    %get3A_5 = vector.load %arg3[%get3A, %get3A_3, %get3A_4] : memref<1x512x128xf32, #tpu.memory_space<vmem>>, vector<1x512x128xf32>
    %get3A_6 = vector.shape_cast %get3A_5 : vector<1x512x128xf32> to vector<512x128xf32>
    %get3A_7 = arith.constant 0 : index
    %get3A_8 = arith.constant 0 : index
    %get3A_9 = vector.load %arg6[%get3A_7, %get3A_8] : memref<1x64xf32, #tpu.memory_space<vmem>>, vector<1x64xf32>
    %get3A_10 = arith.constant 0 : index
    %get3A_11 = arith.constant 0 : index
    %get3A_12 = vector.load %arg7[%get3A_10, %get3A_11] : memref<1x64xf32, #tpu.memory_space<vmem>>, vector<1x64xf32>
    %get3A_13 = arith.constant 0 : index
    %get3A_14 = arith.constant 0 : index
    %get3A_15 = vector.load %arg8[%get3A_13, %get3A_14] : memref<1x64xf32, #tpu.memory_space<vmem>>, vector<1x64xf32>
    %get3A_16 = arith.constant 0 : index
    %get3A_17 = arith.constant 0 : index
    %get3A_18 = vector.load %arg9[%get3A_16, %get3A_17] : memref<1x64xf32, #tpu.memory_space<vmem>>, vector<1x64xf32>
    %broadcast_in_dim3A = arith.constant 0.000000e+00 : f32
    %broadcast_in_dim3A_19 = vector.broadcast %broadcast_in_dim3A : f32 to vector<1x128xf32>
    %broadcast_in_dim3A_20 = arith.constant 0.000000e+00 : f32
    %broadcast_in_dim3A_21 = vector.broadcast %broadcast_in_dim3A_20 : f32 to vector<1x128xf32>
    %get3A_22 = arith.constant 0 : index
    %get3A_23 = arith.constant 0 : index
    %get3A_24 = arith.constant 0 : index
    %get3A_25 = arith.constant 0 : index
    %get3A_26 = vector.load %arg2[%get3A_22, %get3A_23, %get3A_24, %get3A_25] : memref<1x10x512x128xf32, #tpu.memory_space<vmem>>, vector<1x1x512x128xf32>
    %get3A_27 = vector.shape_cast %get3A_26 : vector<1x1x512x128xf32> to vector<512x128xf32>
    %sub3A = arith.subf %get3A_27, %get3A_6 : vector<512x128xf32>
    %get3A_28 = arith.constant 0 : index
    %get3A_29 = arith.constant 0 : index
    %get3A_30 = vector.load %arg4[%get3A_28, %get3A_29] : memref<128x64xf32, #tpu.memory_space<vmem>>, vector<128x64xf32>
    %dot_general3A = arith.constant dense<0.000000e+00> : vector<512x64xf32>
    %dot_general3A_31 = tpu.matmul %sub3A, %get3A_30, %dot_general3A {dimension_numbers = #tpu.dot_dimension_numbers<[1], [0], [0], [1], [0, 0, 1, 1], [], []>, transpose_lhs_hint = false} : vector<512x128xf32>, vector<128x64xf32>, vector<512x64xf32> -> vector<512x64xf32>
    %get3A_32 = arith.constant 0 : index
    %get3A_33 = arith.constant 0 : index
    %get3A_34 = vector.load %arg5[%get3A_32, %get3A_33] : memref<1x64xf32, #tpu.memory_space<vmem>>, vector<1x64xf32>
    %add3A = vector.broadcast %get3A_34 : vector<1x64xf32> to vector<512x64xf32>
    %add3A_35 = arith.addf %dot_general3A_31, %add3A : vector<512x64xf32>
    %sub3A_36 = vector.broadcast %get3A_12 : vector<1x64xf32> to vector<512x64xf32>
    %sub3A_37 = arith.subf %add3A_35, %sub3A_36 : vector<512x64xf32>
    %mul3A = vector.broadcast %get3A_9 : vector<1x64xf32> to vector<512x64xf32>
    %mul3A_38 = arith.mulf %mul3A, %sub3A_37 : vector<512x64xf32>
    %div3A = vector.broadcast %get3A_15 : vector<1x64xf32> to vector<512x64xf32>
    %div3A_39 = arith.divf %mul3A_38, %div3A : vector<512x64xf32>
    %add3A_40 = vector.broadcast %get3A_18 : vector<1x64xf32> to vector<512x64xf32>
    %add3A_41 = arith.addf %div3A_39, %add3A_40 : vector<512x64xf32>
    %ge3A = arith.constant 0.000000e+00 : f32
    %ge3A_42 = vector.broadcast %ge3A : f32 to vector<512x64xf32>
    %ge3A_43 = arith.cmpf oge, %add3A_41, %ge3A_42 : vector<512x64xf32>
    %mul3A_44 = arith.constant 2.000000e-01 : f32
    %mul3A_45 = vector.broadcast %mul3A_44 : f32 to vector<512x64xf32>
    %mul3A_46 = arith.mulf %mul3A_45, %add3A_41 : vector<512x64xf32>
    %select_n3A = arith.select %ge3A_43, %add3A_41, %mul3A_46 : vector<512x64xi1>, vector<512x64xf32>
    %get3A_47 = arith.constant 0 : index
    %get3A_48 = arith.constant 0 : index
    %get3A_49 = vector.load %arg10[%get3A_47, %get3A_48] : memref<64x128xf32, #tpu.memory_space<vmem>>, vector<64x128xf32>
    %dot_general3A_50 = arith.constant dense<0.000000e+00> : vector<512x128xf32>
    %dot_general3A_51 = tpu.matmul %select_n3A, %get3A_49, %dot_general3A_50 {dimension_numbers = #tpu.dot_dimension_numbers<[1], [0], [0], [1], [0, 0, 1, 1], [], []>, transpose_lhs_hint = false} : vector<512x64xf32>, vector<64x128xf32>, vector<512x128xf32> -> vector<512x128xf32>
    %get3A_52 = arith.constant 0 : index
    %get3A_53 = arith.constant 0 : index
    %get3A_54 = vector.load %arg11[%get3A_52, %get3A_53] : memref<1x128xf32, #tpu.memory_space<vmem>>, vector<1x128xf32>
    %add3A_55 = vector.broadcast %get3A_54 : vector<1x128xf32> to vector<512x128xf32>
    %add3A_56 = arith.addf %dot_general3A_51, %add3A_55 : vector<512x128xf32>
    %swap3A = arith.constant 0 : index
    %swap3A_57 = arith.constant 0 : index
    %swap3A_58 = arith.constant 0 : index
    %swap3A_59 = arith.constant 0 : index
    %swap3A_60 = vector.load %arg12[%swap3A, %swap3A_57, %swap3A_58, %swap3A_59] : memref<1x10x512x128xf32, #tpu.memory_space<vmem>>, vector<1x1x512x128xf32>
    %swap3A_61 = vector.shape_cast %swap3A_60 : vector<1x1x512x128xf32> to vector<512x128xf32>
    %swap3A_62 = vector.shape_cast %add3A_56 : vector<512x128xf32> to vector<1x1x512x128xf32>
    tpu.vector_store %arg12[%swap3A, %swap3A_57, %swap3A_58, %swap3A_59], %swap3A_62 {strides = array<i32>} : memref<1x10x512x128xf32, #tpu.memory_space<vmem>>, vector<1x1x512x128xf32>,
    %reduce_sum3A = arith.constant dense<0.000000e+00> : vector<128xf32>
    %reduce_sum3A_63 = vector.multi_reduction <add>, %add3A_56, %reduce_sum3A [0] : vector<512x128xf32> to vector<128xf32>
    %broadcast_in_dim3A_64 = vector.shape_cast %reduce_sum3A_63 : vector<128xf32> to vector<1x128xf32>
    %add3A_65 = arith.addf %broadcast_in_dim3A_19, %broadcast_in_dim3A_64 : vector<1x128xf32>
    %mul3A_66 = arith.mulf %add3A_56, %add3A_56 : vector<512x128xf32>
    %reduce_sum3A_67 = arith.constant dense<0.000000e+00> : vector<128xf32>
    %reduce_sum3A_68 = vector.multi_reduction <add>, %mul3A_66, %reduce_sum3A_67 [0] : vector<512x128xf32> to vector<128xf32>
    %broadcast_in_dim3A_69 = vector.shape_cast %reduce_sum3A_68 : vector<128xf32> to vector<1x128xf32>
    %add3A_70 = arith.addf %broadcast_in_dim3A_21, %broadcast_in_dim3A_69 : vector<1x128xf32>
    %get3A_71 = arith.constant 0 : index
    %get3A_72 = arith.constant 1 : index
    %get3A_73 = arith.constant 0 : index
    %get3A_74 = arith.constant 0 : index
    %get3A_75 = vector.load %arg2[%get3A_71, %get3A_72, %get3A_73, %get3A_74] : memref<1x10x512x128xf32, #tpu.memory_space<vmem>>, vector<1x1x512x128xf32>
    %get3A_76 = vector.shape_cast %get3A_75 : vector<1x1x512x128xf32> to vector<512x128xf32>
    %sub3A_77 = arith.subf %get3A_76, %get3A_6 : vector<512x128xf32>
    %get3A_78 = arith.constant 0 : index
    %get3A_79 = arith.constant 0 : index
    %get3A_80 = vector.load %arg4[%get3A_78, %get3A_79] : memref<128x64xf32, #tpu.memory_space<vmem>>, vector<128x64xf32>
    %dot_general3A_81 = arith.constant dense<0.000000e+00> : vector<512x64xf32>
    %dot_general3A_82 = tpu.matmul %sub3A_77, %get3A_80, %dot_general3A_81 {dimension_numbers = #tpu.dot_dimension_numbers<[1], [0], [0], [1], [0, 0, 1, 1], [], []>, transpose_lhs_hint = false} : vector<512x128xf32>, vector<128x64xf32>, vector<512x64xf32> -> vector<512x64xf32>
    %get3A_83 = arith.constant 0 : index
    %get3A_84 = arith.constant 0 : index
    %get3A_85 = vector.load %arg5[%get3A_83, %get3A_84] : memref<1x64xf32, #tpu.memory_space<vmem>>, vector<1x64xf32>
    %add3A_86 = vector.broadcast %get3A_85 : vector<1x64xf32> to vector<512x64xf32>
    %add3A_87 = arith.addf %dot_general3A_82, %add3A_86 : vector<512x64xf32>
    %sub3A_88 = vector.broadcast %get3A_12 : vector<1x64xf32> to vector<512x64xf32>
    %sub3A_89 = arith.subf %add3A_87, %sub3A_88 : vector<512x64xf32>
    %mul3A_90 = vector.broadcast %get3A_9 : vector<1x64xf32> to vector<512x64xf32>
    %mul3A_91 = arith.mulf %mul3A_90, %sub3A_89 : vector<512x64xf32>
    %div3A_92 = vector.broadcast %get3A_15 : vector<1x64xf32> to vector<512x64xf32>
    %div3A_93 = arith.divf %mul3A_91, %div3A_92 : vector<512x64xf32>
    %add3A_94 = vector.broadcast %get3A_18 : vector<1x64xf32> to vector<512x64xf32>
    %add3A_95 = arith.addf %div3A_93, %add3A_94 : vector<512x64xf32>
    %ge3A_96 = arith.constant 0.000000e+00 : f32
    %ge3A_97 = vector.broadcast %ge3A_96 : f32 to vector<512x64xf32>
    %ge3A_98 = arith.cmpf oge, %add3A_95, %ge3A_97 : vector<512x64xf32>
    %mul3A_99 = arith.constant 2.000000e-01 : f32
    %mul3A_100 = vector.broadcast %mul3A_99 : f32 to vector<512x64xf32>
    %mul3A_101 = arith.mulf %mul3A_100, %add3A_95 : vector<512x64xf32>
    %select_n3A_102 = arith.select %ge3A_98, %add3A_95, %mul3A_101 : vector<512x64xi1>, vector<512x64xf32>
    %get3A_103 = arith.constant 0 : index
    %get3A_104 = arith.constant 0 : index
    %get3A_105 = vector.load %arg10[%get3A_103, %get3A_104] : memref<64x128xf32, #tpu.memory_space<vmem>>, vector<64x128xf32>
    %dot_general3A_106 = arith.constant dense<0.000000e+00> : vector<512x128xf32>
    %dot_general3A_107 = tpu.matmul %select_n3A_102, %get3A_105, %dot_general3A_106 {dimension_numbers = #tpu.dot_dimension_numbers<[1], [0], [0], [1], [0, 0, 1, 1], [], []>, transpose_lhs_hint = false} : vector<512x64xf32>, vector<64x128xf32>, vector<512x128xf32> -> vector<512x128xf32>
    %get3A_108 = arith.constant 0 : index
    %get3A_109 = arith.constant 0 : index
    %get3A_110 = vector.load %arg11[%get3A_108, %get3A_109] : memref<1x128xf32, #tpu.memory_space<vmem>>, vector<1x128xf32>
    %add3A_111 = vector.broadcast %get3A_110 : vector<1x128xf32> to vector<512x128xf32>
    %add3A_112 = arith.addf %dot_general3A_107, %add3A_111 : vector<512x128xf32>
    %swap3A_113 = arith.constant 0 : index
    %swap3A_114 = arith.constant 1 : index
    %swap3A_115 = arith.constant 0 : index
    %swap3A_116 = arith.constant 0 : index
    %swap3A_117 = vector.load %arg12[%swap3A_113, %swap3A_114, %swap3A_115, %swap3A_116] : memref<1x10x512x128xf32, #tpu.memory_space<vmem>>, vector<1x1x512x128xf32>
    %swap3A_118 = vector.shape_cast %swap3A_117 : vector<1x1x512x128xf32> to vector<512x128xf32>
    %swap3A_119 = vector.shape_cast %add3A_112 : vector<512x128xf32> to vector<1x1x512x128xf32>
    tpu.vector_store %arg12[%swap3A_113, %swap3A_114, %swap3A_115, %swap3A_116], %swap3A_119 {strides = array<i32>} : memref<1x10x512x128xf32, #tpu.memory_space<vmem>>, vector<1x1x512x128xf32>,
    %reduce_sum3A_120 = arith.constant dense<0.000000e+00> : vector<128xf32>
    %reduce_sum3A_121 = vector.multi_reduction <add>, %add3A_112, %reduce_sum3A_120 [0] : vector<512x128xf32> to vector<128xf32>
    %broadcast_in_dim3A_122 = vector.shape_cast %reduce_sum3A_121 : vector<128xf32> to vector<1x128xf32>
    %add3A_123 = arith.addf %add3A_65, %broadcast_in_dim3A_122 : vector<1x128xf32>
    %mul3A_124 = arith.mulf %add3A_112, %add3A_112 : vector<512x128xf32>
    %reduce_sum3A_125 = arith.constant dense<0.000000e+00> : vector<128xf32>
    %reduce_sum3A_126 = vector.multi_reduction <add>, %mul3A_124, %reduce_sum3A_125 [0] : vector<512x128xf32> to vector<128xf32>
    %broadcast_in_dim3A_127 = vector.shape_cast %reduce_sum3A_126 : vector<128xf32> to vector<1x128xf32>
    %add3A_128 = arith.addf %add3A_70, %broadcast_in_dim3A_127 : vector<1x128xf32>
    %get3A_129 = arith.constant 0 : index
    %get3A_130 = arith.constant 2 : index
    %get3A_131 = arith.constant 0 : index
    %get3A_132 = arith.constant 0 : index
    %get3A_133 = vector.load %arg2[%get3A_129, %get3A_130, %get3A_131, %get3A_132] : memref<1x10x512x128xf32, #tpu.memory_space<vmem>>, vector<1x1x512x128xf32>
    %get3A_134 = vector.shape_cast %get3A_133 : vector<1x1x512x128xf32> to vector<512x128xf32>
    %sub3A_135 = arith.subf %get3A_134, %get3A_6 : vector<512x128xf32>
    %get3A_136 = arith.constant 0 : index
    %get3A_137 = arith.constant 0 : index
    %get3A_138 = vector.load %arg4[%get3A_136, %get3A_137] : memref<128x64xf32, #tpu.memory_space<vmem>>, vector<128x64xf32>
    %dot_general3A_139 = arith.constant dense<0.000000e+00> : vector<512x64xf32>
    %dot_general3A_140 = tpu.matmul %sub3A_135, %get3A_138, %dot_general3A_139 {dimension_numbers = #tpu.dot_dimension_numbers<[1], [0], [0], [1], [0, 0, 1, 1], [], []>, transpose_lhs_hint = false} : vector<512x128xf32>, vector<128x64xf32>, vector<512x64xf32> -> vector<512x64xf32>
    %get3A_141 = arith.constant 0 : index
    %get3A_142 = arith.constant 0 : index
    %get3A_143 = vector.load %arg5[%get3A_141, %get3A_142] : memref<1x64xf32, #tpu.memory_space<vmem>>, vector<1x64xf32>
    %add3A_144 = vector.broadcast %get3A_143 : vector<1x64xf32> to vector<512x64xf32>
    %add3A_145 = arith.addf %dot_general3A_140, %add3A_144 : vector<512x64xf32>
    %sub3A_146 = vector.broadcast %get3A_12 : vector<1x64xf32> to vector<512x64xf32>
    %sub3A_147 = arith.subf %add3A_145, %sub3A_146 : vector<512x64xf32>
    %mul3A_148 = vector.broadcast %get3A_9 : vector<1x64xf32> to vector<512x64xf32>
    %mul3A_149 = arith.mulf %mul3A_148, %sub3A_147 : vector<512x64xf32>
    %div3A_150 = vector.broadcast %get3A_15 : vector<1x64xf32> to vector<512x64xf32>
    %div3A_151 = arith.divf %mul3A_149, %div3A_150 : vector<512x64xf32>
    %add3A_152 = vector.broadcast %get3A_18 : vector<1x64xf32> to vector<512x64xf32>
    %add3A_153 = arith.addf %div3A_151, %add3A_152 : vector<512x64xf32>
    %ge3A_154 = arith.constant 0.000000e+00 : f32
    %ge3A_155 = vector.broadcast %ge3A_154 : f32 to vector<512x64xf32>
    %ge3A_156 = arith.cmpf oge, %add3A_153, %ge3A_155 : vector<512x64xf32>
    %mul3A_157 = arith.constant 2.000000e-01 : f32
    %mul3A_158 = vector.broadcast %mul3A_157 : f32 to vector<512x64xf32>
    %mul3A_159 = arith.mulf %mul3A_158, %add3A_153 : vector<512x64xf32>
    %select_n3A_160 = arith.select %ge3A_156, %add3A_153, %mul3A_159 : vector<512x64xi1>, vector<512x64xf32>
    %get3A_161 = arith.constant 0 : index
    %get3A_162 = arith.constant 0 : index
    %get3A_163 = vector.load %arg10[%get3A_161, %get3A_162] : memref<64x128xf32, #tpu.memory_space<vmem>>, vector<64x128xf32>
    %dot_general3A_164 = arith.constant dense<0.000000e+00> : vector<512x128xf32>
    %dot_general3A_165 = tpu.matmul %select_n3A_160, %get3A_163, %dot_general3A_164 {dimension_numbers = #tpu.dot_dimension_numbers<[1], [0], [0], [1], [0, 0, 1, 1], [], []>, transpose_lhs_hint = false} : vector<512x64xf32>, vector<64x128xf32>, vector<512x128xf32> -> vector<512x128xf32>
    %get3A_166 = arith.constant 0 : index
    %get3A_167 = arith.constant 0 : index
    %get3A_168 = vector.load %arg11[%get3A_166, %get3A_167] : memref<1x128xf32, #tpu.memory_space<vmem>>, vector<1x128xf32>
    %add3A_169 = vector.broadcast %get3A_168 : vector<1x128xf32> to vector<512x128xf32>
    %add3A_170 = arith.addf %dot_general3A_165, %add3A_169 : vector<512x128xf32>
    %swap3A_171 = arith.constant 0 : index
    %swap3A_172 = arith.constant 2 : index
    %swap3A_173 = arith.constant 0 : index
    %swap3A_174 = arith.constant 0 : index
    %swap3A_175 = vector.load %arg12[%swap3A_171, %swap3A_172, %swap3A_173, %swap3A_174] : memref<1x10x512x128xf32, #tpu.memory_space<vmem>>, vector<1x1x512x128xf32>
    %swap3A_176 = vector.shape_cast %swap3A_175 : vector<1x1x512x128xf32> to vector<512x128xf32>
    %swap3A_177 = vector.shape_cast %add3A_170 : vector<512x128xf32> to vector<1x1x512x128xf32>
    tpu.vector_store %arg12[%swap3A_171, %swap3A_172, %swap3A_173, %swap3A_174], %swap3A_177 {strides = array<i32>} : memref<1x10x512x128xf32, #tpu.memory_space<vmem>>, vector<1x1x512x128xf32>,
    %reduce_sum3A_178 = arith.constant dense<0.000000e+00> : vector<128xf32>
    %reduce_sum3A_179 = vector.multi_reduction <add>, %add3A_170, %reduce_sum3A_178 [0] : vector<512x128xf32> to vector<128xf32>
    %broadcast_in_dim3A_180 = vector.shape_cast %reduce_sum3A_179 : vector<128xf32> to vector<1x128xf32>
    %add3A_181 = arith.addf %add3A_123, %broadcast_in_dim3A_180 : vector<1x128xf32>
    %mul3A_182 = arith.mulf %add3A_170, %add3A_170 : vector<512x128xf32>
    %reduce_sum3A_183 = arith.constant dense<0.000000e+00> : vector<128xf32>
    %reduce_sum3A_184 = vector.multi_reduction <add>, %mul3A_182, %reduce_sum3A_183 [0] : vector<512x128xf32> to vector<128xf32>
    %broadcast_in_dim3A_185 = vector.shape_cast %reduce_sum3A_184 : vector<128xf32> to vector<1x128xf32>
    %add3A_186 = arith.addf %add3A_128, %broadcast_in_dim3A_185 : vector<1x128xf32>
    %get3A_187 = arith.constant 0 : index
    %get3A_188 = arith.constant 3 : index
    %get3A_189 = arith.constant 0 : index
    %get3A_190 = arith.constant 0 : index
    %get3A_191 = vector.load %arg2[%get3A_187, %get3A_188, %get3A_189, %get3A_190] : memref<1x10x512x128xf32, #tpu.memory_space<vmem>>, vector<1x1x512x128xf32>
    %get3A_192 = vector.shape_cast %get3A_191 : vector<1x1x512x128xf32> to vector<512x128xf32>
    %sub3A_193 = arith.subf %get3A_192, %get3A_6 : vector<512x128xf32>
    %get3A_194 = arith.constant 0 : index
    %get3A_195 = arith.constant 0 : index
    %get3A_196 = vector.load %arg4[%get3A_194, %get3A_195] : memref<128x64xf32, #tpu.memory_space<vmem>>, vector<128x64xf32>
    %dot_general3A_197 = arith.constant dense<0.000000e+00> : vector<512x64xf32>
    %dot_general3A_198 = tpu.matmul %sub3A_193, %get3A_196, %dot_general3A_197 {dimension_numbers = #tpu.dot_dimension_numbers<[1], [0], [0], [1], [0, 0, 1, 1], [], []>, transpose_lhs_hint = false} : vector<512x128xf32>, vector<128x64xf32>, vector<512x64xf32> -> vector<512x64xf32>
    %get3A_199 = arith.constant 0 : index
    %get3A_200 = arith.constant 0 : index
    %get3A_201 = vector.load %arg5[%get3A_199, %get3A_200] : memref<1x64xf32, #tpu.memory_space<vmem>>, vector<1x64xf32>
    %add3A_202 = vector.broadcast %get3A_201 : vector<1x64xf32> to vector<512x64xf32>
    %add3A_203 = arith.addf %dot_general3A_198, %add3A_202 : vector<512x64xf32>
    %sub3A_204 = vector.broadcast %get3A_12 : vector<1x64xf32> to vector<512x64xf32>
    %sub3A_205 = arith.subf %add3A_203, %sub3A_204 : vector<512x64xf32>
    %mul3A_206 = vector.broadcast %get3A_9 : vector<1x64xf32> to vector<512x64xf32>
    %mul3A_207 = arith.mulf %mul3A_206, %sub3A_205 : vector<512x64xf32>
    %div3A_208 = vector.broadcast %get3A_15 : vector<1x64xf32> to vector<512x64xf32>
    %div3A_209 = arith.divf %mul3A_207, %div3A_208 : vector<512x64xf32>
    %add3A_210 = vector.broadcast %get3A_18 : vector<1x64xf32> to vector<512x64xf32>
    %add3A_211 = arith.addf %div3A_209, %add3A_210 : vector<512x64xf32>
    %ge3A_212 = arith.constant 0.000000e+00 : f32
    %ge3A_213 = vector.broadcast %ge3A_212 : f32 to vector<512x64xf32>
    %ge3A_214 = arith.cmpf oge, %add3A_211, %ge3A_213 : vector<512x64xf32>
    %mul3A_215 = arith.constant 2.000000e-01 : f32
    %mul3A_216 = vector.broadcast %mul3A_215 : f32 to vector<512x64xf32>
    %mul3A_217 = arith.mulf %mul3A_216, %add3A_211 : vector<512x64xf32>
    %select_n3A_218 = arith.select %ge3A_214, %add3A_211, %mul3A_217 : vector<512x64xi1>, vector<512x64xf32>
    %get3A_219 = arith.constant 0 : index
    %get3A_220 = arith.constant 0 : index
    %get3A_221 = vector.load %arg10[%get3A_219, %get3A_220] : memref<64x128xf32, #tpu.memory_space<vmem>>, vector<64x128xf32>
    %dot_general3A_222 = arith.constant dense<0.000000e+00> : vector<512x128xf32>
    %dot_general3A_223 = tpu.matmul %select_n3A_218, %get3A_221, %dot_general3A_222 {dimension_numbers = #tpu.dot_dimension_numbers<[1], [0], [0], [1], [0, 0, 1, 1], [], []>, transpose_lhs_hint = false} : vector<512x64xf32>, vector<64x128xf32>, vector<512x128xf32> -> vector<512x128xf32>
    %get3A_224 = arith.constant 0 : index
    %get3A_225 = arith.constant 0 : index
    %get3A_226 = vector.load %arg11[%get3A_224, %get3A_225] : memref<1x128xf32, #tpu.memory_space<vmem>>, vector<1x128xf32>
    %add3A_227 = vector.broadcast %get3A_226 : vector<1x128xf32> to vector<512x128xf32>
    %add3A_228 = arith.addf %dot_general3A_223, %add3A_227 : vector<512x128xf32>
    %swap3A_229 = arith.constant 0 : index
    %swap3A_230 = arith.constant 3 : index
    %swap3A_231 = arith.constant 0 : index
    %swap3A_232 = arith.constant 0 : index
    %swap3A_233 = vector.load %arg12[%swap3A_229, %swap3A_230, %swap3A_231, %swap3A_232] : memref<1x10x512x128xf32, #tpu.memory_space<vmem>>, vector<1x1x512x128xf32>
    %swap3A_234 = vector.shape_cast %swap3A_233 : vector<1x1x512x128xf32> to vector<512x128xf32>
    %swap3A_235 = vector.shape_cast %add3A_228 : vector<512x128xf32> to vector<1x1x512x128xf32>
    tpu.vector_store %arg12[%swap3A_229, %swap3A_230, %swap3A_231, %swap3A_232], %swap3A_235 {strides = array<i32>} : memref<1x10x512x128xf32, #tpu.memory_space<vmem>>, vector<1x1x512x128xf32>,
    %reduce_sum3A_236 = arith.constant dense<0.000000e+00> : vector<128xf32>
    %reduce_sum3A_237 = vector.multi_reduction <add>, %add3A_228, %reduce_sum3A_236 [0] : vector<512x128xf32> to vector<128xf32>
    %broadcast_in_dim3A_238 = vector.shape_cast %reduce_sum3A_237 : vector<128xf32> to vector<1x128xf32>
    %add3A_239 = arith.addf %add3A_181, %broadcast_in_dim3A_238 : vector<1x128xf32>
    %mul3A_240 = arith.mulf %add3A_228, %add3A_228 : vector<512x128xf32>
    %reduce_sum3A_241 = arith.constant dense<0.000000e+00> : vector<128xf32>
    %reduce_sum3A_242 = vector.multi_reduction <add>, %mul3A_240, %reduce_sum3A_241 [0] : vector<512x128xf32> to vector<128xf32>
    %broadcast_in_dim3A_243 = vector.shape_cast %reduce_sum3A_242 : vector<128xf32> to vector<1x128xf32>
    %add3A_244 = arith.addf %add3A_186, %broadcast_in_dim3A_243 : vector<1x128xf32>
    %get3A_245 = arith.constant 0 : index
    %get3A_246 = arith.constant 4 : index
    %get3A_247 = arith.constant 0 : index
    %get3A_248 = arith.constant 0 : index
    %get3A_249 = vector.load %arg2[%get3A_245, %get3A_246, %get3A_247, %get3A_248] : memref<1x10x512x128xf32, #tpu.memory_space<vmem>>, vector<1x1x512x128xf32>
    %get3A_250 = vector.shape_cast %get3A_249 : vector<1x1x512x128xf32> to vector<512x128xf32>
    %sub3A_251 = arith.subf %get3A_250, %get3A_6 : vector<512x128xf32>
    %get3A_252 = arith.constant 0 : index
    %get3A_253 = arith.constant 0 : index
    %get3A_254 = vector.load %arg4[%get3A_252, %get3A_253] : memref<128x64xf32, #tpu.memory_space<vmem>>, vector<128x64xf32>
    %dot_general3A_255 = arith.constant dense<0.000000e+00> : vector<512x64xf32>
    %dot_general3A_256 = tpu.matmul %sub3A_251, %get3A_254, %dot_general3A_255 {dimension_numbers = #tpu.dot_dimension_numbers<[1], [0], [0], [1], [0, 0, 1, 1], [], []>, transpose_lhs_hint = false} : vector<512x128xf32>, vector<128x64xf32>, vector<512x64xf32> -> vector<512x64xf32>
    %get3A_257 = arith.constant 0 : index
    %get3A_258 = arith.constant 0 : index
    %get3A_259 = vector.load %arg5[%get3A_257, %get3A_258] : memref<1x64xf32, #tpu.memory_space<vmem>>, vector<1x64xf32>
    %add3A_260 = vector.broadcast %get3A_259 : vector<1x64xf32> to vector<512x64xf32>
    %add3A_261 = arith.addf %dot_general3A_256, %add3A_260 : vector<512x64xf32>
    %sub3A_262 = vector.broadcast %get3A_12 : vector<1x64xf32> to vector<512x64xf32>
    %sub3A_263 = arith.subf %add3A_261, %sub3A_262 : vector<512x64xf32>
    %mul3A_264 = vector.broadcast %get3A_9 : vector<1x64xf32> to vector<512x64xf32>
    %mul3A_265 = arith.mulf %mul3A_264, %sub3A_263 : vector<512x64xf32>
    %div3A_266 = vector.broadcast %get3A_15 : vector<1x64xf32> to vector<512x64xf32>
    %div3A_267 = arith.divf %mul3A_265, %div3A_266 : vector<512x64xf32>
    %add3A_268 = vector.broadcast %get3A_18 : vector<1x64xf32> to vector<512x64xf32>
    %add3A_269 = arith.addf %div3A_267, %add3A_268 : vector<512x64xf32>
    %ge3A_270 = arith.constant 0.000000e+00 : f32
    %ge3A_271 = vector.broadcast %ge3A_270 : f32 to vector<512x64xf32>
    %ge3A_272 = arith.cmpf oge, %add3A_269, %ge3A_271 : vector<512x64xf32>
    %mul3A_273 = arith.constant 2.000000e-01 : f32
    %mul3A_274 = vector.broadcast %mul3A_273 : f32 to vector<512x64xf32>
    %mul3A_275 = arith.mulf %mul3A_274, %add3A_269 : vector<512x64xf32>
    %select_n3A_276 = arith.select %ge3A_272, %add3A_269, %mul3A_275 : vector<512x64xi1>, vector<512x64xf32>
    %get3A_277 = arith.constant 0 : index
    %get3A_278 = arith.constant 0 : index
    %get3A_279 = vector.load %arg10[%get3A_277, %get3A_278] : memref<64x128xf32, #tpu.memory_space<vmem>>, vector<64x128xf32>
    %dot_general3A_280 = arith.constant dense<0.000000e+00> : vector<512x128xf32>
    %dot_general3A_281 = tpu.matmul %select_n3A_276, %get3A_279, %dot_general3A_280 {dimension_numbers = #tpu.dot_dimension_numbers<[1], [0], [0], [1], [0, 0, 1, 1], [], []>, transpose_lhs_hint = false} : vector<512x64xf32>, vector<64x128xf32>, vector<512x128xf32> -> vector<512x128xf32>
    %get3A_282 = arith.constant 0 : index
    %get3A_283 = arith.constant 0 : index
    %get3A_284 = vector.load %arg11[%get3A_282, %get3A_283] : memref<1x128xf32, #tpu.memory_space<vmem>>, vector<1x128xf32>
    %add3A_285 = vector.broadcast %get3A_284 : vector<1x128xf32> to vector<512x128xf32>
    %add3A_286 = arith.addf %dot_general3A_281, %add3A_285 : vector<512x128xf32>
    %swap3A_287 = arith.constant 0 : index
    %swap3A_288 = arith.constant 4 : index
    %swap3A_289 = arith.constant 0 : index
    %swap3A_290 = arith.constant 0 : index
    %swap3A_291 = vector.load %arg12[%swap3A_287, %swap3A_288, %swap3A_289, %swap3A_290] : memref<1x10x512x128xf32, #tpu.memory_space<vmem>>, vector<1x1x512x128xf32>
    %swap3A_292 = vector.shape_cast %swap3A_291 : vector<1x1x512x128xf32> to vector<512x128xf32>
    %swap3A_293 = vector.shape_cast %add3A_286 : vector<512x128xf32> to vector<1x1x512x128xf32>
    tpu.vector_store %arg12[%swap3A_287, %swap3A_288, %swap3A_289, %swap3A_290], %swap3A_293 {strides = array<i32>} : memref<1x10x512x128xf32, #tpu.memory_space<vmem>>, vector<1x1x512x128xf32>,
    %reduce_sum3A_294 = arith.constant dense<0.000000e+00> : vector<128xf32>
    %reduce_sum3A_295 = vector.multi_reduction <add>, %add3A_286, %reduce_sum3A_294 [0] : vector<512x128xf32> to vector<128xf32>
    %broadcast_in_dim3A_296 = vector.shape_cast %reduce_sum3A_295 : vector<128xf32> to vector<1x128xf32>
    %add3A_297 = arith.addf %add3A_239, %broadcast_in_dim3A_296 : vector<1x128xf32>
    %mul3A_298 = arith.mulf %add3A_286, %add3A_286 : vector<512x128xf32>
    %reduce_sum3A_299 = arith.constant dense<0.000000e+00> : vector<128xf32>
    %reduce_sum3A_300 = vector.multi_reduction <add>, %mul3A_298, %reduce_sum3A_299 [0] : vector<512x128xf32> to vector<128xf32>
    %broadcast_in_dim3A_301 = vector.shape_cast %reduce_sum3A_300 : vector<128xf32> to vector<1x128xf32>
    %add3A_302 = arith.addf %add3A_244, %broadcast_in_dim3A_301 : vector<1x128xf32>
    %get3A_303 = arith.constant 0 : index
    %get3A_304 = arith.constant 5 : index
    %get3A_305 = arith.constant 0 : index
    %get3A_306 = arith.constant 0 : index
    %get3A_307 = vector.load %arg2[%get3A_303, %get3A_304, %get3A_305, %get3A_306] : memref<1x10x512x128xf32, #tpu.memory_space<vmem>>, vector<1x1x512x128xf32>
    %get3A_308 = vector.shape_cast %get3A_307 : vector<1x1x512x128xf32> to vector<512x128xf32>
    %sub3A_309 = arith.subf %get3A_308, %get3A_6 : vector<512x128xf32>
    %get3A_310 = arith.constant 0 : index
    %get3A_311 = arith.constant 0 : index
    %get3A_312 = vector.load %arg4[%get3A_310, %get3A_311] : memref<128x64xf32, #tpu.memory_space<vmem>>, vector<128x64xf32>
    %dot_general3A_313 = arith.constant dense<0.000000e+00> : vector<512x64xf32>
    %dot_general3A_314 = tpu.matmul %sub3A_309, %get3A_312, %dot_general3A_313 {dimension_numbers = #tpu.dot_dimension_numbers<[1], [0], [0], [1], [0, 0, 1, 1], [], []>, transpose_lhs_hint = false} : vector<512x128xf32>, vector<128x64xf32>, vector<512x64xf32> -> vector<512x64xf32>
    %get3A_315 = arith.constant 0 : index
    %get3A_316 = arith.constant 0 : index
    %get3A_317 = vector.load %arg5[%get3A_315, %get3A_316] : memref<1x64xf32, #tpu.memory_space<vmem>>, vector<1x64xf32>
    %add3A_318 = vector.broadcast %get3A_317 : vector<1x64xf32> to vector<512x64xf32>
    %add3A_319 = arith.addf %dot_general3A_314, %add3A_318 : vector<512x64xf32>
    %sub3A_320 = vector.broadcast %get3A_12 : vector<1x64xf32> to vector<512x64xf32>
    %sub3A_321 = arith.subf %add3A_319, %sub3A_320 : vector<512x64xf32>
    %mul3A_322 = vector.broadcast %get3A_9 : vector<1x64xf32> to vector<512x64xf32>
    %mul3A_323 = arith.mulf %mul3A_322, %sub3A_321 : vector<512x64xf32>
    %div3A_324 = vector.broadcast %get3A_15 : vector<1x64xf32> to vector<512x64xf32>
    %div3A_325 = arith.divf %mul3A_323, %div3A_324 : vector<512x64xf32>
    %add3A_326 = vector.broadcast %get3A_18 : vector<1x64xf32> to vector<512x64xf32>
    %add3A_327 = arith.addf %div3A_325, %add3A_326 : vector<512x64xf32>
    %ge3A_328 = arith.constant 0.000000e+00 : f32
    %ge3A_329 = vector.broadcast %ge3A_328 : f32 to vector<512x64xf32>
    %ge3A_330 = arith.cmpf oge, %add3A_327, %ge3A_329 : vector<512x64xf32>
    %mul3A_331 = arith.constant 2.000000e-01 : f32
    %mul3A_332 = vector.broadcast %mul3A_331 : f32 to vector<512x64xf32>
    %mul3A_333 = arith.mulf %mul3A_332, %add3A_327 : vector<512x64xf32>
    %select_n3A_334 = arith.select %ge3A_330, %add3A_327, %mul3A_333 : vector<512x64xi1>, vector<512x64xf32>
    %get3A_335 = arith.constant 0 : index
    %get3A_336 = arith.constant 0 : index
    %get3A_337 = vector.load %arg10[%get3A_335, %get3A_336] : memref<64x128xf32, #tpu.memory_space<vmem>>, vector<64x128xf32>
    %dot_general3A_338 = arith.constant dense<0.000000e+00> : vector<512x128xf32>
    %dot_general3A_339 = tpu.matmul %select_n3A_334, %get3A_337, %dot_general3A_338 {dimension_numbers = #tpu.dot_dimension_numbers<[1], [0], [0], [1], [0, 0, 1, 1], [], []>, transpose_lhs_hint = false} : vector<512x64xf32>, vector<64x128xf32>, vector<512x128xf32> -> vector<512x128xf32>
    %get3A_340 = arith.constant 0 : index
    %get3A_341 = arith.constant 0 : index
    %get3A_342 = vector.load %arg11[%get3A_340, %get3A_341] : memref<1x128xf32, #tpu.memory_space<vmem>>, vector<1x128xf32>
    %add3A_343 = vector.broadcast %get3A_342 : vector<1x128xf32> to vector<512x128xf32>
    %add3A_344 = arith.addf %dot_general3A_339, %add3A_343 : vector<512x128xf32>
    %swap3A_345 = arith.constant 0 : index
    %swap3A_346 = arith.constant 5 : index
    %swap3A_347 = arith.constant 0 : index
    %swap3A_348 = arith.constant 0 : index
    %swap3A_349 = vector.load %arg12[%swap3A_345, %swap3A_346, %swap3A_347, %swap3A_348] : memref<1x10x512x128xf32, #tpu.memory_space<vmem>>, vector<1x1x512x128xf32>
    %swap3A_350 = vector.shape_cast %swap3A_349 : vector<1x1x512x128xf32> to vector<512x128xf32>
    %swap3A_351 = vector.shape_cast %add3A_344 : vector<512x128xf32> to vector<1x1x512x128xf32>
    tpu.vector_store %arg12[%swap3A_345, %swap3A_346, %swap3A_347, %swap3A_348], %swap3A_351 {strides = array<i32>} : memref<1x10x512x128xf32, #tpu.memory_space<vmem>>, vector<1x1x512x128xf32>,
    %reduce_sum3A_352 = arith.constant dense<0.000000e+00> : vector<128xf32>
    %reduce_sum3A_353 = vector.multi_reduction <add>, %add3A_344, %reduce_sum3A_352 [0] : vector<512x128xf32> to vector<128xf32>
    %broadcast_in_dim3A_354 = vector.shape_cast %reduce_sum3A_353 : vector<128xf32> to vector<1x128xf32>
    %add3A_355 = arith.addf %add3A_297, %broadcast_in_dim3A_354 : vector<1x128xf32>
    %mul3A_356 = arith.mulf %add3A_344, %add3A_344 : vector<512x128xf32>
    %reduce_sum3A_357 = arith.constant dense<0.000000e+00> : vector<128xf32>
    %reduce_sum3A_358 = vector.multi_reduction <add>, %mul3A_356, %reduce_sum3A_357 [0] : vector<512x128xf32> to vector<128xf32>
    %broadcast_in_dim3A_359 = vector.shape_cast %reduce_sum3A_358 : vector<128xf32> to vector<1x128xf32>
    %add3A_360 = arith.addf %add3A_302, %broadcast_in_dim3A_359 : vector<1x128xf32>
    %get3A_361 = arith.constant 0 : index
    %get3A_362 = arith.constant 6 : index
    %get3A_363 = arith.constant 0 : index
    %get3A_364 = arith.constant 0 : index
    %get3A_365 = vector.load %arg2[%get3A_361, %get3A_362, %get3A_363, %get3A_364] : memref<1x10x512x128xf32, #tpu.memory_space<vmem>>, vector<1x1x512x128xf32>
    %get3A_366 = vector.shape_cast %get3A_365 : vector<1x1x512x128xf32> to vector<512x128xf32>
    %sub3A_367 = arith.subf %get3A_366, %get3A_6 : vector<512x128xf32>
    %get3A_368 = arith.constant 0 : index
    %get3A_369 = arith.constant 0 : index
    %get3A_370 = vector.load %arg4[%get3A_368, %get3A_369] : memref<128x64xf32, #tpu.memory_space<vmem>>, vector<128x64xf32>
    %dot_general3A_371 = arith.constant dense<0.000000e+00> : vector<512x64xf32>
    %dot_general3A_372 = tpu.matmul %sub3A_367, %get3A_370, %dot_general3A_371 {dimension_numbers = #tpu.dot_dimension_numbers<[1], [0], [0], [1], [0, 0, 1, 1], [], []>, transpose_lhs_hint = false} : vector<512x128xf32>, vector<128x64xf32>, vector<512x64xf32> -> vector<512x64xf32>
    %get3A_373 = arith.constant 0 : index
    %get3A_374 = arith.constant 0 : index
    %get3A_375 = vector.load %arg5[%get3A_373, %get3A_374] : memref<1x64xf32, #tpu.memory_space<vmem>>, vector<1x64xf32>
    %add3A_376 = vector.broadcast %get3A_375 : vector<1x64xf32> to vector<512x64xf32>
    %add3A_377 = arith.addf %dot_general3A_372, %add3A_376 : vector<512x64xf32>
    %sub3A_378 = vector.broadcast %get3A_12 : vector<1x64xf32> to vector<512x64xf32>
    %sub3A_379 = arith.subf %add3A_377, %sub3A_378 : vector<512x64xf32>
    %mul3A_380 = vector.broadcast %get3A_9 : vector<1x64xf32> to vector<512x64xf32>
    %mul3A_381 = arith.mulf %mul3A_380, %sub3A_379 : vector<512x64xf32>
    %div3A_382 = vector.broadcast %get3A_15 : vector<1x64xf32> to vector<512x64xf32>
    %div3A_383 = arith.divf %mul3A_381, %div3A_382 : vector<512x64xf32>
    %add3A_384 = vector.broadcast %get3A_18 : vector<1x64xf32> to vector<512x64xf32>
    %add3A_385 = arith.addf %div3A_383, %add3A_384 : vector<512x64xf32>
    %ge3A_386 = arith.constant 0.000000e+00 : f32
    %ge3A_387 = vector.broadcast %ge3A_386 : f32 to vector<512x64xf32>
    %ge3A_388 = arith.cmpf oge, %add3A_385, %ge3A_387 : vector<512x64xf32>
    %mul3A_389 = arith.constant 2.000000e-01 : f32
    %mul3A_390 = vector.broadcast %mul3A_389 : f32 to vector<512x64xf32>
    %mul3A_391 = arith.mulf %mul3A_390, %add3A_385 : vector<512x64xf32>
    %select_n3A_392 = arith.select %ge3A_388, %add3A_385, %mul3A_391 : vector<512x64xi1>, vector<512x64xf32>
    %get3A_393 = arith.constant 0 : index
    %get3A_394 = arith.constant 0 : index
    %get3A_395 = vector.load %arg10[%get3A_393, %get3A_394] : memref<64x128xf32, #tpu.memory_space<vmem>>, vector<64x128xf32>
    %dot_general3A_396 = arith.constant dense<0.000000e+00> : vector<512x128xf32>
    %dot_general3A_397 = tpu.matmul %select_n3A_392, %get3A_395, %dot_general3A_396 {dimension_numbers = #tpu.dot_dimension_numbers<[1], [0], [0], [1], [0, 0, 1, 1], [], []>, transpose_lhs_hint = false} : vector<512x64xf32>, vector<64x128xf32>, vector<512x128xf32> -> vector<512x128xf32>
    %get3A_398 = arith.constant 0 : index
    %get3A_399 = arith.constant 0 : index
    %get3A_400 = vector.load %arg11[%get3A_398, %get3A_399] : memref<1x128xf32, #tpu.memory_space<vmem>>, vector<1x128xf32>
    %add3A_401 = vector.broadcast %get3A_400 : vector<1x128xf32> to vector<512x128xf32>
    %add3A_402 = arith.addf %dot_general3A_397, %add3A_401 : vector<512x128xf32>
    %swap3A_403 = arith.constant 0 : index
    %swap3A_404 = arith.constant 6 : index
    %swap3A_405 = arith.constant 0 : index
    %swap3A_406 = arith.constant 0 : index
    %swap3A_407 = vector.load %arg12[%swap3A_403, %swap3A_404, %swap3A_405, %swap3A_406] : memref<1x10x512x128xf32, #tpu.memory_space<vmem>>, vector<1x1x512x128xf32>
    %swap3A_408 = vector.shape_cast %swap3A_407 : vector<1x1x512x128xf32> to vector<512x128xf32>
    %swap3A_409 = vector.shape_cast %add3A_402 : vector<512x128xf32> to vector<1x1x512x128xf32>
    tpu.vector_store %arg12[%swap3A_403, %swap3A_404, %swap3A_405, %swap3A_406], %swap3A_409 {strides = array<i32>} : memref<1x10x512x128xf32, #tpu.memory_space<vmem>>, vector<1x1x512x128xf32>,
    %reduce_sum3A_410 = arith.constant dense<0.000000e+00> : vector<128xf32>
    %reduce_sum3A_411 = vector.multi_reduction <add>, %add3A_402, %reduce_sum3A_410 [0] : vector<512x128xf32> to vector<128xf32>
    %broadcast_in_dim3A_412 = vector.shape_cast %reduce_sum3A_411 : vector<128xf32> to vector<1x128xf32>
    %add3A_413 = arith.addf %add3A_355, %broadcast_in_dim3A_412 : vector<1x128xf32>
    %mul3A_414 = arith.mulf %add3A_402, %add3A_402 : vector<512x128xf32>
    %reduce_sum3A_415 = arith.constant dense<0.000000e+00> : vector<128xf32>
    %reduce_sum3A_416 = vector.multi_reduction <add>, %mul3A_414, %reduce_sum3A_415 [0] : vector<512x128xf32> to vector<128xf32>
    %broadcast_in_dim3A_417 = vector.shape_cast %reduce_sum3A_416 : vector<128xf32> to vector<1x128xf32>
    %add3A_418 = arith.addf %add3A_360, %broadcast_in_dim3A_417 : vector<1x128xf32>
    %get3A_419 = arith.constant 0 : index
    %get3A_420 = arith.constant 7 : index
    %get3A_421 = arith.constant 0 : index
    %get3A_422 = arith.constant 0 : index
    %get3A_423 = vector.load %arg2[%get3A_419, %get3A_420, %get3A_421, %get3A_422] : memref<1x10x512x128xf32, #tpu.memory_space<vmem>>, vector<1x1x512x128xf32>
    %get3A_424 = vector.shape_cast %get3A_423 : vector<1x1x512x128xf32> to vector<512x128xf32>
    %sub3A_425 = arith.subf %get3A_424, %get3A_6 : vector<512x128xf32>
    %get3A_426 = arith.constant 0 : index
    %get3A_427 = arith.constant 0 : index
    %get3A_428 = vector.load %arg4[%get3A_426, %get3A_427] : memref<128x64xf32, #tpu.memory_space<vmem>>, vector<128x64xf32>
    %dot_general3A_429 = arith.constant dense<0.000000e+00> : vector<512x64xf32>
    %dot_general3A_430 = tpu.matmul %sub3A_425, %get3A_428, %dot_general3A_429 {dimension_numbers = #tpu.dot_dimension_numbers<[1], [0], [0], [1], [0, 0, 1, 1], [], []>, transpose_lhs_hint = false} : vector<512x128xf32>, vector<128x64xf32>, vector<512x64xf32> -> vector<512x64xf32>
    %get3A_431 = arith.constant 0 : index
    %get3A_432 = arith.constant 0 : index
    %get3A_433 = vector.load %arg5[%get3A_431, %get3A_432] : memref<1x64xf32, #tpu.memory_space<vmem>>, vector<1x64xf32>
    %add3A_434 = vector.broadcast %get3A_433 : vector<1x64xf32> to vector<512x64xf32>
    %add3A_435 = arith.addf %dot_general3A_430, %add3A_434 : vector<512x64xf32>
    %sub3A_436 = vector.broadcast %get3A_12 : vector<1x64xf32> to vector<512x64xf32>
    %sub3A_437 = arith.subf %add3A_435, %sub3A_436 : vector<512x64xf32>
    %mul3A_438 = vector.broadcast %get3A_9 : vector<1x64xf32> to vector<512x64xf32>
    %mul3A_439 = arith.mulf %mul3A_438, %sub3A_437 : vector<512x64xf32>
    %div3A_440 = vector.broadcast %get3A_15 : vector<1x64xf32> to vector<512x64xf32>
    %div3A_441 = arith.divf %mul3A_439, %div3A_440 : vector<512x64xf32>
    %add3A_442 = vector.broadcast %get3A_18 : vector<1x64xf32> to vector<512x64xf32>
    %add3A_443 = arith.addf %div3A_441, %add3A_442 : vector<512x64xf32>
    %ge3A_444 = arith.constant 0.000000e+00 : f32
    %ge3A_445 = vector.broadcast %ge3A_444 : f32 to vector<512x64xf32>
    %ge3A_446 = arith.cmpf oge, %add3A_443, %ge3A_445 : vector<512x64xf32>
    %mul3A_447 = arith.constant 2.000000e-01 : f32
    %mul3A_448 = vector.broadcast %mul3A_447 : f32 to vector<512x64xf32>
    %mul3A_449 = arith.mulf %mul3A_448, %add3A_443 : vector<512x64xf32>
    %select_n3A_450 = arith.select %ge3A_446, %add3A_443, %mul3A_449 : vector<512x64xi1>, vector<512x64xf32>
    %get3A_451 = arith.constant 0 : index
    %get3A_452 = arith.constant 0 : index
    %get3A_453 = vector.load %arg10[%get3A_451, %get3A_452] : memref<64x128xf32, #tpu.memory_space<vmem>>, vector<64x128xf32>
    %dot_general3A_454 = arith.constant dense<0.000000e+00> : vector<512x128xf32>
    %dot_general3A_455 = tpu.matmul %select_n3A_450, %get3A_453, %dot_general3A_454 {dimension_numbers = #tpu.dot_dimension_numbers<[1], [0], [0], [1], [0, 0, 1, 1], [], []>, transpose_lhs_hint = false} : vector<512x64xf32>, vector<64x128xf32>, vector<512x128xf32> -> vector<512x128xf32>
    %get3A_456 = arith.constant 0 : index
    %get3A_457 = arith.constant 0 : index
    %get3A_458 = vector.load %arg11[%get3A_456, %get3A_457] : memref<1x128xf32, #tpu.memory_space<vmem>>, vector<1x128xf32>
    %add3A_459 = vector.broadcast %get3A_458 : vector<1x128xf32> to vector<512x128xf32>
    %add3A_460 = arith.addf %dot_general3A_455, %add3A_459 : vector<512x128xf32>
    %swap3A_461 = arith.constant 0 : index
    %swap3A_462 = arith.constant 7 : index
    %swap3A_463 = arith.constant 0 : index
    %swap3A_464 = arith.constant 0 : index
    %swap3A_465 = vector.load %arg12[%swap3A_461, %swap3A_462, %swap3A_463, %swap3A_464] : memref<1x10x512x128xf32, #tpu.memory_space<vmem>>, vector<1x1x512x128xf32>
    %swap3A_466 = vector.shape_cast %swap3A_465 : vector<1x1x512x128xf32> to vector<512x128xf32>
    %swap3A_467 = vector.shape_cast %add3A_460 : vector<512x128xf32> to vector<1x1x512x128xf32>
    tpu.vector_store %arg12[%swap3A_461, %swap3A_462, %swap3A_463, %swap3A_464], %swap3A_467 {strides = array<i32>} : memref<1x10x512x128xf32, #tpu.memory_space<vmem>>, vector<1x1x512x128xf32>,
    %reduce_sum3A_468 = arith.constant dense<0.000000e+00> : vector<128xf32>
    %reduce_sum3A_469 = vector.multi_reduction <add>, %add3A_460, %reduce_sum3A_468 [0] : vector<512x128xf32> to vector<128xf32>
    %broadcast_in_dim3A_470 = vector.shape_cast %reduce_sum3A_469 : vector<128xf32> to vector<1x128xf32>
    %add3A_471 = arith.addf %add3A_413, %broadcast_in_dim3A_470 : vector<1x128xf32>
    %mul3A_472 = arith.mulf %add3A_460, %add3A_460 : vector<512x128xf32>
    %reduce_sum3A_473 = arith.constant dense<0.000000e+00> : vector<128xf32>
    %reduce_sum3A_474 = vector.multi_reduction <add>, %mul3A_472, %reduce_sum3A_473 [0] : vector<512x128xf32> to vector<128xf32>
    %broadcast_in_dim3A_475 = vector.shape_cast %reduce_sum3A_474 : vector<128xf32> to vector<1x128xf32>
    %add3A_476 = arith.addf %add3A_418, %broadcast_in_dim3A_475 : vector<1x128xf32>
    %get3A_477 = arith.constant 0 : index
    %get3A_478 = arith.constant 8 : index
    %get3A_479 = arith.constant 0 : index
    %get3A_480 = arith.constant 0 : index
    %get3A_481 = vector.load %arg2[%get3A_477, %get3A_478, %get3A_479, %get3A_480] : memref<1x10x512x128xf32, #tpu.memory_space<vmem>>, vector<1x1x512x128xf32>
    %get3A_482 = vector.shape_cast %get3A_481 : vector<1x1x512x128xf32> to vector<512x128xf32>
    %sub3A_483 = arith.subf %get3A_482, %get3A_6 : vector<512x128xf32>
    %get3A_484 = arith.constant 0 : index
    %get3A_485 = arith.constant 0 : index
    %get3A_486 = vector.load %arg4[%get3A_484, %get3A_485] : memref<128x64xf32, #tpu.memory_space<vmem>>, vector<128x64xf32>
    %dot_general3A_487 = arith.constant dense<0.000000e+00> : vector<512x64xf32>
    %dot_general3A_488 = tpu.matmul %sub3A_483, %get3A_486, %dot_general3A_487 {dimension_numbers = #tpu.dot_dimension_numbers<[1], [0], [0], [1], [0, 0, 1, 1], [], []>, transpose_lhs_hint = false} : vector<512x128xf32>, vector<128x64xf32>, vector<512x64xf32> -> vector<512x64xf32>
    %get3A_489 = arith.constant 0 : index
    %get3A_490 = arith.constant 0 : index
    %get3A_491 = vector.load %arg5[%get3A_489, %get3A_490] : memref<1x64xf32, #tpu.memory_space<vmem>>, vector<1x64xf32>
    %add3A_492 = vector.broadcast %get3A_491 : vector<1x64xf32> to vector<512x64xf32>
    %add3A_493 = arith.addf %dot_general3A_488, %add3A_492 : vector<512x64xf32>
    %sub3A_494 = vector.broadcast %get3A_12 : vector<1x64xf32> to vector<512x64xf32>
    %sub3A_495 = arith.subf %add3A_493, %sub3A_494 : vector<512x64xf32>
    %mul3A_496 = vector.broadcast %get3A_9 : vector<1x64xf32> to vector<512x64xf32>
    %mul3A_497 = arith.mulf %mul3A_496, %sub3A_495 : vector<512x64xf32>
    %div3A_498 = vector.broadcast %get3A_15 : vector<1x64xf32> to vector<512x64xf32>
    %div3A_499 = arith.divf %mul3A_497, %div3A_498 : vector<512x64xf32>
    %add3A_500 = vector.broadcast %get3A_18 : vector<1x64xf32> to vector<512x64xf32>
    %add3A_501 = arith.addf %div3A_499, %add3A_500 : vector<512x64xf32>
    %ge3A_502 = arith.constant 0.000000e+00 : f32
    %ge3A_503 = vector.broadcast %ge3A_502 : f32 to vector<512x64xf32>
    %ge3A_504 = arith.cmpf oge, %add3A_501, %ge3A_503 : vector<512x64xf32>
    %mul3A_505 = arith.constant 2.000000e-01 : f32
    %mul3A_506 = vector.broadcast %mul3A_505 : f32 to vector<512x64xf32>
    %mul3A_507 = arith.mulf %mul3A_506, %add3A_501 : vector<512x64xf32>
    %select_n3A_508 = arith.select %ge3A_504, %add3A_501, %mul3A_507 : vector<512x64xi1>, vector<512x64xf32>
    %get3A_509 = arith.constant 0 : index
    %get3A_510 = arith.constant 0 : index
    %get3A_511 = vector.load %arg10[%get3A_509, %get3A_510] : memref<64x128xf32, #tpu.memory_space<vmem>>, vector<64x128xf32>
    %dot_general3A_512 = arith.constant dense<0.000000e+00> : vector<512x128xf32>
    %dot_general3A_513 = tpu.matmul %select_n3A_508, %get3A_511, %dot_general3A_512 {dimension_numbers = #tpu.dot_dimension_numbers<[1], [0], [0], [1], [0, 0, 1, 1], [], []>, transpose_lhs_hint = false} : vector<512x64xf32>, vector<64x128xf32>, vector<512x128xf32> -> vector<512x128xf32>
    %get3A_514 = arith.constant 0 : index
    %get3A_515 = arith.constant 0 : index
    %get3A_516 = vector.load %arg11[%get3A_514, %get3A_515] : memref<1x128xf32, #tpu.memory_space<vmem>>, vector<1x128xf32>
    %add3A_517 = vector.broadcast %get3A_516 : vector<1x128xf32> to vector<512x128xf32>
    %add3A_518 = arith.addf %dot_general3A_513, %add3A_517 : vector<512x128xf32>
    %swap3A_519 = arith.constant 0 : index
    %swap3A_520 = arith.constant 8 : index
    %swap3A_521 = arith.constant 0 : index
    %swap3A_522 = arith.constant 0 : index
    %swap3A_523 = vector.load %arg12[%swap3A_519, %swap3A_520, %swap3A_521, %swap3A_522] : memref<1x10x512x128xf32, #tpu.memory_space<vmem>>, vector<1x1x512x128xf32>
    %swap3A_524 = vector.shape_cast %swap3A_523 : vector<1x1x512x128xf32> to vector<512x128xf32>
    %swap3A_525 = vector.shape_cast %add3A_518 : vector<512x128xf32> to vector<1x1x512x128xf32>
    tpu.vector_store %arg12[%swap3A_519, %swap3A_520, %swap3A_521, %swap3A_522], %swap3A_525 {strides = array<i32>} : memref<1x10x512x128xf32, #tpu.memory_space<vmem>>, vector<1x1x512x128xf32>,
    %reduce_sum3A_526 = arith.constant dense<0.000000e+00> : vector<128xf32>
    %reduce_sum3A_527 = vector.multi_reduction <add>, %add3A_518, %reduce_sum3A_526 [0] : vector<512x128xf32> to vector<128xf32>
    %broadcast_in_dim3A_528 = vector.shape_cast %reduce_sum3A_527 : vector<128xf32> to vector<1x128xf32>
    %add3A_529 = arith.addf %add3A_471, %broadcast_in_dim3A_528 : vector<1x128xf32>
    %mul3A_530 = arith.mulf %add3A_518, %add3A_518 : vector<512x128xf32>
    %reduce_sum3A_531 = arith.constant dense<0.000000e+00> : vector<128xf32>
    %reduce_sum3A_532 = vector.multi_reduction <add>, %mul3A_530, %reduce_sum3A_531 [0] : vector<512x128xf32> to vector<128xf32>
    %broadcast_in_dim3A_533 = vector.shape_cast %reduce_sum3A_532 : vector<128xf32> to vector<1x128xf32>
    %add3A_534 = arith.addf %add3A_476, %broadcast_in_dim3A_533 : vector<1x128xf32>
    %get3A_535 = arith.constant 0 : index
    %get3A_536 = arith.constant 9 : index
    %get3A_537 = arith.constant 0 : index
    %get3A_538 = arith.constant 0 : index
    %get3A_539 = vector.load %arg2[%get3A_535, %get3A_536, %get3A_537, %get3A_538] : memref<1x10x512x128xf32, #tpu.memory_space<vmem>>, vector<1x1x512x128xf32>
    %get3A_540 = vector.shape_cast %get3A_539 : vector<1x1x512x128xf32> to vector<512x128xf32>
    %sub3A_541 = arith.subf %get3A_540, %get3A_6 : vector<512x128xf32>
    %get3A_542 = arith.constant 0 : index
    %get3A_543 = arith.constant 0 : index
    %get3A_544 = vector.load %arg4[%get3A_542, %get3A_543] : memref<128x64xf32, #tpu.memory_space<vmem>>, vector<128x64xf32>
    %dot_general3A_545 = arith.constant dense<0.000000e+00> : vector<512x64xf32>
    %dot_general3A_546 = tpu.matmul %sub3A_541, %get3A_544, %dot_general3A_545 {dimension_numbers = #tpu.dot_dimension_numbers<[1], [0], [0], [1], [0, 0, 1, 1], [], []>, transpose_lhs_hint = false} : vector<512x128xf32>, vector<128x64xf32>, vector<512x64xf32> -> vector<512x64xf32>
    %get3A_547 = arith.constant 0 : index
    %get3A_548 = arith.constant 0 : index
    %get3A_549 = vector.load %arg5[%get3A_547, %get3A_548] : memref<1x64xf32, #tpu.memory_space<vmem>>, vector<1x64xf32>
    %add3A_550 = vector.broadcast %get3A_549 : vector<1x64xf32> to vector<512x64xf32>
    %add3A_551 = arith.addf %dot_general3A_546, %add3A_550 : vector<512x64xf32>
    %sub3A_552 = vector.broadcast %get3A_12 : vector<1x64xf32> to vector<512x64xf32>
    %sub3A_553 = arith.subf %add3A_551, %sub3A_552 : vector<512x64xf32>
    %mul3A_554 = vector.broadcast %get3A_9 : vector<1x64xf32> to vector<512x64xf32>
    %mul3A_555 = arith.mulf %mul3A_554, %sub3A_553 : vector<512x64xf32>
    %div3A_556 = vector.broadcast %get3A_15 : vector<1x64xf32> to vector<512x64xf32>
    %div3A_557 = arith.divf %mul3A_555, %div3A_556 : vector<512x64xf32>
    %add3A_558 = vector.broadcast %get3A_18 : vector<1x64xf32> to vector<512x64xf32>
    %add3A_559 = arith.addf %div3A_557, %add3A_558 : vector<512x64xf32>
    %ge3A_560 = arith.constant 0.000000e+00 : f32
    %ge3A_561 = vector.broadcast %ge3A_560 : f32 to vector<512x64xf32>
    %ge3A_562 = arith.cmpf oge, %add3A_559, %ge3A_561 : vector<512x64xf32>
    %mul3A_563 = arith.constant 2.000000e-01 : f32
    %mul3A_564 = vector.broadcast %mul3A_563 : f32 to vector<512x64xf32>
    %mul3A_565 = arith.mulf %mul3A_564, %add3A_559 : vector<512x64xf32>
    %select_n3A_566 = arith.select %ge3A_562, %add3A_559, %mul3A_565 : vector<512x64xi1>, vector<512x64xf32>
    %get3A_567 = arith.constant 0 : index
    %get3A_568 = arith.constant 0 : index
    %get3A_569 = vector.load %arg10[%get3A_567, %get3A_568] : memref<64x128xf32, #tpu.memory_space<vmem>>, vector<64x128xf32>
    %dot_general3A_570 = arith.constant dense<0.000000e+00> : vector<512x128xf32>
    %dot_general3A_571 = tpu.matmul %select_n3A_566, %get3A_569, %dot_general3A_570 {dimension_numbers = #tpu.dot_dimension_numbers<[1], [0], [0], [1], [0, 0, 1, 1], [], []>, transpose_lhs_hint = false} : vector<512x64xf32>, vector<64x128xf32>, vector<512x128xf32> -> vector<512x128xf32>
    %get3A_572 = arith.constant 0 : index
    %get3A_573 = arith.constant 0 : index
    %get3A_574 = vector.load %arg11[%get3A_572, %get3A_573] : memref<1x128xf32, #tpu.memory_space<vmem>>, vector<1x128xf32>
    %add3A_575 = vector.broadcast %get3A_574 : vector<1x128xf32> to vector<512x128xf32>
    %add3A_576 = arith.addf %dot_general3A_571, %add3A_575 : vector<512x128xf32>
    %swap3A_577 = arith.constant 0 : index
    %swap3A_578 = arith.constant 9 : index
    %swap3A_579 = arith.constant 0 : index
    %swap3A_580 = arith.constant 0 : index
    %swap3A_581 = vector.load %arg12[%swap3A_577, %swap3A_578, %swap3A_579, %swap3A_580] : memref<1x10x512x128xf32, #tpu.memory_space<vmem>>, vector<1x1x512x128xf32>
    %swap3A_582 = vector.shape_cast %swap3A_581 : vector<1x1x512x128xf32> to vector<512x128xf32>
    %swap3A_583 = vector.shape_cast %add3A_576 : vector<512x128xf32> to vector<1x1x512x128xf32>
    tpu.vector_store %arg12[%swap3A_577, %swap3A_578, %swap3A_579, %swap3A_580], %swap3A_583 {strides = array<i32>} : memref<1x10x512x128xf32, #tpu.memory_space<vmem>>, vector<1x1x512x128xf32>,
    %reduce_sum3A_584 = arith.constant dense<0.000000e+00> : vector<128xf32>
    %reduce_sum3A_585 = vector.multi_reduction <add>, %add3A_576, %reduce_sum3A_584 [0] : vector<512x128xf32> to vector<128xf32>
    %broadcast_in_dim3A_586 = vector.shape_cast %reduce_sum3A_585 : vector<128xf32> to vector<1x128xf32>
    %add3A_587 = arith.addf %add3A_529, %broadcast_in_dim3A_586 : vector<1x128xf32>
    %mul3A_588 = arith.mulf %add3A_576, %add3A_576 : vector<512x128xf32>
    %reduce_sum3A_589 = arith.constant dense<0.000000e+00> : vector<128xf32>
    %reduce_sum3A_590 = vector.multi_reduction <add>, %mul3A_588, %reduce_sum3A_589 [0] : vector<512x128xf32> to vector<128xf32>
    %broadcast_in_dim3A_591 = vector.shape_cast %reduce_sum3A_590 : vector<128xf32> to vector<1x128xf32>
    %add3A_592 = arith.addf %add3A_534, %broadcast_in_dim3A_591 : vector<1x128xf32>
    %convert_element_type3A = arith.extui %and3A : i1 to i32
    %cond3A = arith.constant 0 : i32
    %cond3A_593 = arith.cmpi ne, %convert_element_type3A, %cond3A : i32
    scf.if %cond3A_593 {
      %broadcast_in_dim3A_601 = arith.constant 0.000000e+00 : f32
      %broadcast_in_dim3A_602 = vector.broadcast %broadcast_in_dim3A_601 : f32 to vector<2x128xf32>
      %swap3A_603 = arith.constant 0 : index
      %swap3A_604 = arith.constant 0 : index
      %swap3A_605 = vector.load %arg13[%swap3A_603, %swap3A_604] : memref<2x128xf32, #tpu.memory_space<vmem>>, vector<2x128xf32>
      tpu.vector_store %arg13[%swap3A_603, %swap3A_604], %broadcast_in_dim3A_602 {strides = array<i32>} : memref<2x128xf32, #tpu.memory_space<vmem>>, vector<2x128xf32>,
    } else {
    }
    %get3A_594 = arith.constant 0 : index
    %get3A_595 = arith.constant 0 : index
    %get3A_596 = vector.load %arg13[%get3A_594, %get3A_595] : memref<2x128xf32, #tpu.memory_space<vmem>>, vector<2x128xf32>
    %concatenate3A = tpu.concatenate %add3A_587, %add3A_592 in 0 : vector<1x128xf32>, vector<1x128xf32> -> vector<2x128xf32>
    %add3A_597 = arith.addf %get3A_596, %concatenate3A : vector<2x128xf32>
    %swap3A_598 = arith.constant 0 : index
    %swap3A_599 = arith.constant 0 : index
    %swap3A_600 = vector.load %arg13[%swap3A_598, %swap3A_599] : memref<2x128xf32, #tpu.memory_space<vmem>>, vector<2x128xf32>
    tpu.vector_store %arg13[%swap3A_598, %swap3A_599], %add3A_597 {strides = array<i32>} : memref<2x128xf32, #tpu.memory_space<vmem>>, vector<2x128xf32>,
    return
  }
  func.func @transform_0(%arg0: i32, %arg1: i32) -> (i32, i32, i32, i32) {
    %c0_i32 = arith.constant 0 : i32
    %c0_i32_0 = arith.constant 0 : i32
    %c0_i32_1 = arith.constant 0 : i32
    return %arg0, %c0_i32, %arg1, %c0_i32_0 : i32, i32, i32, i32
  }
  func.func @transform_1(%arg0: i32, %arg1: i32) -> (i32, i32, i32) {
    %c0_i32 = arith.constant 0 : i32
    %c0_i32_0 = arith.constant 0 : i32
    return %arg0, %arg1, %c0_i32 : i32, i32, i32
  }
  func.func @transform_2(%arg0: i32, %arg1: i32) -> (i32, i32) {
    %c0_i32 = arith.constant 0 : i32
    %c0_i32_0 = arith.constant 0 : i32
    %c0_i32_1 = arith.constant 0 : i32
    return %c0_i32, %c0_i32_0 : i32, i32
  }
  func.func @transform_3(%arg0: i32, %arg1: i32) -> (i32, i32) {
    %c0_i32 = arith.constant 0 : i32
    %c0_i32_0 = arith.constant 0 : i32
    %c0_i32_1 = arith.constant 0 : i32
    return %c0_i32, %c0_i32_0 : i32, i32
  }
  func.func @transform_4(%arg0: i32, %arg1: i32) -> (i32, i32) {
    %c0_i32 = arith.constant 0 : i32
    %c0_i32_0 = arith.constant 0 : i32
    %c0_i32_1 = arith.constant 0 : i32
    return %c0_i32, %c0_i32_0 : i32, i32
  }
  func.func @transform_5(%arg0: i32, %arg1: i32) -> (i32, i32) {
    %c0_i32 = arith.constant 0 : i32
    %c0_i32_0 = arith.constant 0 : i32
    %c0_i32_1 = arith.constant 0 : i32
    return %c0_i32, %c0_i32_0 : i32, i32
  }
  func.func @transform_6(%arg0: i32, %arg1: i32) -> (i32, i32) {
    %c0_i32 = arith.constant 0 : i32
    %c0_i32_0 = arith.constant 0 : i32
    %c0_i32_1 = arith.constant 0 : i32
    return %c0_i32, %c0_i32_0 : i32, i32
  }
  func.func @transform_7(%arg0: i32, %arg1: i32) -> (i32, i32) {
    %c0_i32 = arith.constant 0 : i32
    %c0_i32_0 = arith.constant 0 : i32
    %c0_i32_1 = arith.constant 0 : i32
    return %c0_i32, %c0_i32_0 : i32, i32
  }
  func.func @transform_8(%arg0: i32, %arg1: i32) -> (i32, i32) {
    %c0_i32 = arith.constant 0 : i32
    %c0_i32_0 = arith.constant 0 : i32
    %c0_i32_1 = arith.constant 0 : i32
    return %c0_i32, %c0_i32_0 : i32, i32
  }
  func.func @transform_9(%arg0: i32, %arg1: i32) -> (i32, i32) {
    %c0_i32 = arith.constant 0 : i32
    %c0_i32_0 = arith.constant 0 : i32
    %c0_i32_1 = arith.constant 0 : i32
    return %c0_i32, %c0_i32_0 : i32, i32
  }
  func.func @transform_10(%arg0: i32, %arg1: i32) -> (i32, i32, i32, i32) {
    %c0_i32 = arith.constant 0 : i32
    %c0_i32_0 = arith.constant 0 : i32
    %c0_i32_1 = arith.constant 0 : i32
    return %arg0, %c0_i32, %arg1, %c0_i32_0 : i32, i32, i32, i32
  }
  func.func @transform_11(%arg0: i32, %arg1: i32) -> (i32, i32) {
    %c0_i32 = arith.constant 0 : i32
    %c0_i32_0 = arith.constant 0 : i32
    %c0_i32_1 = arith.constant 0 : i32
    return %c0_i32, %c0_i32_0 : i32, i32
  }
}

module attributes {stable_mosaic.version = 14 : i64} {
  func.func @_e2v_body(%arg0: i32, %arg1: i32, %arg2: memref<1x10x512x128xf32, #tpu.memory_space<vmem>>, %arg3: memref<1x128xf32, #tpu.memory_space<vmem>>, %arg4: memref<1x128xf32, #tpu.memory_space<vmem>>) attributes {dimension_semantics = [#tpu.dimension_semantics<arbitrary>, #tpu.dimension_semantics<arbitrary>], iteration_bounds = array<i64: 8, 4>, scalar_prefetch = 0 : i64, scratch_operands = 0 : i64, tpu.core_type = #tpu.core_type<tc>, window_params = [{transform_indices = @transform_0, window_bounds = array<i64: 1, 10, 512, 128>}, {pipeline_mode = #tpu.pipeline_mode<synchronous>, transform_indices = @transform_1, window_bounds = array<i64: 1, 128>}, {pipeline_mode = #tpu.pipeline_mode<synchronous>, transform_indices = @transform_2, window_bounds = array<i64: 1, 128>}]} {
    %eq3A = arith.constant 0 : i32
    %eq3A_0 = arith.cmpi eq, %arg0, %eq3A : i32
    %eq3A_1 = arith.constant 0 : i32
    %eq3A_2 = arith.cmpi eq, %arg1, %eq3A_1 : i32
    %and3A = arith.andi %eq3A_0, %eq3A_2 : i1
    %get3A = arith.constant 0 : index
    %get3A_3 = arith.constant 0 : index
    %get3A_4 = vector.load %arg3[%get3A, %get3A_3] : memref<1x128xf32, #tpu.memory_space<vmem>>, vector<1x128xf32>
    %broadcast_in_dim3A = arith.constant 0.000000e+00 : f32
    %broadcast_in_dim3A_5 = vector.broadcast %broadcast_in_dim3A : f32 to vector<1x128xf32>
    %get3A_6 = arith.constant 0 : index
    %get3A_7 = arith.constant 0 : index
    %get3A_8 = arith.constant 0 : index
    %get3A_9 = arith.constant 0 : index
    %get3A_10 = vector.load %arg2[%get3A_6, %get3A_7, %get3A_8, %get3A_9] : memref<1x10x512x128xf32, #tpu.memory_space<vmem>>, vector<1x1x512x128xf32>
    %get3A_11 = vector.shape_cast %get3A_10 : vector<1x1x512x128xf32> to vector<512x128xf32>
    %sub3A = vector.broadcast %get3A_4 : vector<1x128xf32> to vector<512x128xf32>
    %sub3A_12 = arith.subf %get3A_11, %sub3A : vector<512x128xf32>
    %mul3A = arith.mulf %sub3A_12, %sub3A_12 : vector<512x128xf32>
    %reduce_sum3A = arith.constant dense<0.000000e+00> : vector<128xf32>
    %reduce_sum3A_13 = vector.multi_reduction <add>, %mul3A, %reduce_sum3A [0] : vector<512x128xf32> to vector<128xf32>
    %broadcast_in_dim3A_14 = vector.shape_cast %reduce_sum3A_13 : vector<128xf32> to vector<1x128xf32>
    %add3A = arith.addf %broadcast_in_dim3A_5, %broadcast_in_dim3A_14 : vector<1x128xf32>
    %get3A_15 = arith.constant 0 : index
    %get3A_16 = arith.constant 1 : index
    %get3A_17 = arith.constant 0 : index
    %get3A_18 = arith.constant 0 : index
    %get3A_19 = vector.load %arg2[%get3A_15, %get3A_16, %get3A_17, %get3A_18] : memref<1x10x512x128xf32, #tpu.memory_space<vmem>>, vector<1x1x512x128xf32>
    %get3A_20 = vector.shape_cast %get3A_19 : vector<1x1x512x128xf32> to vector<512x128xf32>
    %sub3A_21 = vector.broadcast %get3A_4 : vector<1x128xf32> to vector<512x128xf32>
    %sub3A_22 = arith.subf %get3A_20, %sub3A_21 : vector<512x128xf32>
    %mul3A_23 = arith.mulf %sub3A_22, %sub3A_22 : vector<512x128xf32>
    %reduce_sum3A_24 = arith.constant dense<0.000000e+00> : vector<128xf32>
    %reduce_sum3A_25 = vector.multi_reduction <add>, %mul3A_23, %reduce_sum3A_24 [0] : vector<512x128xf32> to vector<128xf32>
    %broadcast_in_dim3A_26 = vector.shape_cast %reduce_sum3A_25 : vector<128xf32> to vector<1x128xf32>
    %add3A_27 = arith.addf %add3A, %broadcast_in_dim3A_26 : vector<1x128xf32>
    %get3A_28 = arith.constant 0 : index
    %get3A_29 = arith.constant 2 : index
    %get3A_30 = arith.constant 0 : index
    %get3A_31 = arith.constant 0 : index
    %get3A_32 = vector.load %arg2[%get3A_28, %get3A_29, %get3A_30, %get3A_31] : memref<1x10x512x128xf32, #tpu.memory_space<vmem>>, vector<1x1x512x128xf32>
    %get3A_33 = vector.shape_cast %get3A_32 : vector<1x1x512x128xf32> to vector<512x128xf32>
    %sub3A_34 = vector.broadcast %get3A_4 : vector<1x128xf32> to vector<512x128xf32>
    %sub3A_35 = arith.subf %get3A_33, %sub3A_34 : vector<512x128xf32>
    %mul3A_36 = arith.mulf %sub3A_35, %sub3A_35 : vector<512x128xf32>
    %reduce_sum3A_37 = arith.constant dense<0.000000e+00> : vector<128xf32>
    %reduce_sum3A_38 = vector.multi_reduction <add>, %mul3A_36, %reduce_sum3A_37 [0] : vector<512x128xf32> to vector<128xf32>
    %broadcast_in_dim3A_39 = vector.shape_cast %reduce_sum3A_38 : vector<128xf32> to vector<1x128xf32>
    %add3A_40 = arith.addf %add3A_27, %broadcast_in_dim3A_39 : vector<1x128xf32>
    %get3A_41 = arith.constant 0 : index
    %get3A_42 = arith.constant 3 : index
    %get3A_43 = arith.constant 0 : index
    %get3A_44 = arith.constant 0 : index
    %get3A_45 = vector.load %arg2[%get3A_41, %get3A_42, %get3A_43, %get3A_44] : memref<1x10x512x128xf32, #tpu.memory_space<vmem>>, vector<1x1x512x128xf32>
    %get3A_46 = vector.shape_cast %get3A_45 : vector<1x1x512x128xf32> to vector<512x128xf32>
    %sub3A_47 = vector.broadcast %get3A_4 : vector<1x128xf32> to vector<512x128xf32>
    %sub3A_48 = arith.subf %get3A_46, %sub3A_47 : vector<512x128xf32>
    %mul3A_49 = arith.mulf %sub3A_48, %sub3A_48 : vector<512x128xf32>
    %reduce_sum3A_50 = arith.constant dense<0.000000e+00> : vector<128xf32>
    %reduce_sum3A_51 = vector.multi_reduction <add>, %mul3A_49, %reduce_sum3A_50 [0] : vector<512x128xf32> to vector<128xf32>
    %broadcast_in_dim3A_52 = vector.shape_cast %reduce_sum3A_51 : vector<128xf32> to vector<1x128xf32>
    %add3A_53 = arith.addf %add3A_40, %broadcast_in_dim3A_52 : vector<1x128xf32>
    %get3A_54 = arith.constant 0 : index
    %get3A_55 = arith.constant 4 : index
    %get3A_56 = arith.constant 0 : index
    %get3A_57 = arith.constant 0 : index
    %get3A_58 = vector.load %arg2[%get3A_54, %get3A_55, %get3A_56, %get3A_57] : memref<1x10x512x128xf32, #tpu.memory_space<vmem>>, vector<1x1x512x128xf32>
    %get3A_59 = vector.shape_cast %get3A_58 : vector<1x1x512x128xf32> to vector<512x128xf32>
    %sub3A_60 = vector.broadcast %get3A_4 : vector<1x128xf32> to vector<512x128xf32>
    %sub3A_61 = arith.subf %get3A_59, %sub3A_60 : vector<512x128xf32>
    %mul3A_62 = arith.mulf %sub3A_61, %sub3A_61 : vector<512x128xf32>
    %reduce_sum3A_63 = arith.constant dense<0.000000e+00> : vector<128xf32>
    %reduce_sum3A_64 = vector.multi_reduction <add>, %mul3A_62, %reduce_sum3A_63 [0] : vector<512x128xf32> to vector<128xf32>
    %broadcast_in_dim3A_65 = vector.shape_cast %reduce_sum3A_64 : vector<128xf32> to vector<1x128xf32>
    %add3A_66 = arith.addf %add3A_53, %broadcast_in_dim3A_65 : vector<1x128xf32>
    %get3A_67 = arith.constant 0 : index
    %get3A_68 = arith.constant 5 : index
    %get3A_69 = arith.constant 0 : index
    %get3A_70 = arith.constant 0 : index
    %get3A_71 = vector.load %arg2[%get3A_67, %get3A_68, %get3A_69, %get3A_70] : memref<1x10x512x128xf32, #tpu.memory_space<vmem>>, vector<1x1x512x128xf32>
    %get3A_72 = vector.shape_cast %get3A_71 : vector<1x1x512x128xf32> to vector<512x128xf32>
    %sub3A_73 = vector.broadcast %get3A_4 : vector<1x128xf32> to vector<512x128xf32>
    %sub3A_74 = arith.subf %get3A_72, %sub3A_73 : vector<512x128xf32>
    %mul3A_75 = arith.mulf %sub3A_74, %sub3A_74 : vector<512x128xf32>
    %reduce_sum3A_76 = arith.constant dense<0.000000e+00> : vector<128xf32>
    %reduce_sum3A_77 = vector.multi_reduction <add>, %mul3A_75, %reduce_sum3A_76 [0] : vector<512x128xf32> to vector<128xf32>
    %broadcast_in_dim3A_78 = vector.shape_cast %reduce_sum3A_77 : vector<128xf32> to vector<1x128xf32>
    %add3A_79 = arith.addf %add3A_66, %broadcast_in_dim3A_78 : vector<1x128xf32>
    %get3A_80 = arith.constant 0 : index
    %get3A_81 = arith.constant 6 : index
    %get3A_82 = arith.constant 0 : index
    %get3A_83 = arith.constant 0 : index
    %get3A_84 = vector.load %arg2[%get3A_80, %get3A_81, %get3A_82, %get3A_83] : memref<1x10x512x128xf32, #tpu.memory_space<vmem>>, vector<1x1x512x128xf32>
    %get3A_85 = vector.shape_cast %get3A_84 : vector<1x1x512x128xf32> to vector<512x128xf32>
    %sub3A_86 = vector.broadcast %get3A_4 : vector<1x128xf32> to vector<512x128xf32>
    %sub3A_87 = arith.subf %get3A_85, %sub3A_86 : vector<512x128xf32>
    %mul3A_88 = arith.mulf %sub3A_87, %sub3A_87 : vector<512x128xf32>
    %reduce_sum3A_89 = arith.constant dense<0.000000e+00> : vector<128xf32>
    %reduce_sum3A_90 = vector.multi_reduction <add>, %mul3A_88, %reduce_sum3A_89 [0] : vector<512x128xf32> to vector<128xf32>
    %broadcast_in_dim3A_91 = vector.shape_cast %reduce_sum3A_90 : vector<128xf32> to vector<1x128xf32>
    %add3A_92 = arith.addf %add3A_79, %broadcast_in_dim3A_91 : vector<1x128xf32>
    %get3A_93 = arith.constant 0 : index
    %get3A_94 = arith.constant 7 : index
    %get3A_95 = arith.constant 0 : index
    %get3A_96 = arith.constant 0 : index
    %get3A_97 = vector.load %arg2[%get3A_93, %get3A_94, %get3A_95, %get3A_96] : memref<1x10x512x128xf32, #tpu.memory_space<vmem>>, vector<1x1x512x128xf32>
    %get3A_98 = vector.shape_cast %get3A_97 : vector<1x1x512x128xf32> to vector<512x128xf32>
    %sub3A_99 = vector.broadcast %get3A_4 : vector<1x128xf32> to vector<512x128xf32>
    %sub3A_100 = arith.subf %get3A_98, %sub3A_99 : vector<512x128xf32>
    %mul3A_101 = arith.mulf %sub3A_100, %sub3A_100 : vector<512x128xf32>
    %reduce_sum3A_102 = arith.constant dense<0.000000e+00> : vector<128xf32>
    %reduce_sum3A_103 = vector.multi_reduction <add>, %mul3A_101, %reduce_sum3A_102 [0] : vector<512x128xf32> to vector<128xf32>
    %broadcast_in_dim3A_104 = vector.shape_cast %reduce_sum3A_103 : vector<128xf32> to vector<1x128xf32>
    %add3A_105 = arith.addf %add3A_92, %broadcast_in_dim3A_104 : vector<1x128xf32>
    %get3A_106 = arith.constant 0 : index
    %get3A_107 = arith.constant 8 : index
    %get3A_108 = arith.constant 0 : index
    %get3A_109 = arith.constant 0 : index
    %get3A_110 = vector.load %arg2[%get3A_106, %get3A_107, %get3A_108, %get3A_109] : memref<1x10x512x128xf32, #tpu.memory_space<vmem>>, vector<1x1x512x128xf32>
    %get3A_111 = vector.shape_cast %get3A_110 : vector<1x1x512x128xf32> to vector<512x128xf32>
    %sub3A_112 = vector.broadcast %get3A_4 : vector<1x128xf32> to vector<512x128xf32>
    %sub3A_113 = arith.subf %get3A_111, %sub3A_112 : vector<512x128xf32>
    %mul3A_114 = arith.mulf %sub3A_113, %sub3A_113 : vector<512x128xf32>
    %reduce_sum3A_115 = arith.constant dense<0.000000e+00> : vector<128xf32>
    %reduce_sum3A_116 = vector.multi_reduction <add>, %mul3A_114, %reduce_sum3A_115 [0] : vector<512x128xf32> to vector<128xf32>
    %broadcast_in_dim3A_117 = vector.shape_cast %reduce_sum3A_116 : vector<128xf32> to vector<1x128xf32>
    %add3A_118 = arith.addf %add3A_105, %broadcast_in_dim3A_117 : vector<1x128xf32>
    %get3A_119 = arith.constant 0 : index
    %get3A_120 = arith.constant 9 : index
    %get3A_121 = arith.constant 0 : index
    %get3A_122 = arith.constant 0 : index
    %get3A_123 = vector.load %arg2[%get3A_119, %get3A_120, %get3A_121, %get3A_122] : memref<1x10x512x128xf32, #tpu.memory_space<vmem>>, vector<1x1x512x128xf32>
    %get3A_124 = vector.shape_cast %get3A_123 : vector<1x1x512x128xf32> to vector<512x128xf32>
    %sub3A_125 = vector.broadcast %get3A_4 : vector<1x128xf32> to vector<512x128xf32>
    %sub3A_126 = arith.subf %get3A_124, %sub3A_125 : vector<512x128xf32>
    %mul3A_127 = arith.mulf %sub3A_126, %sub3A_126 : vector<512x128xf32>
    %reduce_sum3A_128 = arith.constant dense<0.000000e+00> : vector<128xf32>
    %reduce_sum3A_129 = vector.multi_reduction <add>, %mul3A_127, %reduce_sum3A_128 [0] : vector<512x128xf32> to vector<128xf32>
    %broadcast_in_dim3A_130 = vector.shape_cast %reduce_sum3A_129 : vector<128xf32> to vector<1x128xf32>
    %add3A_131 = arith.addf %add3A_118, %broadcast_in_dim3A_130 : vector<1x128xf32>
    %convert_element_type3A = arith.extui %and3A : i1 to i32
    %cond3A = arith.constant 0 : i32
    %cond3A_132 = arith.cmpi ne, %convert_element_type3A, %cond3A : i32
    scf.if %cond3A_132 {
      %broadcast_in_dim3A_139 = arith.constant 0.000000e+00 : f32
      %broadcast_in_dim3A_140 = vector.broadcast %broadcast_in_dim3A_139 : f32 to vector<1x128xf32>
      %swap3A_141 = arith.constant 0 : index
      %swap3A_142 = arith.constant 0 : index
      %swap3A_143 = vector.load %arg4[%swap3A_141, %swap3A_142] : memref<1x128xf32, #tpu.memory_space<vmem>>, vector<1x128xf32>
      tpu.vector_store %arg4[%swap3A_141, %swap3A_142], %broadcast_in_dim3A_140 {strides = array<i32>} : memref<1x128xf32, #tpu.memory_space<vmem>>, vector<1x128xf32>,
    } else {
    }
    %get3A_133 = arith.constant 0 : index
    %get3A_134 = arith.constant 0 : index
    %get3A_135 = vector.load %arg4[%get3A_133, %get3A_134] : memref<1x128xf32, #tpu.memory_space<vmem>>, vector<1x128xf32>
    %add3A_136 = arith.addf %get3A_135, %add3A_131 : vector<1x128xf32>
    %swap3A = arith.constant 0 : index
    %swap3A_137 = arith.constant 0 : index
    %swap3A_138 = vector.load %arg4[%swap3A, %swap3A_137] : memref<1x128xf32, #tpu.memory_space<vmem>>, vector<1x128xf32>
    tpu.vector_store %arg4[%swap3A, %swap3A_137], %add3A_136 {strides = array<i32>} : memref<1x128xf32, #tpu.memory_space<vmem>>, vector<1x128xf32>,
    return
  }
  func.func @transform_0(%arg0: i32, %arg1: i32) -> (i32, i32, i32, i32) {
    %c0_i32 = arith.constant 0 : i32
    %c0_i32_0 = arith.constant 0 : i32
    %c0_i32_1 = arith.constant 0 : i32
    return %arg0, %c0_i32, %arg1, %c0_i32_0 : i32, i32, i32, i32
  }
  func.func @transform_1(%arg0: i32, %arg1: i32) -> (i32, i32) {
    %c0_i32 = arith.constant 0 : i32
    %c0_i32_0 = arith.constant 0 : i32
    %c0_i32_1 = arith.constant 0 : i32
    return %c0_i32, %c0_i32_0 : i32, i32
  }
  func.func @transform_2(%arg0: i32, %arg1: i32) -> (i32, i32) {
    %c0_i32 = arith.constant 0 : i32
    %c0_i32_0 = arith.constant 0 : i32
    %c0_i32_1 = arith.constant 0 : i32
    return %c0_i32, %c0_i32_0 : i32, i32
  }
}

module attributes {stable_mosaic.version = 14 : i64} {
  func.func @_e3_body(%arg0: i32, %arg1: i32, %arg2: memref<1x10x512x128xf32, #tpu.memory_space<vmem>>, %arg3: memref<1x10x512x128xf32, #tpu.memory_space<vmem>>, %arg4: memref<1x512x128xf32, #tpu.memory_space<vmem>>, %arg5: memref<6x128xf32, #tpu.memory_space<vmem>>, %arg6: memref<1x128xf32, #tpu.memory_space<vmem>>, %arg7: memref<1x128xf32, #tpu.memory_space<vmem>>, %arg8: memref<1x128xf32, #tpu.memory_space<vmem>>, %arg9: memref<1x128xf32, #tpu.memory_space<vmem>>, %arg10: memref<1x128xf32, #tpu.memory_space<vmem>>, %arg11: memref<1x128xf32, #tpu.memory_space<vmem>>, %arg12: memref<1x128xf32, #tpu.memory_space<vmem>>, %arg13: memref<1x128xf32, #tpu.memory_space<vmem>>, %arg14: memref<1x128xf32, #tpu.memory_space<vmem>>, %arg15: memref<1280x128xf32, #tpu.memory_space<vmem>>, %arg16: memref<1x128xf32, #tpu.memory_space<vmem>>, %arg17: memref<1x512x128xf32, #tpu.memory_space<vmem>>, %arg18: memref<1x1x128xf32, #tpu.memory_space<vmem>>) attributes {dimension_semantics = [#tpu.dimension_semantics<arbitrary>, #tpu.dimension_semantics<arbitrary>], iteration_bounds = array<i64: 8, 4>, scalar_prefetch = 0 : i64, scratch_operands = 0 : i64, tpu.core_type = #tpu.core_type<tc>, window_params = [{transform_indices = @transform_0, window_bounds = array<i64: 1, 10, 512, 128>}, {transform_indices = @transform_1, window_bounds = array<i64: 1, 10, 512, 128>}, {transform_indices = @transform_2, window_bounds = array<i64: 1, 512, 128>}, {pipeline_mode = #tpu.pipeline_mode<synchronous>, transform_indices = @transform_3, window_bounds = array<i64: 6, 128>}, {pipeline_mode = #tpu.pipeline_mode<synchronous>, transform_indices = @transform_4, window_bounds = array<i64: 1, 128>}, {pipeline_mode = #tpu.pipeline_mode<synchronous>, transform_indices = @transform_5, window_bounds = array<i64: 1, 128>}, {pipeline_mode = #tpu.pipeline_mode<synchronous>, transform_indices = @transform_6, window_bounds = array<i64: 1, 128>}, {pipeline_mode = #tpu.pipeline_mode<synchronous>, transform_indices = @transform_7, window_bounds = array<i64: 1, 128>}, {pipeline_mode = #tpu.pipeline_mode<synchronous>, transform_indices = @transform_8, window_bounds = array<i64: 1, 128>}, {pipeline_mode = #tpu.pipeline_mode<synchronous>, transform_indices = @transform_9, window_bounds = array<i64: 1, 128>}, {pipeline_mode = #tpu.pipeline_mode<synchronous>, transform_indices = @transform_10, window_bounds = array<i64: 1, 128>}, {pipeline_mode = #tpu.pipeline_mode<synchronous>, transform_indices = @transform_11, window_bounds = array<i64: 1, 128>}, {pipeline_mode = #tpu.pipeline_mode<synchronous>, transform_indices = @transform_12, window_bounds = array<i64: 1, 128>}, {pipeline_mode = #tpu.pipeline_mode<synchronous>, transform_indices = @transform_13, window_bounds = array<i64: 1280, 128>}, {pipeline_mode = #tpu.pipeline_mode<synchronous>, transform_indices = @transform_14, window_bounds = array<i64: 1, 128>}, {transform_indices = @transform_15, window_bounds = array<i64: 1, 512, 128>}, {transform_indices = @transform_16, window_bounds = array<i64: 1, 1, 128>}]} {
    %eq3A = arith.constant 0 : i32
    %eq3A_0 = arith.cmpi eq, %arg1, %eq3A : i32
    %get3A = arith.constant 0 : index
    %get3A_1 = arith.constant 0 : index
    %get3A_2 = vector.load %arg7[%get3A, %get3A_1] : memref<1x128xf32, #tpu.memory_space<vmem>>, vector<1x128xf32>
    %get3A_3 = arith.constant 0 : index
    %get3A_4 = arith.constant 0 : index
    %get3A_5 = vector.load %arg8[%get3A_3, %get3A_4] : memref<1x128xf32, #tpu.memory_space<vmem>>, vector<1x128xf32>
    %get3A_6 = arith.constant 0 : index
    %get3A_7 = arith.constant 0 : index
    %get3A_8 = vector.load %arg9[%get3A_6, %get3A_7] : memref<1x128xf32, #tpu.memory_space<vmem>>, vector<1x128xf32>
    %get3A_9 = arith.constant 0 : index
    %get3A_10 = arith.constant 0 : index
    %get3A_11 = vector.load %arg10[%get3A_9, %get3A_10] : memref<1x128xf32, #tpu.memory_space<vmem>>, vector<1x128xf32>
    %get3A_12 = arith.constant 0 : index
    %get3A_13 = arith.constant 0 : index
    %get3A_14 = arith.constant 0 : index
    %get3A_15 = arith.constant 0 : index
    %get3A_16 = vector.load %arg2[%get3A_12, %get3A_13, %get3A_14, %get3A_15] : memref<1x10x512x128xf32, #tpu.memory_space<vmem>>, vector<1x1x512x128xf32>
    %get3A_17 = vector.shape_cast %get3A_16 : vector<1x1x512x128xf32> to vector<512x128xf32>
    %sub3A = vector.broadcast %get3A_5 : vector<1x128xf32> to vector<512x128xf32>
    %sub3A_18 = arith.subf %get3A_17, %sub3A : vector<512x128xf32>
    %mul3A = vector.broadcast %get3A_2 : vector<1x128xf32> to vector<512x128xf32>
    %mul3A_19 = arith.mulf %mul3A, %sub3A_18 : vector<512x128xf32>
    %div3A = vector.broadcast %get3A_8 : vector<1x128xf32> to vector<512x128xf32>
    %div3A_20 = arith.divf %mul3A_19, %div3A : vector<512x128xf32>
    %add3A = vector.broadcast %get3A_11 : vector<1x128xf32> to vector<512x128xf32>
    %add3A_21 = arith.addf %div3A_20, %add3A : vector<512x128xf32>
    %ge3A = arith.constant 0.000000e+00 : f32
    %ge3A_22 = vector.broadcast %ge3A : f32 to vector<512x128xf32>
    %ge3A_23 = arith.cmpf oge, %add3A_21, %ge3A_22 : vector<512x128xf32>
    %mul3A_24 = arith.constant 2.000000e-01 : f32
    %mul3A_25 = vector.broadcast %mul3A_24 : f32 to vector<512x128xf32>
    %mul3A_26 = arith.mulf %mul3A_25, %add3A_21 : vector<512x128xf32>
    %select_n3A = arith.select %ge3A_23, %add3A_21, %mul3A_26 : vector<512x128xi1>, vector<512x128xf32>
    %get3A_27 = arith.constant 0 : index
    %get3A_28 = arith.constant 1 : index
    %get3A_29 = arith.constant 0 : index
    %get3A_30 = arith.constant 0 : index
    %get3A_31 = vector.load %arg2[%get3A_27, %get3A_28, %get3A_29, %get3A_30] : memref<1x10x512x128xf32, #tpu.memory_space<vmem>>, vector<1x1x512x128xf32>
    %get3A_32 = vector.shape_cast %get3A_31 : vector<1x1x512x128xf32> to vector<512x128xf32>
    %sub3A_33 = vector.broadcast %get3A_5 : vector<1x128xf32> to vector<512x128xf32>
    %sub3A_34 = arith.subf %get3A_32, %sub3A_33 : vector<512x128xf32>
    %mul3A_35 = vector.broadcast %get3A_2 : vector<1x128xf32> to vector<512x128xf32>
    %mul3A_36 = arith.mulf %mul3A_35, %sub3A_34 : vector<512x128xf32>
    %div3A_37 = vector.broadcast %get3A_8 : vector<1x128xf32> to vector<512x128xf32>
    %div3A_38 = arith.divf %mul3A_36, %div3A_37 : vector<512x128xf32>
    %add3A_39 = vector.broadcast %get3A_11 : vector<1x128xf32> to vector<512x128xf32>
    %add3A_40 = arith.addf %div3A_38, %add3A_39 : vector<512x128xf32>
    %ge3A_41 = arith.constant 0.000000e+00 : f32
    %ge3A_42 = vector.broadcast %ge3A_41 : f32 to vector<512x128xf32>
    %ge3A_43 = arith.cmpf oge, %add3A_40, %ge3A_42 : vector<512x128xf32>
    %mul3A_44 = arith.constant 2.000000e-01 : f32
    %mul3A_45 = vector.broadcast %mul3A_44 : f32 to vector<512x128xf32>
    %mul3A_46 = arith.mulf %mul3A_45, %add3A_40 : vector<512x128xf32>
    %select_n3A_47 = arith.select %ge3A_43, %add3A_40, %mul3A_46 : vector<512x128xi1>, vector<512x128xf32>
    %get3A_48 = arith.constant 0 : index
    %get3A_49 = arith.constant 2 : index
    %get3A_50 = arith.constant 0 : index
    %get3A_51 = arith.constant 0 : index
    %get3A_52 = vector.load %arg2[%get3A_48, %get3A_49, %get3A_50, %get3A_51] : memref<1x10x512x128xf32, #tpu.memory_space<vmem>>, vector<1x1x512x128xf32>
    %get3A_53 = vector.shape_cast %get3A_52 : vector<1x1x512x128xf32> to vector<512x128xf32>
    %sub3A_54 = vector.broadcast %get3A_5 : vector<1x128xf32> to vector<512x128xf32>
    %sub3A_55 = arith.subf %get3A_53, %sub3A_54 : vector<512x128xf32>
    %mul3A_56 = vector.broadcast %get3A_2 : vector<1x128xf32> to vector<512x128xf32>
    %mul3A_57 = arith.mulf %mul3A_56, %sub3A_55 : vector<512x128xf32>
    %div3A_58 = vector.broadcast %get3A_8 : vector<1x128xf32> to vector<512x128xf32>
    %div3A_59 = arith.divf %mul3A_57, %div3A_58 : vector<512x128xf32>
    %add3A_60 = vector.broadcast %get3A_11 : vector<1x128xf32> to vector<512x128xf32>
    %add3A_61 = arith.addf %div3A_59, %add3A_60 : vector<512x128xf32>
    %ge3A_62 = arith.constant 0.000000e+00 : f32
    %ge3A_63 = vector.broadcast %ge3A_62 : f32 to vector<512x128xf32>
    %ge3A_64 = arith.cmpf oge, %add3A_61, %ge3A_63 : vector<512x128xf32>
    %mul3A_65 = arith.constant 2.000000e-01 : f32
    %mul3A_66 = vector.broadcast %mul3A_65 : f32 to vector<512x128xf32>
    %mul3A_67 = arith.mulf %mul3A_66, %add3A_61 : vector<512x128xf32>
    %select_n3A_68 = arith.select %ge3A_64, %add3A_61, %mul3A_67 : vector<512x128xi1>, vector<512x128xf32>
    %get3A_69 = arith.constant 0 : index
    %get3A_70 = arith.constant 3 : index
    %get3A_71 = arith.constant 0 : index
    %get3A_72 = arith.constant 0 : index
    %get3A_73 = vector.load %arg2[%get3A_69, %get3A_70, %get3A_71, %get3A_72] : memref<1x10x512x128xf32, #tpu.memory_space<vmem>>, vector<1x1x512x128xf32>
    %get3A_74 = vector.shape_cast %get3A_73 : vector<1x1x512x128xf32> to vector<512x128xf32>
    %sub3A_75 = vector.broadcast %get3A_5 : vector<1x128xf32> to vector<512x128xf32>
    %sub3A_76 = arith.subf %get3A_74, %sub3A_75 : vector<512x128xf32>
    %mul3A_77 = vector.broadcast %get3A_2 : vector<1x128xf32> to vector<512x128xf32>
    %mul3A_78 = arith.mulf %mul3A_77, %sub3A_76 : vector<512x128xf32>
    %div3A_79 = vector.broadcast %get3A_8 : vector<1x128xf32> to vector<512x128xf32>
    %div3A_80 = arith.divf %mul3A_78, %div3A_79 : vector<512x128xf32>
    %add3A_81 = vector.broadcast %get3A_11 : vector<1x128xf32> to vector<512x128xf32>
    %add3A_82 = arith.addf %div3A_80, %add3A_81 : vector<512x128xf32>
    %ge3A_83 = arith.constant 0.000000e+00 : f32
    %ge3A_84 = vector.broadcast %ge3A_83 : f32 to vector<512x128xf32>
    %ge3A_85 = arith.cmpf oge, %add3A_82, %ge3A_84 : vector<512x128xf32>
    %mul3A_86 = arith.constant 2.000000e-01 : f32
    %mul3A_87 = vector.broadcast %mul3A_86 : f32 to vector<512x128xf32>
    %mul3A_88 = arith.mulf %mul3A_87, %add3A_82 : vector<512x128xf32>
    %select_n3A_89 = arith.select %ge3A_85, %add3A_82, %mul3A_88 : vector<512x128xi1>, vector<512x128xf32>
    %get3A_90 = arith.constant 0 : index
    %get3A_91 = arith.constant 4 : index
    %get3A_92 = arith.constant 0 : index
    %get3A_93 = arith.constant 0 : index
    %get3A_94 = vector.load %arg2[%get3A_90, %get3A_91, %get3A_92, %get3A_93] : memref<1x10x512x128xf32, #tpu.memory_space<vmem>>, vector<1x1x512x128xf32>
    %get3A_95 = vector.shape_cast %get3A_94 : vector<1x1x512x128xf32> to vector<512x128xf32>
    %sub3A_96 = vector.broadcast %get3A_5 : vector<1x128xf32> to vector<512x128xf32>
    %sub3A_97 = arith.subf %get3A_95, %sub3A_96 : vector<512x128xf32>
    %mul3A_98 = vector.broadcast %get3A_2 : vector<1x128xf32> to vector<512x128xf32>
    %mul3A_99 = arith.mulf %mul3A_98, %sub3A_97 : vector<512x128xf32>
    %div3A_100 = vector.broadcast %get3A_8 : vector<1x128xf32> to vector<512x128xf32>
    %div3A_101 = arith.divf %mul3A_99, %div3A_100 : vector<512x128xf32>
    %add3A_102 = vector.broadcast %get3A_11 : vector<1x128xf32> to vector<512x128xf32>
    %add3A_103 = arith.addf %div3A_101, %add3A_102 : vector<512x128xf32>
    %ge3A_104 = arith.constant 0.000000e+00 : f32
    %ge3A_105 = vector.broadcast %ge3A_104 : f32 to vector<512x128xf32>
    %ge3A_106 = arith.cmpf oge, %add3A_103, %ge3A_105 : vector<512x128xf32>
    %mul3A_107 = arith.constant 2.000000e-01 : f32
    %mul3A_108 = vector.broadcast %mul3A_107 : f32 to vector<512x128xf32>
    %mul3A_109 = arith.mulf %mul3A_108, %add3A_103 : vector<512x128xf32>
    %select_n3A_110 = arith.select %ge3A_106, %add3A_103, %mul3A_109 : vector<512x128xi1>, vector<512x128xf32>
    %get3A_111 = arith.constant 0 : index
    %get3A_112 = arith.constant 5 : index
    %get3A_113 = arith.constant 0 : index
    %get3A_114 = arith.constant 0 : index
    %get3A_115 = vector.load %arg2[%get3A_111, %get3A_112, %get3A_113, %get3A_114] : memref<1x10x512x128xf32, #tpu.memory_space<vmem>>, vector<1x1x512x128xf32>
    %get3A_116 = vector.shape_cast %get3A_115 : vector<1x1x512x128xf32> to vector<512x128xf32>
    %sub3A_117 = vector.broadcast %get3A_5 : vector<1x128xf32> to vector<512x128xf32>
    %sub3A_118 = arith.subf %get3A_116, %sub3A_117 : vector<512x128xf32>
    %mul3A_119 = vector.broadcast %get3A_2 : vector<1x128xf32> to vector<512x128xf32>
    %mul3A_120 = arith.mulf %mul3A_119, %sub3A_118 : vector<512x128xf32>
    %div3A_121 = vector.broadcast %get3A_8 : vector<1x128xf32> to vector<512x128xf32>
    %div3A_122 = arith.divf %mul3A_120, %div3A_121 : vector<512x128xf32>
    %add3A_123 = vector.broadcast %get3A_11 : vector<1x128xf32> to vector<512x128xf32>
    %add3A_124 = arith.addf %div3A_122, %add3A_123 : vector<512x128xf32>
    %ge3A_125 = arith.constant 0.000000e+00 : f32
    %ge3A_126 = vector.broadcast %ge3A_125 : f32 to vector<512x128xf32>
    %ge3A_127 = arith.cmpf oge, %add3A_124, %ge3A_126 : vector<512x128xf32>
    %mul3A_128 = arith.constant 2.000000e-01 : f32
    %mul3A_129 = vector.broadcast %mul3A_128 : f32 to vector<512x128xf32>
    %mul3A_130 = arith.mulf %mul3A_129, %add3A_124 : vector<512x128xf32>
    %select_n3A_131 = arith.select %ge3A_127, %add3A_124, %mul3A_130 : vector<512x128xi1>, vector<512x128xf32>
    %get3A_132 = arith.constant 0 : index
    %get3A_133 = arith.constant 6 : index
    %get3A_134 = arith.constant 0 : index
    %get3A_135 = arith.constant 0 : index
    %get3A_136 = vector.load %arg2[%get3A_132, %get3A_133, %get3A_134, %get3A_135] : memref<1x10x512x128xf32, #tpu.memory_space<vmem>>, vector<1x1x512x128xf32>
    %get3A_137 = vector.shape_cast %get3A_136 : vector<1x1x512x128xf32> to vector<512x128xf32>
    %sub3A_138 = vector.broadcast %get3A_5 : vector<1x128xf32> to vector<512x128xf32>
    %sub3A_139 = arith.subf %get3A_137, %sub3A_138 : vector<512x128xf32>
    %mul3A_140 = vector.broadcast %get3A_2 : vector<1x128xf32> to vector<512x128xf32>
    %mul3A_141 = arith.mulf %mul3A_140, %sub3A_139 : vector<512x128xf32>
    %div3A_142 = vector.broadcast %get3A_8 : vector<1x128xf32> to vector<512x128xf32>
    %div3A_143 = arith.divf %mul3A_141, %div3A_142 : vector<512x128xf32>
    %add3A_144 = vector.broadcast %get3A_11 : vector<1x128xf32> to vector<512x128xf32>
    %add3A_145 = arith.addf %div3A_143, %add3A_144 : vector<512x128xf32>
    %ge3A_146 = arith.constant 0.000000e+00 : f32
    %ge3A_147 = vector.broadcast %ge3A_146 : f32 to vector<512x128xf32>
    %ge3A_148 = arith.cmpf oge, %add3A_145, %ge3A_147 : vector<512x128xf32>
    %mul3A_149 = arith.constant 2.000000e-01 : f32
    %mul3A_150 = vector.broadcast %mul3A_149 : f32 to vector<512x128xf32>
    %mul3A_151 = arith.mulf %mul3A_150, %add3A_145 : vector<512x128xf32>
    %select_n3A_152 = arith.select %ge3A_148, %add3A_145, %mul3A_151 : vector<512x128xi1>, vector<512x128xf32>
    %get3A_153 = arith.constant 0 : index
    %get3A_154 = arith.constant 7 : index
    %get3A_155 = arith.constant 0 : index
    %get3A_156 = arith.constant 0 : index
    %get3A_157 = vector.load %arg2[%get3A_153, %get3A_154, %get3A_155, %get3A_156] : memref<1x10x512x128xf32, #tpu.memory_space<vmem>>, vector<1x1x512x128xf32>
    %get3A_158 = vector.shape_cast %get3A_157 : vector<1x1x512x128xf32> to vector<512x128xf32>
    %sub3A_159 = vector.broadcast %get3A_5 : vector<1x128xf32> to vector<512x128xf32>
    %sub3A_160 = arith.subf %get3A_158, %sub3A_159 : vector<512x128xf32>
    %mul3A_161 = vector.broadcast %get3A_2 : vector<1x128xf32> to vector<512x128xf32>
    %mul3A_162 = arith.mulf %mul3A_161, %sub3A_160 : vector<512x128xf32>
    %div3A_163 = vector.broadcast %get3A_8 : vector<1x128xf32> to vector<512x128xf32>
    %div3A_164 = arith.divf %mul3A_162, %div3A_163 : vector<512x128xf32>
    %add3A_165 = vector.broadcast %get3A_11 : vector<1x128xf32> to vector<512x128xf32>
    %add3A_166 = arith.addf %div3A_164, %add3A_165 : vector<512x128xf32>
    %ge3A_167 = arith.constant 0.000000e+00 : f32
    %ge3A_168 = vector.broadcast %ge3A_167 : f32 to vector<512x128xf32>
    %ge3A_169 = arith.cmpf oge, %add3A_166, %ge3A_168 : vector<512x128xf32>
    %mul3A_170 = arith.constant 2.000000e-01 : f32
    %mul3A_171 = vector.broadcast %mul3A_170 : f32 to vector<512x128xf32>
    %mul3A_172 = arith.mulf %mul3A_171, %add3A_166 : vector<512x128xf32>
    %select_n3A_173 = arith.select %ge3A_169, %add3A_166, %mul3A_172 : vector<512x128xi1>, vector<512x128xf32>
    %get3A_174 = arith.constant 0 : index
    %get3A_175 = arith.constant 8 : index
    %get3A_176 = arith.constant 0 : index
    %get3A_177 = arith.constant 0 : index
    %get3A_178 = vector.load %arg2[%get3A_174, %get3A_175, %get3A_176, %get3A_177] : memref<1x10x512x128xf32, #tpu.memory_space<vmem>>, vector<1x1x512x128xf32>
    %get3A_179 = vector.shape_cast %get3A_178 : vector<1x1x512x128xf32> to vector<512x128xf32>
    %sub3A_180 = vector.broadcast %get3A_5 : vector<1x128xf32> to vector<512x128xf32>
    %sub3A_181 = arith.subf %get3A_179, %sub3A_180 : vector<512x128xf32>
    %mul3A_182 = vector.broadcast %get3A_2 : vector<1x128xf32> to vector<512x128xf32>
    %mul3A_183 = arith.mulf %mul3A_182, %sub3A_181 : vector<512x128xf32>
    %div3A_184 = vector.broadcast %get3A_8 : vector<1x128xf32> to vector<512x128xf32>
    %div3A_185 = arith.divf %mul3A_183, %div3A_184 : vector<512x128xf32>
    %add3A_186 = vector.broadcast %get3A_11 : vector<1x128xf32> to vector<512x128xf32>
    %add3A_187 = arith.addf %div3A_185, %add3A_186 : vector<512x128xf32>
    %ge3A_188 = arith.constant 0.000000e+00 : f32
    %ge3A_189 = vector.broadcast %ge3A_188 : f32 to vector<512x128xf32>
    %ge3A_190 = arith.cmpf oge, %add3A_187, %ge3A_189 : vector<512x128xf32>
    %mul3A_191 = arith.constant 2.000000e-01 : f32
    %mul3A_192 = vector.broadcast %mul3A_191 : f32 to vector<512x128xf32>
    %mul3A_193 = arith.mulf %mul3A_192, %add3A_187 : vector<512x128xf32>
    %select_n3A_194 = arith.select %ge3A_190, %add3A_187, %mul3A_193 : vector<512x128xi1>, vector<512x128xf32>
    %get3A_195 = arith.constant 0 : index
    %get3A_196 = arith.constant 9 : index
    %get3A_197 = arith.constant 0 : index
    %get3A_198 = arith.constant 0 : index
    %get3A_199 = vector.load %arg2[%get3A_195, %get3A_196, %get3A_197, %get3A_198] : memref<1x10x512x128xf32, #tpu.memory_space<vmem>>, vector<1x1x512x128xf32>
    %get3A_200 = vector.shape_cast %get3A_199 : vector<1x1x512x128xf32> to vector<512x128xf32>
    %sub3A_201 = vector.broadcast %get3A_5 : vector<1x128xf32> to vector<512x128xf32>
    %sub3A_202 = arith.subf %get3A_200, %sub3A_201 : vector<512x128xf32>
    %mul3A_203 = vector.broadcast %get3A_2 : vector<1x128xf32> to vector<512x128xf32>
    %mul3A_204 = arith.mulf %mul3A_203, %sub3A_202 : vector<512x128xf32>
    %div3A_205 = vector.broadcast %get3A_8 : vector<1x128xf32> to vector<512x128xf32>
    %div3A_206 = arith.divf %mul3A_204, %div3A_205 : vector<512x128xf32>
    %add3A_207 = vector.broadcast %get3A_11 : vector<1x128xf32> to vector<512x128xf32>
    %add3A_208 = arith.addf %div3A_206, %add3A_207 : vector<512x128xf32>
    %ge3A_209 = arith.constant 0.000000e+00 : f32
    %ge3A_210 = vector.broadcast %ge3A_209 : f32 to vector<512x128xf32>
    %ge3A_211 = arith.cmpf oge, %add3A_208, %ge3A_210 : vector<512x128xf32>
    %mul3A_212 = arith.constant 2.000000e-01 : f32
    %mul3A_213 = vector.broadcast %mul3A_212 : f32 to vector<512x128xf32>
    %mul3A_214 = arith.mulf %mul3A_213, %add3A_208 : vector<512x128xf32>
    %select_n3A_215 = arith.select %ge3A_211, %add3A_208, %mul3A_214 : vector<512x128xi1>, vector<512x128xf32>
    %max3A = arith.maximumf %select_n3A, %select_n3A_47 : vector<512x128xf32>
    %max3A_216 = arith.maximumf %max3A, %select_n3A_68 : vector<512x128xf32>
    %max3A_217 = arith.maximumf %max3A_216, %select_n3A_89 : vector<512x128xf32>
    %max3A_218 = arith.maximumf %max3A_217, %select_n3A_110 : vector<512x128xf32>
    %max3A_219 = arith.maximumf %max3A_218, %select_n3A_131 : vector<512x128xf32>
    %max3A_220 = arith.maximumf %max3A_219, %select_n3A_152 : vector<512x128xf32>
    %max3A_221 = arith.maximumf %max3A_220, %select_n3A_173 : vector<512x128xf32>
    %max3A_222 = arith.maximumf %max3A_221, %select_n3A_194 : vector<512x128xf32>
    %max3A_223 = arith.maximumf %max3A_222, %select_n3A_215 : vector<512x128xf32>
    %sub3A_224 = arith.subf %select_n3A, %max3A_223 : vector<512x128xf32>
    %exp3A = math.exp %sub3A_224 : vector<512x128xf32>
    %sub3A_225 = arith.subf %select_n3A_47, %max3A_223 : vector<512x128xf32>
    %exp3A_226 = math.exp %sub3A_225 : vector<512x128xf32>
    %sub3A_227 = arith.subf %select_n3A_68, %max3A_223 : vector<512x128xf32>
    %exp3A_228 = math.exp %sub3A_227 : vector<512x128xf32>
    %sub3A_229 = arith.subf %select_n3A_89, %max3A_223 : vector<512x128xf32>
    %exp3A_230 = math.exp %sub3A_229 : vector<512x128xf32>
    %sub3A_231 = arith.subf %select_n3A_110, %max3A_223 : vector<512x128xf32>
    %exp3A_232 = math.exp %sub3A_231 : vector<512x128xf32>
    %sub3A_233 = arith.subf %select_n3A_131, %max3A_223 : vector<512x128xf32>
    %exp3A_234 = math.exp %sub3A_233 : vector<512x128xf32>
    %sub3A_235 = arith.subf %select_n3A_152, %max3A_223 : vector<512x128xf32>
    %exp3A_236 = math.exp %sub3A_235 : vector<512x128xf32>
    %sub3A_237 = arith.subf %select_n3A_173, %max3A_223 : vector<512x128xf32>
    %exp3A_238 = math.exp %sub3A_237 : vector<512x128xf32>
    %sub3A_239 = arith.subf %select_n3A_194, %max3A_223 : vector<512x128xf32>
    %exp3A_240 = math.exp %sub3A_239 : vector<512x128xf32>
    %sub3A_241 = arith.subf %select_n3A_215, %max3A_223 : vector<512x128xf32>
    %exp3A_242 = math.exp %sub3A_241 : vector<512x128xf32>
    %add3A_243 = arith.addf %exp3A, %exp3A_226 : vector<512x128xf32>
    %add3A_244 = arith.addf %add3A_243, %exp3A_228 : vector<512x128xf32>
    %add3A_245 = arith.addf %add3A_244, %exp3A_230 : vector<512x128xf32>
    %add3A_246 = arith.addf %add3A_245, %exp3A_232 : vector<512x128xf32>
    %add3A_247 = arith.addf %add3A_246, %exp3A_234 : vector<512x128xf32>
    %add3A_248 = arith.addf %add3A_247, %exp3A_236 : vector<512x128xf32>
    %add3A_249 = arith.addf %add3A_248, %exp3A_238 : vector<512x128xf32>
    %add3A_250 = arith.addf %add3A_249, %exp3A_240 : vector<512x128xf32>
    %add3A_251 = arith.addf %add3A_250, %exp3A_242 : vector<512x128xf32>
    %get3A_252 = arith.constant 0 : index
    %get3A_253 = arith.constant 0 : index
    %get3A_254 = arith.constant 0 : index
    %get3A_255 = vector.load %arg4[%get3A_252, %get3A_253, %get3A_254] : memref<1x512x128xf32, #tpu.memory_space<vmem>>, vector<1x512x128xf32>
    %get3A_256 = vector.shape_cast %get3A_255 : vector<1x512x128xf32> to vector<512x128xf32>
    %slice3A = vector.extract_strided_slice %get3A_256 {offsets = [0, 0], sizes = [512, 3], strides = [1, 1]} : vector<512x128xf32> to vector<512x3xf32>
    %get3A_257 = arith.constant 0 : index
    %get3A_258 = arith.constant 0 : index
    %get3A_259 = vector.load %arg11[%get3A_257, %get3A_258] : memref<1x128xf32, #tpu.memory_space<vmem>>, vector<1x128xf32>
    %get3A_260 = arith.constant 0 : index
    %get3A_261 = arith.constant 0 : index
    %get3A_262 = vector.load %arg12[%get3A_260, %get3A_261] : memref<1x128xf32, #tpu.memory_space<vmem>>, vector<1x128xf32>
    %get3A_263 = arith.constant 0 : index
    %get3A_264 = arith.constant 0 : index
    %get3A_265 = vector.load %arg13[%get3A_263, %get3A_264] : memref<1x128xf32, #tpu.memory_space<vmem>>, vector<1x128xf32>
    %get3A_266 = arith.constant 0 : index
    %get3A_267 = arith.constant 0 : index
    %get3A_268 = vector.load %arg14[%get3A_266, %get3A_267] : memref<1x128xf32, #tpu.memory_space<vmem>>, vector<1x128xf32>
    %div3A_269 = arith.divf %exp3A, %add3A_251 : vector<512x128xf32>
    %get3A_270 = arith.constant 0 : index
    %get3A_271 = arith.constant 0 : index
    %get3A_272 = arith.constant 0 : index
    %get3A_273 = arith.constant 0 : index
    %get3A_274 = vector.load %arg3[%get3A_270, %get3A_271, %get3A_272, %get3A_273] : memref<1x10x512x128xf32, #tpu.memory_space<vmem>>, vector<1x1x512x128xf32>
    %get3A_275 = vector.shape_cast %get3A_274 : vector<1x1x512x128xf32> to vector<512x128xf32>
    %sub3A_276 = arith.subf %get3A_275, %get3A_256 : vector<512x128xf32>
    %slice3A_277 = vector.extract_strided_slice %sub3A_276 {offsets = [0, 0], sizes = [512, 3], strides = [1, 1]} : vector<512x128xf32> to vector<512x3xf32>
    %concatenate3A = tpu.concatenate %slice3A, %slice3A_277 in 1 : vector<512x3xf32>, vector<512x3xf32> -> vector<512x6xf32>
    %get3A_278 = arith.constant 0 : index
    %get3A_279 = arith.constant 0 : index
    %get3A_280 = vector.load %arg5[%get3A_278, %get3A_279] : memref<6x128xf32, #tpu.memory_space<vmem>>, vector<6x128xf32>
    %dot_general3A = arith.constant dense<0.000000e+00> : vector<512x128xf32>
    %dot_general3A_281 = tpu.matmul %concatenate3A, %get3A_280, %dot_general3A {dimension_numbers = #tpu.dot_dimension_numbers<[1], [0], [0], [1], [0, 0, 1, 1], [], []>, transpose_lhs_hint = false} : vector<512x6xf32>, vector<6x128xf32>, vector<512x128xf32> -> vector<512x128xf32>
    %get3A_282 = arith.constant 0 : index
    %get3A_283 = arith.constant 0 : index
    %get3A_284 = vector.load %arg6[%get3A_282, %get3A_283] : memref<1x128xf32, #tpu.memory_space<vmem>>, vector<1x128xf32>
    %add3A_285 = vector.broadcast %get3A_284 : vector<1x128xf32> to vector<512x128xf32>
    %add3A_286 = arith.addf %dot_general3A_281, %add3A_285 : vector<512x128xf32>
    %sub3A_287 = vector.broadcast %get3A_262 : vector<1x128xf32> to vector<512x128xf32>
    %sub3A_288 = arith.subf %add3A_286, %sub3A_287 : vector<512x128xf32>
    %mul3A_289 = vector.broadcast %get3A_259 : vector<1x128xf32> to vector<512x128xf32>
    %mul3A_290 = arith.mulf %mul3A_289, %sub3A_288 : vector<512x128xf32>
    %div3A_291 = vector.broadcast %get3A_265 : vector<1x128xf32> to vector<512x128xf32>
    %div3A_292 = arith.divf %mul3A_290, %div3A_291 : vector<512x128xf32>
    %add3A_293 = vector.broadcast %get3A_268 : vector<1x128xf32> to vector<512x128xf32>
    %add3A_294 = arith.addf %div3A_292, %add3A_293 : vector<512x128xf32>
    %ge3A_295 = arith.constant 0.000000e+00 : f32
    %ge3A_296 = vector.broadcast %ge3A_295 : f32 to vector<512x128xf32>
    %ge3A_297 = arith.cmpf oge, %add3A_294, %ge3A_296 : vector<512x128xf32>
    %mul3A_298 = arith.constant 2.000000e-01 : f32
    %mul3A_299 = vector.broadcast %mul3A_298 : f32 to vector<512x128xf32>
    %mul3A_300 = arith.mulf %mul3A_299, %add3A_294 : vector<512x128xf32>
    %select_n3A_301 = arith.select %ge3A_297, %add3A_294, %mul3A_300 : vector<512x128xi1>, vector<512x128xf32>
    %mul3A_302 = arith.mulf %select_n3A_301, %div3A_269 : vector<512x128xf32>
    %div3A_303 = arith.divf %exp3A_226, %add3A_251 : vector<512x128xf32>
    %get3A_304 = arith.constant 0 : index
    %get3A_305 = arith.constant 1 : index
    %get3A_306 = arith.constant 0 : index
    %get3A_307 = arith.constant 0 : index
    %get3A_308 = vector.load %arg3[%get3A_304, %get3A_305, %get3A_306, %get3A_307] : memref<1x10x512x128xf32, #tpu.memory_space<vmem>>, vector<1x1x512x128xf32>
    %get3A_309 = vector.shape_cast %get3A_308 : vector<1x1x512x128xf32> to vector<512x128xf32>
    %sub3A_310 = arith.subf %get3A_309, %get3A_256 : vector<512x128xf32>
    %slice3A_311 = vector.extract_strided_slice %sub3A_310 {offsets = [0, 0], sizes = [512, 3], strides = [1, 1]} : vector<512x128xf32> to vector<512x3xf32>
    %concatenate3A_312 = tpu.concatenate %slice3A, %slice3A_311 in 1 : vector<512x3xf32>, vector<512x3xf32> -> vector<512x6xf32>
    %get3A_313 = arith.constant 0 : index
    %get3A_314 = arith.constant 0 : index
    %get3A_315 = vector.load %arg5[%get3A_313, %get3A_314] : memref<6x128xf32, #tpu.memory_space<vmem>>, vector<6x128xf32>
    %dot_general3A_316 = arith.constant dense<0.000000e+00> : vector<512x128xf32>
    %dot_general3A_317 = tpu.matmul %concatenate3A_312, %get3A_315, %dot_general3A_316 {dimension_numbers = #tpu.dot_dimension_numbers<[1], [0], [0], [1], [0, 0, 1, 1], [], []>, transpose_lhs_hint = false} : vector<512x6xf32>, vector<6x128xf32>, vector<512x128xf32> -> vector<512x128xf32>
    %get3A_318 = arith.constant 0 : index
    %get3A_319 = arith.constant 0 : index
    %get3A_320 = vector.load %arg6[%get3A_318, %get3A_319] : memref<1x128xf32, #tpu.memory_space<vmem>>, vector<1x128xf32>
    %add3A_321 = vector.broadcast %get3A_320 : vector<1x128xf32> to vector<512x128xf32>
    %add3A_322 = arith.addf %dot_general3A_317, %add3A_321 : vector<512x128xf32>
    %sub3A_323 = vector.broadcast %get3A_262 : vector<1x128xf32> to vector<512x128xf32>
    %sub3A_324 = arith.subf %add3A_322, %sub3A_323 : vector<512x128xf32>
    %mul3A_325 = vector.broadcast %get3A_259 : vector<1x128xf32> to vector<512x128xf32>
    %mul3A_326 = arith.mulf %mul3A_325, %sub3A_324 : vector<512x128xf32>
    %div3A_327 = vector.broadcast %get3A_265 : vector<1x128xf32> to vector<512x128xf32>
    %div3A_328 = arith.divf %mul3A_326, %div3A_327 : vector<512x128xf32>
    %add3A_329 = vector.broadcast %get3A_268 : vector<1x128xf32> to vector<512x128xf32>
    %add3A_330 = arith.addf %div3A_328, %add3A_329 : vector<512x128xf32>
    %ge3A_331 = arith.constant 0.000000e+00 : f32
    %ge3A_332 = vector.broadcast %ge3A_331 : f32 to vector<512x128xf32>
    %ge3A_333 = arith.cmpf oge, %add3A_330, %ge3A_332 : vector<512x128xf32>
    %mul3A_334 = arith.constant 2.000000e-01 : f32
    %mul3A_335 = vector.broadcast %mul3A_334 : f32 to vector<512x128xf32>
    %mul3A_336 = arith.mulf %mul3A_335, %add3A_330 : vector<512x128xf32>
    %select_n3A_337 = arith.select %ge3A_333, %add3A_330, %mul3A_336 : vector<512x128xi1>, vector<512x128xf32>
    %mul3A_338 = arith.mulf %select_n3A_337, %div3A_303 : vector<512x128xf32>
    %div3A_339 = arith.divf %exp3A_228, %add3A_251 : vector<512x128xf32>
    %get3A_340 = arith.constant 0 : index
    %get3A_341 = arith.constant 2 : index
    %get3A_342 = arith.constant 0 : index
    %get3A_343 = arith.constant 0 : index
    %get3A_344 = vector.load %arg3[%get3A_340, %get3A_341, %get3A_342, %get3A_343] : memref<1x10x512x128xf32, #tpu.memory_space<vmem>>, vector<1x1x512x128xf32>
    %get3A_345 = vector.shape_cast %get3A_344 : vector<1x1x512x128xf32> to vector<512x128xf32>
    %sub3A_346 = arith.subf %get3A_345, %get3A_256 : vector<512x128xf32>
    %slice3A_347 = vector.extract_strided_slice %sub3A_346 {offsets = [0, 0], sizes = [512, 3], strides = [1, 1]} : vector<512x128xf32> to vector<512x3xf32>
    %concatenate3A_348 = tpu.concatenate %slice3A, %slice3A_347 in 1 : vector<512x3xf32>, vector<512x3xf32> -> vector<512x6xf32>
    %get3A_349 = arith.constant 0 : index
    %get3A_350 = arith.constant 0 : index
    %get3A_351 = vector.load %arg5[%get3A_349, %get3A_350] : memref<6x128xf32, #tpu.memory_space<vmem>>, vector<6x128xf32>
    %dot_general3A_352 = arith.constant dense<0.000000e+00> : vector<512x128xf32>
    %dot_general3A_353 = tpu.matmul %concatenate3A_348, %get3A_351, %dot_general3A_352 {dimension_numbers = #tpu.dot_dimension_numbers<[1], [0], [0], [1], [0, 0, 1, 1], [], []>, transpose_lhs_hint = false} : vector<512x6xf32>, vector<6x128xf32>, vector<512x128xf32> -> vector<512x128xf32>
    %get3A_354 = arith.constant 0 : index
    %get3A_355 = arith.constant 0 : index
    %get3A_356 = vector.load %arg6[%get3A_354, %get3A_355] : memref<1x128xf32, #tpu.memory_space<vmem>>, vector<1x128xf32>
    %add3A_357 = vector.broadcast %get3A_356 : vector<1x128xf32> to vector<512x128xf32>
    %add3A_358 = arith.addf %dot_general3A_353, %add3A_357 : vector<512x128xf32>
    %sub3A_359 = vector.broadcast %get3A_262 : vector<1x128xf32> to vector<512x128xf32>
    %sub3A_360 = arith.subf %add3A_358, %sub3A_359 : vector<512x128xf32>
    %mul3A_361 = vector.broadcast %get3A_259 : vector<1x128xf32> to vector<512x128xf32>
    %mul3A_362 = arith.mulf %mul3A_361, %sub3A_360 : vector<512x128xf32>
    %div3A_363 = vector.broadcast %get3A_265 : vector<1x128xf32> to vector<512x128xf32>
    %div3A_364 = arith.divf %mul3A_362, %div3A_363 : vector<512x128xf32>
    %add3A_365 = vector.broadcast %get3A_268 : vector<1x128xf32> to vector<512x128xf32>
    %add3A_366 = arith.addf %div3A_364, %add3A_365 : vector<512x128xf32>
    %ge3A_367 = arith.constant 0.000000e+00 : f32
    %ge3A_368 = vector.broadcast %ge3A_367 : f32 to vector<512x128xf32>
    %ge3A_369 = arith.cmpf oge, %add3A_366, %ge3A_368 : vector<512x128xf32>
    %mul3A_370 = arith.constant 2.000000e-01 : f32
    %mul3A_371 = vector.broadcast %mul3A_370 : f32 to vector<512x128xf32>
    %mul3A_372 = arith.mulf %mul3A_371, %add3A_366 : vector<512x128xf32>
    %select_n3A_373 = arith.select %ge3A_369, %add3A_366, %mul3A_372 : vector<512x128xi1>, vector<512x128xf32>
    %mul3A_374 = arith.mulf %select_n3A_373, %div3A_339 : vector<512x128xf32>
    %div3A_375 = arith.divf %exp3A_230, %add3A_251 : vector<512x128xf32>
    %get3A_376 = arith.constant 0 : index
    %get3A_377 = arith.constant 3 : index
    %get3A_378 = arith.constant 0 : index
    %get3A_379 = arith.constant 0 : index
    %get3A_380 = vector.load %arg3[%get3A_376, %get3A_377, %get3A_378, %get3A_379] : memref<1x10x512x128xf32, #tpu.memory_space<vmem>>, vector<1x1x512x128xf32>
    %get3A_381 = vector.shape_cast %get3A_380 : vector<1x1x512x128xf32> to vector<512x128xf32>
    %sub3A_382 = arith.subf %get3A_381, %get3A_256 : vector<512x128xf32>
    %slice3A_383 = vector.extract_strided_slice %sub3A_382 {offsets = [0, 0], sizes = [512, 3], strides = [1, 1]} : vector<512x128xf32> to vector<512x3xf32>
    %concatenate3A_384 = tpu.concatenate %slice3A, %slice3A_383 in 1 : vector<512x3xf32>, vector<512x3xf32> -> vector<512x6xf32>
    %get3A_385 = arith.constant 0 : index
    %get3A_386 = arith.constant 0 : index
    %get3A_387 = vector.load %arg5[%get3A_385, %get3A_386] : memref<6x128xf32, #tpu.memory_space<vmem>>, vector<6x128xf32>
    %dot_general3A_388 = arith.constant dense<0.000000e+00> : vector<512x128xf32>
    %dot_general3A_389 = tpu.matmul %concatenate3A_384, %get3A_387, %dot_general3A_388 {dimension_numbers = #tpu.dot_dimension_numbers<[1], [0], [0], [1], [0, 0, 1, 1], [], []>, transpose_lhs_hint = false} : vector<512x6xf32>, vector<6x128xf32>, vector<512x128xf32> -> vector<512x128xf32>
    %get3A_390 = arith.constant 0 : index
    %get3A_391 = arith.constant 0 : index
    %get3A_392 = vector.load %arg6[%get3A_390, %get3A_391] : memref<1x128xf32, #tpu.memory_space<vmem>>, vector<1x128xf32>
    %add3A_393 = vector.broadcast %get3A_392 : vector<1x128xf32> to vector<512x128xf32>
    %add3A_394 = arith.addf %dot_general3A_389, %add3A_393 : vector<512x128xf32>
    %sub3A_395 = vector.broadcast %get3A_262 : vector<1x128xf32> to vector<512x128xf32>
    %sub3A_396 = arith.subf %add3A_394, %sub3A_395 : vector<512x128xf32>
    %mul3A_397 = vector.broadcast %get3A_259 : vector<1x128xf32> to vector<512x128xf32>
    %mul3A_398 = arith.mulf %mul3A_397, %sub3A_396 : vector<512x128xf32>
    %div3A_399 = vector.broadcast %get3A_265 : vector<1x128xf32> to vector<512x128xf32>
    %div3A_400 = arith.divf %mul3A_398, %div3A_399 : vector<512x128xf32>
    %add3A_401 = vector.broadcast %get3A_268 : vector<1x128xf32> to vector<512x128xf32>
    %add3A_402 = arith.addf %div3A_400, %add3A_401 : vector<512x128xf32>
    %ge3A_403 = arith.constant 0.000000e+00 : f32
    %ge3A_404 = vector.broadcast %ge3A_403 : f32 to vector<512x128xf32>
    %ge3A_405 = arith.cmpf oge, %add3A_402, %ge3A_404 : vector<512x128xf32>
    %mul3A_406 = arith.constant 2.000000e-01 : f32
    %mul3A_407 = vector.broadcast %mul3A_406 : f32 to vector<512x128xf32>
    %mul3A_408 = arith.mulf %mul3A_407, %add3A_402 : vector<512x128xf32>
    %select_n3A_409 = arith.select %ge3A_405, %add3A_402, %mul3A_408 : vector<512x128xi1>, vector<512x128xf32>
    %mul3A_410 = arith.mulf %select_n3A_409, %div3A_375 : vector<512x128xf32>
    %div3A_411 = arith.divf %exp3A_232, %add3A_251 : vector<512x128xf32>
    %get3A_412 = arith.constant 0 : index
    %get3A_413 = arith.constant 4 : index
    %get3A_414 = arith.constant 0 : index
    %get3A_415 = arith.constant 0 : index
    %get3A_416 = vector.load %arg3[%get3A_412, %get3A_413, %get3A_414, %get3A_415] : memref<1x10x512x128xf32, #tpu.memory_space<vmem>>, vector<1x1x512x128xf32>
    %get3A_417 = vector.shape_cast %get3A_416 : vector<1x1x512x128xf32> to vector<512x128xf32>
    %sub3A_418 = arith.subf %get3A_417, %get3A_256 : vector<512x128xf32>
    %slice3A_419 = vector.extract_strided_slice %sub3A_418 {offsets = [0, 0], sizes = [512, 3], strides = [1, 1]} : vector<512x128xf32> to vector<512x3xf32>
    %concatenate3A_420 = tpu.concatenate %slice3A, %slice3A_419 in 1 : vector<512x3xf32>, vector<512x3xf32> -> vector<512x6xf32>
    %get3A_421 = arith.constant 0 : index
    %get3A_422 = arith.constant 0 : index
    %get3A_423 = vector.load %arg5[%get3A_421, %get3A_422] : memref<6x128xf32, #tpu.memory_space<vmem>>, vector<6x128xf32>
    %dot_general3A_424 = arith.constant dense<0.000000e+00> : vector<512x128xf32>
    %dot_general3A_425 = tpu.matmul %concatenate3A_420, %get3A_423, %dot_general3A_424 {dimension_numbers = #tpu.dot_dimension_numbers<[1], [0], [0], [1], [0, 0, 1, 1], [], []>, transpose_lhs_hint = false} : vector<512x6xf32>, vector<6x128xf32>, vector<512x128xf32> -> vector<512x128xf32>
    %get3A_426 = arith.constant 0 : index
    %get3A_427 = arith.constant 0 : index
    %get3A_428 = vector.load %arg6[%get3A_426, %get3A_427] : memref<1x128xf32, #tpu.memory_space<vmem>>, vector<1x128xf32>
    %add3A_429 = vector.broadcast %get3A_428 : vector<1x128xf32> to vector<512x128xf32>
    %add3A_430 = arith.addf %dot_general3A_425, %add3A_429 : vector<512x128xf32>
    %sub3A_431 = vector.broadcast %get3A_262 : vector<1x128xf32> to vector<512x128xf32>
    %sub3A_432 = arith.subf %add3A_430, %sub3A_431 : vector<512x128xf32>
    %mul3A_433 = vector.broadcast %get3A_259 : vector<1x128xf32> to vector<512x128xf32>
    %mul3A_434 = arith.mulf %mul3A_433, %sub3A_432 : vector<512x128xf32>
    %div3A_435 = vector.broadcast %get3A_265 : vector<1x128xf32> to vector<512x128xf32>
    %div3A_436 = arith.divf %mul3A_434, %div3A_435 : vector<512x128xf32>
    %add3A_437 = vector.broadcast %get3A_268 : vector<1x128xf32> to vector<512x128xf32>
    %add3A_438 = arith.addf %div3A_436, %add3A_437 : vector<512x128xf32>
    %ge3A_439 = arith.constant 0.000000e+00 : f32
    %ge3A_440 = vector.broadcast %ge3A_439 : f32 to vector<512x128xf32>
    %ge3A_441 = arith.cmpf oge, %add3A_438, %ge3A_440 : vector<512x128xf32>
    %mul3A_442 = arith.constant 2.000000e-01 : f32
    %mul3A_443 = vector.broadcast %mul3A_442 : f32 to vector<512x128xf32>
    %mul3A_444 = arith.mulf %mul3A_443, %add3A_438 : vector<512x128xf32>
    %select_n3A_445 = arith.select %ge3A_441, %add3A_438, %mul3A_444 : vector<512x128xi1>, vector<512x128xf32>
    %mul3A_446 = arith.mulf %select_n3A_445, %div3A_411 : vector<512x128xf32>
    %div3A_447 = arith.divf %exp3A_234, %add3A_251 : vector<512x128xf32>
    %get3A_448 = arith.constant 0 : index
    %get3A_449 = arith.constant 5 : index
    %get3A_450 = arith.constant 0 : index
    %get3A_451 = arith.constant 0 : index
    %get3A_452 = vector.load %arg3[%get3A_448, %get3A_449, %get3A_450, %get3A_451] : memref<1x10x512x128xf32, #tpu.memory_space<vmem>>, vector<1x1x512x128xf32>
    %get3A_453 = vector.shape_cast %get3A_452 : vector<1x1x512x128xf32> to vector<512x128xf32>
    %sub3A_454 = arith.subf %get3A_453, %get3A_256 : vector<512x128xf32>
    %slice3A_455 = vector.extract_strided_slice %sub3A_454 {offsets = [0, 0], sizes = [512, 3], strides = [1, 1]} : vector<512x128xf32> to vector<512x3xf32>
    %concatenate3A_456 = tpu.concatenate %slice3A, %slice3A_455 in 1 : vector<512x3xf32>, vector<512x3xf32> -> vector<512x6xf32>
    %get3A_457 = arith.constant 0 : index
    %get3A_458 = arith.constant 0 : index
    %get3A_459 = vector.load %arg5[%get3A_457, %get3A_458] : memref<6x128xf32, #tpu.memory_space<vmem>>, vector<6x128xf32>
    %dot_general3A_460 = arith.constant dense<0.000000e+00> : vector<512x128xf32>
    %dot_general3A_461 = tpu.matmul %concatenate3A_456, %get3A_459, %dot_general3A_460 {dimension_numbers = #tpu.dot_dimension_numbers<[1], [0], [0], [1], [0, 0, 1, 1], [], []>, transpose_lhs_hint = false} : vector<512x6xf32>, vector<6x128xf32>, vector<512x128xf32> -> vector<512x128xf32>
    %get3A_462 = arith.constant 0 : index
    %get3A_463 = arith.constant 0 : index
    %get3A_464 = vector.load %arg6[%get3A_462, %get3A_463] : memref<1x128xf32, #tpu.memory_space<vmem>>, vector<1x128xf32>
    %add3A_465 = vector.broadcast %get3A_464 : vector<1x128xf32> to vector<512x128xf32>
    %add3A_466 = arith.addf %dot_general3A_461, %add3A_465 : vector<512x128xf32>
    %sub3A_467 = vector.broadcast %get3A_262 : vector<1x128xf32> to vector<512x128xf32>
    %sub3A_468 = arith.subf %add3A_466, %sub3A_467 : vector<512x128xf32>
    %mul3A_469 = vector.broadcast %get3A_259 : vector<1x128xf32> to vector<512x128xf32>
    %mul3A_470 = arith.mulf %mul3A_469, %sub3A_468 : vector<512x128xf32>
    %div3A_471 = vector.broadcast %get3A_265 : vector<1x128xf32> to vector<512x128xf32>
    %div3A_472 = arith.divf %mul3A_470, %div3A_471 : vector<512x128xf32>
    %add3A_473 = vector.broadcast %get3A_268 : vector<1x128xf32> to vector<512x128xf32>
    %add3A_474 = arith.addf %div3A_472, %add3A_473 : vector<512x128xf32>
    %ge3A_475 = arith.constant 0.000000e+00 : f32
    %ge3A_476 = vector.broadcast %ge3A_475 : f32 to vector<512x128xf32>
    %ge3A_477 = arith.cmpf oge, %add3A_474, %ge3A_476 : vector<512x128xf32>
    %mul3A_478 = arith.constant 2.000000e-01 : f32
    %mul3A_479 = vector.broadcast %mul3A_478 : f32 to vector<512x128xf32>
    %mul3A_480 = arith.mulf %mul3A_479, %add3A_474 : vector<512x128xf32>
    %select_n3A_481 = arith.select %ge3A_477, %add3A_474, %mul3A_480 : vector<512x128xi1>, vector<512x128xf32>
    %mul3A_482 = arith.mulf %select_n3A_481, %div3A_447 : vector<512x128xf32>
    %div3A_483 = arith.divf %exp3A_236, %add3A_251 : vector<512x128xf32>
    %get3A_484 = arith.constant 0 : index
    %get3A_485 = arith.constant 6 : index
    %get3A_486 = arith.constant 0 : index
    %get3A_487 = arith.constant 0 : index
    %get3A_488 = vector.load %arg3[%get3A_484, %get3A_485, %get3A_486, %get3A_487] : memref<1x10x512x128xf32, #tpu.memory_space<vmem>>, vector<1x1x512x128xf32>
    %get3A_489 = vector.shape_cast %get3A_488 : vector<1x1x512x128xf32> to vector<512x128xf32>
    %sub3A_490 = arith.subf %get3A_489, %get3A_256 : vector<512x128xf32>
    %slice3A_491 = vector.extract_strided_slice %sub3A_490 {offsets = [0, 0], sizes = [512, 3], strides = [1, 1]} : vector<512x128xf32> to vector<512x3xf32>
    %concatenate3A_492 = tpu.concatenate %slice3A, %slice3A_491 in 1 : vector<512x3xf32>, vector<512x3xf32> -> vector<512x6xf32>
    %get3A_493 = arith.constant 0 : index
    %get3A_494 = arith.constant 0 : index
    %get3A_495 = vector.load %arg5[%get3A_493, %get3A_494] : memref<6x128xf32, #tpu.memory_space<vmem>>, vector<6x128xf32>
    %dot_general3A_496 = arith.constant dense<0.000000e+00> : vector<512x128xf32>
    %dot_general3A_497 = tpu.matmul %concatenate3A_492, %get3A_495, %dot_general3A_496 {dimension_numbers = #tpu.dot_dimension_numbers<[1], [0], [0], [1], [0, 0, 1, 1], [], []>, transpose_lhs_hint = false} : vector<512x6xf32>, vector<6x128xf32>, vector<512x128xf32> -> vector<512x128xf32>
    %get3A_498 = arith.constant 0 : index
    %get3A_499 = arith.constant 0 : index
    %get3A_500 = vector.load %arg6[%get3A_498, %get3A_499] : memref<1x128xf32, #tpu.memory_space<vmem>>, vector<1x128xf32>
    %add3A_501 = vector.broadcast %get3A_500 : vector<1x128xf32> to vector<512x128xf32>
    %add3A_502 = arith.addf %dot_general3A_497, %add3A_501 : vector<512x128xf32>
    %sub3A_503 = vector.broadcast %get3A_262 : vector<1x128xf32> to vector<512x128xf32>
    %sub3A_504 = arith.subf %add3A_502, %sub3A_503 : vector<512x128xf32>
    %mul3A_505 = vector.broadcast %get3A_259 : vector<1x128xf32> to vector<512x128xf32>
    %mul3A_506 = arith.mulf %mul3A_505, %sub3A_504 : vector<512x128xf32>
    %div3A_507 = vector.broadcast %get3A_265 : vector<1x128xf32> to vector<512x128xf32>
    %div3A_508 = arith.divf %mul3A_506, %div3A_507 : vector<512x128xf32>
    %add3A_509 = vector.broadcast %get3A_268 : vector<1x128xf32> to vector<512x128xf32>
    %add3A_510 = arith.addf %div3A_508, %add3A_509 : vector<512x128xf32>
    %ge3A_511 = arith.constant 0.000000e+00 : f32
    %ge3A_512 = vector.broadcast %ge3A_511 : f32 to vector<512x128xf32>
    %ge3A_513 = arith.cmpf oge, %add3A_510, %ge3A_512 : vector<512x128xf32>
    %mul3A_514 = arith.constant 2.000000e-01 : f32
    %mul3A_515 = vector.broadcast %mul3A_514 : f32 to vector<512x128xf32>
    %mul3A_516 = arith.mulf %mul3A_515, %add3A_510 : vector<512x128xf32>
    %select_n3A_517 = arith.select %ge3A_513, %add3A_510, %mul3A_516 : vector<512x128xi1>, vector<512x128xf32>
    %mul3A_518 = arith.mulf %select_n3A_517, %div3A_483 : vector<512x128xf32>
    %div3A_519 = arith.divf %exp3A_238, %add3A_251 : vector<512x128xf32>
    %get3A_520 = arith.constant 0 : index
    %get3A_521 = arith.constant 7 : index
    %get3A_522 = arith.constant 0 : index
    %get3A_523 = arith.constant 0 : index
    %get3A_524 = vector.load %arg3[%get3A_520, %get3A_521, %get3A_522, %get3A_523] : memref<1x10x512x128xf32, #tpu.memory_space<vmem>>, vector<1x1x512x128xf32>
    %get3A_525 = vector.shape_cast %get3A_524 : vector<1x1x512x128xf32> to vector<512x128xf32>
    %sub3A_526 = arith.subf %get3A_525, %get3A_256 : vector<512x128xf32>
    %slice3A_527 = vector.extract_strided_slice %sub3A_526 {offsets = [0, 0], sizes = [512, 3], strides = [1, 1]} : vector<512x128xf32> to vector<512x3xf32>
    %concatenate3A_528 = tpu.concatenate %slice3A, %slice3A_527 in 1 : vector<512x3xf32>, vector<512x3xf32> -> vector<512x6xf32>
    %get3A_529 = arith.constant 0 : index
    %get3A_530 = arith.constant 0 : index
    %get3A_531 = vector.load %arg5[%get3A_529, %get3A_530] : memref<6x128xf32, #tpu.memory_space<vmem>>, vector<6x128xf32>
    %dot_general3A_532 = arith.constant dense<0.000000e+00> : vector<512x128xf32>
    %dot_general3A_533 = tpu.matmul %concatenate3A_528, %get3A_531, %dot_general3A_532 {dimension_numbers = #tpu.dot_dimension_numbers<[1], [0], [0], [1], [0, 0, 1, 1], [], []>, transpose_lhs_hint = false} : vector<512x6xf32>, vector<6x128xf32>, vector<512x128xf32> -> vector<512x128xf32>
    %get3A_534 = arith.constant 0 : index
    %get3A_535 = arith.constant 0 : index
    %get3A_536 = vector.load %arg6[%get3A_534, %get3A_535] : memref<1x128xf32, #tpu.memory_space<vmem>>, vector<1x128xf32>
    %add3A_537 = vector.broadcast %get3A_536 : vector<1x128xf32> to vector<512x128xf32>
    %add3A_538 = arith.addf %dot_general3A_533, %add3A_537 : vector<512x128xf32>
    %sub3A_539 = vector.broadcast %get3A_262 : vector<1x128xf32> to vector<512x128xf32>
    %sub3A_540 = arith.subf %add3A_538, %sub3A_539 : vector<512x128xf32>
    %mul3A_541 = vector.broadcast %get3A_259 : vector<1x128xf32> to vector<512x128xf32>
    %mul3A_542 = arith.mulf %mul3A_541, %sub3A_540 : vector<512x128xf32>
    %div3A_543 = vector.broadcast %get3A_265 : vector<1x128xf32> to vector<512x128xf32>
    %div3A_544 = arith.divf %mul3A_542, %div3A_543 : vector<512x128xf32>
    %add3A_545 = vector.broadcast %get3A_268 : vector<1x128xf32> to vector<512x128xf32>
    %add3A_546 = arith.addf %div3A_544, %add3A_545 : vector<512x128xf32>
    %ge3A_547 = arith.constant 0.000000e+00 : f32
    %ge3A_548 = vector.broadcast %ge3A_547 : f32 to vector<512x128xf32>
    %ge3A_549 = arith.cmpf oge, %add3A_546, %ge3A_548 : vector<512x128xf32>
    %mul3A_550 = arith.constant 2.000000e-01 : f32
    %mul3A_551 = vector.broadcast %mul3A_550 : f32 to vector<512x128xf32>
    %mul3A_552 = arith.mulf %mul3A_551, %add3A_546 : vector<512x128xf32>
    %select_n3A_553 = arith.select %ge3A_549, %add3A_546, %mul3A_552 : vector<512x128xi1>, vector<512x128xf32>
    %mul3A_554 = arith.mulf %select_n3A_553, %div3A_519 : vector<512x128xf32>
    %div3A_555 = arith.divf %exp3A_240, %add3A_251 : vector<512x128xf32>
    %get3A_556 = arith.constant 0 : index
    %get3A_557 = arith.constant 8 : index
    %get3A_558 = arith.constant 0 : index
    %get3A_559 = arith.constant 0 : index
    %get3A_560 = vector.load %arg3[%get3A_556, %get3A_557, %get3A_558, %get3A_559] : memref<1x10x512x128xf32, #tpu.memory_space<vmem>>, vector<1x1x512x128xf32>
    %get3A_561 = vector.shape_cast %get3A_560 : vector<1x1x512x128xf32> to vector<512x128xf32>
    %sub3A_562 = arith.subf %get3A_561, %get3A_256 : vector<512x128xf32>
    %slice3A_563 = vector.extract_strided_slice %sub3A_562 {offsets = [0, 0], sizes = [512, 3], strides = [1, 1]} : vector<512x128xf32> to vector<512x3xf32>
    %concatenate3A_564 = tpu.concatenate %slice3A, %slice3A_563 in 1 : vector<512x3xf32>, vector<512x3xf32> -> vector<512x6xf32>
    %get3A_565 = arith.constant 0 : index
    %get3A_566 = arith.constant 0 : index
    %get3A_567 = vector.load %arg5[%get3A_565, %get3A_566] : memref<6x128xf32, #tpu.memory_space<vmem>>, vector<6x128xf32>
    %dot_general3A_568 = arith.constant dense<0.000000e+00> : vector<512x128xf32>
    %dot_general3A_569 = tpu.matmul %concatenate3A_564, %get3A_567, %dot_general3A_568 {dimension_numbers = #tpu.dot_dimension_numbers<[1], [0], [0], [1], [0, 0, 1, 1], [], []>, transpose_lhs_hint = false} : vector<512x6xf32>, vector<6x128xf32>, vector<512x128xf32> -> vector<512x128xf32>
    %get3A_570 = arith.constant 0 : index
    %get3A_571 = arith.constant 0 : index
    %get3A_572 = vector.load %arg6[%get3A_570, %get3A_571] : memref<1x128xf32, #tpu.memory_space<vmem>>, vector<1x128xf32>
    %add3A_573 = vector.broadcast %get3A_572 : vector<1x128xf32> to vector<512x128xf32>
    %add3A_574 = arith.addf %dot_general3A_569, %add3A_573 : vector<512x128xf32>
    %sub3A_575 = vector.broadcast %get3A_262 : vector<1x128xf32> to vector<512x128xf32>
    %sub3A_576 = arith.subf %add3A_574, %sub3A_575 : vector<512x128xf32>
    %mul3A_577 = vector.broadcast %get3A_259 : vector<1x128xf32> to vector<512x128xf32>
    %mul3A_578 = arith.mulf %mul3A_577, %sub3A_576 : vector<512x128xf32>
    %div3A_579 = vector.broadcast %get3A_265 : vector<1x128xf32> to vector<512x128xf32>
    %div3A_580 = arith.divf %mul3A_578, %div3A_579 : vector<512x128xf32>
    %add3A_581 = vector.broadcast %get3A_268 : vector<1x128xf32> to vector<512x128xf32>
    %add3A_582 = arith.addf %div3A_580, %add3A_581 : vector<512x128xf32>
    %ge3A_583 = arith.constant 0.000000e+00 : f32
    %ge3A_584 = vector.broadcast %ge3A_583 : f32 to vector<512x128xf32>
    %ge3A_585 = arith.cmpf oge, %add3A_582, %ge3A_584 : vector<512x128xf32>
    %mul3A_586 = arith.constant 2.000000e-01 : f32
    %mul3A_587 = vector.broadcast %mul3A_586 : f32 to vector<512x128xf32>
    %mul3A_588 = arith.mulf %mul3A_587, %add3A_582 : vector<512x128xf32>
    %select_n3A_589 = arith.select %ge3A_585, %add3A_582, %mul3A_588 : vector<512x128xi1>, vector<512x128xf32>
    %mul3A_590 = arith.mulf %select_n3A_589, %div3A_555 : vector<512x128xf32>
    %div3A_591 = arith.divf %exp3A_242, %add3A_251 : vector<512x128xf32>
    %get3A_592 = arith.constant 0 : index
    %get3A_593 = arith.constant 9 : index
    %get3A_594 = arith.constant 0 : index
    %get3A_595 = arith.constant 0 : index
    %get3A_596 = vector.load %arg3[%get3A_592, %get3A_593, %get3A_594, %get3A_595] : memref<1x10x512x128xf32, #tpu.memory_space<vmem>>, vector<1x1x512x128xf32>
    %get3A_597 = vector.shape_cast %get3A_596 : vector<1x1x512x128xf32> to vector<512x128xf32>
    %sub3A_598 = arith.subf %get3A_597, %get3A_256 : vector<512x128xf32>
    %slice3A_599 = vector.extract_strided_slice %sub3A_598 {offsets = [0, 0], sizes = [512, 3], strides = [1, 1]} : vector<512x128xf32> to vector<512x3xf32>
    %concatenate3A_600 = tpu.concatenate %slice3A, %slice3A_599 in 1 : vector<512x3xf32>, vector<512x3xf32> -> vector<512x6xf32>
    %get3A_601 = arith.constant 0 : index
    %get3A_602 = arith.constant 0 : index
    %get3A_603 = vector.load %arg5[%get3A_601, %get3A_602] : memref<6x128xf32, #tpu.memory_space<vmem>>, vector<6x128xf32>
    %dot_general3A_604 = arith.constant dense<0.000000e+00> : vector<512x128xf32>
    %dot_general3A_605 = tpu.matmul %concatenate3A_600, %get3A_603, %dot_general3A_604 {dimension_numbers = #tpu.dot_dimension_numbers<[1], [0], [0], [1], [0, 0, 1, 1], [], []>, transpose_lhs_hint = false} : vector<512x6xf32>, vector<6x128xf32>, vector<512x128xf32> -> vector<512x128xf32>
    %get3A_606 = arith.constant 0 : index
    %get3A_607 = arith.constant 0 : index
    %get3A_608 = vector.load %arg6[%get3A_606, %get3A_607] : memref<1x128xf32, #tpu.memory_space<vmem>>, vector<1x128xf32>
    %add3A_609 = vector.broadcast %get3A_608 : vector<1x128xf32> to vector<512x128xf32>
    %add3A_610 = arith.addf %dot_general3A_605, %add3A_609 : vector<512x128xf32>
    %sub3A_611 = vector.broadcast %get3A_262 : vector<1x128xf32> to vector<512x128xf32>
    %sub3A_612 = arith.subf %add3A_610, %sub3A_611 : vector<512x128xf32>
    %mul3A_613 = vector.broadcast %get3A_259 : vector<1x128xf32> to vector<512x128xf32>
    %mul3A_614 = arith.mulf %mul3A_613, %sub3A_612 : vector<512x128xf32>
    %div3A_615 = vector.broadcast %get3A_265 : vector<1x128xf32> to vector<512x128xf32>
    %div3A_616 = arith.divf %mul3A_614, %div3A_615 : vector<512x128xf32>
    %add3A_617 = vector.broadcast %get3A_268 : vector<1x128xf32> to vector<512x128xf32>
    %add3A_618 = arith.addf %div3A_616, %add3A_617 : vector<512x128xf32>
    %ge3A_619 = arith.constant 0.000000e+00 : f32
    %ge3A_620 = vector.broadcast %ge3A_619 : f32 to vector<512x128xf32>
    %ge3A_621 = arith.cmpf oge, %add3A_618, %ge3A_620 : vector<512x128xf32>
    %mul3A_622 = arith.constant 2.000000e-01 : f32
    %mul3A_623 = vector.broadcast %mul3A_622 : f32 to vector<512x128xf32>
    %mul3A_624 = arith.mulf %mul3A_623, %add3A_618 : vector<512x128xf32>
    %select_n3A_625 = arith.select %ge3A_621, %add3A_618, %mul3A_624 : vector<512x128xi1>, vector<512x128xf32>
    %mul3A_626 = arith.mulf %select_n3A_625, %div3A_591 : vector<512x128xf32>
    %concatenate3A_627 = tpu.concatenate %mul3A_302, %mul3A_338, %mul3A_374, %mul3A_410, %mul3A_446, %mul3A_482, %mul3A_518, %mul3A_554, %mul3A_590, %mul3A_626 in 1 : vector<512x128xf32>, vector<512x128xf32>, vector<512x128xf32>, vector<512x128xf32>, vector<512x128xf32>, vector<512x128xf32>, vector<512x128xf32>, vector<512x128xf32>, vector<512x128xf32>, vector<512x128xf32> -> vector<512x1280xf32>
    %get3A_628 = arith.constant 0 : index
    %get3A_629 = arith.constant 0 : index
    %get3A_630 = vector.load %arg15[%get3A_628, %get3A_629] : memref<1280x128xf32, #tpu.memory_space<vmem>>, vector<1280x128xf32>
    %dot_general3A_631 = arith.constant dense<0.000000e+00> : vector<512x128xf32>
    %dot_general3A_632 = tpu.matmul %concatenate3A_627, %get3A_630, %dot_general3A_631 {dimension_numbers = #tpu.dot_dimension_numbers<[1], [0], [0], [1], [0, 0, 1, 1], [], []>, transpose_lhs_hint = false} : vector<512x1280xf32>, vector<1280x128xf32>, vector<512x128xf32> -> vector<512x128xf32>
    %get3A_633 = arith.constant 0 : index
    %get3A_634 = arith.constant 0 : index
    %get3A_635 = vector.load %arg16[%get3A_633, %get3A_634] : memref<1x128xf32, #tpu.memory_space<vmem>>, vector<1x128xf32>
    %add3A_636 = vector.broadcast %get3A_635 : vector<1x128xf32> to vector<512x128xf32>
    %add3A_637 = arith.addf %dot_general3A_632, %add3A_636 : vector<512x128xf32>
    %swap3A = arith.constant 0 : index
    %swap3A_638 = arith.constant 0 : index
    %swap3A_639 = arith.constant 0 : index
    %swap3A_640 = vector.load %arg17[%swap3A, %swap3A_638, %swap3A_639] : memref<1x512x128xf32, #tpu.memory_space<vmem>>, vector<1x512x128xf32>
    %swap3A_641 = vector.shape_cast %swap3A_640 : vector<1x512x128xf32> to vector<512x128xf32>
    %swap3A_642 = vector.shape_cast %add3A_637 : vector<512x128xf32> to vector<1x512x128xf32>
    tpu.vector_store %arg17[%swap3A, %swap3A_638, %swap3A_639], %swap3A_642 {strides = array<i32>} : memref<1x512x128xf32, #tpu.memory_space<vmem>>, vector<1x512x128xf32>,
    %convert_element_type3A = arith.extui %eq3A_0 : i1 to i32
    %cond3A = arith.constant 0 : i32
    %cond3A_643 = arith.cmpi ne, %convert_element_type3A, %cond3A : i32
    scf.if %cond3A_643 {
      %broadcast_in_dim3A_657 = arith.constant 0.000000e+00 : f32
      %broadcast_in_dim3A_658 = vector.broadcast %broadcast_in_dim3A_657 : f32 to vector<1x1x128xf32>
      %swap3A_659 = arith.constant 0 : index
      %swap3A_660 = arith.constant 0 : index
      %swap3A_661 = arith.constant 0 : index
      %swap3A_662 = vector.load %arg18[%swap3A_659, %swap3A_660, %swap3A_661] : memref<1x1x128xf32, #tpu.memory_space<vmem>>, vector<1x1x128xf32>
      tpu.vector_store %arg18[%swap3A_659, %swap3A_660, %swap3A_661], %broadcast_in_dim3A_658 {strides = array<i32>} : memref<1x1x128xf32, #tpu.memory_space<vmem>>, vector<1x1x128xf32>,
    } else {
    }
    %get3A_644 = arith.constant 0 : index
    %get3A_645 = arith.constant 0 : index
    %get3A_646 = arith.constant 0 : index
    %get3A_647 = vector.load %arg18[%get3A_644, %get3A_645, %get3A_646] : memref<1x1x128xf32, #tpu.memory_space<vmem>>, vector<1x1x128xf32>
    %get3A_648 = vector.shape_cast %get3A_647 : vector<1x1x128xf32> to vector<1x128xf32>
    %reduce_sum3A = arith.constant dense<0.000000e+00> : vector<128xf32>
    %reduce_sum3A_649 = vector.multi_reduction <add>, %add3A_637, %reduce_sum3A [0] : vector<512x128xf32> to vector<128xf32>
    %broadcast_in_dim3A = vector.shape_cast %reduce_sum3A_649 : vector<128xf32> to vector<1x128xf32>
    %add3A_650 = arith.addf %get3A_648, %broadcast_in_dim3A : vector<1x128xf32>
    %swap3A_651 = arith.constant 0 : index
    %swap3A_652 = arith.constant 0 : index
    %swap3A_653 = arith.constant 0 : index
    %swap3A_654 = vector.load %arg18[%swap3A_651, %swap3A_652, %swap3A_653] : memref<1x1x128xf32, #tpu.memory_space<vmem>>, vector<1x1x128xf32>
    %swap3A_655 = vector.shape_cast %swap3A_654 : vector<1x1x128xf32> to vector<1x128xf32>
    %swap3A_656 = vector.shape_cast %add3A_650 : vector<1x128xf32> to vector<1x1x128xf32>
    tpu.vector_store %arg18[%swap3A_651, %swap3A_652, %swap3A_653], %swap3A_656 {strides = array<i32>} : memref<1x1x128xf32, #tpu.memory_space<vmem>>, vector<1x1x128xf32>,
    return
  }
  func.func @transform_0(%arg0: i32, %arg1: i32) -> (i32, i32, i32, i32) {
    %c0_i32 = arith.constant 0 : i32
    %c0_i32_0 = arith.constant 0 : i32
    %c0_i32_1 = arith.constant 0 : i32
    return %arg0, %c0_i32, %arg1, %c0_i32_0 : i32, i32, i32, i32
  }
  func.func @transform_1(%arg0: i32, %arg1: i32) -> (i32, i32, i32, i32) {
    %c0_i32 = arith.constant 0 : i32
    %c0_i32_0 = arith.constant 0 : i32
    %c0_i32_1 = arith.constant 0 : i32
    return %arg0, %c0_i32, %arg1, %c0_i32_0 : i32, i32, i32, i32
  }
  func.func @transform_2(%arg0: i32, %arg1: i32) -> (i32, i32, i32) {
    %c0_i32 = arith.constant 0 : i32
    %c0_i32_0 = arith.constant 0 : i32
    return %arg0, %arg1, %c0_i32 : i32, i32, i32
  }
  func.func @transform_3(%arg0: i32, %arg1: i32) -> (i32, i32) {
    %c0_i32 = arith.constant 0 : i32
    %c0_i32_0 = arith.constant 0 : i32
    %c0_i32_1 = arith.constant 0 : i32
    return %c0_i32, %c0_i32_0 : i32, i32
  }
  func.func @transform_4(%arg0: i32, %arg1: i32) -> (i32, i32) {
    %c0_i32 = arith.constant 0 : i32
    %c0_i32_0 = arith.constant 0 : i32
    %c0_i32_1 = arith.constant 0 : i32
    return %c0_i32, %c0_i32_0 : i32, i32
  }
  func.func @transform_5(%arg0: i32, %arg1: i32) -> (i32, i32) {
    %c0_i32 = arith.constant 0 : i32
    %c0_i32_0 = arith.constant 0 : i32
    %c0_i32_1 = arith.constant 0 : i32
    return %c0_i32, %c0_i32_0 : i32, i32
  }
  func.func @transform_6(%arg0: i32, %arg1: i32) -> (i32, i32) {
    %c0_i32 = arith.constant 0 : i32
    %c0_i32_0 = arith.constant 0 : i32
    %c0_i32_1 = arith.constant 0 : i32
    return %c0_i32, %c0_i32_0 : i32, i32
  }
  func.func @transform_7(%arg0: i32, %arg1: i32) -> (i32, i32) {
    %c0_i32 = arith.constant 0 : i32
    %c0_i32_0 = arith.constant 0 : i32
    %c0_i32_1 = arith.constant 0 : i32
    return %c0_i32, %c0_i32_0 : i32, i32
  }
  func.func @transform_8(%arg0: i32, %arg1: i32) -> (i32, i32) {
    %c0_i32 = arith.constant 0 : i32
    %c0_i32_0 = arith.constant 0 : i32
    %c0_i32_1 = arith.constant 0 : i32
    return %c0_i32, %c0_i32_0 : i32, i32
  }
  func.func @transform_9(%arg0: i32, %arg1: i32) -> (i32, i32) {
    %c0_i32 = arith.constant 0 : i32
    %c0_i32_0 = arith.constant 0 : i32
    %c0_i32_1 = arith.constant 0 : i32
    return %c0_i32, %c0_i32_0 : i32, i32
  }
  func.func @transform_10(%arg0: i32, %arg1: i32) -> (i32, i32) {
    %c0_i32 = arith.constant 0 : i32
    %c0_i32_0 = arith.constant 0 : i32
    %c0_i32_1 = arith.constant 0 : i32
    return %c0_i32, %c0_i32_0 : i32, i32
  }
  func.func @transform_11(%arg0: i32, %arg1: i32) -> (i32, i32) {
    %c0_i32 = arith.constant 0 : i32
    %c0_i32_0 = arith.constant 0 : i32
    %c0_i32_1 = arith.constant 0 : i32
    return %c0_i32, %c0_i32_0 : i32, i32
  }
  func.func @transform_12(%arg0: i32, %arg1: i32) -> (i32, i32) {
    %c0_i32 = arith.constant 0 : i32
    %c0_i32_0 = arith.constant 0 : i32
    %c0_i32_1 = arith.constant 0 : i32
    return %c0_i32, %c0_i32_0 : i32, i32
  }
  func.func @transform_13(%arg0: i32, %arg1: i32) -> (i32, i32) {
    %c0_i32 = arith.constant 0 : i32
    %c0_i32_0 = arith.constant 0 : i32
    %c0_i32_1 = arith.constant 0 : i32
    return %c0_i32, %c0_i32_0 : i32, i32
  }
  func.func @transform_14(%arg0: i32, %arg1: i32) -> (i32, i32) {
    %c0_i32 = arith.constant 0 : i32
    %c0_i32_0 = arith.constant 0 : i32
    %c0_i32_1 = arith.constant 0 : i32
    return %c0_i32, %c0_i32_0 : i32, i32
  }
  func.func @transform_15(%arg0: i32, %arg1: i32) -> (i32, i32, i32) {
    %c0_i32 = arith.constant 0 : i32
    %c0_i32_0 = arith.constant 0 : i32
    return %arg0, %arg1, %c0_i32 : i32, i32, i32
  }
  func.func @transform_16(%arg0: i32, %arg1: i32) -> (i32, i32, i32) {
    %c0_i32 = arith.constant 0 : i32
    %c0_i32_0 = arith.constant 0 : i32
    %c0_i32_1 = arith.constant 0 : i32
    return %arg0, %c0_i32, %c0_i32_0 : i32, i32, i32
  }
}

module attributes {stable_mosaic.version = 14 : i64} {
  func.func @_e3v_body(%arg0: i32, %arg1: i32, %arg2: memref<1x512x128xf32, #tpu.memory_space<vmem>>, %arg3: memref<1x1x128xf32, #tpu.memory_space<vmem>>, %arg4: memref<1x1x128xf32, #tpu.memory_space<vmem>>) attributes {dimension_semantics = [#tpu.dimension_semantics<arbitrary>, #tpu.dimension_semantics<arbitrary>], iteration_bounds = array<i64: 8, 4>, scalar_prefetch = 0 : i64, scratch_operands = 0 : i64, tpu.core_type = #tpu.core_type<tc>, window_params = [{transform_indices = @transform_0, window_bounds = array<i64: 1, 512, 128>}, {transform_indices = @transform_1, window_bounds = array<i64: 1, 1, 128>}, {transform_indices = @transform_2, window_bounds = array<i64: 1, 1, 128>}]} {
    %eq3A = arith.constant 0 : i32
    %eq3A_0 = arith.cmpi eq, %arg1, %eq3A : i32
    %get3A = arith.constant 0 : index
    %get3A_1 = arith.constant 0 : index
    %get3A_2 = arith.constant 0 : index
    %get3A_3 = vector.load %arg2[%get3A, %get3A_1, %get3A_2] : memref<1x512x128xf32, #tpu.memory_space<vmem>>, vector<1x512x128xf32>
    %get3A_4 = vector.shape_cast %get3A_3 : vector<1x512x128xf32> to vector<512x128xf32>
    %get3A_5 = arith.constant 0 : index
    %get3A_6 = arith.constant 0 : index
    %get3A_7 = arith.constant 0 : index
    %get3A_8 = vector.load %arg3[%get3A_5, %get3A_6, %get3A_7] : memref<1x1x128xf32, #tpu.memory_space<vmem>>, vector<1x1x128xf32>
    %get3A_9 = vector.shape_cast %get3A_8 : vector<1x1x128xf32> to vector<1x128xf32>
    %sub3A = vector.broadcast %get3A_9 : vector<1x128xf32> to vector<512x128xf32>
    %sub3A_10 = arith.subf %get3A_4, %sub3A : vector<512x128xf32>
    %convert_element_type3A = arith.extui %eq3A_0 : i1 to i32
    %cond3A = arith.constant 0 : i32
    %cond3A_11 = arith.cmpi ne, %convert_element_type3A, %cond3A : i32
    scf.if %cond3A_11 {
      %broadcast_in_dim3A_23 = arith.constant 0.000000e+00 : f32
      %broadcast_in_dim3A_24 = vector.broadcast %broadcast_in_dim3A_23 : f32 to vector<1x1x128xf32>
      %swap3A_25 = arith.constant 0 : index
      %swap3A_26 = arith.constant 0 : index
      %swap3A_27 = arith.constant 0 : index
      %swap3A_28 = vector.load %arg4[%swap3A_25, %swap3A_26, %swap3A_27] : memref<1x1x128xf32, #tpu.memory_space<vmem>>, vector<1x1x128xf32>
      tpu.vector_store %arg4[%swap3A_25, %swap3A_26, %swap3A_27], %broadcast_in_dim3A_24 {strides = array<i32>} : memref<1x1x128xf32, #tpu.memory_space<vmem>>, vector<1x1x128xf32>,
    } else {
    }
    %get3A_12 = arith.constant 0 : index
    %get3A_13 = arith.constant 0 : index
    %get3A_14 = arith.constant 0 : index
    %get3A_15 = vector.load %arg4[%get3A_12, %get3A_13, %get3A_14] : memref<1x1x128xf32, #tpu.memory_space<vmem>>, vector<1x1x128xf32>
    %get3A_16 = vector.shape_cast %get3A_15 : vector<1x1x128xf32> to vector<1x128xf32>
    %mul3A = arith.mulf %sub3A_10, %sub3A_10 : vector<512x128xf32>
    %reduce_sum3A = arith.constant dense<0.000000e+00> : vector<128xf32>
    %reduce_sum3A_17 = vector.multi_reduction <add>, %mul3A, %reduce_sum3A [0] : vector<512x128xf32> to vector<128xf32>
    %broadcast_in_dim3A = vector.shape_cast %reduce_sum3A_17 : vector<128xf32> to vector<1x128xf32>
    %add3A = arith.addf %get3A_16, %broadcast_in_dim3A : vector<1x128xf32>
    %swap3A = arith.constant 0 : index
    %swap3A_18 = arith.constant 0 : index
    %swap3A_19 = arith.constant 0 : index
    %swap3A_20 = vector.load %arg4[%swap3A, %swap3A_18, %swap3A_19] : memref<1x1x128xf32, #tpu.memory_space<vmem>>, vector<1x1x128xf32>
    %swap3A_21 = vector.shape_cast %swap3A_20 : vector<1x1x128xf32> to vector<1x128xf32>
    %swap3A_22 = vector.shape_cast %add3A : vector<1x128xf32> to vector<1x1x128xf32>
    tpu.vector_store %arg4[%swap3A, %swap3A_18, %swap3A_19], %swap3A_22 {strides = array<i32>} : memref<1x1x128xf32, #tpu.memory_space<vmem>>, vector<1x1x128xf32>,
    return
  }
  func.func @transform_0(%arg0: i32, %arg1: i32) -> (i32, i32, i32) {
    %c0_i32 = arith.constant 0 : i32
    %c0_i32_0 = arith.constant 0 : i32
    return %arg0, %arg1, %c0_i32 : i32, i32, i32
  }
  func.func @transform_1(%arg0: i32, %arg1: i32) -> (i32, i32, i32) {
    %c0_i32 = arith.constant 0 : i32
    %c0_i32_0 = arith.constant 0 : i32
    %c0_i32_1 = arith.constant 0 : i32
    return %arg0, %c0_i32, %c0_i32_0 : i32, i32, i32
  }
  func.func @transform_2(%arg0: i32, %arg1: i32) -> (i32, i32, i32) {
    %c0_i32 = arith.constant 0 : i32
    %c0_i32_0 = arith.constant 0 : i32
    %c0_i32_1 = arith.constant 0 : i32
    return %arg0, %c0_i32, %c0_i32_0 : i32, i32, i32
  }
}

module attributes {stable_mosaic.version = 14 : i64} {
  func.func @_e4_block0_body(%arg0: i32, %arg1: i32, %arg2: memref<1x512x128xf32, #tpu.memory_space<vmem>>, %arg3: memref<1x512x128xf32, #tpu.memory_space<vmem>>, %arg4: memref<1x1x128xf32, #tpu.memory_space<vmem>>, %arg5: memref<1x1x128xf32, #tpu.memory_space<vmem>>, %arg6: memref<128x256xf32, #tpu.memory_space<vmem>>, %arg7: memref<1x256xf32, #tpu.memory_space<vmem>>, %arg8: memref<1x512x128xf32, #tpu.memory_space<vmem>>, %arg9: memref<1x128x512xf32, #tpu.memory_space<vmem>>) attributes {dimension_semantics = [#tpu.dimension_semantics<arbitrary>, #tpu.dimension_semantics<arbitrary>], iteration_bounds = array<i64: 8, 4>, scalar_prefetch = 0 : i64, scratch_operands = 0 : i64, tpu.core_type = #tpu.core_type<tc>, window_params = [{transform_indices = @transform_0, window_bounds = array<i64: 1, 512, 128>}, {transform_indices = @transform_1, window_bounds = array<i64: 1, 512, 128>}, {transform_indices = @transform_2, window_bounds = array<i64: 1, 1, 128>}, {transform_indices = @transform_3, window_bounds = array<i64: 1, 1, 128>}, {pipeline_mode = #tpu.pipeline_mode<synchronous>, transform_indices = @transform_4, window_bounds = array<i64: 128, 256>}, {pipeline_mode = #tpu.pipeline_mode<synchronous>, transform_indices = @transform_5, window_bounds = array<i64: 1, 256>}, {transform_indices = @transform_6, window_bounds = array<i64: 1, 512, 128>}, {transform_indices = @transform_7, window_bounds = array<i64: 1, 128, 512>}]} {
    %get3A = arith.constant 0 : index
    %get3A_0 = arith.constant 0 : index
    %get3A_1 = arith.constant 0 : index
    %get3A_2 = vector.load %arg2[%get3A, %get3A_0, %get3A_1] : memref<1x512x128xf32, #tpu.memory_space<vmem>>, vector<1x512x128xf32>
    %get3A_3 = vector.shape_cast %get3A_2 : vector<1x512x128xf32> to vector<512x128xf32>
    %get3A_4 = arith.constant 0 : index
    %get3A_5 = arith.constant 0 : index
    %get3A_6 = arith.constant 0 : index
    %get3A_7 = vector.load %arg4[%get3A_4, %get3A_5, %get3A_6] : memref<1x1x128xf32, #tpu.memory_space<vmem>>, vector<1x1x128xf32>
    %get3A_8 = vector.shape_cast %get3A_7 : vector<1x1x128xf32> to vector<1x128xf32>
    %sub3A = vector.broadcast %get3A_8 : vector<1x128xf32> to vector<512x128xf32>
    %sub3A_9 = arith.subf %get3A_3, %sub3A : vector<512x128xf32>
    %get3A_10 = arith.constant 0 : index
    %get3A_11 = arith.constant 0 : index
    %get3A_12 = arith.constant 0 : index
    %get3A_13 = vector.load %arg5[%get3A_10, %get3A_11, %get3A_12] : memref<1x1x128xf32, #tpu.memory_space<vmem>>, vector<1x1x128xf32>
    %get3A_14 = vector.shape_cast %get3A_13 : vector<1x1x128xf32> to vector<1x128xf32>
    %div3A = vector.broadcast %get3A_14 : vector<1x128xf32> to vector<512x128xf32>
    %div3A_15 = arith.divf %sub3A_9, %div3A : vector<512x128xf32>
    %get3A_16 = arith.constant 0 : index
    %get3A_17 = arith.constant 0 : index
    %get3A_18 = arith.constant 0 : index
    %get3A_19 = vector.load %arg3[%get3A_16, %get3A_17, %get3A_18] : memref<1x512x128xf32, #tpu.memory_space<vmem>>, vector<1x512x128xf32>
    %get3A_20 = vector.shape_cast %get3A_19 : vector<1x512x128xf32> to vector<512x128xf32>
    %get3A_21 = arith.constant 0 : index
    %get3A_22 = arith.constant 0 : index
    %get3A_23 = vector.load %arg6[%get3A_21, %get3A_22] : memref<128x256xf32, #tpu.memory_space<vmem>>, vector<128x256xf32>
    %dot_general3A = arith.constant dense<0.000000e+00> : vector<512x256xf32>
    %dot_general3A_24 = tpu.matmul %get3A_20, %get3A_23, %dot_general3A {dimension_numbers = #tpu.dot_dimension_numbers<[1], [0], [0], [1], [0, 0, 1, 1], [], []>, transpose_lhs_hint = false} : vector<512x128xf32>, vector<128x256xf32>, vector<512x256xf32> -> vector<512x256xf32>
    %get3A_25 = arith.constant 0 : index
    %get3A_26 = arith.constant 0 : index
    %get3A_27 = vector.load %arg7[%get3A_25, %get3A_26] : memref<1x256xf32, #tpu.memory_space<vmem>>, vector<1x256xf32>
    %add3A = vector.broadcast %get3A_27 : vector<1x256xf32> to vector<512x256xf32>
    %add3A_28 = arith.addf %dot_general3A_24, %add3A : vector<512x256xf32>
    %slice3A = vector.extract_strided_slice %add3A_28 {offsets = [0, 0], sizes = [512, 128], strides = [1, 1]} : vector<512x256xf32> to vector<512x128xf32>
    %mul3A = arith.mulf %slice3A, %div3A_15 : vector<512x128xf32>
    %slice3A_29 = vector.extract_strided_slice %add3A_28 {offsets = [0, 128], sizes = [512, 128], strides = [1, 1]} : vector<512x256xf32> to vector<512x128xf32>
    %add3A_30 = arith.addf %mul3A, %slice3A_29 : vector<512x128xf32>
    %ge3A = arith.constant 0.000000e+00 : f32
    %ge3A_31 = vector.broadcast %ge3A : f32 to vector<512x128xf32>
    %ge3A_32 = arith.cmpf oge, %add3A_30, %ge3A_31 : vector<512x128xf32>
    %mul3A_33 = arith.constant 2.000000e-01 : f32
    %mul3A_34 = vector.broadcast %mul3A_33 : f32 to vector<512x128xf32>
    %mul3A_35 = arith.mulf %mul3A_34, %add3A_30 : vector<512x128xf32>
    %select_n3A = arith.select %ge3A_32, %add3A_30, %mul3A_35 : vector<512x128xi1>, vector<512x128xf32>
    %swap3A = arith.constant 0 : index
    %swap3A_36 = arith.constant 0 : index
    %swap3A_37 = arith.constant 0 : index
    %swap3A_38 = vector.load %arg8[%swap3A, %swap3A_36, %swap3A_37] : memref<1x512x128xf32, #tpu.memory_space<vmem>>, vector<1x512x128xf32>
    %swap3A_39 = vector.shape_cast %swap3A_38 : vector<1x512x128xf32> to vector<512x128xf32>
    %swap3A_40 = vector.shape_cast %select_n3A : vector<512x128xf32> to vector<1x512x128xf32>
    tpu.vector_store %arg8[%swap3A, %swap3A_36, %swap3A_37], %swap3A_40 {strides = array<i32>} : memref<1x512x128xf32, #tpu.memory_space<vmem>>, vector<1x512x128xf32>,
    %transpose3A = tpu.transpose %select_n3A, [1, 0] : vector<512x128xf32> -> vector<128x512xf32>
    %swap3A_41 = arith.constant 0 : index
    %swap3A_42 = arith.constant 0 : index
    %swap3A_43 = arith.constant 0 : index
    %swap3A_44 = vector.load %arg9[%swap3A_41, %swap3A_42, %swap3A_43] : memref<1x128x512xf32, #tpu.memory_space<vmem>>, vector<1x128x512xf32>
    %swap3A_45 = vector.shape_cast %swap3A_44 : vector<1x128x512xf32> to vector<128x512xf32>
    %swap3A_46 = vector.shape_cast %transpose3A : vector<128x512xf32> to vector<1x128x512xf32>
    tpu.vector_store %arg9[%swap3A_41, %swap3A_42, %swap3A_43], %swap3A_46 {strides = array<i32>} : memref<1x128x512xf32, #tpu.memory_space<vmem>>, vector<1x128x512xf32>,
    return
  }
  func.func @transform_0(%arg0: i32, %arg1: i32) -> (i32, i32, i32) {
    %c0_i32 = arith.constant 0 : i32
    %c0_i32_0 = arith.constant 0 : i32
    return %arg0, %arg1, %c0_i32 : i32, i32, i32
  }
  func.func @transform_1(%arg0: i32, %arg1: i32) -> (i32, i32, i32) {
    %c0_i32 = arith.constant 0 : i32
    %c0_i32_0 = arith.constant 0 : i32
    return %arg0, %arg1, %c0_i32 : i32, i32, i32
  }
  func.func @transform_2(%arg0: i32, %arg1: i32) -> (i32, i32, i32) {
    %c0_i32 = arith.constant 0 : i32
    %c0_i32_0 = arith.constant 0 : i32
    %c0_i32_1 = arith.constant 0 : i32
    return %arg0, %c0_i32, %c0_i32_0 : i32, i32, i32
  }
  func.func @transform_3(%arg0: i32, %arg1: i32) -> (i32, i32, i32) {
    %c0_i32 = arith.constant 0 : i32
    %c0_i32_0 = arith.constant 0 : i32
    %c0_i32_1 = arith.constant 0 : i32
    return %arg0, %c0_i32, %c0_i32_0 : i32, i32, i32
  }
  func.func @transform_4(%arg0: i32, %arg1: i32) -> (i32, i32) {
    %c0_i32 = arith.constant 0 : i32
    %c0_i32_0 = arith.constant 0 : i32
    %c0_i32_1 = arith.constant 0 : i32
    return %c0_i32, %c0_i32_0 : i32, i32
  }
  func.func @transform_5(%arg0: i32, %arg1: i32) -> (i32, i32) {
    %c0_i32 = arith.constant 0 : i32
    %c0_i32_0 = arith.constant 0 : i32
    %c0_i32_1 = arith.constant 0 : i32
    return %c0_i32, %c0_i32_0 : i32, i32
  }
  func.func @transform_6(%arg0: i32, %arg1: i32) -> (i32, i32, i32) {
    %c0_i32 = arith.constant 0 : i32
    %c0_i32_0 = arith.constant 0 : i32
    return %arg0, %arg1, %c0_i32 : i32, i32, i32
  }
  func.func @transform_7(%arg0: i32, %arg1: i32) -> (i32, i32, i32) {
    %c0_i32 = arith.constant 0 : i32
    %c0_i32_0 = arith.constant 0 : i32
    return %arg0, %c0_i32, %arg1 : i32, i32, i32
  }
}

module attributes {stable_mosaic.version = 14 : i64} {
  func.func @_knn_body(%arg0: i32, %arg1: i32, %arg2: memref<1x256x128xf32, #tpu.memory_space<vmem>>, %arg3: memref<1x128x2048xf32, #tpu.memory_space<vmem>>, %arg4: memref<1x256x1xf32, #tpu.memory_space<vmem>>, %arg5: memref<1x1x2048xf32, #tpu.memory_space<vmem>>, %arg6: memref<1x256x10xi32, #tpu.memory_space<vmem>>) attributes {dimension_semantics = [#tpu.dimension_semantics<arbitrary>, #tpu.dimension_semantics<arbitrary>], iteration_bounds = array<i64: 8, 8>, scalar_prefetch = 0 : i64, scratch_operands = 0 : i64, tpu.core_type = #tpu.core_type<tc>, window_params = [{transform_indices = @transform_0, window_bounds = array<i64: 1, 256, 128>}, {transform_indices = @transform_1, window_bounds = array<i64: 1, 128, 2048>}, {transform_indices = @transform_2, window_bounds = array<i64: 1, 256, 1>}, {transform_indices = @transform_3, window_bounds = array<i64: 1, 1, 2048>}, {transform_indices = @transform_4, window_bounds = array<i64: 1, 256, 10>}]} {
    %get3A = arith.constant 0 : index
    %get3A_0 = arith.constant 0 : index
    %get3A_1 = arith.constant 0 : index
    %get3A_2 = vector.load %arg2[%get3A, %get3A_0, %get3A_1] : memref<1x256x128xf32, #tpu.memory_space<vmem>>, vector<1x256x128xf32>
    %get3A_3 = vector.shape_cast %get3A_2 : vector<1x256x128xf32> to vector<256x128xf32>
    %get3A_4 = arith.constant 0 : index
    %get3A_5 = arith.constant 0 : index
    %get3A_6 = arith.constant 0 : index
    %get3A_7 = vector.load %arg3[%get3A_4, %get3A_5, %get3A_6] : memref<1x128x2048xf32, #tpu.memory_space<vmem>>, vector<1x128x2048xf32>
    %get3A_8 = vector.shape_cast %get3A_7 : vector<1x128x2048xf32> to vector<128x2048xf32>
    %dot_general3A = arith.constant dense<0.000000e+00> : vector<256x2048xf32>
    %dot_general3A_9 = tpu.matmul %get3A_3, %get3A_8, %dot_general3A {dimension_numbers = #tpu.dot_dimension_numbers<[1], [0], [0], [1], [0, 0, 1, 1], [], []>, transpose_lhs_hint = false} : vector<256x128xf32>, vector<128x2048xf32>, vector<256x2048xf32> -> vector<256x2048xf32>
    %mul3A = arith.constant -2.000000e+00 : f32
    %mul3A_10 = vector.broadcast %mul3A : f32 to vector<256x2048xf32>
    %mul3A_11 = arith.mulf %mul3A_10, %dot_general3A_9 : vector<256x2048xf32>
    %get3A_12 = arith.constant 0 : index
    %get3A_13 = arith.constant 0 : index
    %get3A_14 = arith.constant 0 : index
    %get3A_15 = vector.load %arg4[%get3A_12, %get3A_13, %get3A_14] : memref<1x256x1xf32, #tpu.memory_space<vmem>>, vector<1x256x1xf32>
    %get3A_16 = vector.shape_cast %get3A_15 : vector<1x256x1xf32> to vector<256x1xf32>
    %add3A = vector.broadcast %get3A_16 : vector<256x1xf32> to vector<256x2048xf32>
    %add3A_17 = arith.addf %mul3A_11, %add3A : vector<256x2048xf32>
    %get3A_18 = arith.constant 0 : index
    %get3A_19 = arith.constant 0 : index
    %get3A_20 = arith.constant 0 : index
    %get3A_21 = vector.load %arg5[%get3A_18, %get3A_19, %get3A_20] : memref<1x1x2048xf32, #tpu.memory_space<vmem>>, vector<1x1x2048xf32>
    %get3A_22 = vector.shape_cast %get3A_21 : vector<1x1x2048xf32> to vector<1x2048xf32>
    %add3A_23 = vector.broadcast %get3A_22 : vector<1x2048xf32> to vector<256x2048xf32>
    %add3A_24 = arith.addf %add3A_17, %add3A_23 : vector<256x2048xf32>
    %iota3A = tpu.iota {dimensions = array<i32: 1>} : vector<256x2048xi32>
    %mul3A_25 = arith.constant 2048 : i32
    %mul3A_26 = arith.muli %arg0, %mul3A_25 : i32
    %reduce_min3A = arith.constant dense<0x7F800000> : vector<256xf32>
    %reduce_min3A_27 = vector.multi_reduction <minimumf>, %add3A_24, %reduce_min3A [1] : vector<256x2048xf32> to vector<256xf32>
    %broadcast_in_dim3A = vector.shape_cast %reduce_min3A_27 : vector<256xf32> to vector<256x1xf32>
    %eq3A = vector.broadcast %broadcast_in_dim3A : vector<256x1xf32> to vector<256x2048xf32>
    %eq3A_28 = arith.cmpf oeq, %add3A_24, %eq3A : vector<256x2048xf32>
    %jit3A = arith.constant 2048 : i32
    %broadcast_in_dim3A_29 = vector.broadcast %jit3A : i32 to vector<256x2048xi32>
    %select_n3A = arith.select %eq3A_28, %iota3A, %broadcast_in_dim3A_29 : vector<256x2048xi1>, vector<256x2048xi32>
    %reduce_min3A_30 = arith.constant dense<2147483647> : vector<256xi32>
    %reduce_min3A_31 = vector.multi_reduction <minsi>, %select_n3A, %reduce_min3A_30 [1] : vector<256x2048xi32> to vector<256xi32>
    %broadcast_in_dim3A_32 = vector.shape_cast %reduce_min3A_31 : vector<256xi32> to vector<256x1xi32>
    %eq3A_33 = vector.broadcast %broadcast_in_dim3A_32 : vector<256x1xi32> to vector<256x2048xi32>
    %eq3A_34 = arith.cmpi eq, %iota3A, %eq3A_33 : vector<256x2048xi32>
    %jit3A_35 = arith.constant 0x7F800000 : f32
    %broadcast_in_dim3A_36 = vector.broadcast %jit3A_35 : f32 to vector<256x2048xf32>
    %select_n3A_37 = arith.select %eq3A_34, %broadcast_in_dim3A_36, %add3A_24 : vector<256x2048xi1>, vector<256x2048xf32>
    %reduce_min3A_38 = arith.constant dense<0x7F800000> : vector<256xf32>
    %reduce_min3A_39 = vector.multi_reduction <minimumf>, %select_n3A_37, %reduce_min3A_38 [1] : vector<256x2048xf32> to vector<256xf32>
    %broadcast_in_dim3A_40 = vector.shape_cast %reduce_min3A_39 : vector<256xf32> to vector<256x1xf32>
    %eq3A_41 = vector.broadcast %broadcast_in_dim3A_40 : vector<256x1xf32> to vector<256x2048xf32>
    %eq3A_42 = arith.cmpf oeq, %select_n3A_37, %eq3A_41 : vector<256x2048xf32>
    %jit3A_43 = arith.constant 2048 : i32
    %broadcast_in_dim3A_44 = vector.broadcast %jit3A_43 : i32 to vector<256x2048xi32>
    %select_n3A_45 = arith.select %eq3A_42, %iota3A, %broadcast_in_dim3A_44 : vector<256x2048xi1>, vector<256x2048xi32>
    %reduce_min3A_46 = arith.constant dense<2147483647> : vector<256xi32>
    %reduce_min3A_47 = vector.multi_reduction <minsi>, %select_n3A_45, %reduce_min3A_46 [1] : vector<256x2048xi32> to vector<256xi32>
    %broadcast_in_dim3A_48 = vector.shape_cast %reduce_min3A_47 : vector<256xi32> to vector<256x1xi32>
    %add3A_49 = vector.broadcast %mul3A_26 : i32 to vector<256x1xi32>
    %add3A_50 = arith.addi %broadcast_in_dim3A_48, %add3A_49 : vector<256x1xi32>
    %eq3A_51 = vector.broadcast %broadcast_in_dim3A_48 : vector<256x1xi32> to vector<256x2048xi32>
    %eq3A_52 = arith.cmpi eq, %iota3A, %eq3A_51 : vector<256x2048xi32>
    %jit3A_53 = arith.constant 0x7F800000 : f32
    %broadcast_in_dim3A_54 = vector.broadcast %jit3A_53 : f32 to vector<256x2048xf32>
    %select_n3A_55 = arith.select %eq3A_52, %broadcast_in_dim3A_54, %select_n3A_37 : vector<256x2048xi1>, vector<256x2048xf32>
    %reduce_min3A_56 = arith.constant dense<0x7F800000> : vector<256xf32>
    %reduce_min3A_57 = vector.multi_reduction <minimumf>, %select_n3A_55, %reduce_min3A_56 [1] : vector<256x2048xf32> to vector<256xf32>
    %broadcast_in_dim3A_58 = vector.shape_cast %reduce_min3A_57 : vector<256xf32> to vector<256x1xf32>
    %eq3A_59 = vector.broadcast %broadcast_in_dim3A_58 : vector<256x1xf32> to vector<256x2048xf32>
    %eq3A_60 = arith.cmpf oeq, %select_n3A_55, %eq3A_59 : vector<256x2048xf32>
    %jit3A_61 = arith.constant 2048 : i32
    %broadcast_in_dim3A_62 = vector.broadcast %jit3A_61 : i32 to vector<256x2048xi32>
    %select_n3A_63 = arith.select %eq3A_60, %iota3A, %broadcast_in_dim3A_62 : vector<256x2048xi1>, vector<256x2048xi32>
    %reduce_min3A_64 = arith.constant dense<2147483647> : vector<256xi32>
    %reduce_min3A_65 = vector.multi_reduction <minsi>, %select_n3A_63, %reduce_min3A_64 [1] : vector<256x2048xi32> to vector<256xi32>
    %broadcast_in_dim3A_66 = vector.shape_cast %reduce_min3A_65 : vector<256xi32> to vector<256x1xi32>
    %add3A_67 = vector.broadcast %mul3A_26 : i32 to vector<256x1xi32>
    %add3A_68 = arith.addi %broadcast_in_dim3A_66, %add3A_67 : vector<256x1xi32>
    %eq3A_69 = vector.broadcast %broadcast_in_dim3A_66 : vector<256x1xi32> to vector<256x2048xi32>
    %eq3A_70 = arith.cmpi eq, %iota3A, %eq3A_69 : vector<256x2048xi32>
    %jit3A_71 = arith.constant 0x7F800000 : f32
    %broadcast_in_dim3A_72 = vector.broadcast %jit3A_71 : f32 to vector<256x2048xf32>
    %select_n3A_73 = arith.select %eq3A_70, %broadcast_in_dim3A_72, %select_n3A_55 : vector<256x2048xi1>, vector<256x2048xf32>
    %reduce_min3A_74 = arith.constant dense<0x7F800000> : vector<256xf32>
    %reduce_min3A_75 = vector.multi_reduction <minimumf>, %select_n3A_73, %reduce_min3A_74 [1] : vector<256x2048xf32> to vector<256xf32>
    %broadcast_in_dim3A_76 = vector.shape_cast %reduce_min3A_75 : vector<256xf32> to vector<256x1xf32>
    %eq3A_77 = vector.broadcast %broadcast_in_dim3A_76 : vector<256x1xf32> to vector<256x2048xf32>
    %eq3A_78 = arith.cmpf oeq, %select_n3A_73, %eq3A_77 : vector<256x2048xf32>
    %jit3A_79 = arith.constant 2048 : i32
    %broadcast_in_dim3A_80 = vector.broadcast %jit3A_79 : i32 to vector<256x2048xi32>
    %select_n3A_81 = arith.select %eq3A_78, %iota3A, %broadcast_in_dim3A_80 : vector<256x2048xi1>, vector<256x2048xi32>
    %reduce_min3A_82 = arith.constant dense<2147483647> : vector<256xi32>
    %reduce_min3A_83 = vector.multi_reduction <minsi>, %select_n3A_81, %reduce_min3A_82 [1] : vector<256x2048xi32> to vector<256xi32>
    %broadcast_in_dim3A_84 = vector.shape_cast %reduce_min3A_83 : vector<256xi32> to vector<256x1xi32>
    %add3A_85 = vector.broadcast %mul3A_26 : i32 to vector<256x1xi32>
    %add3A_86 = arith.addi %broadcast_in_dim3A_84, %add3A_85 : vector<256x1xi32>
    %eq3A_87 = vector.broadcast %broadcast_in_dim3A_84 : vector<256x1xi32> to vector<256x2048xi32>
    %eq3A_88 = arith.cmpi eq, %iota3A, %eq3A_87 : vector<256x2048xi32>
    %jit3A_89 = arith.constant 0x7F800000 : f32
    %broadcast_in_dim3A_90 = vector.broadcast %jit3A_89 : f32 to vector<256x2048xf32>
    %select_n3A_91 = arith.select %eq3A_88, %broadcast_in_dim3A_90, %select_n3A_73 : vector<256x2048xi1>, vector<256x2048xf32>
    %reduce_min3A_92 = arith.constant dense<0x7F800000> : vector<256xf32>
    %reduce_min3A_93 = vector.multi_reduction <minimumf>, %select_n3A_91, %reduce_min3A_92 [1] : vector<256x2048xf32> to vector<256xf32>
    %broadcast_in_dim3A_94 = vector.shape_cast %reduce_min3A_93 : vector<256xf32> to vector<256x1xf32>
    %eq3A_95 = vector.broadcast %broadcast_in_dim3A_94 : vector<256x1xf32> to vector<256x2048xf32>
    %eq3A_96 = arith.cmpf oeq, %select_n3A_91, %eq3A_95 : vector<256x2048xf32>
    %jit3A_97 = arith.constant 2048 : i32
    %broadcast_in_dim3A_98 = vector.broadcast %jit3A_97 : i32 to vector<256x2048xi32>
    %select_n3A_99 = arith.select %eq3A_96, %iota3A, %broadcast_in_dim3A_98 : vector<256x2048xi1>, vector<256x2048xi32>
    %reduce_min3A_100 = arith.constant dense<2147483647> : vector<256xi32>
    %reduce_min3A_101 = vector.multi_reduction <minsi>, %select_n3A_99, %reduce_min3A_100 [1] : vector<256x2048xi32> to vector<256xi32>
    %broadcast_in_dim3A_102 = vector.shape_cast %reduce_min3A_101 : vector<256xi32> to vector<256x1xi32>
    %add3A_103 = vector.broadcast %mul3A_26 : i32 to vector<256x1xi32>
    %add3A_104 = arith.addi %broadcast_in_dim3A_102, %add3A_103 : vector<256x1xi32>
    %eq3A_105 = vector.broadcast %broadcast_in_dim3A_102 : vector<256x1xi32> to vector<256x2048xi32>
    %eq3A_106 = arith.cmpi eq, %iota3A, %eq3A_105 : vector<256x2048xi32>
    %jit3A_107 = arith.constant 0x7F800000 : f32
    %broadcast_in_dim3A_108 = vector.broadcast %jit3A_107 : f32 to vector<256x2048xf32>
    %select_n3A_109 = arith.select %eq3A_106, %broadcast_in_dim3A_108, %select_n3A_91 : vector<256x2048xi1>, vector<256x2048xf32>
    %reduce_min3A_110 = arith.constant dense<0x7F800000> : vector<256xf32>
    %reduce_min3A_111 = vector.multi_reduction <minimumf>, %select_n3A_109, %reduce_min3A_110 [1] : vector<256x2048xf32> to vector<256xf32>
    %broadcast_in_dim3A_112 = vector.shape_cast %reduce_min3A_111 : vector<256xf32> to vector<256x1xf32>
    %eq3A_113 = vector.broadcast %broadcast_in_dim3A_112 : vector<256x1xf32> to vector<256x2048xf32>
    %eq3A_114 = arith.cmpf oeq, %select_n3A_109, %eq3A_113 : vector<256x2048xf32>
    %jit3A_115 = arith.constant 2048 : i32
    %broadcast_in_dim3A_116 = vector.broadcast %jit3A_115 : i32 to vector<256x2048xi32>
    %select_n3A_117 = arith.select %eq3A_114, %iota3A, %broadcast_in_dim3A_116 : vector<256x2048xi1>, vector<256x2048xi32>
    %reduce_min3A_118 = arith.constant dense<2147483647> : vector<256xi32>
    %reduce_min3A_119 = vector.multi_reduction <minsi>, %select_n3A_117, %reduce_min3A_118 [1] : vector<256x2048xi32> to vector<256xi32>
    %broadcast_in_dim3A_120 = vector.shape_cast %reduce_min3A_119 : vector<256xi32> to vector<256x1xi32>
    %add3A_121 = vector.broadcast %mul3A_26 : i32 to vector<256x1xi32>
    %add3A_122 = arith.addi %broadcast_in_dim3A_120, %add3A_121 : vector<256x1xi32>
    %eq3A_123 = vector.broadcast %broadcast_in_dim3A_120 : vector<256x1xi32> to vector<256x2048xi32>
    %eq3A_124 = arith.cmpi eq, %iota3A, %eq3A_123 : vector<256x2048xi32>
    %jit3A_125 = arith.constant 0x7F800000 : f32
    %broadcast_in_dim3A_126 = vector.broadcast %jit3A_125 : f32 to vector<256x2048xf32>
    %select_n3A_127 = arith.select %eq3A_124, %broadcast_in_dim3A_126, %select_n3A_109 : vector<256x2048xi1>, vector<256x2048xf32>
    %reduce_min3A_128 = arith.constant dense<0x7F800000> : vector<256xf32>
    %reduce_min3A_129 = vector.multi_reduction <minimumf>, %select_n3A_127, %reduce_min3A_128 [1] : vector<256x2048xf32> to vector<256xf32>
    %broadcast_in_dim3A_130 = vector.shape_cast %reduce_min3A_129 : vector<256xf32> to vector<256x1xf32>
    %eq3A_131 = vector.broadcast %broadcast_in_dim3A_130 : vector<256x1xf32> to vector<256x2048xf32>
    %eq3A_132 = arith.cmpf oeq, %select_n3A_127, %eq3A_131 : vector<256x2048xf32>
    %jit3A_133 = arith.constant 2048 : i32
    %broadcast_in_dim3A_134 = vector.broadcast %jit3A_133 : i32 to vector<256x2048xi32>
    %select_n3A_135 = arith.select %eq3A_132, %iota3A, %broadcast_in_dim3A_134 : vector<256x2048xi1>, vector<256x2048xi32>
    %reduce_min3A_136 = arith.constant dense<2147483647> : vector<256xi32>
    %reduce_min3A_137 = vector.multi_reduction <minsi>, %select_n3A_135, %reduce_min3A_136 [1] : vector<256x2048xi32> to vector<256xi32>
    %broadcast_in_dim3A_138 = vector.shape_cast %reduce_min3A_137 : vector<256xi32> to vector<256x1xi32>
    %add3A_139 = vector.broadcast %mul3A_26 : i32 to vector<256x1xi32>
    %add3A_140 = arith.addi %broadcast_in_dim3A_138, %add3A_139 : vector<256x1xi32>
    %eq3A_141 = vector.broadcast %broadcast_in_dim3A_138 : vector<256x1xi32> to vector<256x2048xi32>
    %eq3A_142 = arith.cmpi eq, %iota3A, %eq3A_141 : vector<256x2048xi32>
    %jit3A_143 = arith.constant 0x7F800000 : f32
    %broadcast_in_dim3A_144 = vector.broadcast %jit3A_143 : f32 to vector<256x2048xf32>
    %select_n3A_145 = arith.select %eq3A_142, %broadcast_in_dim3A_144, %select_n3A_127 : vector<256x2048xi1>, vector<256x2048xf32>
    %reduce_min3A_146 = arith.constant dense<0x7F800000> : vector<256xf32>
    %reduce_min3A_147 = vector.multi_reduction <minimumf>, %select_n3A_145, %reduce_min3A_146 [1] : vector<256x2048xf32> to vector<256xf32>
    %broadcast_in_dim3A_148 = vector.shape_cast %reduce_min3A_147 : vector<256xf32> to vector<256x1xf32>
    %eq3A_149 = vector.broadcast %broadcast_in_dim3A_148 : vector<256x1xf32> to vector<256x2048xf32>
    %eq3A_150 = arith.cmpf oeq, %select_n3A_145, %eq3A_149 : vector<256x2048xf32>
    %jit3A_151 = arith.constant 2048 : i32
    %broadcast_in_dim3A_152 = vector.broadcast %jit3A_151 : i32 to vector<256x2048xi32>
    %select_n3A_153 = arith.select %eq3A_150, %iota3A, %broadcast_in_dim3A_152 : vector<256x2048xi1>, vector<256x2048xi32>
    %reduce_min3A_154 = arith.constant dense<2147483647> : vector<256xi32>
    %reduce_min3A_155 = vector.multi_reduction <minsi>, %select_n3A_153, %reduce_min3A_154 [1] : vector<256x2048xi32> to vector<256xi32>
    %broadcast_in_dim3A_156 = vector.shape_cast %reduce_min3A_155 : vector<256xi32> to vector<256x1xi32>
    %add3A_157 = vector.broadcast %mul3A_26 : i32 to vector<256x1xi32>
    %add3A_158 = arith.addi %broadcast_in_dim3A_156, %add3A_157 : vector<256x1xi32>
    %eq3A_159 = vector.broadcast %broadcast_in_dim3A_156 : vector<256x1xi32> to vector<256x2048xi32>
    %eq3A_160 = arith.cmpi eq, %iota3A, %eq3A_159 : vector<256x2048xi32>
    %jit3A_161 = arith.constant 0x7F800000 : f32
    %broadcast_in_dim3A_162 = vector.broadcast %jit3A_161 : f32 to vector<256x2048xf32>
    %select_n3A_163 = arith.select %eq3A_160, %broadcast_in_dim3A_162, %select_n3A_145 : vector<256x2048xi1>, vector<256x2048xf32>
    %reduce_min3A_164 = arith.constant dense<0x7F800000> : vector<256xf32>
    %reduce_min3A_165 = vector.multi_reduction <minimumf>, %select_n3A_163, %reduce_min3A_164 [1] : vector<256x2048xf32> to vector<256xf32>
    %broadcast_in_dim3A_166 = vector.shape_cast %reduce_min3A_165 : vector<256xf32> to vector<256x1xf32>
    %eq3A_167 = vector.broadcast %broadcast_in_dim3A_166 : vector<256x1xf32> to vector<256x2048xf32>
    %eq3A_168 = arith.cmpf oeq, %select_n3A_163, %eq3A_167 : vector<256x2048xf32>
    %jit3A_169 = arith.constant 2048 : i32
    %broadcast_in_dim3A_170 = vector.broadcast %jit3A_169 : i32 to vector<256x2048xi32>
    %select_n3A_171 = arith.select %eq3A_168, %iota3A, %broadcast_in_dim3A_170 : vector<256x2048xi1>, vector<256x2048xi32>
    %reduce_min3A_172 = arith.constant dense<2147483647> : vector<256xi32>
    %reduce_min3A_173 = vector.multi_reduction <minsi>, %select_n3A_171, %reduce_min3A_172 [1] : vector<256x2048xi32> to vector<256xi32>
    %broadcast_in_dim3A_174 = vector.shape_cast %reduce_min3A_173 : vector<256xi32> to vector<256x1xi32>
    %add3A_175 = vector.broadcast %mul3A_26 : i32 to vector<256x1xi32>
    %add3A_176 = arith.addi %broadcast_in_dim3A_174, %add3A_175 : vector<256x1xi32>
    %eq3A_177 = vector.broadcast %broadcast_in_dim3A_174 : vector<256x1xi32> to vector<256x2048xi32>
    %eq3A_178 = arith.cmpi eq, %iota3A, %eq3A_177 : vector<256x2048xi32>
    %jit3A_179 = arith.constant 0x7F800000 : f32
    %broadcast_in_dim3A_180 = vector.broadcast %jit3A_179 : f32 to vector<256x2048xf32>
    %select_n3A_181 = arith.select %eq3A_178, %broadcast_in_dim3A_180, %select_n3A_163 : vector<256x2048xi1>, vector<256x2048xf32>
    %reduce_min3A_182 = arith.constant dense<0x7F800000> : vector<256xf32>
    %reduce_min3A_183 = vector.multi_reduction <minimumf>, %select_n3A_181, %reduce_min3A_182 [1] : vector<256x2048xf32> to vector<256xf32>
    %broadcast_in_dim3A_184 = vector.shape_cast %reduce_min3A_183 : vector<256xf32> to vector<256x1xf32>
    %eq3A_185 = vector.broadcast %broadcast_in_dim3A_184 : vector<256x1xf32> to vector<256x2048xf32>
    %eq3A_186 = arith.cmpf oeq, %select_n3A_181, %eq3A_185 : vector<256x2048xf32>
    %jit3A_187 = arith.constant 2048 : i32
    %broadcast_in_dim3A_188 = vector.broadcast %jit3A_187 : i32 to vector<256x2048xi32>
    %select_n3A_189 = arith.select %eq3A_186, %iota3A, %broadcast_in_dim3A_188 : vector<256x2048xi1>, vector<256x2048xi32>
    %reduce_min3A_190 = arith.constant dense<2147483647> : vector<256xi32>
    %reduce_min3A_191 = vector.multi_reduction <minsi>, %select_n3A_189, %reduce_min3A_190 [1] : vector<256x2048xi32> to vector<256xi32>
    %broadcast_in_dim3A_192 = vector.shape_cast %reduce_min3A_191 : vector<256xi32> to vector<256x1xi32>
    %add3A_193 = vector.broadcast %mul3A_26 : i32 to vector<256x1xi32>
    %add3A_194 = arith.addi %broadcast_in_dim3A_192, %add3A_193 : vector<256x1xi32>
    %eq3A_195 = vector.broadcast %broadcast_in_dim3A_192 : vector<256x1xi32> to vector<256x2048xi32>
    %eq3A_196 = arith.cmpi eq, %iota3A, %eq3A_195 : vector<256x2048xi32>
    %jit3A_197 = arith.constant 0x7F800000 : f32
    %broadcast_in_dim3A_198 = vector.broadcast %jit3A_197 : f32 to vector<256x2048xf32>
    %select_n3A_199 = arith.select %eq3A_196, %broadcast_in_dim3A_198, %select_n3A_181 : vector<256x2048xi1>, vector<256x2048xf32>
    %reduce_min3A_200 = arith.constant dense<0x7F800000> : vector<256xf32>
    %reduce_min3A_201 = vector.multi_reduction <minimumf>, %select_n3A_199, %reduce_min3A_200 [1] : vector<256x2048xf32> to vector<256xf32>
    %broadcast_in_dim3A_202 = vector.shape_cast %reduce_min3A_201 : vector<256xf32> to vector<256x1xf32>
    %eq3A_203 = vector.broadcast %broadcast_in_dim3A_202 : vector<256x1xf32> to vector<256x2048xf32>
    %eq3A_204 = arith.cmpf oeq, %select_n3A_199, %eq3A_203 : vector<256x2048xf32>
    %jit3A_205 = arith.constant 2048 : i32
    %broadcast_in_dim3A_206 = vector.broadcast %jit3A_205 : i32 to vector<256x2048xi32>
    %select_n3A_207 = arith.select %eq3A_204, %iota3A, %broadcast_in_dim3A_206 : vector<256x2048xi1>, vector<256x2048xi32>
    %reduce_min3A_208 = arith.constant dense<2147483647> : vector<256xi32>
    %reduce_min3A_209 = vector.multi_reduction <minsi>, %select_n3A_207, %reduce_min3A_208 [1] : vector<256x2048xi32> to vector<256xi32>
    %broadcast_in_dim3A_210 = vector.shape_cast %reduce_min3A_209 : vector<256xi32> to vector<256x1xi32>
    %add3A_211 = vector.broadcast %mul3A_26 : i32 to vector<256x1xi32>
    %add3A_212 = arith.addi %broadcast_in_dim3A_210, %add3A_211 : vector<256x1xi32>
    %concatenate3A = tpu.concatenate %add3A_50, %add3A_68, %add3A_86, %add3A_104, %add3A_122, %add3A_140, %add3A_158, %add3A_176, %add3A_194, %add3A_212 in 1 : vector<256x1xi32>, vector<256x1xi32>, vector<256x1xi32>, vector<256x1xi32>, vector<256x1xi32>, vector<256x1xi32>, vector<256x1xi32>, vector<256x1xi32>, vector<256x1xi32>, vector<256x1xi32> -> vector<256x10xi32>
    %swap3A = arith.constant 0 : index
    %swap3A_213 = arith.constant 0 : index
    %swap3A_214 = arith.constant 0 : index
    %swap3A_215 = vector.load %arg6[%swap3A, %swap3A_213, %swap3A_214] : memref<1x256x10xi32, #tpu.memory_space<vmem>>, vector<1x256x10xi32>
    %swap3A_216 = vector.shape_cast %swap3A_215 : vector<1x256x10xi32> to vector<256x10xi32>
    %swap3A_217 = vector.shape_cast %concatenate3A : vector<256x10xi32> to vector<1x256x10xi32>
    tpu.vector_store %arg6[%swap3A, %swap3A_213, %swap3A_214], %swap3A_217 {strides = array<i32>} : memref<1x256x10xi32, #tpu.memory_space<vmem>>, vector<1x256x10xi32>,
    return
  }
  func.func @transform_0(%arg0: i32, %arg1: i32) -> (i32, i32, i32) {
    %c0_i32 = arith.constant 0 : i32
    %c0_i32_0 = arith.constant 0 : i32
    return %arg0, %arg1, %c0_i32 : i32, i32, i32
  }
  func.func @transform_1(%arg0: i32, %arg1: i32) -> (i32, i32, i32) {
    %c0_i32 = arith.constant 0 : i32
    %c0_i32_0 = arith.constant 0 : i32
    %c0_i32_1 = arith.constant 0 : i32
    return %arg0, %c0_i32, %c0_i32_0 : i32, i32, i32
  }
  func.func @transform_2(%arg0: i32, %arg1: i32) -> (i32, i32, i32) {
    %c0_i32 = arith.constant 0 : i32
    %c0_i32_0 = arith.constant 0 : i32
    return %arg0, %arg1, %c0_i32 : i32, i32, i32
  }
  func.func @transform_3(%arg0: i32, %arg1: i32) -> (i32, i32, i32) {
    %c0_i32 = arith.constant 0 : i32
    %c0_i32_0 = arith.constant 0 : i32
    %c0_i32_1 = arith.constant 0 : i32
    return %arg0, %c0_i32, %c0_i32_0 : i32, i32, i32
  }
  func.func @transform_4(%arg0: i32, %arg1: i32) -> (i32, i32, i32) {
    %c0_i32 = arith.constant 0 : i32
    %c0_i32_0 = arith.constant 0 : i32
    return %arg0, %arg1, %c0_i32 : i32, i32, i32
  }
}

module attributes {stable_mosaic.version = 14 : i64} {
  func.func @_e1_body(%arg0: i32, %arg1: i32, %arg2: memref<1x10x512x128xf32, #tpu.memory_space<vmem>>, %arg3: memref<1x512x128xf32, #tpu.memory_space<vmem>>, %arg4: memref<128x64xf32, #tpu.memory_space<vmem>>, %arg5: memref<256x128xf32, #tpu.memory_space<vmem>>, %arg6: memref<1x64xf32, #tpu.memory_space<vmem>>, %arg7: memref<1x128xf32, #tpu.memory_space<vmem>>, %arg8: memref<2x64xf32, #tpu.memory_space<vmem>>, %arg9: memref<2x128xf32, #tpu.memory_space<vmem>>) attributes {dimension_semantics = [#tpu.dimension_semantics<arbitrary>, #tpu.dimension_semantics<arbitrary>], iteration_bounds = array<i64: 8, 4>, scalar_prefetch = 0 : i64, scratch_operands = 0 : i64, tpu.core_type = #tpu.core_type<tc>, window_params = [{transform_indices = @transform_0, window_bounds = array<i64: 1, 10, 512, 128>}, {transform_indices = @transform_1, window_bounds = array<i64: 1, 512, 128>}, {pipeline_mode = #tpu.pipeline_mode<synchronous>, transform_indices = @transform_2, window_bounds = array<i64: 128, 64>}, {pipeline_mode = #tpu.pipeline_mode<synchronous>, transform_indices = @transform_3, window_bounds = array<i64: 256, 128>}, {pipeline_mode = #tpu.pipeline_mode<synchronous>, transform_indices = @transform_4, window_bounds = array<i64: 1, 64>}, {pipeline_mode = #tpu.pipeline_mode<synchronous>, transform_indices = @transform_5, window_bounds = array<i64: 1, 128>}, {pipeline_mode = #tpu.pipeline_mode<synchronous>, transform_indices = @transform_6, window_bounds = array<i64: 2, 64>}, {pipeline_mode = #tpu.pipeline_mode<synchronous>, transform_indices = @transform_7, window_bounds = array<i64: 2, 128>}]} {
    %eq3A = arith.constant 0 : i32
    %eq3A_0 = arith.cmpi eq, %arg0, %eq3A : i32
    %eq3A_1 = arith.constant 0 : i32
    %eq3A_2 = arith.cmpi eq, %arg1, %eq3A_1 : i32
    %and3A = arith.andi %eq3A_0, %eq3A_2 : i1
    %get3A = arith.constant 0 : index
    %get3A_3 = arith.constant 0 : index
    %get3A_4 = arith.constant 0 : index
    %get3A_5 = vector.load %arg3[%get3A, %get3A_3, %get3A_4] : memref<1x512x128xf32, #tpu.memory_space<vmem>>, vector<1x512x128xf32>
    %get3A_6 = vector.shape_cast %get3A_5 : vector<1x512x128xf32> to vector<512x128xf32>
    %broadcast_in_dim3A = arith.constant 0.000000e+00 : f32
    %broadcast_in_dim3A_7 = vector.broadcast %broadcast_in_dim3A : f32 to vector<1x64xf32>
    %broadcast_in_dim3A_8 = arith.constant 0.000000e+00 : f32
    %broadcast_in_dim3A_9 = vector.broadcast %broadcast_in_dim3A_8 : f32 to vector<1x64xf32>
    %broadcast_in_dim3A_10 = arith.constant 0.000000e+00 : f32
    %broadcast_in_dim3A_11 = vector.broadcast %broadcast_in_dim3A_10 : f32 to vector<1x128xf32>
    %broadcast_in_dim3A_12 = arith.constant 0.000000e+00 : f32
    %broadcast_in_dim3A_13 = vector.broadcast %broadcast_in_dim3A_12 : f32 to vector<1x128xf32>
    %get3A_14 = arith.constant 0 : index
    %get3A_15 = arith.constant 0 : index
    %get3A_16 = arith.constant 0 : index
    %get3A_17 = arith.constant 0 : index
    %get3A_18 = vector.load %arg2[%get3A_14, %get3A_15, %get3A_16, %get3A_17] : memref<1x10x512x128xf32, #tpu.memory_space<vmem>>, vector<1x1x512x128xf32>
    %get3A_19 = vector.shape_cast %get3A_18 : vector<1x1x512x128xf32> to vector<512x128xf32>
    %sub3A = arith.subf %get3A_19, %get3A_6 : vector<512x128xf32>
    %get3A_20 = arith.constant 0 : index
    %get3A_21 = arith.constant 0 : index
    %get3A_22 = vector.load %arg4[%get3A_20, %get3A_21] : memref<128x64xf32, #tpu.memory_space<vmem>>, vector<128x64xf32>
    %dot_general3A = arith.constant dense<0.000000e+00> : vector<512x64xf32>
    %dot_general3A_23 = tpu.matmul %sub3A, %get3A_22, %dot_general3A {dimension_numbers = #tpu.dot_dimension_numbers<[1], [0], [0], [1], [0, 0, 1, 1], [], []>, transpose_lhs_hint = false} : vector<512x128xf32>, vector<128x64xf32>, vector<512x64xf32> -> vector<512x64xf32>
    %get3A_24 = arith.constant 0 : index
    %get3A_25 = arith.constant 0 : index
    %get3A_26 = vector.load %arg6[%get3A_24, %get3A_25] : memref<1x64xf32, #tpu.memory_space<vmem>>, vector<1x64xf32>
    %add3A = vector.broadcast %get3A_26 : vector<1x64xf32> to vector<512x64xf32>
    %add3A_27 = arith.addf %dot_general3A_23, %add3A : vector<512x64xf32>
    %reduce_sum3A = arith.constant dense<0.000000e+00> : vector<64xf32>
    %reduce_sum3A_28 = vector.multi_reduction <add>, %add3A_27, %reduce_sum3A [0] : vector<512x64xf32> to vector<64xf32>
    %broadcast_in_dim3A_29 = vector.shape_cast %reduce_sum3A_28 : vector<64xf32> to vector<1x64xf32>
    %add3A_30 = arith.addf %broadcast_in_dim3A_7, %broadcast_in_dim3A_29 : vector<1x64xf32>
    %mul3A = arith.mulf %add3A_27, %add3A_27 : vector<512x64xf32>
    %reduce_sum3A_31 = arith.constant dense<0.000000e+00> : vector<64xf32>
    %reduce_sum3A_32 = vector.multi_reduction <add>, %mul3A, %reduce_sum3A_31 [0] : vector<512x64xf32> to vector<64xf32>
    %broadcast_in_dim3A_33 = vector.shape_cast %reduce_sum3A_32 : vector<64xf32> to vector<1x64xf32>
    %add3A_34 = arith.addf %broadcast_in_dim3A_9, %broadcast_in_dim3A_33 : vector<1x64xf32>
    %concatenate3A = tpu.concatenate %get3A_6, %sub3A in 1 : vector<512x128xf32>, vector<512x128xf32> -> vector<512x256xf32>
    %get3A_35 = arith.constant 0 : index
    %get3A_36 = arith.constant 0 : index
    %get3A_37 = vector.load %arg5[%get3A_35, %get3A_36] : memref<256x128xf32, #tpu.memory_space<vmem>>, vector<256x128xf32>
    %dot_general3A_38 = arith.constant dense<0.000000e+00> : vector<512x128xf32>
    %dot_general3A_39 = tpu.matmul %concatenate3A, %get3A_37, %dot_general3A_38 {dimension_numbers = #tpu.dot_dimension_numbers<[1], [0], [0], [1], [0, 0, 1, 1], [], []>, transpose_lhs_hint = false} : vector<512x256xf32>, vector<256x128xf32>, vector<512x128xf32> -> vector<512x128xf32>
    %get3A_40 = arith.constant 0 : index
    %get3A_41 = arith.constant 0 : index
    %get3A_42 = vector.load %arg7[%get3A_40, %get3A_41] : memref<1x128xf32, #tpu.memory_space<vmem>>, vector<1x128xf32>
    %add3A_43 = vector.broadcast %get3A_42 : vector<1x128xf32> to vector<512x128xf32>
    %add3A_44 = arith.addf %dot_general3A_39, %add3A_43 : vector<512x128xf32>
    %reduce_sum3A_45 = arith.constant dense<0.000000e+00> : vector<128xf32>
    %reduce_sum3A_46 = vector.multi_reduction <add>, %add3A_44, %reduce_sum3A_45 [0] : vector<512x128xf32> to vector<128xf32>
    %broadcast_in_dim3A_47 = vector.shape_cast %reduce_sum3A_46 : vector<128xf32> to vector<1x128xf32>
    %add3A_48 = arith.addf %broadcast_in_dim3A_11, %broadcast_in_dim3A_47 : vector<1x128xf32>
    %mul3A_49 = arith.mulf %add3A_44, %add3A_44 : vector<512x128xf32>
    %reduce_sum3A_50 = arith.constant dense<0.000000e+00> : vector<128xf32>
    %reduce_sum3A_51 = vector.multi_reduction <add>, %mul3A_49, %reduce_sum3A_50 [0] : vector<512x128xf32> to vector<128xf32>
    %broadcast_in_dim3A_52 = vector.shape_cast %reduce_sum3A_51 : vector<128xf32> to vector<1x128xf32>
    %add3A_53 = arith.addf %broadcast_in_dim3A_13, %broadcast_in_dim3A_52 : vector<1x128xf32>
    %get3A_54 = arith.constant 0 : index
    %get3A_55 = arith.constant 1 : index
    %get3A_56 = arith.constant 0 : index
    %get3A_57 = arith.constant 0 : index
    %get3A_58 = vector.load %arg2[%get3A_54, %get3A_55, %get3A_56, %get3A_57] : memref<1x10x512x128xf32, #tpu.memory_space<vmem>>, vector<1x1x512x128xf32>
    %get3A_59 = vector.shape_cast %get3A_58 : vector<1x1x512x128xf32> to vector<512x128xf32>
    %sub3A_60 = arith.subf %get3A_59, %get3A_6 : vector<512x128xf32>
    %get3A_61 = arith.constant 0 : index
    %get3A_62 = arith.constant 0 : index
    %get3A_63 = vector.load %arg4[%get3A_61, %get3A_62] : memref<128x64xf32, #tpu.memory_space<vmem>>, vector<128x64xf32>
    %dot_general3A_64 = arith.constant dense<0.000000e+00> : vector<512x64xf32>
    %dot_general3A_65 = tpu.matmul %sub3A_60, %get3A_63, %dot_general3A_64 {dimension_numbers = #tpu.dot_dimension_numbers<[1], [0], [0], [1], [0, 0, 1, 1], [], []>, transpose_lhs_hint = false} : vector<512x128xf32>, vector<128x64xf32>, vector<512x64xf32> -> vector<512x64xf32>
    %get3A_66 = arith.constant 0 : index
    %get3A_67 = arith.constant 0 : index
    %get3A_68 = vector.load %arg6[%get3A_66, %get3A_67] : memref<1x64xf32, #tpu.memory_space<vmem>>, vector<1x64xf32>
    %add3A_69 = vector.broadcast %get3A_68 : vector<1x64xf32> to vector<512x64xf32>
    %add3A_70 = arith.addf %dot_general3A_65, %add3A_69 : vector<512x64xf32>
    %reduce_sum3A_71 = arith.constant dense<0.000000e+00> : vector<64xf32>
    %reduce_sum3A_72 = vector.multi_reduction <add>, %add3A_70, %reduce_sum3A_71 [0] : vector<512x64xf32> to vector<64xf32>
    %broadcast_in_dim3A_73 = vector.shape_cast %reduce_sum3A_72 : vector<64xf32> to vector<1x64xf32>
    %add3A_74 = arith.addf %add3A_30, %broadcast_in_dim3A_73 : vector<1x64xf32>
    %mul3A_75 = arith.mulf %add3A_70, %add3A_70 : vector<512x64xf32>
    %reduce_sum3A_76 = arith.constant dense<0.000000e+00> : vector<64xf32>
    %reduce_sum3A_77 = vector.multi_reduction <add>, %mul3A_75, %reduce_sum3A_76 [0] : vector<512x64xf32> to vector<64xf32>
    %broadcast_in_dim3A_78 = vector.shape_cast %reduce_sum3A_77 : vector<64xf32> to vector<1x64xf32>
    %add3A_79 = arith.addf %add3A_34, %broadcast_in_dim3A_78 : vector<1x64xf32>
    %concatenate3A_80 = tpu.concatenate %get3A_6, %sub3A_60 in 1 : vector<512x128xf32>, vector<512x128xf32> -> vector<512x256xf32>
    %get3A_81 = arith.constant 0 : index
    %get3A_82 = arith.constant 0 : index
    %get3A_83 = vector.load %arg5[%get3A_81, %get3A_82] : memref<256x128xf32, #tpu.memory_space<vmem>>, vector<256x128xf32>
    %dot_general3A_84 = arith.constant dense<0.000000e+00> : vector<512x128xf32>
    %dot_general3A_85 = tpu.matmul %concatenate3A_80, %get3A_83, %dot_general3A_84 {dimension_numbers = #tpu.dot_dimension_numbers<[1], [0], [0], [1], [0, 0, 1, 1], [], []>, transpose_lhs_hint = false} : vector<512x256xf32>, vector<256x128xf32>, vector<512x128xf32> -> vector<512x128xf32>
    %get3A_86 = arith.constant 0 : index
    %get3A_87 = arith.constant 0 : index
    %get3A_88 = vector.load %arg7[%get3A_86, %get3A_87] : memref<1x128xf32, #tpu.memory_space<vmem>>, vector<1x128xf32>
    %add3A_89 = vector.broadcast %get3A_88 : vector<1x128xf32> to vector<512x128xf32>
    %add3A_90 = arith.addf %dot_general3A_85, %add3A_89 : vector<512x128xf32>
    %reduce_sum3A_91 = arith.constant dense<0.000000e+00> : vector<128xf32>
    %reduce_sum3A_92 = vector.multi_reduction <add>, %add3A_90, %reduce_sum3A_91 [0] : vector<512x128xf32> to vector<128xf32>
    %broadcast_in_dim3A_93 = vector.shape_cast %reduce_sum3A_92 : vector<128xf32> to vector<1x128xf32>
    %add3A_94 = arith.addf %add3A_48, %broadcast_in_dim3A_93 : vector<1x128xf32>
    %mul3A_95 = arith.mulf %add3A_90, %add3A_90 : vector<512x128xf32>
    %reduce_sum3A_96 = arith.constant dense<0.000000e+00> : vector<128xf32>
    %reduce_sum3A_97 = vector.multi_reduction <add>, %mul3A_95, %reduce_sum3A_96 [0] : vector<512x128xf32> to vector<128xf32>
    %broadcast_in_dim3A_98 = vector.shape_cast %reduce_sum3A_97 : vector<128xf32> to vector<1x128xf32>
    %add3A_99 = arith.addf %add3A_53, %broadcast_in_dim3A_98 : vector<1x128xf32>
    %get3A_100 = arith.constant 0 : index
    %get3A_101 = arith.constant 2 : index
    %get3A_102 = arith.constant 0 : index
    %get3A_103 = arith.constant 0 : index
    %get3A_104 = vector.load %arg2[%get3A_100, %get3A_101, %get3A_102, %get3A_103] : memref<1x10x512x128xf32, #tpu.memory_space<vmem>>, vector<1x1x512x128xf32>
    %get3A_105 = vector.shape_cast %get3A_104 : vector<1x1x512x128xf32> to vector<512x128xf32>
    %sub3A_106 = arith.subf %get3A_105, %get3A_6 : vector<512x128xf32>
    %get3A_107 = arith.constant 0 : index
    %get3A_108 = arith.constant 0 : index
    %get3A_109 = vector.load %arg4[%get3A_107, %get3A_108] : memref<128x64xf32, #tpu.memory_space<vmem>>, vector<128x64xf32>
    %dot_general3A_110 = arith.constant dense<0.000000e+00> : vector<512x64xf32>
    %dot_general3A_111 = tpu.matmul %sub3A_106, %get3A_109, %dot_general3A_110 {dimension_numbers = #tpu.dot_dimension_numbers<[1], [0], [0], [1], [0, 0, 1, 1], [], []>, transpose_lhs_hint = false} : vector<512x128xf32>, vector<128x64xf32>, vector<512x64xf32> -> vector<512x64xf32>
    %get3A_112 = arith.constant 0 : index
    %get3A_113 = arith.constant 0 : index
    %get3A_114 = vector.load %arg6[%get3A_112, %get3A_113] : memref<1x64xf32, #tpu.memory_space<vmem>>, vector<1x64xf32>
    %add3A_115 = vector.broadcast %get3A_114 : vector<1x64xf32> to vector<512x64xf32>
    %add3A_116 = arith.addf %dot_general3A_111, %add3A_115 : vector<512x64xf32>
    %reduce_sum3A_117 = arith.constant dense<0.000000e+00> : vector<64xf32>
    %reduce_sum3A_118 = vector.multi_reduction <add>, %add3A_116, %reduce_sum3A_117 [0] : vector<512x64xf32> to vector<64xf32>
    %broadcast_in_dim3A_119 = vector.shape_cast %reduce_sum3A_118 : vector<64xf32> to vector<1x64xf32>
    %add3A_120 = arith.addf %add3A_74, %broadcast_in_dim3A_119 : vector<1x64xf32>
    %mul3A_121 = arith.mulf %add3A_116, %add3A_116 : vector<512x64xf32>
    %reduce_sum3A_122 = arith.constant dense<0.000000e+00> : vector<64xf32>
    %reduce_sum3A_123 = vector.multi_reduction <add>, %mul3A_121, %reduce_sum3A_122 [0] : vector<512x64xf32> to vector<64xf32>
    %broadcast_in_dim3A_124 = vector.shape_cast %reduce_sum3A_123 : vector<64xf32> to vector<1x64xf32>
    %add3A_125 = arith.addf %add3A_79, %broadcast_in_dim3A_124 : vector<1x64xf32>
    %concatenate3A_126 = tpu.concatenate %get3A_6, %sub3A_106 in 1 : vector<512x128xf32>, vector<512x128xf32> -> vector<512x256xf32>
    %get3A_127 = arith.constant 0 : index
    %get3A_128 = arith.constant 0 : index
    %get3A_129 = vector.load %arg5[%get3A_127, %get3A_128] : memref<256x128xf32, #tpu.memory_space<vmem>>, vector<256x128xf32>
    %dot_general3A_130 = arith.constant dense<0.000000e+00> : vector<512x128xf32>
    %dot_general3A_131 = tpu.matmul %concatenate3A_126, %get3A_129, %dot_general3A_130 {dimension_numbers = #tpu.dot_dimension_numbers<[1], [0], [0], [1], [0, 0, 1, 1], [], []>, transpose_lhs_hint = false} : vector<512x256xf32>, vector<256x128xf32>, vector<512x128xf32> -> vector<512x128xf32>
    %get3A_132 = arith.constant 0 : index
    %get3A_133 = arith.constant 0 : index
    %get3A_134 = vector.load %arg7[%get3A_132, %get3A_133] : memref<1x128xf32, #tpu.memory_space<vmem>>, vector<1x128xf32>
    %add3A_135 = vector.broadcast %get3A_134 : vector<1x128xf32> to vector<512x128xf32>
    %add3A_136 = arith.addf %dot_general3A_131, %add3A_135 : vector<512x128xf32>
    %reduce_sum3A_137 = arith.constant dense<0.000000e+00> : vector<128xf32>
    %reduce_sum3A_138 = vector.multi_reduction <add>, %add3A_136, %reduce_sum3A_137 [0] : vector<512x128xf32> to vector<128xf32>
    %broadcast_in_dim3A_139 = vector.shape_cast %reduce_sum3A_138 : vector<128xf32> to vector<1x128xf32>
    %add3A_140 = arith.addf %add3A_94, %broadcast_in_dim3A_139 : vector<1x128xf32>
    %mul3A_141 = arith.mulf %add3A_136, %add3A_136 : vector<512x128xf32>
    %reduce_sum3A_142 = arith.constant dense<0.000000e+00> : vector<128xf32>
    %reduce_sum3A_143 = vector.multi_reduction <add>, %mul3A_141, %reduce_sum3A_142 [0] : vector<512x128xf32> to vector<128xf32>
    %broadcast_in_dim3A_144 = vector.shape_cast %reduce_sum3A_143 : vector<128xf32> to vector<1x128xf32>
    %add3A_145 = arith.addf %add3A_99, %broadcast_in_dim3A_144 : vector<1x128xf32>
    %get3A_146 = arith.constant 0 : index
    %get3A_147 = arith.constant 3 : index
    %get3A_148 = arith.constant 0 : index
    %get3A_149 = arith.constant 0 : index
    %get3A_150 = vector.load %arg2[%get3A_146, %get3A_147, %get3A_148, %get3A_149] : memref<1x10x512x128xf32, #tpu.memory_space<vmem>>, vector<1x1x512x128xf32>
    %get3A_151 = vector.shape_cast %get3A_150 : vector<1x1x512x128xf32> to vector<512x128xf32>
    %sub3A_152 = arith.subf %get3A_151, %get3A_6 : vector<512x128xf32>
    %get3A_153 = arith.constant 0 : index
    %get3A_154 = arith.constant 0 : index
    %get3A_155 = vector.load %arg4[%get3A_153, %get3A_154] : memref<128x64xf32, #tpu.memory_space<vmem>>, vector<128x64xf32>
    %dot_general3A_156 = arith.constant dense<0.000000e+00> : vector<512x64xf32>
    %dot_general3A_157 = tpu.matmul %sub3A_152, %get3A_155, %dot_general3A_156 {dimension_numbers = #tpu.dot_dimension_numbers<[1], [0], [0], [1], [0, 0, 1, 1], [], []>, transpose_lhs_hint = false} : vector<512x128xf32>, vector<128x64xf32>, vector<512x64xf32> -> vector<512x64xf32>
    %get3A_158 = arith.constant 0 : index
    %get3A_159 = arith.constant 0 : index
    %get3A_160 = vector.load %arg6[%get3A_158, %get3A_159] : memref<1x64xf32, #tpu.memory_space<vmem>>, vector<1x64xf32>
    %add3A_161 = vector.broadcast %get3A_160 : vector<1x64xf32> to vector<512x64xf32>
    %add3A_162 = arith.addf %dot_general3A_157, %add3A_161 : vector<512x64xf32>
    %reduce_sum3A_163 = arith.constant dense<0.000000e+00> : vector<64xf32>
    %reduce_sum3A_164 = vector.multi_reduction <add>, %add3A_162, %reduce_sum3A_163 [0] : vector<512x64xf32> to vector<64xf32>
    %broadcast_in_dim3A_165 = vector.shape_cast %reduce_sum3A_164 : vector<64xf32> to vector<1x64xf32>
    %add3A_166 = arith.addf %add3A_120, %broadcast_in_dim3A_165 : vector<1x64xf32>
    %mul3A_167 = arith.mulf %add3A_162, %add3A_162 : vector<512x64xf32>
    %reduce_sum3A_168 = arith.constant dense<0.000000e+00> : vector<64xf32>
    %reduce_sum3A_169 = vector.multi_reduction <add>, %mul3A_167, %reduce_sum3A_168 [0] : vector<512x64xf32> to vector<64xf32>
    %broadcast_in_dim3A_170 = vector.shape_cast %reduce_sum3A_169 : vector<64xf32> to vector<1x64xf32>
    %add3A_171 = arith.addf %add3A_125, %broadcast_in_dim3A_170 : vector<1x64xf32>
    %concatenate3A_172 = tpu.concatenate %get3A_6, %sub3A_152 in 1 : vector<512x128xf32>, vector<512x128xf32> -> vector<512x256xf32>
    %get3A_173 = arith.constant 0 : index
    %get3A_174 = arith.constant 0 : index
    %get3A_175 = vector.load %arg5[%get3A_173, %get3A_174] : memref<256x128xf32, #tpu.memory_space<vmem>>, vector<256x128xf32>
    %dot_general3A_176 = arith.constant dense<0.000000e+00> : vector<512x128xf32>
    %dot_general3A_177 = tpu.matmul %concatenate3A_172, %get3A_175, %dot_general3A_176 {dimension_numbers = #tpu.dot_dimension_numbers<[1], [0], [0], [1], [0, 0, 1, 1], [], []>, transpose_lhs_hint = false} : vector<512x256xf32>, vector<256x128xf32>, vector<512x128xf32> -> vector<512x128xf32>
    %get3A_178 = arith.constant 0 : index
    %get3A_179 = arith.constant 0 : index
    %get3A_180 = vector.load %arg7[%get3A_178, %get3A_179] : memref<1x128xf32, #tpu.memory_space<vmem>>, vector<1x128xf32>
    %add3A_181 = vector.broadcast %get3A_180 : vector<1x128xf32> to vector<512x128xf32>
    %add3A_182 = arith.addf %dot_general3A_177, %add3A_181 : vector<512x128xf32>
    %reduce_sum3A_183 = arith.constant dense<0.000000e+00> : vector<128xf32>
    %reduce_sum3A_184 = vector.multi_reduction <add>, %add3A_182, %reduce_sum3A_183 [0] : vector<512x128xf32> to vector<128xf32>
    %broadcast_in_dim3A_185 = vector.shape_cast %reduce_sum3A_184 : vector<128xf32> to vector<1x128xf32>
    %add3A_186 = arith.addf %add3A_140, %broadcast_in_dim3A_185 : vector<1x128xf32>
    %mul3A_187 = arith.mulf %add3A_182, %add3A_182 : vector<512x128xf32>
    %reduce_sum3A_188 = arith.constant dense<0.000000e+00> : vector<128xf32>
    %reduce_sum3A_189 = vector.multi_reduction <add>, %mul3A_187, %reduce_sum3A_188 [0] : vector<512x128xf32> to vector<128xf32>
    %broadcast_in_dim3A_190 = vector.shape_cast %reduce_sum3A_189 : vector<128xf32> to vector<1x128xf32>
    %add3A_191 = arith.addf %add3A_145, %broadcast_in_dim3A_190 : vector<1x128xf32>
    %get3A_192 = arith.constant 0 : index
    %get3A_193 = arith.constant 4 : index
    %get3A_194 = arith.constant 0 : index
    %get3A_195 = arith.constant 0 : index
    %get3A_196 = vector.load %arg2[%get3A_192, %get3A_193, %get3A_194, %get3A_195] : memref<1x10x512x128xf32, #tpu.memory_space<vmem>>, vector<1x1x512x128xf32>
    %get3A_197 = vector.shape_cast %get3A_196 : vector<1x1x512x128xf32> to vector<512x128xf32>
    %sub3A_198 = arith.subf %get3A_197, %get3A_6 : vector<512x128xf32>
    %get3A_199 = arith.constant 0 : index
    %get3A_200 = arith.constant 0 : index
    %get3A_201 = vector.load %arg4[%get3A_199, %get3A_200] : memref<128x64xf32, #tpu.memory_space<vmem>>, vector<128x64xf32>
    %dot_general3A_202 = arith.constant dense<0.000000e+00> : vector<512x64xf32>
    %dot_general3A_203 = tpu.matmul %sub3A_198, %get3A_201, %dot_general3A_202 {dimension_numbers = #tpu.dot_dimension_numbers<[1], [0], [0], [1], [0, 0, 1, 1], [], []>, transpose_lhs_hint = false} : vector<512x128xf32>, vector<128x64xf32>, vector<512x64xf32> -> vector<512x64xf32>
    %get3A_204 = arith.constant 0 : index
    %get3A_205 = arith.constant 0 : index
    %get3A_206 = vector.load %arg6[%get3A_204, %get3A_205] : memref<1x64xf32, #tpu.memory_space<vmem>>, vector<1x64xf32>
    %add3A_207 = vector.broadcast %get3A_206 : vector<1x64xf32> to vector<512x64xf32>
    %add3A_208 = arith.addf %dot_general3A_203, %add3A_207 : vector<512x64xf32>
    %reduce_sum3A_209 = arith.constant dense<0.000000e+00> : vector<64xf32>
    %reduce_sum3A_210 = vector.multi_reduction <add>, %add3A_208, %reduce_sum3A_209 [0] : vector<512x64xf32> to vector<64xf32>
    %broadcast_in_dim3A_211 = vector.shape_cast %reduce_sum3A_210 : vector<64xf32> to vector<1x64xf32>
    %add3A_212 = arith.addf %add3A_166, %broadcast_in_dim3A_211 : vector<1x64xf32>
    %mul3A_213 = arith.mulf %add3A_208, %add3A_208 : vector<512x64xf32>
    %reduce_sum3A_214 = arith.constant dense<0.000000e+00> : vector<64xf32>
    %reduce_sum3A_215 = vector.multi_reduction <add>, %mul3A_213, %reduce_sum3A_214 [0] : vector<512x64xf32> to vector<64xf32>
    %broadcast_in_dim3A_216 = vector.shape_cast %reduce_sum3A_215 : vector<64xf32> to vector<1x64xf32>
    %add3A_217 = arith.addf %add3A_171, %broadcast_in_dim3A_216 : vector<1x64xf32>
    %concatenate3A_218 = tpu.concatenate %get3A_6, %sub3A_198 in 1 : vector<512x128xf32>, vector<512x128xf32> -> vector<512x256xf32>
    %get3A_219 = arith.constant 0 : index
    %get3A_220 = arith.constant 0 : index
    %get3A_221 = vector.load %arg5[%get3A_219, %get3A_220] : memref<256x128xf32, #tpu.memory_space<vmem>>, vector<256x128xf32>
    %dot_general3A_222 = arith.constant dense<0.000000e+00> : vector<512x128xf32>
    %dot_general3A_223 = tpu.matmul %concatenate3A_218, %get3A_221, %dot_general3A_222 {dimension_numbers = #tpu.dot_dimension_numbers<[1], [0], [0], [1], [0, 0, 1, 1], [], []>, transpose_lhs_hint = false} : vector<512x256xf32>, vector<256x128xf32>, vector<512x128xf32> -> vector<512x128xf32>
    %get3A_224 = arith.constant 0 : index
    %get3A_225 = arith.constant 0 : index
    %get3A_226 = vector.load %arg7[%get3A_224, %get3A_225] : memref<1x128xf32, #tpu.memory_space<vmem>>, vector<1x128xf32>
    %add3A_227 = vector.broadcast %get3A_226 : vector<1x128xf32> to vector<512x128xf32>
    %add3A_228 = arith.addf %dot_general3A_223, %add3A_227 : vector<512x128xf32>
    %reduce_sum3A_229 = arith.constant dense<0.000000e+00> : vector<128xf32>
    %reduce_sum3A_230 = vector.multi_reduction <add>, %add3A_228, %reduce_sum3A_229 [0] : vector<512x128xf32> to vector<128xf32>
    %broadcast_in_dim3A_231 = vector.shape_cast %reduce_sum3A_230 : vector<128xf32> to vector<1x128xf32>
    %add3A_232 = arith.addf %add3A_186, %broadcast_in_dim3A_231 : vector<1x128xf32>
    %mul3A_233 = arith.mulf %add3A_228, %add3A_228 : vector<512x128xf32>
    %reduce_sum3A_234 = arith.constant dense<0.000000e+00> : vector<128xf32>
    %reduce_sum3A_235 = vector.multi_reduction <add>, %mul3A_233, %reduce_sum3A_234 [0] : vector<512x128xf32> to vector<128xf32>
    %broadcast_in_dim3A_236 = vector.shape_cast %reduce_sum3A_235 : vector<128xf32> to vector<1x128xf32>
    %add3A_237 = arith.addf %add3A_191, %broadcast_in_dim3A_236 : vector<1x128xf32>
    %get3A_238 = arith.constant 0 : index
    %get3A_239 = arith.constant 5 : index
    %get3A_240 = arith.constant 0 : index
    %get3A_241 = arith.constant 0 : index
    %get3A_242 = vector.load %arg2[%get3A_238, %get3A_239, %get3A_240, %get3A_241] : memref<1x10x512x128xf32, #tpu.memory_space<vmem>>, vector<1x1x512x128xf32>
    %get3A_243 = vector.shape_cast %get3A_242 : vector<1x1x512x128xf32> to vector<512x128xf32>
    %sub3A_244 = arith.subf %get3A_243, %get3A_6 : vector<512x128xf32>
    %get3A_245 = arith.constant 0 : index
    %get3A_246 = arith.constant 0 : index
    %get3A_247 = vector.load %arg4[%get3A_245, %get3A_246] : memref<128x64xf32, #tpu.memory_space<vmem>>, vector<128x64xf32>
    %dot_general3A_248 = arith.constant dense<0.000000e+00> : vector<512x64xf32>
    %dot_general3A_249 = tpu.matmul %sub3A_244, %get3A_247, %dot_general3A_248 {dimension_numbers = #tpu.dot_dimension_numbers<[1], [0], [0], [1], [0, 0, 1, 1], [], []>, transpose_lhs_hint = false} : vector<512x128xf32>, vector<128x64xf32>, vector<512x64xf32> -> vector<512x64xf32>
    %get3A_250 = arith.constant 0 : index
    %get3A_251 = arith.constant 0 : index
    %get3A_252 = vector.load %arg6[%get3A_250, %get3A_251] : memref<1x64xf32, #tpu.memory_space<vmem>>, vector<1x64xf32>
    %add3A_253 = vector.broadcast %get3A_252 : vector<1x64xf32> to vector<512x64xf32>
    %add3A_254 = arith.addf %dot_general3A_249, %add3A_253 : vector<512x64xf32>
    %reduce_sum3A_255 = arith.constant dense<0.000000e+00> : vector<64xf32>
    %reduce_sum3A_256 = vector.multi_reduction <add>, %add3A_254, %reduce_sum3A_255 [0] : vector<512x64xf32> to vector<64xf32>
    %broadcast_in_dim3A_257 = vector.shape_cast %reduce_sum3A_256 : vector<64xf32> to vector<1x64xf32>
    %add3A_258 = arith.addf %add3A_212, %broadcast_in_dim3A_257 : vector<1x64xf32>
    %mul3A_259 = arith.mulf %add3A_254, %add3A_254 : vector<512x64xf32>
    %reduce_sum3A_260 = arith.constant dense<0.000000e+00> : vector<64xf32>
    %reduce_sum3A_261 = vector.multi_reduction <add>, %mul3A_259, %reduce_sum3A_260 [0] : vector<512x64xf32> to vector<64xf32>
    %broadcast_in_dim3A_262 = vector.shape_cast %reduce_sum3A_261 : vector<64xf32> to vector<1x64xf32>
    %add3A_263 = arith.addf %add3A_217, %broadcast_in_dim3A_262 : vector<1x64xf32>
    %concatenate3A_264 = tpu.concatenate %get3A_6, %sub3A_244 in 1 : vector<512x128xf32>, vector<512x128xf32> -> vector<512x256xf32>
    %get3A_265 = arith.constant 0 : index
    %get3A_266 = arith.constant 0 : index
    %get3A_267 = vector.load %arg5[%get3A_265, %get3A_266] : memref<256x128xf32, #tpu.memory_space<vmem>>, vector<256x128xf32>
    %dot_general3A_268 = arith.constant dense<0.000000e+00> : vector<512x128xf32>
    %dot_general3A_269 = tpu.matmul %concatenate3A_264, %get3A_267, %dot_general3A_268 {dimension_numbers = #tpu.dot_dimension_numbers<[1], [0], [0], [1], [0, 0, 1, 1], [], []>, transpose_lhs_hint = false} : vector<512x256xf32>, vector<256x128xf32>, vector<512x128xf32> -> vector<512x128xf32>
    %get3A_270 = arith.constant 0 : index
    %get3A_271 = arith.constant 0 : index
    %get3A_272 = vector.load %arg7[%get3A_270, %get3A_271] : memref<1x128xf32, #tpu.memory_space<vmem>>, vector<1x128xf32>
    %add3A_273 = vector.broadcast %get3A_272 : vector<1x128xf32> to vector<512x128xf32>
    %add3A_274 = arith.addf %dot_general3A_269, %add3A_273 : vector<512x128xf32>
    %reduce_sum3A_275 = arith.constant dense<0.000000e+00> : vector<128xf32>
    %reduce_sum3A_276 = vector.multi_reduction <add>, %add3A_274, %reduce_sum3A_275 [0] : vector<512x128xf32> to vector<128xf32>
    %broadcast_in_dim3A_277 = vector.shape_cast %reduce_sum3A_276 : vector<128xf32> to vector<1x128xf32>
    %add3A_278 = arith.addf %add3A_232, %broadcast_in_dim3A_277 : vector<1x128xf32>
    %mul3A_279 = arith.mulf %add3A_274, %add3A_274 : vector<512x128xf32>
    %reduce_sum3A_280 = arith.constant dense<0.000000e+00> : vector<128xf32>
    %reduce_sum3A_281 = vector.multi_reduction <add>, %mul3A_279, %reduce_sum3A_280 [0] : vector<512x128xf32> to vector<128xf32>
    %broadcast_in_dim3A_282 = vector.shape_cast %reduce_sum3A_281 : vector<128xf32> to vector<1x128xf32>
    %add3A_283 = arith.addf %add3A_237, %broadcast_in_dim3A_282 : vector<1x128xf32>
    %get3A_284 = arith.constant 0 : index
    %get3A_285 = arith.constant 6 : index
    %get3A_286 = arith.constant 0 : index
    %get3A_287 = arith.constant 0 : index
    %get3A_288 = vector.load %arg2[%get3A_284, %get3A_285, %get3A_286, %get3A_287] : memref<1x10x512x128xf32, #tpu.memory_space<vmem>>, vector<1x1x512x128xf32>
    %get3A_289 = vector.shape_cast %get3A_288 : vector<1x1x512x128xf32> to vector<512x128xf32>
    %sub3A_290 = arith.subf %get3A_289, %get3A_6 : vector<512x128xf32>
    %get3A_291 = arith.constant 0 : index
    %get3A_292 = arith.constant 0 : index
    %get3A_293 = vector.load %arg4[%get3A_291, %get3A_292] : memref<128x64xf32, #tpu.memory_space<vmem>>, vector<128x64xf32>
    %dot_general3A_294 = arith.constant dense<0.000000e+00> : vector<512x64xf32>
    %dot_general3A_295 = tpu.matmul %sub3A_290, %get3A_293, %dot_general3A_294 {dimension_numbers = #tpu.dot_dimension_numbers<[1], [0], [0], [1], [0, 0, 1, 1], [], []>, transpose_lhs_hint = false} : vector<512x128xf32>, vector<128x64xf32>, vector<512x64xf32> -> vector<512x64xf32>
    %get3A_296 = arith.constant 0 : index
    %get3A_297 = arith.constant 0 : index
    %get3A_298 = vector.load %arg6[%get3A_296, %get3A_297] : memref<1x64xf32, #tpu.memory_space<vmem>>, vector<1x64xf32>
    %add3A_299 = vector.broadcast %get3A_298 : vector<1x64xf32> to vector<512x64xf32>
    %add3A_300 = arith.addf %dot_general3A_295, %add3A_299 : vector<512x64xf32>
    %reduce_sum3A_301 = arith.constant dense<0.000000e+00> : vector<64xf32>
    %reduce_sum3A_302 = vector.multi_reduction <add>, %add3A_300, %reduce_sum3A_301 [0] : vector<512x64xf32> to vector<64xf32>
    %broadcast_in_dim3A_303 = vector.shape_cast %reduce_sum3A_302 : vector<64xf32> to vector<1x64xf32>
    %add3A_304 = arith.addf %add3A_258, %broadcast_in_dim3A_303 : vector<1x64xf32>
    %mul3A_305 = arith.mulf %add3A_300, %add3A_300 : vector<512x64xf32>
    %reduce_sum3A_306 = arith.constant dense<0.000000e+00> : vector<64xf32>
    %reduce_sum3A_307 = vector.multi_reduction <add>, %mul3A_305, %reduce_sum3A_306 [0] : vector<512x64xf32> to vector<64xf32>
    %broadcast_in_dim3A_308 = vector.shape_cast %reduce_sum3A_307 : vector<64xf32> to vector<1x64xf32>
    %add3A_309 = arith.addf %add3A_263, %broadcast_in_dim3A_308 : vector<1x64xf32>
    %concatenate3A_310 = tpu.concatenate %get3A_6, %sub3A_290 in 1 : vector<512x128xf32>, vector<512x128xf32> -> vector<512x256xf32>
    %get3A_311 = arith.constant 0 : index
    %get3A_312 = arith.constant 0 : index
    %get3A_313 = vector.load %arg5[%get3A_311, %get3A_312] : memref<256x128xf32, #tpu.memory_space<vmem>>, vector<256x128xf32>
    %dot_general3A_314 = arith.constant dense<0.000000e+00> : vector<512x128xf32>
    %dot_general3A_315 = tpu.matmul %concatenate3A_310, %get3A_313, %dot_general3A_314 {dimension_numbers = #tpu.dot_dimension_numbers<[1], [0], [0], [1], [0, 0, 1, 1], [], []>, transpose_lhs_hint = false} : vector<512x256xf32>, vector<256x128xf32>, vector<512x128xf32> -> vector<512x128xf32>
    %get3A_316 = arith.constant 0 : index
    %get3A_317 = arith.constant 0 : index
    %get3A_318 = vector.load %arg7[%get3A_316, %get3A_317] : memref<1x128xf32, #tpu.memory_space<vmem>>, vector<1x128xf32>
    %add3A_319 = vector.broadcast %get3A_318 : vector<1x128xf32> to vector<512x128xf32>
    %add3A_320 = arith.addf %dot_general3A_315, %add3A_319 : vector<512x128xf32>
    %reduce_sum3A_321 = arith.constant dense<0.000000e+00> : vector<128xf32>
    %reduce_sum3A_322 = vector.multi_reduction <add>, %add3A_320, %reduce_sum3A_321 [0] : vector<512x128xf32> to vector<128xf32>
    %broadcast_in_dim3A_323 = vector.shape_cast %reduce_sum3A_322 : vector<128xf32> to vector<1x128xf32>
    %add3A_324 = arith.addf %add3A_278, %broadcast_in_dim3A_323 : vector<1x128xf32>
    %mul3A_325 = arith.mulf %add3A_320, %add3A_320 : vector<512x128xf32>
    %reduce_sum3A_326 = arith.constant dense<0.000000e+00> : vector<128xf32>
    %reduce_sum3A_327 = vector.multi_reduction <add>, %mul3A_325, %reduce_sum3A_326 [0] : vector<512x128xf32> to vector<128xf32>
    %broadcast_in_dim3A_328 = vector.shape_cast %reduce_sum3A_327 : vector<128xf32> to vector<1x128xf32>
    %add3A_329 = arith.addf %add3A_283, %broadcast_in_dim3A_328 : vector<1x128xf32>
    %get3A_330 = arith.constant 0 : index
    %get3A_331 = arith.constant 7 : index
    %get3A_332 = arith.constant 0 : index
    %get3A_333 = arith.constant 0 : index
    %get3A_334 = vector.load %arg2[%get3A_330, %get3A_331, %get3A_332, %get3A_333] : memref<1x10x512x128xf32, #tpu.memory_space<vmem>>, vector<1x1x512x128xf32>
    %get3A_335 = vector.shape_cast %get3A_334 : vector<1x1x512x128xf32> to vector<512x128xf32>
    %sub3A_336 = arith.subf %get3A_335, %get3A_6 : vector<512x128xf32>
    %get3A_337 = arith.constant 0 : index
    %get3A_338 = arith.constant 0 : index
    %get3A_339 = vector.load %arg4[%get3A_337, %get3A_338] : memref<128x64xf32, #tpu.memory_space<vmem>>, vector<128x64xf32>
    %dot_general3A_340 = arith.constant dense<0.000000e+00> : vector<512x64xf32>
    %dot_general3A_341 = tpu.matmul %sub3A_336, %get3A_339, %dot_general3A_340 {dimension_numbers = #tpu.dot_dimension_numbers<[1], [0], [0], [1], [0, 0, 1, 1], [], []>, transpose_lhs_hint = false} : vector<512x128xf32>, vector<128x64xf32>, vector<512x64xf32> -> vector<512x64xf32>
    %get3A_342 = arith.constant 0 : index
    %get3A_343 = arith.constant 0 : index
    %get3A_344 = vector.load %arg6[%get3A_342, %get3A_343] : memref<1x64xf32, #tpu.memory_space<vmem>>, vector<1x64xf32>
    %add3A_345 = vector.broadcast %get3A_344 : vector<1x64xf32> to vector<512x64xf32>
    %add3A_346 = arith.addf %dot_general3A_341, %add3A_345 : vector<512x64xf32>
    %reduce_sum3A_347 = arith.constant dense<0.000000e+00> : vector<64xf32>
    %reduce_sum3A_348 = vector.multi_reduction <add>, %add3A_346, %reduce_sum3A_347 [0] : vector<512x64xf32> to vector<64xf32>
    %broadcast_in_dim3A_349 = vector.shape_cast %reduce_sum3A_348 : vector<64xf32> to vector<1x64xf32>
    %add3A_350 = arith.addf %add3A_304, %broadcast_in_dim3A_349 : vector<1x64xf32>
    %mul3A_351 = arith.mulf %add3A_346, %add3A_346 : vector<512x64xf32>
    %reduce_sum3A_352 = arith.constant dense<0.000000e+00> : vector<64xf32>
    %reduce_sum3A_353 = vector.multi_reduction <add>, %mul3A_351, %reduce_sum3A_352 [0] : vector<512x64xf32> to vector<64xf32>
    %broadcast_in_dim3A_354 = vector.shape_cast %reduce_sum3A_353 : vector<64xf32> to vector<1x64xf32>
    %add3A_355 = arith.addf %add3A_309, %broadcast_in_dim3A_354 : vector<1x64xf32>
    %concatenate3A_356 = tpu.concatenate %get3A_6, %sub3A_336 in 1 : vector<512x128xf32>, vector<512x128xf32> -> vector<512x256xf32>
    %get3A_357 = arith.constant 0 : index
    %get3A_358 = arith.constant 0 : index
    %get3A_359 = vector.load %arg5[%get3A_357, %get3A_358] : memref<256x128xf32, #tpu.memory_space<vmem>>, vector<256x128xf32>
    %dot_general3A_360 = arith.constant dense<0.000000e+00> : vector<512x128xf32>
    %dot_general3A_361 = tpu.matmul %concatenate3A_356, %get3A_359, %dot_general3A_360 {dimension_numbers = #tpu.dot_dimension_numbers<[1], [0], [0], [1], [0, 0, 1, 1], [], []>, transpose_lhs_hint = false} : vector<512x256xf32>, vector<256x128xf32>, vector<512x128xf32> -> vector<512x128xf32>
    %get3A_362 = arith.constant 0 : index
    %get3A_363 = arith.constant 0 : index
    %get3A_364 = vector.load %arg7[%get3A_362, %get3A_363] : memref<1x128xf32, #tpu.memory_space<vmem>>, vector<1x128xf32>
    %add3A_365 = vector.broadcast %get3A_364 : vector<1x128xf32> to vector<512x128xf32>
    %add3A_366 = arith.addf %dot_general3A_361, %add3A_365 : vector<512x128xf32>
    %reduce_sum3A_367 = arith.constant dense<0.000000e+00> : vector<128xf32>
    %reduce_sum3A_368 = vector.multi_reduction <add>, %add3A_366, %reduce_sum3A_367 [0] : vector<512x128xf32> to vector<128xf32>
    %broadcast_in_dim3A_369 = vector.shape_cast %reduce_sum3A_368 : vector<128xf32> to vector<1x128xf32>
    %add3A_370 = arith.addf %add3A_324, %broadcast_in_dim3A_369 : vector<1x128xf32>
    %mul3A_371 = arith.mulf %add3A_366, %add3A_366 : vector<512x128xf32>
    %reduce_sum3A_372 = arith.constant dense<0.000000e+00> : vector<128xf32>
    %reduce_sum3A_373 = vector.multi_reduction <add>, %mul3A_371, %reduce_sum3A_372 [0] : vector<512x128xf32> to vector<128xf32>
    %broadcast_in_dim3A_374 = vector.shape_cast %reduce_sum3A_373 : vector<128xf32> to vector<1x128xf32>
    %add3A_375 = arith.addf %add3A_329, %broadcast_in_dim3A_374 : vector<1x128xf32>
    %get3A_376 = arith.constant 0 : index
    %get3A_377 = arith.constant 8 : index
    %get3A_378 = arith.constant 0 : index
    %get3A_379 = arith.constant 0 : index
    %get3A_380 = vector.load %arg2[%get3A_376, %get3A_377, %get3A_378, %get3A_379] : memref<1x10x512x128xf32, #tpu.memory_space<vmem>>, vector<1x1x512x128xf32>
    %get3A_381 = vector.shape_cast %get3A_380 : vector<1x1x512x128xf32> to vector<512x128xf32>
    %sub3A_382 = arith.subf %get3A_381, %get3A_6 : vector<512x128xf32>
    %get3A_383 = arith.constant 0 : index
    %get3A_384 = arith.constant 0 : index
    %get3A_385 = vector.load %arg4[%get3A_383, %get3A_384] : memref<128x64xf32, #tpu.memory_space<vmem>>, vector<128x64xf32>
    %dot_general3A_386 = arith.constant dense<0.000000e+00> : vector<512x64xf32>
    %dot_general3A_387 = tpu.matmul %sub3A_382, %get3A_385, %dot_general3A_386 {dimension_numbers = #tpu.dot_dimension_numbers<[1], [0], [0], [1], [0, 0, 1, 1], [], []>, transpose_lhs_hint = false} : vector<512x128xf32>, vector<128x64xf32>, vector<512x64xf32> -> vector<512x64xf32>
    %get3A_388 = arith.constant 0 : index
    %get3A_389 = arith.constant 0 : index
    %get3A_390 = vector.load %arg6[%get3A_388, %get3A_389] : memref<1x64xf32, #tpu.memory_space<vmem>>, vector<1x64xf32>
    %add3A_391 = vector.broadcast %get3A_390 : vector<1x64xf32> to vector<512x64xf32>
    %add3A_392 = arith.addf %dot_general3A_387, %add3A_391 : vector<512x64xf32>
    %reduce_sum3A_393 = arith.constant dense<0.000000e+00> : vector<64xf32>
    %reduce_sum3A_394 = vector.multi_reduction <add>, %add3A_392, %reduce_sum3A_393 [0] : vector<512x64xf32> to vector<64xf32>
    %broadcast_in_dim3A_395 = vector.shape_cast %reduce_sum3A_394 : vector<64xf32> to vector<1x64xf32>
    %add3A_396 = arith.addf %add3A_350, %broadcast_in_dim3A_395 : vector<1x64xf32>
    %mul3A_397 = arith.mulf %add3A_392, %add3A_392 : vector<512x64xf32>
    %reduce_sum3A_398 = arith.constant dense<0.000000e+00> : vector<64xf32>
    %reduce_sum3A_399 = vector.multi_reduction <add>, %mul3A_397, %reduce_sum3A_398 [0] : vector<512x64xf32> to vector<64xf32>
    %broadcast_in_dim3A_400 = vector.shape_cast %reduce_sum3A_399 : vector<64xf32> to vector<1x64xf32>
    %add3A_401 = arith.addf %add3A_355, %broadcast_in_dim3A_400 : vector<1x64xf32>
    %concatenate3A_402 = tpu.concatenate %get3A_6, %sub3A_382 in 1 : vector<512x128xf32>, vector<512x128xf32> -> vector<512x256xf32>
    %get3A_403 = arith.constant 0 : index
    %get3A_404 = arith.constant 0 : index
    %get3A_405 = vector.load %arg5[%get3A_403, %get3A_404] : memref<256x128xf32, #tpu.memory_space<vmem>>, vector<256x128xf32>
    %dot_general3A_406 = arith.constant dense<0.000000e+00> : vector<512x128xf32>
    %dot_general3A_407 = tpu.matmul %concatenate3A_402, %get3A_405, %dot_general3A_406 {dimension_numbers = #tpu.dot_dimension_numbers<[1], [0], [0], [1], [0, 0, 1, 1], [], []>, transpose_lhs_hint = false} : vector<512x256xf32>, vector<256x128xf32>, vector<512x128xf32> -> vector<512x128xf32>
    %get3A_408 = arith.constant 0 : index
    %get3A_409 = arith.constant 0 : index
    %get3A_410 = vector.load %arg7[%get3A_408, %get3A_409] : memref<1x128xf32, #tpu.memory_space<vmem>>, vector<1x128xf32>
    %add3A_411 = vector.broadcast %get3A_410 : vector<1x128xf32> to vector<512x128xf32>
    %add3A_412 = arith.addf %dot_general3A_407, %add3A_411 : vector<512x128xf32>
    %reduce_sum3A_413 = arith.constant dense<0.000000e+00> : vector<128xf32>
    %reduce_sum3A_414 = vector.multi_reduction <add>, %add3A_412, %reduce_sum3A_413 [0] : vector<512x128xf32> to vector<128xf32>
    %broadcast_in_dim3A_415 = vector.shape_cast %reduce_sum3A_414 : vector<128xf32> to vector<1x128xf32>
    %add3A_416 = arith.addf %add3A_370, %broadcast_in_dim3A_415 : vector<1x128xf32>
    %mul3A_417 = arith.mulf %add3A_412, %add3A_412 : vector<512x128xf32>
    %reduce_sum3A_418 = arith.constant dense<0.000000e+00> : vector<128xf32>
    %reduce_sum3A_419 = vector.multi_reduction <add>, %mul3A_417, %reduce_sum3A_418 [0] : vector<512x128xf32> to vector<128xf32>
    %broadcast_in_dim3A_420 = vector.shape_cast %reduce_sum3A_419 : vector<128xf32> to vector<1x128xf32>
    %add3A_421 = arith.addf %add3A_375, %broadcast_in_dim3A_420 : vector<1x128xf32>
    %get3A_422 = arith.constant 0 : index
    %get3A_423 = arith.constant 9 : index
    %get3A_424 = arith.constant 0 : index
    %get3A_425 = arith.constant 0 : index
    %get3A_426 = vector.load %arg2[%get3A_422, %get3A_423, %get3A_424, %get3A_425] : memref<1x10x512x128xf32, #tpu.memory_space<vmem>>, vector<1x1x512x128xf32>
    %get3A_427 = vector.shape_cast %get3A_426 : vector<1x1x512x128xf32> to vector<512x128xf32>
    %sub3A_428 = arith.subf %get3A_427, %get3A_6 : vector<512x128xf32>
    %get3A_429 = arith.constant 0 : index
    %get3A_430 = arith.constant 0 : index
    %get3A_431 = vector.load %arg4[%get3A_429, %get3A_430] : memref<128x64xf32, #tpu.memory_space<vmem>>, vector<128x64xf32>
    %dot_general3A_432 = arith.constant dense<0.000000e+00> : vector<512x64xf32>
    %dot_general3A_433 = tpu.matmul %sub3A_428, %get3A_431, %dot_general3A_432 {dimension_numbers = #tpu.dot_dimension_numbers<[1], [0], [0], [1], [0, 0, 1, 1], [], []>, transpose_lhs_hint = false} : vector<512x128xf32>, vector<128x64xf32>, vector<512x64xf32> -> vector<512x64xf32>
    %get3A_434 = arith.constant 0 : index
    %get3A_435 = arith.constant 0 : index
    %get3A_436 = vector.load %arg6[%get3A_434, %get3A_435] : memref<1x64xf32, #tpu.memory_space<vmem>>, vector<1x64xf32>
    %add3A_437 = vector.broadcast %get3A_436 : vector<1x64xf32> to vector<512x64xf32>
    %add3A_438 = arith.addf %dot_general3A_433, %add3A_437 : vector<512x64xf32>
    %reduce_sum3A_439 = arith.constant dense<0.000000e+00> : vector<64xf32>
    %reduce_sum3A_440 = vector.multi_reduction <add>, %add3A_438, %reduce_sum3A_439 [0] : vector<512x64xf32> to vector<64xf32>
    %broadcast_in_dim3A_441 = vector.shape_cast %reduce_sum3A_440 : vector<64xf32> to vector<1x64xf32>
    %add3A_442 = arith.addf %add3A_396, %broadcast_in_dim3A_441 : vector<1x64xf32>
    %mul3A_443 = arith.mulf %add3A_438, %add3A_438 : vector<512x64xf32>
    %reduce_sum3A_444 = arith.constant dense<0.000000e+00> : vector<64xf32>
    %reduce_sum3A_445 = vector.multi_reduction <add>, %mul3A_443, %reduce_sum3A_444 [0] : vector<512x64xf32> to vector<64xf32>
    %broadcast_in_dim3A_446 = vector.shape_cast %reduce_sum3A_445 : vector<64xf32> to vector<1x64xf32>
    %add3A_447 = arith.addf %add3A_401, %broadcast_in_dim3A_446 : vector<1x64xf32>
    %concatenate3A_448 = tpu.concatenate %get3A_6, %sub3A_428 in 1 : vector<512x128xf32>, vector<512x128xf32> -> vector<512x256xf32>
    %get3A_449 = arith.constant 0 : index
    %get3A_450 = arith.constant 0 : index
    %get3A_451 = vector.load %arg5[%get3A_449, %get3A_450] : memref<256x128xf32, #tpu.memory_space<vmem>>, vector<256x128xf32>
    %dot_general3A_452 = arith.constant dense<0.000000e+00> : vector<512x128xf32>
    %dot_general3A_453 = tpu.matmul %concatenate3A_448, %get3A_451, %dot_general3A_452 {dimension_numbers = #tpu.dot_dimension_numbers<[1], [0], [0], [1], [0, 0, 1, 1], [], []>, transpose_lhs_hint = false} : vector<512x256xf32>, vector<256x128xf32>, vector<512x128xf32> -> vector<512x128xf32>
    %get3A_454 = arith.constant 0 : index
    %get3A_455 = arith.constant 0 : index
    %get3A_456 = vector.load %arg7[%get3A_454, %get3A_455] : memref<1x128xf32, #tpu.memory_space<vmem>>, vector<1x128xf32>
    %add3A_457 = vector.broadcast %get3A_456 : vector<1x128xf32> to vector<512x128xf32>
    %add3A_458 = arith.addf %dot_general3A_453, %add3A_457 : vector<512x128xf32>
    %reduce_sum3A_459 = arith.constant dense<0.000000e+00> : vector<128xf32>
    %reduce_sum3A_460 = vector.multi_reduction <add>, %add3A_458, %reduce_sum3A_459 [0] : vector<512x128xf32> to vector<128xf32>
    %broadcast_in_dim3A_461 = vector.shape_cast %reduce_sum3A_460 : vector<128xf32> to vector<1x128xf32>
    %add3A_462 = arith.addf %add3A_416, %broadcast_in_dim3A_461 : vector<1x128xf32>
    %mul3A_463 = arith.mulf %add3A_458, %add3A_458 : vector<512x128xf32>
    %reduce_sum3A_464 = arith.constant dense<0.000000e+00> : vector<128xf32>
    %reduce_sum3A_465 = vector.multi_reduction <add>, %mul3A_463, %reduce_sum3A_464 [0] : vector<512x128xf32> to vector<128xf32>
    %broadcast_in_dim3A_466 = vector.shape_cast %reduce_sum3A_465 : vector<128xf32> to vector<1x128xf32>
    %add3A_467 = arith.addf %add3A_421, %broadcast_in_dim3A_466 : vector<1x128xf32>
    %convert_element_type3A = arith.extui %and3A : i1 to i32
    %cond3A = arith.constant 0 : i32
    %cond3A_468 = arith.cmpi ne, %convert_element_type3A, %cond3A : i32
    scf.if %cond3A_468 {
      %broadcast_in_dim3A_484 = arith.constant 0.000000e+00 : f32
      %broadcast_in_dim3A_485 = vector.broadcast %broadcast_in_dim3A_484 : f32 to vector<2x64xf32>
      %swap3A_486 = arith.constant 0 : index
      %swap3A_487 = arith.constant 0 : index
      %swap3A_488 = vector.load %arg8[%swap3A_486, %swap3A_487] : memref<2x64xf32, #tpu.memory_space<vmem>>, vector<2x64xf32>
      tpu.vector_store %arg8[%swap3A_486, %swap3A_487], %broadcast_in_dim3A_485 {strides = array<i32>} : memref<2x64xf32, #tpu.memory_space<vmem>>, vector<2x64xf32>,
      %broadcast_in_dim3A_489 = arith.constant 0.000000e+00 : f32
      %broadcast_in_dim3A_490 = vector.broadcast %broadcast_in_dim3A_489 : f32 to vector<2x128xf32>
      %swap3A_491 = arith.constant 0 : index
      %swap3A_492 = arith.constant 0 : index
      %swap3A_493 = vector.load %arg9[%swap3A_491, %swap3A_492] : memref<2x128xf32, #tpu.memory_space<vmem>>, vector<2x128xf32>
      tpu.vector_store %arg9[%swap3A_491, %swap3A_492], %broadcast_in_dim3A_490 {strides = array<i32>} : memref<2x128xf32, #tpu.memory_space<vmem>>, vector<2x128xf32>,
    } else {
    }
    %get3A_469 = arith.constant 0 : index
    %get3A_470 = arith.constant 0 : index
    %get3A_471 = vector.load %arg8[%get3A_469, %get3A_470] : memref<2x64xf32, #tpu.memory_space<vmem>>, vector<2x64xf32>
    %concatenate3A_472 = tpu.concatenate %add3A_442, %add3A_447 in 0 : vector<1x64xf32>, vector<1x64xf32> -> vector<2x64xf32>
    %add3A_473 = arith.addf %get3A_471, %concatenate3A_472 : vector<2x64xf32>
    %swap3A = arith.constant 0 : index
    %swap3A_474 = arith.constant 0 : index
    %swap3A_475 = vector.load %arg8[%swap3A, %swap3A_474] : memref<2x64xf32, #tpu.memory_space<vmem>>, vector<2x64xf32>
    tpu.vector_store %arg8[%swap3A, %swap3A_474], %add3A_473 {strides = array<i32>} : memref<2x64xf32, #tpu.memory_space<vmem>>, vector<2x64xf32>,
    %get3A_476 = arith.constant 0 : index
    %get3A_477 = arith.constant 0 : index
    %get3A_478 = vector.load %arg9[%get3A_476, %get3A_477] : memref<2x128xf32, #tpu.memory_space<vmem>>, vector<2x128xf32>
    %concatenate3A_479 = tpu.concatenate %add3A_462, %add3A_467 in 0 : vector<1x128xf32>, vector<1x128xf32> -> vector<2x128xf32>
    %add3A_480 = arith.addf %get3A_478, %concatenate3A_479 : vector<2x128xf32>
    %swap3A_481 = arith.constant 0 : index
    %swap3A_482 = arith.constant 0 : index
    %swap3A_483 = vector.load %arg9[%swap3A_481, %swap3A_482] : memref<2x128xf32, #tpu.memory_space<vmem>>, vector<2x128xf32>
    tpu.vector_store %arg9[%swap3A_481, %swap3A_482], %add3A_480 {strides = array<i32>} : memref<2x128xf32, #tpu.memory_space<vmem>>, vector<2x128xf32>,
    return
  }
  func.func @transform_0(%arg0: i32, %arg1: i32) -> (i32, i32, i32, i32) {
    %c0_i32 = arith.constant 0 : i32
    %c0_i32_0 = arith.constant 0 : i32
    %c0_i32_1 = arith.constant 0 : i32
    return %arg0, %c0_i32, %arg1, %c0_i32_0 : i32, i32, i32, i32
  }
  func.func @transform_1(%arg0: i32, %arg1: i32) -> (i32, i32, i32) {
    %c0_i32 = arith.constant 0 : i32
    %c0_i32_0 = arith.constant 0 : i32
    return %arg0, %arg1, %c0_i32 : i32, i32, i32
  }
  func.func @transform_2(%arg0: i32, %arg1: i32) -> (i32, i32) {
    %c0_i32 = arith.constant 0 : i32
    %c0_i32_0 = arith.constant 0 : i32
    %c0_i32_1 = arith.constant 0 : i32
    return %c0_i32, %c0_i32_0 : i32, i32
  }
  func.func @transform_3(%arg0: i32, %arg1: i32) -> (i32, i32) {
    %c0_i32 = arith.constant 0 : i32
    %c0_i32_0 = arith.constant 0 : i32
    %c0_i32_1 = arith.constant 0 : i32
    return %c0_i32, %c0_i32_0 : i32, i32
  }
  func.func @transform_4(%arg0: i32, %arg1: i32) -> (i32, i32) {
    %c0_i32 = arith.constant 0 : i32
    %c0_i32_0 = arith.constant 0 : i32
    %c0_i32_1 = arith.constant 0 : i32
    return %c0_i32, %c0_i32_0 : i32, i32
  }
  func.func @transform_5(%arg0: i32, %arg1: i32) -> (i32, i32) {
    %c0_i32 = arith.constant 0 : i32
    %c0_i32_0 = arith.constant 0 : i32
    %c0_i32_1 = arith.constant 0 : i32
    return %c0_i32, %c0_i32_0 : i32, i32
  }
  func.func @transform_6(%arg0: i32, %arg1: i32) -> (i32, i32) {
    %c0_i32 = arith.constant 0 : i32
    %c0_i32_0 = arith.constant 0 : i32
    %c0_i32_1 = arith.constant 0 : i32
    return %c0_i32, %c0_i32_0 : i32, i32
  }
  func.func @transform_7(%arg0: i32, %arg1: i32) -> (i32, i32) {
    %c0_i32 = arith.constant 0 : i32
    %c0_i32_0 = arith.constant 0 : i32
    %c0_i32_1 = arith.constant 0 : i32
    return %c0_i32, %c0_i32_0 : i32, i32
  }
}

module attributes {stable_mosaic.version = 14 : i64} {
  func.func @_e1v_body(%arg0: i32, %arg1: i32, %arg2: memref<1x10x512x128xf32, #tpu.memory_space<vmem>>, %arg3: memref<1x512x128xf32, #tpu.memory_space<vmem>>, %arg4: memref<128x64xf32, #tpu.memory_space<vmem>>, %arg5: memref<256x128xf32, #tpu.memory_space<vmem>>, %arg6: memref<1x64xf32, #tpu.memory_space<vmem>>, %arg7: memref<1x128xf32, #tpu.memory_space<vmem>>, %arg8: memref<1x64xf32, #tpu.memory_space<vmem>>, %arg9: memref<1x128xf32, #tpu.memory_space<vmem>>, %arg10: memref<1x64xf32, #tpu.memory_space<vmem>>, %arg11: memref<1x128xf32, #tpu.memory_space<vmem>>) attributes {dimension_semantics = [#tpu.dimension_semantics<arbitrary>, #tpu.dimension_semantics<arbitrary>], iteration_bounds = array<i64: 8, 4>, scalar_prefetch = 0 : i64, scratch_operands = 0 : i64, tpu.core_type = #tpu.core_type<tc>, window_params = [{transform_indices = @transform_0, window_bounds = array<i64: 1, 10, 512, 128>}, {transform_indices = @transform_1, window_bounds = array<i64: 1, 512, 128>}, {pipeline_mode = #tpu.pipeline_mode<synchronous>, transform_indices = @transform_2, window_bounds = array<i64: 128, 64>}, {pipeline_mode = #tpu.pipeline_mode<synchronous>, transform_indices = @transform_3, window_bounds = array<i64: 256, 128>}, {pipeline_mode = #tpu.pipeline_mode<synchronous>, transform_indices = @transform_4, window_bounds = array<i64: 1, 64>}, {pipeline_mode = #tpu.pipeline_mode<synchronous>, transform_indices = @transform_5, window_bounds = array<i64: 1, 128>}, {pipeline_mode = #tpu.pipeline_mode<synchronous>, transform_indices = @transform_6, window_bounds = array<i64: 1, 64>}, {pipeline_mode = #tpu.pipeline_mode<synchronous>, transform_indices = @transform_7, window_bounds = array<i64: 1, 128>}, {pipeline_mode = #tpu.pipeline_mode<synchronous>, transform_indices = @transform_8, window_bounds = array<i64: 1, 64>}, {pipeline_mode = #tpu.pipeline_mode<synchronous>, transform_indices = @transform_9, window_bounds = array<i64: 1, 128>}]} {
    %eq3A = arith.constant 0 : i32
    %eq3A_0 = arith.cmpi eq, %arg0, %eq3A : i32
    %eq3A_1 = arith.constant 0 : i32
    %eq3A_2 = arith.cmpi eq, %arg1, %eq3A_1 : i32
    %and3A = arith.andi %eq3A_0, %eq3A_2 : i1
    %get3A = arith.constant 0 : index
    %get3A_3 = arith.constant 0 : index
    %get3A_4 = arith.constant 0 : index
    %get3A_5 = vector.load %arg3[%get3A, %get3A_3, %get3A_4] : memref<1x512x128xf32, #tpu.memory_space<vmem>>, vector<1x512x128xf32>
    %get3A_6 = vector.shape_cast %get3A_5 : vector<1x512x128xf32> to vector<512x128xf32>
    %get3A_7 = arith.constant 0 : index
    %get3A_8 = arith.constant 0 : index
    %get3A_9 = vector.load %arg8[%get3A_7, %get3A_8] : memref<1x64xf32, #tpu.memory_space<vmem>>, vector<1x64xf32>
    %get3A_10 = arith.constant 0 : index
    %get3A_11 = arith.constant 0 : index
    %get3A_12 = vector.load %arg9[%get3A_10, %get3A_11] : memref<1x128xf32, #tpu.memory_space<vmem>>, vector<1x128xf32>
    %broadcast_in_dim3A = arith.constant 0.000000e+00 : f32
    %broadcast_in_dim3A_13 = vector.broadcast %broadcast_in_dim3A : f32 to vector<1x64xf32>
    %broadcast_in_dim3A_14 = arith.constant 0.000000e+00 : f32
    %broadcast_in_dim3A_15 = vector.broadcast %broadcast_in_dim3A_14 : f32 to vector<1x128xf32>
    %get3A_16 = arith.constant 0 : index
    %get3A_17 = arith.constant 0 : index
    %get3A_18 = arith.constant 0 : index
    %get3A_19 = arith.constant 0 : index
    %get3A_20 = vector.load %arg2[%get3A_16, %get3A_17, %get3A_18, %get3A_19] : memref<1x10x512x128xf32, #tpu.memory_space<vmem>>, vector<1x1x512x128xf32>
    %get3A_21 = vector.shape_cast %get3A_20 : vector<1x1x512x128xf32> to vector<512x128xf32>
    %sub3A = arith.subf %get3A_21, %get3A_6 : vector<512x128xf32>
    %get3A_22 = arith.constant 0 : index
    %get3A_23 = arith.constant 0 : index
    %get3A_24 = vector.load %arg4[%get3A_22, %get3A_23] : memref<128x64xf32, #tpu.memory_space<vmem>>, vector<128x64xf32>
    %dot_general3A = arith.constant dense<0.000000e+00> : vector<512x64xf32>
    %dot_general3A_25 = tpu.matmul %sub3A, %get3A_24, %dot_general3A {dimension_numbers = #tpu.dot_dimension_numbers<[1], [0], [0], [1], [0, 0, 1, 1], [], []>, transpose_lhs_hint = false} : vector<512x128xf32>, vector<128x64xf32>, vector<512x64xf32> -> vector<512x64xf32>
    %get3A_26 = arith.constant 0 : index
    %get3A_27 = arith.constant 0 : index
    %get3A_28 = vector.load %arg6[%get3A_26, %get3A_27] : memref<1x64xf32, #tpu.memory_space<vmem>>, vector<1x64xf32>
    %add3A = vector.broadcast %get3A_28 : vector<1x64xf32> to vector<512x64xf32>
    %add3A_29 = arith.addf %dot_general3A_25, %add3A : vector<512x64xf32>
    %sub3A_30 = vector.broadcast %get3A_9 : vector<1x64xf32> to vector<512x64xf32>
    %sub3A_31 = arith.subf %add3A_29, %sub3A_30 : vector<512x64xf32>
    %mul3A = arith.mulf %sub3A_31, %sub3A_31 : vector<512x64xf32>
    %reduce_sum3A = arith.constant dense<0.000000e+00> : vector<64xf32>
    %reduce_sum3A_32 = vector.multi_reduction <add>, %mul3A, %reduce_sum3A [0] : vector<512x64xf32> to vector<64xf32>
    %broadcast_in_dim3A_33 = vector.shape_cast %reduce_sum3A_32 : vector<64xf32> to vector<1x64xf32>
    %add3A_34 = arith.addf %broadcast_in_dim3A_13, %broadcast_in_dim3A_33 : vector<1x64xf32>
    %concatenate3A = tpu.concatenate %get3A_6, %sub3A in 1 : vector<512x128xf32>, vector<512x128xf32> -> vector<512x256xf32>
    %get3A_35 = arith.constant 0 : index
    %get3A_36 = arith.constant 0 : index
    %get3A_37 = vector.load %arg5[%get3A_35, %get3A_36] : memref<256x128xf32, #tpu.memory_space<vmem>>, vector<256x128xf32>
    %dot_general3A_38 = arith.constant dense<0.000000e+00> : vector<512x128xf32>
    %dot_general3A_39 = tpu.matmul %concatenate3A, %get3A_37, %dot_general3A_38 {dimension_numbers = #tpu.dot_dimension_numbers<[1], [0], [0], [1], [0, 0, 1, 1], [], []>, transpose_lhs_hint = false} : vector<512x256xf32>, vector<256x128xf32>, vector<512x128xf32> -> vector<512x128xf32>
    %get3A_40 = arith.constant 0 : index
    %get3A_41 = arith.constant 0 : index
    %get3A_42 = vector.load %arg7[%get3A_40, %get3A_41] : memref<1x128xf32, #tpu.memory_space<vmem>>, vector<1x128xf32>
    %add3A_43 = vector.broadcast %get3A_42 : vector<1x128xf32> to vector<512x128xf32>
    %add3A_44 = arith.addf %dot_general3A_39, %add3A_43 : vector<512x128xf32>
    %sub3A_45 = vector.broadcast %get3A_12 : vector<1x128xf32> to vector<512x128xf32>
    %sub3A_46 = arith.subf %add3A_44, %sub3A_45 : vector<512x128xf32>
    %mul3A_47 = arith.mulf %sub3A_46, %sub3A_46 : vector<512x128xf32>
    %reduce_sum3A_48 = arith.constant dense<0.000000e+00> : vector<128xf32>
    %reduce_sum3A_49 = vector.multi_reduction <add>, %mul3A_47, %reduce_sum3A_48 [0] : vector<512x128xf32> to vector<128xf32>
    %broadcast_in_dim3A_50 = vector.shape_cast %reduce_sum3A_49 : vector<128xf32> to vector<1x128xf32>
    %add3A_51 = arith.addf %broadcast_in_dim3A_15, %broadcast_in_dim3A_50 : vector<1x128xf32>
    %get3A_52 = arith.constant 0 : index
    %get3A_53 = arith.constant 1 : index
    %get3A_54 = arith.constant 0 : index
    %get3A_55 = arith.constant 0 : index
    %get3A_56 = vector.load %arg2[%get3A_52, %get3A_53, %get3A_54, %get3A_55] : memref<1x10x512x128xf32, #tpu.memory_space<vmem>>, vector<1x1x512x128xf32>
    %get3A_57 = vector.shape_cast %get3A_56 : vector<1x1x512x128xf32> to vector<512x128xf32>
    %sub3A_58 = arith.subf %get3A_57, %get3A_6 : vector<512x128xf32>
    %get3A_59 = arith.constant 0 : index
    %get3A_60 = arith.constant 0 : index
    %get3A_61 = vector.load %arg4[%get3A_59, %get3A_60] : memref<128x64xf32, #tpu.memory_space<vmem>>, vector<128x64xf32>
    %dot_general3A_62 = arith.constant dense<0.000000e+00> : vector<512x64xf32>
    %dot_general3A_63 = tpu.matmul %sub3A_58, %get3A_61, %dot_general3A_62 {dimension_numbers = #tpu.dot_dimension_numbers<[1], [0], [0], [1], [0, 0, 1, 1], [], []>, transpose_lhs_hint = false} : vector<512x128xf32>, vector<128x64xf32>, vector<512x64xf32> -> vector<512x64xf32>
    %get3A_64 = arith.constant 0 : index
    %get3A_65 = arith.constant 0 : index
    %get3A_66 = vector.load %arg6[%get3A_64, %get3A_65] : memref<1x64xf32, #tpu.memory_space<vmem>>, vector<1x64xf32>
    %add3A_67 = vector.broadcast %get3A_66 : vector<1x64xf32> to vector<512x64xf32>
    %add3A_68 = arith.addf %dot_general3A_63, %add3A_67 : vector<512x64xf32>
    %sub3A_69 = vector.broadcast %get3A_9 : vector<1x64xf32> to vector<512x64xf32>
    %sub3A_70 = arith.subf %add3A_68, %sub3A_69 : vector<512x64xf32>
    %mul3A_71 = arith.mulf %sub3A_70, %sub3A_70 : vector<512x64xf32>
    %reduce_sum3A_72 = arith.constant dense<0.000000e+00> : vector<64xf32>
    %reduce_sum3A_73 = vector.multi_reduction <add>, %mul3A_71, %reduce_sum3A_72 [0] : vector<512x64xf32> to vector<64xf32>
    %broadcast_in_dim3A_74 = vector.shape_cast %reduce_sum3A_73 : vector<64xf32> to vector<1x64xf32>
    %add3A_75 = arith.addf %add3A_34, %broadcast_in_dim3A_74 : vector<1x64xf32>
    %concatenate3A_76 = tpu.concatenate %get3A_6, %sub3A_58 in 1 : vector<512x128xf32>, vector<512x128xf32> -> vector<512x256xf32>
    %get3A_77 = arith.constant 0 : index
    %get3A_78 = arith.constant 0 : index
    %get3A_79 = vector.load %arg5[%get3A_77, %get3A_78] : memref<256x128xf32, #tpu.memory_space<vmem>>, vector<256x128xf32>
    %dot_general3A_80 = arith.constant dense<0.000000e+00> : vector<512x128xf32>
    %dot_general3A_81 = tpu.matmul %concatenate3A_76, %get3A_79, %dot_general3A_80 {dimension_numbers = #tpu.dot_dimension_numbers<[1], [0], [0], [1], [0, 0, 1, 1], [], []>, transpose_lhs_hint = false} : vector<512x256xf32>, vector<256x128xf32>, vector<512x128xf32> -> vector<512x128xf32>
    %get3A_82 = arith.constant 0 : index
    %get3A_83 = arith.constant 0 : index
    %get3A_84 = vector.load %arg7[%get3A_82, %get3A_83] : memref<1x128xf32, #tpu.memory_space<vmem>>, vector<1x128xf32>
    %add3A_85 = vector.broadcast %get3A_84 : vector<1x128xf32> to vector<512x128xf32>
    %add3A_86 = arith.addf %dot_general3A_81, %add3A_85 : vector<512x128xf32>
    %sub3A_87 = vector.broadcast %get3A_12 : vector<1x128xf32> to vector<512x128xf32>
    %sub3A_88 = arith.subf %add3A_86, %sub3A_87 : vector<512x128xf32>
    %mul3A_89 = arith.mulf %sub3A_88, %sub3A_88 : vector<512x128xf32>
    %reduce_sum3A_90 = arith.constant dense<0.000000e+00> : vector<128xf32>
    %reduce_sum3A_91 = vector.multi_reduction <add>, %mul3A_89, %reduce_sum3A_90 [0] : vector<512x128xf32> to vector<128xf32>
    %broadcast_in_dim3A_92 = vector.shape_cast %reduce_sum3A_91 : vector<128xf32> to vector<1x128xf32>
    %add3A_93 = arith.addf %add3A_51, %broadcast_in_dim3A_92 : vector<1x128xf32>
    %get3A_94 = arith.constant 0 : index
    %get3A_95 = arith.constant 2 : index
    %get3A_96 = arith.constant 0 : index
    %get3A_97 = arith.constant 0 : index
    %get3A_98 = vector.load %arg2[%get3A_94, %get3A_95, %get3A_96, %get3A_97] : memref<1x10x512x128xf32, #tpu.memory_space<vmem>>, vector<1x1x512x128xf32>
    %get3A_99 = vector.shape_cast %get3A_98 : vector<1x1x512x128xf32> to vector<512x128xf32>
    %sub3A_100 = arith.subf %get3A_99, %get3A_6 : vector<512x128xf32>
    %get3A_101 = arith.constant 0 : index
    %get3A_102 = arith.constant 0 : index
    %get3A_103 = vector.load %arg4[%get3A_101, %get3A_102] : memref<128x64xf32, #tpu.memory_space<vmem>>, vector<128x64xf32>
    %dot_general3A_104 = arith.constant dense<0.000000e+00> : vector<512x64xf32>
    %dot_general3A_105 = tpu.matmul %sub3A_100, %get3A_103, %dot_general3A_104 {dimension_numbers = #tpu.dot_dimension_numbers<[1], [0], [0], [1], [0, 0, 1, 1], [], []>, transpose_lhs_hint = false} : vector<512x128xf32>, vector<128x64xf32>, vector<512x64xf32> -> vector<512x64xf32>
    %get3A_106 = arith.constant 0 : index
    %get3A_107 = arith.constant 0 : index
    %get3A_108 = vector.load %arg6[%get3A_106, %get3A_107] : memref<1x64xf32, #tpu.memory_space<vmem>>, vector<1x64xf32>
    %add3A_109 = vector.broadcast %get3A_108 : vector<1x64xf32> to vector<512x64xf32>
    %add3A_110 = arith.addf %dot_general3A_105, %add3A_109 : vector<512x64xf32>
    %sub3A_111 = vector.broadcast %get3A_9 : vector<1x64xf32> to vector<512x64xf32>
    %sub3A_112 = arith.subf %add3A_110, %sub3A_111 : vector<512x64xf32>
    %mul3A_113 = arith.mulf %sub3A_112, %sub3A_112 : vector<512x64xf32>
    %reduce_sum3A_114 = arith.constant dense<0.000000e+00> : vector<64xf32>
    %reduce_sum3A_115 = vector.multi_reduction <add>, %mul3A_113, %reduce_sum3A_114 [0] : vector<512x64xf32> to vector<64xf32>
    %broadcast_in_dim3A_116 = vector.shape_cast %reduce_sum3A_115 : vector<64xf32> to vector<1x64xf32>
    %add3A_117 = arith.addf %add3A_75, %broadcast_in_dim3A_116 : vector<1x64xf32>
    %concatenate3A_118 = tpu.concatenate %get3A_6, %sub3A_100 in 1 : vector<512x128xf32>, vector<512x128xf32> -> vector<512x256xf32>
    %get3A_119 = arith.constant 0 : index
    %get3A_120 = arith.constant 0 : index
    %get3A_121 = vector.load %arg5[%get3A_119, %get3A_120] : memref<256x128xf32, #tpu.memory_space<vmem>>, vector<256x128xf32>
    %dot_general3A_122 = arith.constant dense<0.000000e+00> : vector<512x128xf32>
    %dot_general3A_123 = tpu.matmul %concatenate3A_118, %get3A_121, %dot_general3A_122 {dimension_numbers = #tpu.dot_dimension_numbers<[1], [0], [0], [1], [0, 0, 1, 1], [], []>, transpose_lhs_hint = false} : vector<512x256xf32>, vector<256x128xf32>, vector<512x128xf32> -> vector<512x128xf32>
    %get3A_124 = arith.constant 0 : index
    %get3A_125 = arith.constant 0 : index
    %get3A_126 = vector.load %arg7[%get3A_124, %get3A_125] : memref<1x128xf32, #tpu.memory_space<vmem>>, vector<1x128xf32>
    %add3A_127 = vector.broadcast %get3A_126 : vector<1x128xf32> to vector<512x128xf32>
    %add3A_128 = arith.addf %dot_general3A_123, %add3A_127 : vector<512x128xf32>
    %sub3A_129 = vector.broadcast %get3A_12 : vector<1x128xf32> to vector<512x128xf32>
    %sub3A_130 = arith.subf %add3A_128, %sub3A_129 : vector<512x128xf32>
    %mul3A_131 = arith.mulf %sub3A_130, %sub3A_130 : vector<512x128xf32>
    %reduce_sum3A_132 = arith.constant dense<0.000000e+00> : vector<128xf32>
    %reduce_sum3A_133 = vector.multi_reduction <add>, %mul3A_131, %reduce_sum3A_132 [0] : vector<512x128xf32> to vector<128xf32>
    %broadcast_in_dim3A_134 = vector.shape_cast %reduce_sum3A_133 : vector<128xf32> to vector<1x128xf32>
    %add3A_135 = arith.addf %add3A_93, %broadcast_in_dim3A_134 : vector<1x128xf32>
    %get3A_136 = arith.constant 0 : index
    %get3A_137 = arith.constant 3 : index
    %get3A_138 = arith.constant 0 : index
    %get3A_139 = arith.constant 0 : index
    %get3A_140 = vector.load %arg2[%get3A_136, %get3A_137, %get3A_138, %get3A_139] : memref<1x10x512x128xf32, #tpu.memory_space<vmem>>, vector<1x1x512x128xf32>
    %get3A_141 = vector.shape_cast %get3A_140 : vector<1x1x512x128xf32> to vector<512x128xf32>
    %sub3A_142 = arith.subf %get3A_141, %get3A_6 : vector<512x128xf32>
    %get3A_143 = arith.constant 0 : index
    %get3A_144 = arith.constant 0 : index
    %get3A_145 = vector.load %arg4[%get3A_143, %get3A_144] : memref<128x64xf32, #tpu.memory_space<vmem>>, vector<128x64xf32>
    %dot_general3A_146 = arith.constant dense<0.000000e+00> : vector<512x64xf32>
    %dot_general3A_147 = tpu.matmul %sub3A_142, %get3A_145, %dot_general3A_146 {dimension_numbers = #tpu.dot_dimension_numbers<[1], [0], [0], [1], [0, 0, 1, 1], [], []>, transpose_lhs_hint = false} : vector<512x128xf32>, vector<128x64xf32>, vector<512x64xf32> -> vector<512x64xf32>
    %get3A_148 = arith.constant 0 : index
    %get3A_149 = arith.constant 0 : index
    %get3A_150 = vector.load %arg6[%get3A_148, %get3A_149] : memref<1x64xf32, #tpu.memory_space<vmem>>, vector<1x64xf32>
    %add3A_151 = vector.broadcast %get3A_150 : vector<1x64xf32> to vector<512x64xf32>
    %add3A_152 = arith.addf %dot_general3A_147, %add3A_151 : vector<512x64xf32>
    %sub3A_153 = vector.broadcast %get3A_9 : vector<1x64xf32> to vector<512x64xf32>
    %sub3A_154 = arith.subf %add3A_152, %sub3A_153 : vector<512x64xf32>
    %mul3A_155 = arith.mulf %sub3A_154, %sub3A_154 : vector<512x64xf32>
    %reduce_sum3A_156 = arith.constant dense<0.000000e+00> : vector<64xf32>
    %reduce_sum3A_157 = vector.multi_reduction <add>, %mul3A_155, %reduce_sum3A_156 [0] : vector<512x64xf32> to vector<64xf32>
    %broadcast_in_dim3A_158 = vector.shape_cast %reduce_sum3A_157 : vector<64xf32> to vector<1x64xf32>
    %add3A_159 = arith.addf %add3A_117, %broadcast_in_dim3A_158 : vector<1x64xf32>
    %concatenate3A_160 = tpu.concatenate %get3A_6, %sub3A_142 in 1 : vector<512x128xf32>, vector<512x128xf32> -> vector<512x256xf32>
    %get3A_161 = arith.constant 0 : index
    %get3A_162 = arith.constant 0 : index
    %get3A_163 = vector.load %arg5[%get3A_161, %get3A_162] : memref<256x128xf32, #tpu.memory_space<vmem>>, vector<256x128xf32>
    %dot_general3A_164 = arith.constant dense<0.000000e+00> : vector<512x128xf32>
    %dot_general3A_165 = tpu.matmul %concatenate3A_160, %get3A_163, %dot_general3A_164 {dimension_numbers = #tpu.dot_dimension_numbers<[1], [0], [0], [1], [0, 0, 1, 1], [], []>, transpose_lhs_hint = false} : vector<512x256xf32>, vector<256x128xf32>, vector<512x128xf32> -> vector<512x128xf32>
    %get3A_166 = arith.constant 0 : index
    %get3A_167 = arith.constant 0 : index
    %get3A_168 = vector.load %arg7[%get3A_166, %get3A_167] : memref<1x128xf32, #tpu.memory_space<vmem>>, vector<1x128xf32>
    %add3A_169 = vector.broadcast %get3A_168 : vector<1x128xf32> to vector<512x128xf32>
    %add3A_170 = arith.addf %dot_general3A_165, %add3A_169 : vector<512x128xf32>
    %sub3A_171 = vector.broadcast %get3A_12 : vector<1x128xf32> to vector<512x128xf32>
    %sub3A_172 = arith.subf %add3A_170, %sub3A_171 : vector<512x128xf32>
    %mul3A_173 = arith.mulf %sub3A_172, %sub3A_172 : vector<512x128xf32>
    %reduce_sum3A_174 = arith.constant dense<0.000000e+00> : vector<128xf32>
    %reduce_sum3A_175 = vector.multi_reduction <add>, %mul3A_173, %reduce_sum3A_174 [0] : vector<512x128xf32> to vector<128xf32>
    %broadcast_in_dim3A_176 = vector.shape_cast %reduce_sum3A_175 : vector<128xf32> to vector<1x128xf32>
    %add3A_177 = arith.addf %add3A_135, %broadcast_in_dim3A_176 : vector<1x128xf32>
    %get3A_178 = arith.constant 0 : index
    %get3A_179 = arith.constant 4 : index
    %get3A_180 = arith.constant 0 : index
    %get3A_181 = arith.constant 0 : index
    %get3A_182 = vector.load %arg2[%get3A_178, %get3A_179, %get3A_180, %get3A_181] : memref<1x10x512x128xf32, #tpu.memory_space<vmem>>, vector<1x1x512x128xf32>
    %get3A_183 = vector.shape_cast %get3A_182 : vector<1x1x512x128xf32> to vector<512x128xf32>
    %sub3A_184 = arith.subf %get3A_183, %get3A_6 : vector<512x128xf32>
    %get3A_185 = arith.constant 0 : index
    %get3A_186 = arith.constant 0 : index
    %get3A_187 = vector.load %arg4[%get3A_185, %get3A_186] : memref<128x64xf32, #tpu.memory_space<vmem>>, vector<128x64xf32>
    %dot_general3A_188 = arith.constant dense<0.000000e+00> : vector<512x64xf32>
    %dot_general3A_189 = tpu.matmul %sub3A_184, %get3A_187, %dot_general3A_188 {dimension_numbers = #tpu.dot_dimension_numbers<[1], [0], [0], [1], [0, 0, 1, 1], [], []>, transpose_lhs_hint = false} : vector<512x128xf32>, vector<128x64xf32>, vector<512x64xf32> -> vector<512x64xf32>
    %get3A_190 = arith.constant 0 : index
    %get3A_191 = arith.constant 0 : index
    %get3A_192 = vector.load %arg6[%get3A_190, %get3A_191] : memref<1x64xf32, #tpu.memory_space<vmem>>, vector<1x64xf32>
    %add3A_193 = vector.broadcast %get3A_192 : vector<1x64xf32> to vector<512x64xf32>
    %add3A_194 = arith.addf %dot_general3A_189, %add3A_193 : vector<512x64xf32>
    %sub3A_195 = vector.broadcast %get3A_9 : vector<1x64xf32> to vector<512x64xf32>
    %sub3A_196 = arith.subf %add3A_194, %sub3A_195 : vector<512x64xf32>
    %mul3A_197 = arith.mulf %sub3A_196, %sub3A_196 : vector<512x64xf32>
    %reduce_sum3A_198 = arith.constant dense<0.000000e+00> : vector<64xf32>
    %reduce_sum3A_199 = vector.multi_reduction <add>, %mul3A_197, %reduce_sum3A_198 [0] : vector<512x64xf32> to vector<64xf32>
    %broadcast_in_dim3A_200 = vector.shape_cast %reduce_sum3A_199 : vector<64xf32> to vector<1x64xf32>
    %add3A_201 = arith.addf %add3A_159, %broadcast_in_dim3A_200 : vector<1x64xf32>
    %concatenate3A_202 = tpu.concatenate %get3A_6, %sub3A_184 in 1 : vector<512x128xf32>, vector<512x128xf32> -> vector<512x256xf32>
    %get3A_203 = arith.constant 0 : index
    %get3A_204 = arith.constant 0 : index
    %get3A_205 = vector.load %arg5[%get3A_203, %get3A_204] : memref<256x128xf32, #tpu.memory_space<vmem>>, vector<256x128xf32>
    %dot_general3A_206 = arith.constant dense<0.000000e+00> : vector<512x128xf32>
    %dot_general3A_207 = tpu.matmul %concatenate3A_202, %get3A_205, %dot_general3A_206 {dimension_numbers = #tpu.dot_dimension_numbers<[1], [0], [0], [1], [0, 0, 1, 1], [], []>, transpose_lhs_hint = false} : vector<512x256xf32>, vector<256x128xf32>, vector<512x128xf32> -> vector<512x128xf32>
    %get3A_208 = arith.constant 0 : index
    %get3A_209 = arith.constant 0 : index
    %get3A_210 = vector.load %arg7[%get3A_208, %get3A_209] : memref<1x128xf32, #tpu.memory_space<vmem>>, vector<1x128xf32>
    %add3A_211 = vector.broadcast %get3A_210 : vector<1x128xf32> to vector<512x128xf32>
    %add3A_212 = arith.addf %dot_general3A_207, %add3A_211 : vector<512x128xf32>
    %sub3A_213 = vector.broadcast %get3A_12 : vector<1x128xf32> to vector<512x128xf32>
    %sub3A_214 = arith.subf %add3A_212, %sub3A_213 : vector<512x128xf32>
    %mul3A_215 = arith.mulf %sub3A_214, %sub3A_214 : vector<512x128xf32>
    %reduce_sum3A_216 = arith.constant dense<0.000000e+00> : vector<128xf32>
    %reduce_sum3A_217 = vector.multi_reduction <add>, %mul3A_215, %reduce_sum3A_216 [0] : vector<512x128xf32> to vector<128xf32>
    %broadcast_in_dim3A_218 = vector.shape_cast %reduce_sum3A_217 : vector<128xf32> to vector<1x128xf32>
    %add3A_219 = arith.addf %add3A_177, %broadcast_in_dim3A_218 : vector<1x128xf32>
    %get3A_220 = arith.constant 0 : index
    %get3A_221 = arith.constant 5 : index
    %get3A_222 = arith.constant 0 : index
    %get3A_223 = arith.constant 0 : index
    %get3A_224 = vector.load %arg2[%get3A_220, %get3A_221, %get3A_222, %get3A_223] : memref<1x10x512x128xf32, #tpu.memory_space<vmem>>, vector<1x1x512x128xf32>
    %get3A_225 = vector.shape_cast %get3A_224 : vector<1x1x512x128xf32> to vector<512x128xf32>
    %sub3A_226 = arith.subf %get3A_225, %get3A_6 : vector<512x128xf32>
    %get3A_227 = arith.constant 0 : index
    %get3A_228 = arith.constant 0 : index
    %get3A_229 = vector.load %arg4[%get3A_227, %get3A_228] : memref<128x64xf32, #tpu.memory_space<vmem>>, vector<128x64xf32>
    %dot_general3A_230 = arith.constant dense<0.000000e+00> : vector<512x64xf32>
    %dot_general3A_231 = tpu.matmul %sub3A_226, %get3A_229, %dot_general3A_230 {dimension_numbers = #tpu.dot_dimension_numbers<[1], [0], [0], [1], [0, 0, 1, 1], [], []>, transpose_lhs_hint = false} : vector<512x128xf32>, vector<128x64xf32>, vector<512x64xf32> -> vector<512x64xf32>
    %get3A_232 = arith.constant 0 : index
    %get3A_233 = arith.constant 0 : index
    %get3A_234 = vector.load %arg6[%get3A_232, %get3A_233] : memref<1x64xf32, #tpu.memory_space<vmem>>, vector<1x64xf32>
    %add3A_235 = vector.broadcast %get3A_234 : vector<1x64xf32> to vector<512x64xf32>
    %add3A_236 = arith.addf %dot_general3A_231, %add3A_235 : vector<512x64xf32>
    %sub3A_237 = vector.broadcast %get3A_9 : vector<1x64xf32> to vector<512x64xf32>
    %sub3A_238 = arith.subf %add3A_236, %sub3A_237 : vector<512x64xf32>
    %mul3A_239 = arith.mulf %sub3A_238, %sub3A_238 : vector<512x64xf32>
    %reduce_sum3A_240 = arith.constant dense<0.000000e+00> : vector<64xf32>
    %reduce_sum3A_241 = vector.multi_reduction <add>, %mul3A_239, %reduce_sum3A_240 [0] : vector<512x64xf32> to vector<64xf32>
    %broadcast_in_dim3A_242 = vector.shape_cast %reduce_sum3A_241 : vector<64xf32> to vector<1x64xf32>
    %add3A_243 = arith.addf %add3A_201, %broadcast_in_dim3A_242 : vector<1x64xf32>
    %concatenate3A_244 = tpu.concatenate %get3A_6, %sub3A_226 in 1 : vector<512x128xf32>, vector<512x128xf32> -> vector<512x256xf32>
    %get3A_245 = arith.constant 0 : index
    %get3A_246 = arith.constant 0 : index
    %get3A_247 = vector.load %arg5[%get3A_245, %get3A_246] : memref<256x128xf32, #tpu.memory_space<vmem>>, vector<256x128xf32>
    %dot_general3A_248 = arith.constant dense<0.000000e+00> : vector<512x128xf32>
    %dot_general3A_249 = tpu.matmul %concatenate3A_244, %get3A_247, %dot_general3A_248 {dimension_numbers = #tpu.dot_dimension_numbers<[1], [0], [0], [1], [0, 0, 1, 1], [], []>, transpose_lhs_hint = false} : vector<512x256xf32>, vector<256x128xf32>, vector<512x128xf32> -> vector<512x128xf32>
    %get3A_250 = arith.constant 0 : index
    %get3A_251 = arith.constant 0 : index
    %get3A_252 = vector.load %arg7[%get3A_250, %get3A_251] : memref<1x128xf32, #tpu.memory_space<vmem>>, vector<1x128xf32>
    %add3A_253 = vector.broadcast %get3A_252 : vector<1x128xf32> to vector<512x128xf32>
    %add3A_254 = arith.addf %dot_general3A_249, %add3A_253 : vector<512x128xf32>
    %sub3A_255 = vector.broadcast %get3A_12 : vector<1x128xf32> to vector<512x128xf32>
    %sub3A_256 = arith.subf %add3A_254, %sub3A_255 : vector<512x128xf32>
    %mul3A_257 = arith.mulf %sub3A_256, %sub3A_256 : vector<512x128xf32>
    %reduce_sum3A_258 = arith.constant dense<0.000000e+00> : vector<128xf32>
    %reduce_sum3A_259 = vector.multi_reduction <add>, %mul3A_257, %reduce_sum3A_258 [0] : vector<512x128xf32> to vector<128xf32>
    %broadcast_in_dim3A_260 = vector.shape_cast %reduce_sum3A_259 : vector<128xf32> to vector<1x128xf32>
    %add3A_261 = arith.addf %add3A_219, %broadcast_in_dim3A_260 : vector<1x128xf32>
    %get3A_262 = arith.constant 0 : index
    %get3A_263 = arith.constant 6 : index
    %get3A_264 = arith.constant 0 : index
    %get3A_265 = arith.constant 0 : index
    %get3A_266 = vector.load %arg2[%get3A_262, %get3A_263, %get3A_264, %get3A_265] : memref<1x10x512x128xf32, #tpu.memory_space<vmem>>, vector<1x1x512x128xf32>
    %get3A_267 = vector.shape_cast %get3A_266 : vector<1x1x512x128xf32> to vector<512x128xf32>
    %sub3A_268 = arith.subf %get3A_267, %get3A_6 : vector<512x128xf32>
    %get3A_269 = arith.constant 0 : index
    %get3A_270 = arith.constant 0 : index
    %get3A_271 = vector.load %arg4[%get3A_269, %get3A_270] : memref<128x64xf32, #tpu.memory_space<vmem>>, vector<128x64xf32>
    %dot_general3A_272 = arith.constant dense<0.000000e+00> : vector<512x64xf32>
    %dot_general3A_273 = tpu.matmul %sub3A_268, %get3A_271, %dot_general3A_272 {dimension_numbers = #tpu.dot_dimension_numbers<[1], [0], [0], [1], [0, 0, 1, 1], [], []>, transpose_lhs_hint = false} : vector<512x128xf32>, vector<128x64xf32>, vector<512x64xf32> -> vector<512x64xf32>
    %get3A_274 = arith.constant 0 : index
    %get3A_275 = arith.constant 0 : index
    %get3A_276 = vector.load %arg6[%get3A_274, %get3A_275] : memref<1x64xf32, #tpu.memory_space<vmem>>, vector<1x64xf32>
    %add3A_277 = vector.broadcast %get3A_276 : vector<1x64xf32> to vector<512x64xf32>
    %add3A_278 = arith.addf %dot_general3A_273, %add3A_277 : vector<512x64xf32>
    %sub3A_279 = vector.broadcast %get3A_9 : vector<1x64xf32> to vector<512x64xf32>
    %sub3A_280 = arith.subf %add3A_278, %sub3A_279 : vector<512x64xf32>
    %mul3A_281 = arith.mulf %sub3A_280, %sub3A_280 : vector<512x64xf32>
    %reduce_sum3A_282 = arith.constant dense<0.000000e+00> : vector<64xf32>
    %reduce_sum3A_283 = vector.multi_reduction <add>, %mul3A_281, %reduce_sum3A_282 [0] : vector<512x64xf32> to vector<64xf32>
    %broadcast_in_dim3A_284 = vector.shape_cast %reduce_sum3A_283 : vector<64xf32> to vector<1x64xf32>
    %add3A_285 = arith.addf %add3A_243, %broadcast_in_dim3A_284 : vector<1x64xf32>
    %concatenate3A_286 = tpu.concatenate %get3A_6, %sub3A_268 in 1 : vector<512x128xf32>, vector<512x128xf32> -> vector<512x256xf32>
    %get3A_287 = arith.constant 0 : index
    %get3A_288 = arith.constant 0 : index
    %get3A_289 = vector.load %arg5[%get3A_287, %get3A_288] : memref<256x128xf32, #tpu.memory_space<vmem>>, vector<256x128xf32>
    %dot_general3A_290 = arith.constant dense<0.000000e+00> : vector<512x128xf32>
    %dot_general3A_291 = tpu.matmul %concatenate3A_286, %get3A_289, %dot_general3A_290 {dimension_numbers = #tpu.dot_dimension_numbers<[1], [0], [0], [1], [0, 0, 1, 1], [], []>, transpose_lhs_hint = false} : vector<512x256xf32>, vector<256x128xf32>, vector<512x128xf32> -> vector<512x128xf32>
    %get3A_292 = arith.constant 0 : index
    %get3A_293 = arith.constant 0 : index
    %get3A_294 = vector.load %arg7[%get3A_292, %get3A_293] : memref<1x128xf32, #tpu.memory_space<vmem>>, vector<1x128xf32>
    %add3A_295 = vector.broadcast %get3A_294 : vector<1x128xf32> to vector<512x128xf32>
    %add3A_296 = arith.addf %dot_general3A_291, %add3A_295 : vector<512x128xf32>
    %sub3A_297 = vector.broadcast %get3A_12 : vector<1x128xf32> to vector<512x128xf32>
    %sub3A_298 = arith.subf %add3A_296, %sub3A_297 : vector<512x128xf32>
    %mul3A_299 = arith.mulf %sub3A_298, %sub3A_298 : vector<512x128xf32>
    %reduce_sum3A_300 = arith.constant dense<0.000000e+00> : vector<128xf32>
    %reduce_sum3A_301 = vector.multi_reduction <add>, %mul3A_299, %reduce_sum3A_300 [0] : vector<512x128xf32> to vector<128xf32>
    %broadcast_in_dim3A_302 = vector.shape_cast %reduce_sum3A_301 : vector<128xf32> to vector<1x128xf32>
    %add3A_303 = arith.addf %add3A_261, %broadcast_in_dim3A_302 : vector<1x128xf32>
    %get3A_304 = arith.constant 0 : index
    %get3A_305 = arith.constant 7 : index
    %get3A_306 = arith.constant 0 : index
    %get3A_307 = arith.constant 0 : index
    %get3A_308 = vector.load %arg2[%get3A_304, %get3A_305, %get3A_306, %get3A_307] : memref<1x10x512x128xf32, #tpu.memory_space<vmem>>, vector<1x1x512x128xf32>
    %get3A_309 = vector.shape_cast %get3A_308 : vector<1x1x512x128xf32> to vector<512x128xf32>
    %sub3A_310 = arith.subf %get3A_309, %get3A_6 : vector<512x128xf32>
    %get3A_311 = arith.constant 0 : index
    %get3A_312 = arith.constant 0 : index
    %get3A_313 = vector.load %arg4[%get3A_311, %get3A_312] : memref<128x64xf32, #tpu.memory_space<vmem>>, vector<128x64xf32>
    %dot_general3A_314 = arith.constant dense<0.000000e+00> : vector<512x64xf32>
    %dot_general3A_315 = tpu.matmul %sub3A_310, %get3A_313, %dot_general3A_314 {dimension_numbers = #tpu.dot_dimension_numbers<[1], [0], [0], [1], [0, 0, 1, 1], [], []>, transpose_lhs_hint = false} : vector<512x128xf32>, vector<128x64xf32>, vector<512x64xf32> -> vector<512x64xf32>
    %get3A_316 = arith.constant 0 : index
    %get3A_317 = arith.constant 0 : index
    %get3A_318 = vector.load %arg6[%get3A_316, %get3A_317] : memref<1x64xf32, #tpu.memory_space<vmem>>, vector<1x64xf32>
    %add3A_319 = vector.broadcast %get3A_318 : vector<1x64xf32> to vector<512x64xf32>
    %add3A_320 = arith.addf %dot_general3A_315, %add3A_319 : vector<512x64xf32>
    %sub3A_321 = vector.broadcast %get3A_9 : vector<1x64xf32> to vector<512x64xf32>
    %sub3A_322 = arith.subf %add3A_320, %sub3A_321 : vector<512x64xf32>
    %mul3A_323 = arith.mulf %sub3A_322, %sub3A_322 : vector<512x64xf32>
    %reduce_sum3A_324 = arith.constant dense<0.000000e+00> : vector<64xf32>
    %reduce_sum3A_325 = vector.multi_reduction <add>, %mul3A_323, %reduce_sum3A_324 [0] : vector<512x64xf32> to vector<64xf32>
    %broadcast_in_dim3A_326 = vector.shape_cast %reduce_sum3A_325 : vector<64xf32> to vector<1x64xf32>
    %add3A_327 = arith.addf %add3A_285, %broadcast_in_dim3A_326 : vector<1x64xf32>
    %concatenate3A_328 = tpu.concatenate %get3A_6, %sub3A_310 in 1 : vector<512x128xf32>, vector<512x128xf32> -> vector<512x256xf32>
    %get3A_329 = arith.constant 0 : index
    %get3A_330 = arith.constant 0 : index
    %get3A_331 = vector.load %arg5[%get3A_329, %get3A_330] : memref<256x128xf32, #tpu.memory_space<vmem>>, vector<256x128xf32>
    %dot_general3A_332 = arith.constant dense<0.000000e+00> : vector<512x128xf32>
    %dot_general3A_333 = tpu.matmul %concatenate3A_328, %get3A_331, %dot_general3A_332 {dimension_numbers = #tpu.dot_dimension_numbers<[1], [0], [0], [1], [0, 0, 1, 1], [], []>, transpose_lhs_hint = false} : vector<512x256xf32>, vector<256x128xf32>, vector<512x128xf32> -> vector<512x128xf32>
    %get3A_334 = arith.constant 0 : index
    %get3A_335 = arith.constant 0 : index
    %get3A_336 = vector.load %arg7[%get3A_334, %get3A_335] : memref<1x128xf32, #tpu.memory_space<vmem>>, vector<1x128xf32>
    %add3A_337 = vector.broadcast %get3A_336 : vector<1x128xf32> to vector<512x128xf32>
    %add3A_338 = arith.addf %dot_general3A_333, %add3A_337 : vector<512x128xf32>
    %sub3A_339 = vector.broadcast %get3A_12 : vector<1x128xf32> to vector<512x128xf32>
    %sub3A_340 = arith.subf %add3A_338, %sub3A_339 : vector<512x128xf32>
    %mul3A_341 = arith.mulf %sub3A_340, %sub3A_340 : vector<512x128xf32>
    %reduce_sum3A_342 = arith.constant dense<0.000000e+00> : vector<128xf32>
    %reduce_sum3A_343 = vector.multi_reduction <add>, %mul3A_341, %reduce_sum3A_342 [0] : vector<512x128xf32> to vector<128xf32>
    %broadcast_in_dim3A_344 = vector.shape_cast %reduce_sum3A_343 : vector<128xf32> to vector<1x128xf32>
    %add3A_345 = arith.addf %add3A_303, %broadcast_in_dim3A_344 : vector<1x128xf32>
    %get3A_346 = arith.constant 0 : index
    %get3A_347 = arith.constant 8 : index
    %get3A_348 = arith.constant 0 : index
    %get3A_349 = arith.constant 0 : index
    %get3A_350 = vector.load %arg2[%get3A_346, %get3A_347, %get3A_348, %get3A_349] : memref<1x10x512x128xf32, #tpu.memory_space<vmem>>, vector<1x1x512x128xf32>
    %get3A_351 = vector.shape_cast %get3A_350 : vector<1x1x512x128xf32> to vector<512x128xf32>
    %sub3A_352 = arith.subf %get3A_351, %get3A_6 : vector<512x128xf32>
    %get3A_353 = arith.constant 0 : index
    %get3A_354 = arith.constant 0 : index
    %get3A_355 = vector.load %arg4[%get3A_353, %get3A_354] : memref<128x64xf32, #tpu.memory_space<vmem>>, vector<128x64xf32>
    %dot_general3A_356 = arith.constant dense<0.000000e+00> : vector<512x64xf32>
    %dot_general3A_357 = tpu.matmul %sub3A_352, %get3A_355, %dot_general3A_356 {dimension_numbers = #tpu.dot_dimension_numbers<[1], [0], [0], [1], [0, 0, 1, 1], [], []>, transpose_lhs_hint = false} : vector<512x128xf32>, vector<128x64xf32>, vector<512x64xf32> -> vector<512x64xf32>
    %get3A_358 = arith.constant 0 : index
    %get3A_359 = arith.constant 0 : index
    %get3A_360 = vector.load %arg6[%get3A_358, %get3A_359] : memref<1x64xf32, #tpu.memory_space<vmem>>, vector<1x64xf32>
    %add3A_361 = vector.broadcast %get3A_360 : vector<1x64xf32> to vector<512x64xf32>
    %add3A_362 = arith.addf %dot_general3A_357, %add3A_361 : vector<512x64xf32>
    %sub3A_363 = vector.broadcast %get3A_9 : vector<1x64xf32> to vector<512x64xf32>
    %sub3A_364 = arith.subf %add3A_362, %sub3A_363 : vector<512x64xf32>
    %mul3A_365 = arith.mulf %sub3A_364, %sub3A_364 : vector<512x64xf32>
    %reduce_sum3A_366 = arith.constant dense<0.000000e+00> : vector<64xf32>
    %reduce_sum3A_367 = vector.multi_reduction <add>, %mul3A_365, %reduce_sum3A_366 [0] : vector<512x64xf32> to vector<64xf32>
    %broadcast_in_dim3A_368 = vector.shape_cast %reduce_sum3A_367 : vector<64xf32> to vector<1x64xf32>
    %add3A_369 = arith.addf %add3A_327, %broadcast_in_dim3A_368 : vector<1x64xf32>
    %concatenate3A_370 = tpu.concatenate %get3A_6, %sub3A_352 in 1 : vector<512x128xf32>, vector<512x128xf32> -> vector<512x256xf32>
    %get3A_371 = arith.constant 0 : index
    %get3A_372 = arith.constant 0 : index
    %get3A_373 = vector.load %arg5[%get3A_371, %get3A_372] : memref<256x128xf32, #tpu.memory_space<vmem>>, vector<256x128xf32>
    %dot_general3A_374 = arith.constant dense<0.000000e+00> : vector<512x128xf32>
    %dot_general3A_375 = tpu.matmul %concatenate3A_370, %get3A_373, %dot_general3A_374 {dimension_numbers = #tpu.dot_dimension_numbers<[1], [0], [0], [1], [0, 0, 1, 1], [], []>, transpose_lhs_hint = false} : vector<512x256xf32>, vector<256x128xf32>, vector<512x128xf32> -> vector<512x128xf32>
    %get3A_376 = arith.constant 0 : index
    %get3A_377 = arith.constant 0 : index
    %get3A_378 = vector.load %arg7[%get3A_376, %get3A_377] : memref<1x128xf32, #tpu.memory_space<vmem>>, vector<1x128xf32>
    %add3A_379 = vector.broadcast %get3A_378 : vector<1x128xf32> to vector<512x128xf32>
    %add3A_380 = arith.addf %dot_general3A_375, %add3A_379 : vector<512x128xf32>
    %sub3A_381 = vector.broadcast %get3A_12 : vector<1x128xf32> to vector<512x128xf32>
    %sub3A_382 = arith.subf %add3A_380, %sub3A_381 : vector<512x128xf32>
    %mul3A_383 = arith.mulf %sub3A_382, %sub3A_382 : vector<512x128xf32>
    %reduce_sum3A_384 = arith.constant dense<0.000000e+00> : vector<128xf32>
    %reduce_sum3A_385 = vector.multi_reduction <add>, %mul3A_383, %reduce_sum3A_384 [0] : vector<512x128xf32> to vector<128xf32>
    %broadcast_in_dim3A_386 = vector.shape_cast %reduce_sum3A_385 : vector<128xf32> to vector<1x128xf32>
    %add3A_387 = arith.addf %add3A_345, %broadcast_in_dim3A_386 : vector<1x128xf32>
    %get3A_388 = arith.constant 0 : index
    %get3A_389 = arith.constant 9 : index
    %get3A_390 = arith.constant 0 : index
    %get3A_391 = arith.constant 0 : index
    %get3A_392 = vector.load %arg2[%get3A_388, %get3A_389, %get3A_390, %get3A_391] : memref<1x10x512x128xf32, #tpu.memory_space<vmem>>, vector<1x1x512x128xf32>
    %get3A_393 = vector.shape_cast %get3A_392 : vector<1x1x512x128xf32> to vector<512x128xf32>
    %sub3A_394 = arith.subf %get3A_393, %get3A_6 : vector<512x128xf32>
    %get3A_395 = arith.constant 0 : index
    %get3A_396 = arith.constant 0 : index
    %get3A_397 = vector.load %arg4[%get3A_395, %get3A_396] : memref<128x64xf32, #tpu.memory_space<vmem>>, vector<128x64xf32>
    %dot_general3A_398 = arith.constant dense<0.000000e+00> : vector<512x64xf32>
    %dot_general3A_399 = tpu.matmul %sub3A_394, %get3A_397, %dot_general3A_398 {dimension_numbers = #tpu.dot_dimension_numbers<[1], [0], [0], [1], [0, 0, 1, 1], [], []>, transpose_lhs_hint = false} : vector<512x128xf32>, vector<128x64xf32>, vector<512x64xf32> -> vector<512x64xf32>
    %get3A_400 = arith.constant 0 : index
    %get3A_401 = arith.constant 0 : index
    %get3A_402 = vector.load %arg6[%get3A_400, %get3A_401] : memref<1x64xf32, #tpu.memory_space<vmem>>, vector<1x64xf32>
    %add3A_403 = vector.broadcast %get3A_402 : vector<1x64xf32> to vector<512x64xf32>
    %add3A_404 = arith.addf %dot_general3A_399, %add3A_403 : vector<512x64xf32>
    %sub3A_405 = vector.broadcast %get3A_9 : vector<1x64xf32> to vector<512x64xf32>
    %sub3A_406 = arith.subf %add3A_404, %sub3A_405 : vector<512x64xf32>
    %mul3A_407 = arith.mulf %sub3A_406, %sub3A_406 : vector<512x64xf32>
    %reduce_sum3A_408 = arith.constant dense<0.000000e+00> : vector<64xf32>
    %reduce_sum3A_409 = vector.multi_reduction <add>, %mul3A_407, %reduce_sum3A_408 [0] : vector<512x64xf32> to vector<64xf32>
    %broadcast_in_dim3A_410 = vector.shape_cast %reduce_sum3A_409 : vector<64xf32> to vector<1x64xf32>
    %add3A_411 = arith.addf %add3A_369, %broadcast_in_dim3A_410 : vector<1x64xf32>
    %concatenate3A_412 = tpu.concatenate %get3A_6, %sub3A_394 in 1 : vector<512x128xf32>, vector<512x128xf32> -> vector<512x256xf32>
    %get3A_413 = arith.constant 0 : index
    %get3A_414 = arith.constant 0 : index
    %get3A_415 = vector.load %arg5[%get3A_413, %get3A_414] : memref<256x128xf32, #tpu.memory_space<vmem>>, vector<256x128xf32>
    %dot_general3A_416 = arith.constant dense<0.000000e+00> : vector<512x128xf32>
    %dot_general3A_417 = tpu.matmul %concatenate3A_412, %get3A_415, %dot_general3A_416 {dimension_numbers = #tpu.dot_dimension_numbers<[1], [0], [0], [1], [0, 0, 1, 1], [], []>, transpose_lhs_hint = false} : vector<512x256xf32>, vector<256x128xf32>, vector<512x128xf32> -> vector<512x128xf32>
    %get3A_418 = arith.constant 0 : index
    %get3A_419 = arith.constant 0 : index
    %get3A_420 = vector.load %arg7[%get3A_418, %get3A_419] : memref<1x128xf32, #tpu.memory_space<vmem>>, vector<1x128xf32>
    %add3A_421 = vector.broadcast %get3A_420 : vector<1x128xf32> to vector<512x128xf32>
    %add3A_422 = arith.addf %dot_general3A_417, %add3A_421 : vector<512x128xf32>
    %sub3A_423 = vector.broadcast %get3A_12 : vector<1x128xf32> to vector<512x128xf32>
    %sub3A_424 = arith.subf %add3A_422, %sub3A_423 : vector<512x128xf32>
    %mul3A_425 = arith.mulf %sub3A_424, %sub3A_424 : vector<512x128xf32>
    %reduce_sum3A_426 = arith.constant dense<0.000000e+00> : vector<128xf32>
    %reduce_sum3A_427 = vector.multi_reduction <add>, %mul3A_425, %reduce_sum3A_426 [0] : vector<512x128xf32> to vector<128xf32>
    %broadcast_in_dim3A_428 = vector.shape_cast %reduce_sum3A_427 : vector<128xf32> to vector<1x128xf32>
    %add3A_429 = arith.addf %add3A_387, %broadcast_in_dim3A_428 : vector<1x128xf32>
    %convert_element_type3A = arith.extui %and3A : i1 to i32
    %cond3A = arith.constant 0 : i32
    %cond3A_430 = arith.cmpi ne, %convert_element_type3A, %cond3A : i32
    scf.if %cond3A_430 {
      %broadcast_in_dim3A_444 = arith.constant 0.000000e+00 : f32
      %broadcast_in_dim3A_445 = vector.broadcast %broadcast_in_dim3A_444 : f32 to vector<1x64xf32>
      %swap3A_446 = arith.constant 0 : index
      %swap3A_447 = arith.constant 0 : index
      %swap3A_448 = vector.load %arg10[%swap3A_446, %swap3A_447] : memref<1x64xf32, #tpu.memory_space<vmem>>, vector<1x64xf32>
      tpu.vector_store %arg10[%swap3A_446, %swap3A_447], %broadcast_in_dim3A_445 {strides = array<i32>} : memref<1x64xf32, #tpu.memory_space<vmem>>, vector<1x64xf32>,
      %broadcast_in_dim3A_449 = arith.constant 0.000000e+00 : f32
      %broadcast_in_dim3A_450 = vector.broadcast %broadcast_in_dim3A_449 : f32 to vector<1x128xf32>
      %swap3A_451 = arith.constant 0 : index
      %swap3A_452 = arith.constant 0 : index
      %swap3A_453 = vector.load %arg11[%swap3A_451, %swap3A_452] : memref<1x128xf32, #tpu.memory_space<vmem>>, vector<1x128xf32>
      tpu.vector_store %arg11[%swap3A_451, %swap3A_452], %broadcast_in_dim3A_450 {strides = array<i32>} : memref<1x128xf32, #tpu.memory_space<vmem>>, vector<1x128xf32>,
    } else {
    }
    %get3A_431 = arith.constant 0 : index
    %get3A_432 = arith.constant 0 : index
    %get3A_433 = vector.load %arg10[%get3A_431, %get3A_432] : memref<1x64xf32, #tpu.memory_space<vmem>>, vector<1x64xf32>
    %add3A_434 = arith.addf %get3A_433, %add3A_411 : vector<1x64xf32>
    %swap3A = arith.constant 0 : index
    %swap3A_435 = arith.constant 0 : index
    %swap3A_436 = vector.load %arg10[%swap3A, %swap3A_435] : memref<1x64xf32, #tpu.memory_space<vmem>>, vector<1x64xf32>
    tpu.vector_store %arg10[%swap3A, %swap3A_435], %add3A_434 {strides = array<i32>} : memref<1x64xf32, #tpu.memory_space<vmem>>, vector<1x64xf32>,
    %get3A_437 = arith.constant 0 : index
    %get3A_438 = arith.constant 0 : index
    %get3A_439 = vector.load %arg11[%get3A_437, %get3A_438] : memref<1x128xf32, #tpu.memory_space<vmem>>, vector<1x128xf32>
    %add3A_440 = arith.addf %get3A_439, %add3A_429 : vector<1x128xf32>
    %swap3A_441 = arith.constant 0 : index
    %swap3A_442 = arith.constant 0 : index
    %swap3A_443 = vector.load %arg11[%swap3A_441, %swap3A_442] : memref<1x128xf32, #tpu.memory_space<vmem>>, vector<1x128xf32>
    tpu.vector_store %arg11[%swap3A_441, %swap3A_442], %add3A_440 {strides = array<i32>} : memref<1x128xf32, #tpu.memory_space<vmem>>, vector<1x128xf32>,
    return
  }
  func.func @transform_0(%arg0: i32, %arg1: i32) -> (i32, i32, i32, i32) {
    %c0_i32 = arith.constant 0 : i32
    %c0_i32_0 = arith.constant 0 : i32
    %c0_i32_1 = arith.constant 0 : i32
    return %arg0, %c0_i32, %arg1, %c0_i32_0 : i32, i32, i32, i32
  }
  func.func @transform_1(%arg0: i32, %arg1: i32) -> (i32, i32, i32) {
    %c0_i32 = arith.constant 0 : i32
    %c0_i32_0 = arith.constant 0 : i32
    return %arg0, %arg1, %c0_i32 : i32, i32, i32
  }
  func.func @transform_2(%arg0: i32, %arg1: i32) -> (i32, i32) {
    %c0_i32 = arith.constant 0 : i32
    %c0_i32_0 = arith.constant 0 : i32
    %c0_i32_1 = arith.constant 0 : i32
    return %c0_i32, %c0_i32_0 : i32, i32
  }
  func.func @transform_3(%arg0: i32, %arg1: i32) -> (i32, i32) {
    %c0_i32 = arith.constant 0 : i32
    %c0_i32_0 = arith.constant 0 : i32
    %c0_i32_1 = arith.constant 0 : i32
    return %c0_i32, %c0_i32_0 : i32, i32
  }
  func.func @transform_4(%arg0: i32, %arg1: i32) -> (i32, i32) {
    %c0_i32 = arith.constant 0 : i32
    %c0_i32_0 = arith.constant 0 : i32
    %c0_i32_1 = arith.constant 0 : i32
    return %c0_i32, %c0_i32_0 : i32, i32
  }
  func.func @transform_5(%arg0: i32, %arg1: i32) -> (i32, i32) {
    %c0_i32 = arith.constant 0 : i32
    %c0_i32_0 = arith.constant 0 : i32
    %c0_i32_1 = arith.constant 0 : i32
    return %c0_i32, %c0_i32_0 : i32, i32
  }
  func.func @transform_6(%arg0: i32, %arg1: i32) -> (i32, i32) {
    %c0_i32 = arith.constant 0 : i32
    %c0_i32_0 = arith.constant 0 : i32
    %c0_i32_1 = arith.constant 0 : i32
    return %c0_i32, %c0_i32_0 : i32, i32
  }
  func.func @transform_7(%arg0: i32, %arg1: i32) -> (i32, i32) {
    %c0_i32 = arith.constant 0 : i32
    %c0_i32_0 = arith.constant 0 : i32
    %c0_i32_1 = arith.constant 0 : i32
    return %c0_i32, %c0_i32_0 : i32, i32
  }
  func.func @transform_8(%arg0: i32, %arg1: i32) -> (i32, i32) {
    %c0_i32 = arith.constant 0 : i32
    %c0_i32_0 = arith.constant 0 : i32
    %c0_i32_1 = arith.constant 0 : i32
    return %c0_i32, %c0_i32_0 : i32, i32
  }
  func.func @transform_9(%arg0: i32, %arg1: i32) -> (i32, i32) {
    %c0_i32 = arith.constant 0 : i32
    %c0_i32_0 = arith.constant 0 : i32
    %c0_i32_1 = arith.constant 0 : i32
    return %c0_i32, %c0_i32_0 : i32, i32
  }
}

module attributes {stable_mosaic.version = 14 : i64} {
  func.func @_e3_body(%arg0: i32, %arg1: i32, %arg2: memref<1x10x512x128xf32, #tpu.memory_space<vmem>>, %arg3: memref<1x10x512x128xf32, #tpu.memory_space<vmem>>, %arg4: memref<1x512x128xf32, #tpu.memory_space<vmem>>, %arg5: memref<256x128xf32, #tpu.memory_space<vmem>>, %arg6: memref<1x128xf32, #tpu.memory_space<vmem>>, %arg7: memref<1x128xf32, #tpu.memory_space<vmem>>, %arg8: memref<1x128xf32, #tpu.memory_space<vmem>>, %arg9: memref<1x128xf32, #tpu.memory_space<vmem>>, %arg10: memref<1x128xf32, #tpu.memory_space<vmem>>, %arg11: memref<1x128xf32, #tpu.memory_space<vmem>>, %arg12: memref<1x128xf32, #tpu.memory_space<vmem>>, %arg13: memref<1x128xf32, #tpu.memory_space<vmem>>, %arg14: memref<1x128xf32, #tpu.memory_space<vmem>>, %arg15: memref<1280x128xf32, #tpu.memory_space<vmem>>, %arg16: memref<1x128xf32, #tpu.memory_space<vmem>>, %arg17: memref<1x512x128xf32, #tpu.memory_space<vmem>>, %arg18: memref<1x1x128xf32, #tpu.memory_space<vmem>>) attributes {dimension_semantics = [#tpu.dimension_semantics<arbitrary>, #tpu.dimension_semantics<arbitrary>], iteration_bounds = array<i64: 8, 4>, scalar_prefetch = 0 : i64, scratch_operands = 0 : i64, tpu.core_type = #tpu.core_type<tc>, window_params = [{transform_indices = @transform_0, window_bounds = array<i64: 1, 10, 512, 128>}, {transform_indices = @transform_1, window_bounds = array<i64: 1, 10, 512, 128>}, {transform_indices = @transform_2, window_bounds = array<i64: 1, 512, 128>}, {pipeline_mode = #tpu.pipeline_mode<synchronous>, transform_indices = @transform_3, window_bounds = array<i64: 256, 128>}, {pipeline_mode = #tpu.pipeline_mode<synchronous>, transform_indices = @transform_4, window_bounds = array<i64: 1, 128>}, {pipeline_mode = #tpu.pipeline_mode<synchronous>, transform_indices = @transform_5, window_bounds = array<i64: 1, 128>}, {pipeline_mode = #tpu.pipeline_mode<synchronous>, transform_indices = @transform_6, window_bounds = array<i64: 1, 128>}, {pipeline_mode = #tpu.pipeline_mode<synchronous>, transform_indices = @transform_7, window_bounds = array<i64: 1, 128>}, {pipeline_mode = #tpu.pipeline_mode<synchronous>, transform_indices = @transform_8, window_bounds = array<i64: 1, 128>}, {pipeline_mode = #tpu.pipeline_mode<synchronous>, transform_indices = @transform_9, window_bounds = array<i64: 1, 128>}, {pipeline_mode = #tpu.pipeline_mode<synchronous>, transform_indices = @transform_10, window_bounds = array<i64: 1, 128>}, {pipeline_mode = #tpu.pipeline_mode<synchronous>, transform_indices = @transform_11, window_bounds = array<i64: 1, 128>}, {pipeline_mode = #tpu.pipeline_mode<synchronous>, transform_indices = @transform_12, window_bounds = array<i64: 1, 128>}, {pipeline_mode = #tpu.pipeline_mode<synchronous>, transform_indices = @transform_13, window_bounds = array<i64: 1280, 128>}, {pipeline_mode = #tpu.pipeline_mode<synchronous>, transform_indices = @transform_14, window_bounds = array<i64: 1, 128>}, {transform_indices = @transform_15, window_bounds = array<i64: 1, 512, 128>}, {transform_indices = @transform_16, window_bounds = array<i64: 1, 1, 128>}]} {
    %eq3A = arith.constant 0 : i32
    %eq3A_0 = arith.cmpi eq, %arg1, %eq3A : i32
    %get3A = arith.constant 0 : index
    %get3A_1 = arith.constant 0 : index
    %get3A_2 = vector.load %arg7[%get3A, %get3A_1] : memref<1x128xf32, #tpu.memory_space<vmem>>, vector<1x128xf32>
    %get3A_3 = arith.constant 0 : index
    %get3A_4 = arith.constant 0 : index
    %get3A_5 = vector.load %arg8[%get3A_3, %get3A_4] : memref<1x128xf32, #tpu.memory_space<vmem>>, vector<1x128xf32>
    %get3A_6 = arith.constant 0 : index
    %get3A_7 = arith.constant 0 : index
    %get3A_8 = vector.load %arg9[%get3A_6, %get3A_7] : memref<1x128xf32, #tpu.memory_space<vmem>>, vector<1x128xf32>
    %get3A_9 = arith.constant 0 : index
    %get3A_10 = arith.constant 0 : index
    %get3A_11 = vector.load %arg10[%get3A_9, %get3A_10] : memref<1x128xf32, #tpu.memory_space<vmem>>, vector<1x128xf32>
    %get3A_12 = arith.constant 0 : index
    %get3A_13 = arith.constant 0 : index
    %get3A_14 = arith.constant 0 : index
    %get3A_15 = arith.constant 0 : index
    %get3A_16 = vector.load %arg2[%get3A_12, %get3A_13, %get3A_14, %get3A_15] : memref<1x10x512x128xf32, #tpu.memory_space<vmem>>, vector<1x1x512x128xf32>
    %get3A_17 = vector.shape_cast %get3A_16 : vector<1x1x512x128xf32> to vector<512x128xf32>
    %sub3A = vector.broadcast %get3A_5 : vector<1x128xf32> to vector<512x128xf32>
    %sub3A_18 = arith.subf %get3A_17, %sub3A : vector<512x128xf32>
    %mul3A = vector.broadcast %get3A_2 : vector<1x128xf32> to vector<512x128xf32>
    %mul3A_19 = arith.mulf %mul3A, %sub3A_18 : vector<512x128xf32>
    %div3A = vector.broadcast %get3A_8 : vector<1x128xf32> to vector<512x128xf32>
    %div3A_20 = arith.divf %mul3A_19, %div3A : vector<512x128xf32>
    %add3A = vector.broadcast %get3A_11 : vector<1x128xf32> to vector<512x128xf32>
    %add3A_21 = arith.addf %div3A_20, %add3A : vector<512x128xf32>
    %ge3A = arith.constant 0.000000e+00 : f32
    %ge3A_22 = vector.broadcast %ge3A : f32 to vector<512x128xf32>
    %ge3A_23 = arith.cmpf oge, %add3A_21, %ge3A_22 : vector<512x128xf32>
    %mul3A_24 = arith.constant 2.000000e-01 : f32
    %mul3A_25 = vector.broadcast %mul3A_24 : f32 to vector<512x128xf32>
    %mul3A_26 = arith.mulf %mul3A_25, %add3A_21 : vector<512x128xf32>
    %select_n3A = arith.select %ge3A_23, %add3A_21, %mul3A_26 : vector<512x128xi1>, vector<512x128xf32>
    %get3A_27 = arith.constant 0 : index
    %get3A_28 = arith.constant 1 : index
    %get3A_29 = arith.constant 0 : index
    %get3A_30 = arith.constant 0 : index
    %get3A_31 = vector.load %arg2[%get3A_27, %get3A_28, %get3A_29, %get3A_30] : memref<1x10x512x128xf32, #tpu.memory_space<vmem>>, vector<1x1x512x128xf32>
    %get3A_32 = vector.shape_cast %get3A_31 : vector<1x1x512x128xf32> to vector<512x128xf32>
    %sub3A_33 = vector.broadcast %get3A_5 : vector<1x128xf32> to vector<512x128xf32>
    %sub3A_34 = arith.subf %get3A_32, %sub3A_33 : vector<512x128xf32>
    %mul3A_35 = vector.broadcast %get3A_2 : vector<1x128xf32> to vector<512x128xf32>
    %mul3A_36 = arith.mulf %mul3A_35, %sub3A_34 : vector<512x128xf32>
    %div3A_37 = vector.broadcast %get3A_8 : vector<1x128xf32> to vector<512x128xf32>
    %div3A_38 = arith.divf %mul3A_36, %div3A_37 : vector<512x128xf32>
    %add3A_39 = vector.broadcast %get3A_11 : vector<1x128xf32> to vector<512x128xf32>
    %add3A_40 = arith.addf %div3A_38, %add3A_39 : vector<512x128xf32>
    %ge3A_41 = arith.constant 0.000000e+00 : f32
    %ge3A_42 = vector.broadcast %ge3A_41 : f32 to vector<512x128xf32>
    %ge3A_43 = arith.cmpf oge, %add3A_40, %ge3A_42 : vector<512x128xf32>
    %mul3A_44 = arith.constant 2.000000e-01 : f32
    %mul3A_45 = vector.broadcast %mul3A_44 : f32 to vector<512x128xf32>
    %mul3A_46 = arith.mulf %mul3A_45, %add3A_40 : vector<512x128xf32>
    %select_n3A_47 = arith.select %ge3A_43, %add3A_40, %mul3A_46 : vector<512x128xi1>, vector<512x128xf32>
    %get3A_48 = arith.constant 0 : index
    %get3A_49 = arith.constant 2 : index
    %get3A_50 = arith.constant 0 : index
    %get3A_51 = arith.constant 0 : index
    %get3A_52 = vector.load %arg2[%get3A_48, %get3A_49, %get3A_50, %get3A_51] : memref<1x10x512x128xf32, #tpu.memory_space<vmem>>, vector<1x1x512x128xf32>
    %get3A_53 = vector.shape_cast %get3A_52 : vector<1x1x512x128xf32> to vector<512x128xf32>
    %sub3A_54 = vector.broadcast %get3A_5 : vector<1x128xf32> to vector<512x128xf32>
    %sub3A_55 = arith.subf %get3A_53, %sub3A_54 : vector<512x128xf32>
    %mul3A_56 = vector.broadcast %get3A_2 : vector<1x128xf32> to vector<512x128xf32>
    %mul3A_57 = arith.mulf %mul3A_56, %sub3A_55 : vector<512x128xf32>
    %div3A_58 = vector.broadcast %get3A_8 : vector<1x128xf32> to vector<512x128xf32>
    %div3A_59 = arith.divf %mul3A_57, %div3A_58 : vector<512x128xf32>
    %add3A_60 = vector.broadcast %get3A_11 : vector<1x128xf32> to vector<512x128xf32>
    %add3A_61 = arith.addf %div3A_59, %add3A_60 : vector<512x128xf32>
    %ge3A_62 = arith.constant 0.000000e+00 : f32
    %ge3A_63 = vector.broadcast %ge3A_62 : f32 to vector<512x128xf32>
    %ge3A_64 = arith.cmpf oge, %add3A_61, %ge3A_63 : vector<512x128xf32>
    %mul3A_65 = arith.constant 2.000000e-01 : f32
    %mul3A_66 = vector.broadcast %mul3A_65 : f32 to vector<512x128xf32>
    %mul3A_67 = arith.mulf %mul3A_66, %add3A_61 : vector<512x128xf32>
    %select_n3A_68 = arith.select %ge3A_64, %add3A_61, %mul3A_67 : vector<512x128xi1>, vector<512x128xf32>
    %get3A_69 = arith.constant 0 : index
    %get3A_70 = arith.constant 3 : index
    %get3A_71 = arith.constant 0 : index
    %get3A_72 = arith.constant 0 : index
    %get3A_73 = vector.load %arg2[%get3A_69, %get3A_70, %get3A_71, %get3A_72] : memref<1x10x512x128xf32, #tpu.memory_space<vmem>>, vector<1x1x512x128xf32>
    %get3A_74 = vector.shape_cast %get3A_73 : vector<1x1x512x128xf32> to vector<512x128xf32>
    %sub3A_75 = vector.broadcast %get3A_5 : vector<1x128xf32> to vector<512x128xf32>
    %sub3A_76 = arith.subf %get3A_74, %sub3A_75 : vector<512x128xf32>
    %mul3A_77 = vector.broadcast %get3A_2 : vector<1x128xf32> to vector<512x128xf32>
    %mul3A_78 = arith.mulf %mul3A_77, %sub3A_76 : vector<512x128xf32>
    %div3A_79 = vector.broadcast %get3A_8 : vector<1x128xf32> to vector<512x128xf32>
    %div3A_80 = arith.divf %mul3A_78, %div3A_79 : vector<512x128xf32>
    %add3A_81 = vector.broadcast %get3A_11 : vector<1x128xf32> to vector<512x128xf32>
    %add3A_82 = arith.addf %div3A_80, %add3A_81 : vector<512x128xf32>
    %ge3A_83 = arith.constant 0.000000e+00 : f32
    %ge3A_84 = vector.broadcast %ge3A_83 : f32 to vector<512x128xf32>
    %ge3A_85 = arith.cmpf oge, %add3A_82, %ge3A_84 : vector<512x128xf32>
    %mul3A_86 = arith.constant 2.000000e-01 : f32
    %mul3A_87 = vector.broadcast %mul3A_86 : f32 to vector<512x128xf32>
    %mul3A_88 = arith.mulf %mul3A_87, %add3A_82 : vector<512x128xf32>
    %select_n3A_89 = arith.select %ge3A_85, %add3A_82, %mul3A_88 : vector<512x128xi1>, vector<512x128xf32>
    %get3A_90 = arith.constant 0 : index
    %get3A_91 = arith.constant 4 : index
    %get3A_92 = arith.constant 0 : index
    %get3A_93 = arith.constant 0 : index
    %get3A_94 = vector.load %arg2[%get3A_90, %get3A_91, %get3A_92, %get3A_93] : memref<1x10x512x128xf32, #tpu.memory_space<vmem>>, vector<1x1x512x128xf32>
    %get3A_95 = vector.shape_cast %get3A_94 : vector<1x1x512x128xf32> to vector<512x128xf32>
    %sub3A_96 = vector.broadcast %get3A_5 : vector<1x128xf32> to vector<512x128xf32>
    %sub3A_97 = arith.subf %get3A_95, %sub3A_96 : vector<512x128xf32>
    %mul3A_98 = vector.broadcast %get3A_2 : vector<1x128xf32> to vector<512x128xf32>
    %mul3A_99 = arith.mulf %mul3A_98, %sub3A_97 : vector<512x128xf32>
    %div3A_100 = vector.broadcast %get3A_8 : vector<1x128xf32> to vector<512x128xf32>
    %div3A_101 = arith.divf %mul3A_99, %div3A_100 : vector<512x128xf32>
    %add3A_102 = vector.broadcast %get3A_11 : vector<1x128xf32> to vector<512x128xf32>
    %add3A_103 = arith.addf %div3A_101, %add3A_102 : vector<512x128xf32>
    %ge3A_104 = arith.constant 0.000000e+00 : f32
    %ge3A_105 = vector.broadcast %ge3A_104 : f32 to vector<512x128xf32>
    %ge3A_106 = arith.cmpf oge, %add3A_103, %ge3A_105 : vector<512x128xf32>
    %mul3A_107 = arith.constant 2.000000e-01 : f32
    %mul3A_108 = vector.broadcast %mul3A_107 : f32 to vector<512x128xf32>
    %mul3A_109 = arith.mulf %mul3A_108, %add3A_103 : vector<512x128xf32>
    %select_n3A_110 = arith.select %ge3A_106, %add3A_103, %mul3A_109 : vector<512x128xi1>, vector<512x128xf32>
    %get3A_111 = arith.constant 0 : index
    %get3A_112 = arith.constant 5 : index
    %get3A_113 = arith.constant 0 : index
    %get3A_114 = arith.constant 0 : index
    %get3A_115 = vector.load %arg2[%get3A_111, %get3A_112, %get3A_113, %get3A_114] : memref<1x10x512x128xf32, #tpu.memory_space<vmem>>, vector<1x1x512x128xf32>
    %get3A_116 = vector.shape_cast %get3A_115 : vector<1x1x512x128xf32> to vector<512x128xf32>
    %sub3A_117 = vector.broadcast %get3A_5 : vector<1x128xf32> to vector<512x128xf32>
    %sub3A_118 = arith.subf %get3A_116, %sub3A_117 : vector<512x128xf32>
    %mul3A_119 = vector.broadcast %get3A_2 : vector<1x128xf32> to vector<512x128xf32>
    %mul3A_120 = arith.mulf %mul3A_119, %sub3A_118 : vector<512x128xf32>
    %div3A_121 = vector.broadcast %get3A_8 : vector<1x128xf32> to vector<512x128xf32>
    %div3A_122 = arith.divf %mul3A_120, %div3A_121 : vector<512x128xf32>
    %add3A_123 = vector.broadcast %get3A_11 : vector<1x128xf32> to vector<512x128xf32>
    %add3A_124 = arith.addf %div3A_122, %add3A_123 : vector<512x128xf32>
    %ge3A_125 = arith.constant 0.000000e+00 : f32
    %ge3A_126 = vector.broadcast %ge3A_125 : f32 to vector<512x128xf32>
    %ge3A_127 = arith.cmpf oge, %add3A_124, %ge3A_126 : vector<512x128xf32>
    %mul3A_128 = arith.constant 2.000000e-01 : f32
    %mul3A_129 = vector.broadcast %mul3A_128 : f32 to vector<512x128xf32>
    %mul3A_130 = arith.mulf %mul3A_129, %add3A_124 : vector<512x128xf32>
    %select_n3A_131 = arith.select %ge3A_127, %add3A_124, %mul3A_130 : vector<512x128xi1>, vector<512x128xf32>
    %get3A_132 = arith.constant 0 : index
    %get3A_133 = arith.constant 6 : index
    %get3A_134 = arith.constant 0 : index
    %get3A_135 = arith.constant 0 : index
    %get3A_136 = vector.load %arg2[%get3A_132, %get3A_133, %get3A_134, %get3A_135] : memref<1x10x512x128xf32, #tpu.memory_space<vmem>>, vector<1x1x512x128xf32>
    %get3A_137 = vector.shape_cast %get3A_136 : vector<1x1x512x128xf32> to vector<512x128xf32>
    %sub3A_138 = vector.broadcast %get3A_5 : vector<1x128xf32> to vector<512x128xf32>
    %sub3A_139 = arith.subf %get3A_137, %sub3A_138 : vector<512x128xf32>
    %mul3A_140 = vector.broadcast %get3A_2 : vector<1x128xf32> to vector<512x128xf32>
    %mul3A_141 = arith.mulf %mul3A_140, %sub3A_139 : vector<512x128xf32>
    %div3A_142 = vector.broadcast %get3A_8 : vector<1x128xf32> to vector<512x128xf32>
    %div3A_143 = arith.divf %mul3A_141, %div3A_142 : vector<512x128xf32>
    %add3A_144 = vector.broadcast %get3A_11 : vector<1x128xf32> to vector<512x128xf32>
    %add3A_145 = arith.addf %div3A_143, %add3A_144 : vector<512x128xf32>
    %ge3A_146 = arith.constant 0.000000e+00 : f32
    %ge3A_147 = vector.broadcast %ge3A_146 : f32 to vector<512x128xf32>
    %ge3A_148 = arith.cmpf oge, %add3A_145, %ge3A_147 : vector<512x128xf32>
    %mul3A_149 = arith.constant 2.000000e-01 : f32
    %mul3A_150 = vector.broadcast %mul3A_149 : f32 to vector<512x128xf32>
    %mul3A_151 = arith.mulf %mul3A_150, %add3A_145 : vector<512x128xf32>
    %select_n3A_152 = arith.select %ge3A_148, %add3A_145, %mul3A_151 : vector<512x128xi1>, vector<512x128xf32>
    %get3A_153 = arith.constant 0 : index
    %get3A_154 = arith.constant 7 : index
    %get3A_155 = arith.constant 0 : index
    %get3A_156 = arith.constant 0 : index
    %get3A_157 = vector.load %arg2[%get3A_153, %get3A_154, %get3A_155, %get3A_156] : memref<1x10x512x128xf32, #tpu.memory_space<vmem>>, vector<1x1x512x128xf32>
    %get3A_158 = vector.shape_cast %get3A_157 : vector<1x1x512x128xf32> to vector<512x128xf32>
    %sub3A_159 = vector.broadcast %get3A_5 : vector<1x128xf32> to vector<512x128xf32>
    %sub3A_160 = arith.subf %get3A_158, %sub3A_159 : vector<512x128xf32>
    %mul3A_161 = vector.broadcast %get3A_2 : vector<1x128xf32> to vector<512x128xf32>
    %mul3A_162 = arith.mulf %mul3A_161, %sub3A_160 : vector<512x128xf32>
    %div3A_163 = vector.broadcast %get3A_8 : vector<1x128xf32> to vector<512x128xf32>
    %div3A_164 = arith.divf %mul3A_162, %div3A_163 : vector<512x128xf32>
    %add3A_165 = vector.broadcast %get3A_11 : vector<1x128xf32> to vector<512x128xf32>
    %add3A_166 = arith.addf %div3A_164, %add3A_165 : vector<512x128xf32>
    %ge3A_167 = arith.constant 0.000000e+00 : f32
    %ge3A_168 = vector.broadcast %ge3A_167 : f32 to vector<512x128xf32>
    %ge3A_169 = arith.cmpf oge, %add3A_166, %ge3A_168 : vector<512x128xf32>
    %mul3A_170 = arith.constant 2.000000e-01 : f32
    %mul3A_171 = vector.broadcast %mul3A_170 : f32 to vector<512x128xf32>
    %mul3A_172 = arith.mulf %mul3A_171, %add3A_166 : vector<512x128xf32>
    %select_n3A_173 = arith.select %ge3A_169, %add3A_166, %mul3A_172 : vector<512x128xi1>, vector<512x128xf32>
    %get3A_174 = arith.constant 0 : index
    %get3A_175 = arith.constant 8 : index
    %get3A_176 = arith.constant 0 : index
    %get3A_177 = arith.constant 0 : index
    %get3A_178 = vector.load %arg2[%get3A_174, %get3A_175, %get3A_176, %get3A_177] : memref<1x10x512x128xf32, #tpu.memory_space<vmem>>, vector<1x1x512x128xf32>
    %get3A_179 = vector.shape_cast %get3A_178 : vector<1x1x512x128xf32> to vector<512x128xf32>
    %sub3A_180 = vector.broadcast %get3A_5 : vector<1x128xf32> to vector<512x128xf32>
    %sub3A_181 = arith.subf %get3A_179, %sub3A_180 : vector<512x128xf32>
    %mul3A_182 = vector.broadcast %get3A_2 : vector<1x128xf32> to vector<512x128xf32>
    %mul3A_183 = arith.mulf %mul3A_182, %sub3A_181 : vector<512x128xf32>
    %div3A_184 = vector.broadcast %get3A_8 : vector<1x128xf32> to vector<512x128xf32>
    %div3A_185 = arith.divf %mul3A_183, %div3A_184 : vector<512x128xf32>
    %add3A_186 = vector.broadcast %get3A_11 : vector<1x128xf32> to vector<512x128xf32>
    %add3A_187 = arith.addf %div3A_185, %add3A_186 : vector<512x128xf32>
    %ge3A_188 = arith.constant 0.000000e+00 : f32
    %ge3A_189 = vector.broadcast %ge3A_188 : f32 to vector<512x128xf32>
    %ge3A_190 = arith.cmpf oge, %add3A_187, %ge3A_189 : vector<512x128xf32>
    %mul3A_191 = arith.constant 2.000000e-01 : f32
    %mul3A_192 = vector.broadcast %mul3A_191 : f32 to vector<512x128xf32>
    %mul3A_193 = arith.mulf %mul3A_192, %add3A_187 : vector<512x128xf32>
    %select_n3A_194 = arith.select %ge3A_190, %add3A_187, %mul3A_193 : vector<512x128xi1>, vector<512x128xf32>
    %get3A_195 = arith.constant 0 : index
    %get3A_196 = arith.constant 9 : index
    %get3A_197 = arith.constant 0 : index
    %get3A_198 = arith.constant 0 : index
    %get3A_199 = vector.load %arg2[%get3A_195, %get3A_196, %get3A_197, %get3A_198] : memref<1x10x512x128xf32, #tpu.memory_space<vmem>>, vector<1x1x512x128xf32>
    %get3A_200 = vector.shape_cast %get3A_199 : vector<1x1x512x128xf32> to vector<512x128xf32>
    %sub3A_201 = vector.broadcast %get3A_5 : vector<1x128xf32> to vector<512x128xf32>
    %sub3A_202 = arith.subf %get3A_200, %sub3A_201 : vector<512x128xf32>
    %mul3A_203 = vector.broadcast %get3A_2 : vector<1x128xf32> to vector<512x128xf32>
    %mul3A_204 = arith.mulf %mul3A_203, %sub3A_202 : vector<512x128xf32>
    %div3A_205 = vector.broadcast %get3A_8 : vector<1x128xf32> to vector<512x128xf32>
    %div3A_206 = arith.divf %mul3A_204, %div3A_205 : vector<512x128xf32>
    %add3A_207 = vector.broadcast %get3A_11 : vector<1x128xf32> to vector<512x128xf32>
    %add3A_208 = arith.addf %div3A_206, %add3A_207 : vector<512x128xf32>
    %ge3A_209 = arith.constant 0.000000e+00 : f32
    %ge3A_210 = vector.broadcast %ge3A_209 : f32 to vector<512x128xf32>
    %ge3A_211 = arith.cmpf oge, %add3A_208, %ge3A_210 : vector<512x128xf32>
    %mul3A_212 = arith.constant 2.000000e-01 : f32
    %mul3A_213 = vector.broadcast %mul3A_212 : f32 to vector<512x128xf32>
    %mul3A_214 = arith.mulf %mul3A_213, %add3A_208 : vector<512x128xf32>
    %select_n3A_215 = arith.select %ge3A_211, %add3A_208, %mul3A_214 : vector<512x128xi1>, vector<512x128xf32>
    %max3A = arith.maximumf %select_n3A, %select_n3A_47 : vector<512x128xf32>
    %max3A_216 = arith.maximumf %max3A, %select_n3A_68 : vector<512x128xf32>
    %max3A_217 = arith.maximumf %max3A_216, %select_n3A_89 : vector<512x128xf32>
    %max3A_218 = arith.maximumf %max3A_217, %select_n3A_110 : vector<512x128xf32>
    %max3A_219 = arith.maximumf %max3A_218, %select_n3A_131 : vector<512x128xf32>
    %max3A_220 = arith.maximumf %max3A_219, %select_n3A_152 : vector<512x128xf32>
    %max3A_221 = arith.maximumf %max3A_220, %select_n3A_173 : vector<512x128xf32>
    %max3A_222 = arith.maximumf %max3A_221, %select_n3A_194 : vector<512x128xf32>
    %max3A_223 = arith.maximumf %max3A_222, %select_n3A_215 : vector<512x128xf32>
    %sub3A_224 = arith.subf %select_n3A, %max3A_223 : vector<512x128xf32>
    %exp3A = math.exp %sub3A_224 : vector<512x128xf32>
    %sub3A_225 = arith.subf %select_n3A_47, %max3A_223 : vector<512x128xf32>
    %exp3A_226 = math.exp %sub3A_225 : vector<512x128xf32>
    %sub3A_227 = arith.subf %select_n3A_68, %max3A_223 : vector<512x128xf32>
    %exp3A_228 = math.exp %sub3A_227 : vector<512x128xf32>
    %sub3A_229 = arith.subf %select_n3A_89, %max3A_223 : vector<512x128xf32>
    %exp3A_230 = math.exp %sub3A_229 : vector<512x128xf32>
    %sub3A_231 = arith.subf %select_n3A_110, %max3A_223 : vector<512x128xf32>
    %exp3A_232 = math.exp %sub3A_231 : vector<512x128xf32>
    %sub3A_233 = arith.subf %select_n3A_131, %max3A_223 : vector<512x128xf32>
    %exp3A_234 = math.exp %sub3A_233 : vector<512x128xf32>
    %sub3A_235 = arith.subf %select_n3A_152, %max3A_223 : vector<512x128xf32>
    %exp3A_236 = math.exp %sub3A_235 : vector<512x128xf32>
    %sub3A_237 = arith.subf %select_n3A_173, %max3A_223 : vector<512x128xf32>
    %exp3A_238 = math.exp %sub3A_237 : vector<512x128xf32>
    %sub3A_239 = arith.subf %select_n3A_194, %max3A_223 : vector<512x128xf32>
    %exp3A_240 = math.exp %sub3A_239 : vector<512x128xf32>
    %sub3A_241 = arith.subf %select_n3A_215, %max3A_223 : vector<512x128xf32>
    %exp3A_242 = math.exp %sub3A_241 : vector<512x128xf32>
    %add3A_243 = arith.addf %exp3A, %exp3A_226 : vector<512x128xf32>
    %add3A_244 = arith.addf %add3A_243, %exp3A_228 : vector<512x128xf32>
    %add3A_245 = arith.addf %add3A_244, %exp3A_230 : vector<512x128xf32>
    %add3A_246 = arith.addf %add3A_245, %exp3A_232 : vector<512x128xf32>
    %add3A_247 = arith.addf %add3A_246, %exp3A_234 : vector<512x128xf32>
    %add3A_248 = arith.addf %add3A_247, %exp3A_236 : vector<512x128xf32>
    %add3A_249 = arith.addf %add3A_248, %exp3A_238 : vector<512x128xf32>
    %add3A_250 = arith.addf %add3A_249, %exp3A_240 : vector<512x128xf32>
    %add3A_251 = arith.addf %add3A_250, %exp3A_242 : vector<512x128xf32>
    %get3A_252 = arith.constant 0 : index
    %get3A_253 = arith.constant 0 : index
    %get3A_254 = arith.constant 0 : index
    %get3A_255 = vector.load %arg4[%get3A_252, %get3A_253, %get3A_254] : memref<1x512x128xf32, #tpu.memory_space<vmem>>, vector<1x512x128xf32>
    %get3A_256 = vector.shape_cast %get3A_255 : vector<1x512x128xf32> to vector<512x128xf32>
    %get3A_257 = arith.constant 0 : index
    %get3A_258 = arith.constant 0 : index
    %get3A_259 = vector.load %arg11[%get3A_257, %get3A_258] : memref<1x128xf32, #tpu.memory_space<vmem>>, vector<1x128xf32>
    %get3A_260 = arith.constant 0 : index
    %get3A_261 = arith.constant 0 : index
    %get3A_262 = vector.load %arg12[%get3A_260, %get3A_261] : memref<1x128xf32, #tpu.memory_space<vmem>>, vector<1x128xf32>
    %get3A_263 = arith.constant 0 : index
    %get3A_264 = arith.constant 0 : index
    %get3A_265 = vector.load %arg13[%get3A_263, %get3A_264] : memref<1x128xf32, #tpu.memory_space<vmem>>, vector<1x128xf32>
    %get3A_266 = arith.constant 0 : index
    %get3A_267 = arith.constant 0 : index
    %get3A_268 = vector.load %arg14[%get3A_266, %get3A_267] : memref<1x128xf32, #tpu.memory_space<vmem>>, vector<1x128xf32>
    %div3A_269 = arith.divf %exp3A, %add3A_251 : vector<512x128xf32>
    %get3A_270 = arith.constant 0 : index
    %get3A_271 = arith.constant 0 : index
    %get3A_272 = arith.constant 0 : index
    %get3A_273 = arith.constant 0 : index
    %get3A_274 = vector.load %arg3[%get3A_270, %get3A_271, %get3A_272, %get3A_273] : memref<1x10x512x128xf32, #tpu.memory_space<vmem>>, vector<1x1x512x128xf32>
    %get3A_275 = vector.shape_cast %get3A_274 : vector<1x1x512x128xf32> to vector<512x128xf32>
    %sub3A_276 = arith.subf %get3A_275, %get3A_256 : vector<512x128xf32>
    %concatenate3A = tpu.concatenate %get3A_256, %sub3A_276 in 1 : vector<512x128xf32>, vector<512x128xf32> -> vector<512x256xf32>
    %get3A_277 = arith.constant 0 : index
    %get3A_278 = arith.constant 0 : index
    %get3A_279 = vector.load %arg5[%get3A_277, %get3A_278] : memref<256x128xf32, #tpu.memory_space<vmem>>, vector<256x128xf32>
    %dot_general3A = arith.constant dense<0.000000e+00> : vector<512x128xf32>
    %dot_general3A_280 = tpu.matmul %concatenate3A, %get3A_279, %dot_general3A {dimension_numbers = #tpu.dot_dimension_numbers<[1], [0], [0], [1], [0, 0, 1, 1], [], []>, transpose_lhs_hint = false} : vector<512x256xf32>, vector<256x128xf32>, vector<512x128xf32> -> vector<512x128xf32>
    %get3A_281 = arith.constant 0 : index
    %get3A_282 = arith.constant 0 : index
    %get3A_283 = vector.load %arg6[%get3A_281, %get3A_282] : memref<1x128xf32, #tpu.memory_space<vmem>>, vector<1x128xf32>
    %add3A_284 = vector.broadcast %get3A_283 : vector<1x128xf32> to vector<512x128xf32>
    %add3A_285 = arith.addf %dot_general3A_280, %add3A_284 : vector<512x128xf32>
    %sub3A_286 = vector.broadcast %get3A_262 : vector<1x128xf32> to vector<512x128xf32>
    %sub3A_287 = arith.subf %add3A_285, %sub3A_286 : vector<512x128xf32>
    %mul3A_288 = vector.broadcast %get3A_259 : vector<1x128xf32> to vector<512x128xf32>
    %mul3A_289 = arith.mulf %mul3A_288, %sub3A_287 : vector<512x128xf32>
    %div3A_290 = vector.broadcast %get3A_265 : vector<1x128xf32> to vector<512x128xf32>
    %div3A_291 = arith.divf %mul3A_289, %div3A_290 : vector<512x128xf32>
    %add3A_292 = vector.broadcast %get3A_268 : vector<1x128xf32> to vector<512x128xf32>
    %add3A_293 = arith.addf %div3A_291, %add3A_292 : vector<512x128xf32>
    %ge3A_294 = arith.constant 0.000000e+00 : f32
    %ge3A_295 = vector.broadcast %ge3A_294 : f32 to vector<512x128xf32>
    %ge3A_296 = arith.cmpf oge, %add3A_293, %ge3A_295 : vector<512x128xf32>
    %mul3A_297 = arith.constant 2.000000e-01 : f32
    %mul3A_298 = vector.broadcast %mul3A_297 : f32 to vector<512x128xf32>
    %mul3A_299 = arith.mulf %mul3A_298, %add3A_293 : vector<512x128xf32>
    %select_n3A_300 = arith.select %ge3A_296, %add3A_293, %mul3A_299 : vector<512x128xi1>, vector<512x128xf32>
    %mul3A_301 = arith.mulf %select_n3A_300, %div3A_269 : vector<512x128xf32>
    %div3A_302 = arith.divf %exp3A_226, %add3A_251 : vector<512x128xf32>
    %get3A_303 = arith.constant 0 : index
    %get3A_304 = arith.constant 1 : index
    %get3A_305 = arith.constant 0 : index
    %get3A_306 = arith.constant 0 : index
    %get3A_307 = vector.load %arg3[%get3A_303, %get3A_304, %get3A_305, %get3A_306] : memref<1x10x512x128xf32, #tpu.memory_space<vmem>>, vector<1x1x512x128xf32>
    %get3A_308 = vector.shape_cast %get3A_307 : vector<1x1x512x128xf32> to vector<512x128xf32>
    %sub3A_309 = arith.subf %get3A_308, %get3A_256 : vector<512x128xf32>
    %concatenate3A_310 = tpu.concatenate %get3A_256, %sub3A_309 in 1 : vector<512x128xf32>, vector<512x128xf32> -> vector<512x256xf32>
    %get3A_311 = arith.constant 0 : index
    %get3A_312 = arith.constant 0 : index
    %get3A_313 = vector.load %arg5[%get3A_311, %get3A_312] : memref<256x128xf32, #tpu.memory_space<vmem>>, vector<256x128xf32>
    %dot_general3A_314 = arith.constant dense<0.000000e+00> : vector<512x128xf32>
    %dot_general3A_315 = tpu.matmul %concatenate3A_310, %get3A_313, %dot_general3A_314 {dimension_numbers = #tpu.dot_dimension_numbers<[1], [0], [0], [1], [0, 0, 1, 1], [], []>, transpose_lhs_hint = false} : vector<512x256xf32>, vector<256x128xf32>, vector<512x128xf32> -> vector<512x128xf32>
    %get3A_316 = arith.constant 0 : index
    %get3A_317 = arith.constant 0 : index
    %get3A_318 = vector.load %arg6[%get3A_316, %get3A_317] : memref<1x128xf32, #tpu.memory_space<vmem>>, vector<1x128xf32>
    %add3A_319 = vector.broadcast %get3A_318 : vector<1x128xf32> to vector<512x128xf32>
    %add3A_320 = arith.addf %dot_general3A_315, %add3A_319 : vector<512x128xf32>
    %sub3A_321 = vector.broadcast %get3A_262 : vector<1x128xf32> to vector<512x128xf32>
    %sub3A_322 = arith.subf %add3A_320, %sub3A_321 : vector<512x128xf32>
    %mul3A_323 = vector.broadcast %get3A_259 : vector<1x128xf32> to vector<512x128xf32>
    %mul3A_324 = arith.mulf %mul3A_323, %sub3A_322 : vector<512x128xf32>
    %div3A_325 = vector.broadcast %get3A_265 : vector<1x128xf32> to vector<512x128xf32>
    %div3A_326 = arith.divf %mul3A_324, %div3A_325 : vector<512x128xf32>
    %add3A_327 = vector.broadcast %get3A_268 : vector<1x128xf32> to vector<512x128xf32>
    %add3A_328 = arith.addf %div3A_326, %add3A_327 : vector<512x128xf32>
    %ge3A_329 = arith.constant 0.000000e+00 : f32
    %ge3A_330 = vector.broadcast %ge3A_329 : f32 to vector<512x128xf32>
    %ge3A_331 = arith.cmpf oge, %add3A_328, %ge3A_330 : vector<512x128xf32>
    %mul3A_332 = arith.constant 2.000000e-01 : f32
    %mul3A_333 = vector.broadcast %mul3A_332 : f32 to vector<512x128xf32>
    %mul3A_334 = arith.mulf %mul3A_333, %add3A_328 : vector<512x128xf32>
    %select_n3A_335 = arith.select %ge3A_331, %add3A_328, %mul3A_334 : vector<512x128xi1>, vector<512x128xf32>
    %mul3A_336 = arith.mulf %select_n3A_335, %div3A_302 : vector<512x128xf32>
    %div3A_337 = arith.divf %exp3A_228, %add3A_251 : vector<512x128xf32>
    %get3A_338 = arith.constant 0 : index
    %get3A_339 = arith.constant 2 : index
    %get3A_340 = arith.constant 0 : index
    %get3A_341 = arith.constant 0 : index
    %get3A_342 = vector.load %arg3[%get3A_338, %get3A_339, %get3A_340, %get3A_341] : memref<1x10x512x128xf32, #tpu.memory_space<vmem>>, vector<1x1x512x128xf32>
    %get3A_343 = vector.shape_cast %get3A_342 : vector<1x1x512x128xf32> to vector<512x128xf32>
    %sub3A_344 = arith.subf %get3A_343, %get3A_256 : vector<512x128xf32>
    %concatenate3A_345 = tpu.concatenate %get3A_256, %sub3A_344 in 1 : vector<512x128xf32>, vector<512x128xf32> -> vector<512x256xf32>
    %get3A_346 = arith.constant 0 : index
    %get3A_347 = arith.constant 0 : index
    %get3A_348 = vector.load %arg5[%get3A_346, %get3A_347] : memref<256x128xf32, #tpu.memory_space<vmem>>, vector<256x128xf32>
    %dot_general3A_349 = arith.constant dense<0.000000e+00> : vector<512x128xf32>
    %dot_general3A_350 = tpu.matmul %concatenate3A_345, %get3A_348, %dot_general3A_349 {dimension_numbers = #tpu.dot_dimension_numbers<[1], [0], [0], [1], [0, 0, 1, 1], [], []>, transpose_lhs_hint = false} : vector<512x256xf32>, vector<256x128xf32>, vector<512x128xf32> -> vector<512x128xf32>
    %get3A_351 = arith.constant 0 : index
    %get3A_352 = arith.constant 0 : index
    %get3A_353 = vector.load %arg6[%get3A_351, %get3A_352] : memref<1x128xf32, #tpu.memory_space<vmem>>, vector<1x128xf32>
    %add3A_354 = vector.broadcast %get3A_353 : vector<1x128xf32> to vector<512x128xf32>
    %add3A_355 = arith.addf %dot_general3A_350, %add3A_354 : vector<512x128xf32>
    %sub3A_356 = vector.broadcast %get3A_262 : vector<1x128xf32> to vector<512x128xf32>
    %sub3A_357 = arith.subf %add3A_355, %sub3A_356 : vector<512x128xf32>
    %mul3A_358 = vector.broadcast %get3A_259 : vector<1x128xf32> to vector<512x128xf32>
    %mul3A_359 = arith.mulf %mul3A_358, %sub3A_357 : vector<512x128xf32>
    %div3A_360 = vector.broadcast %get3A_265 : vector<1x128xf32> to vector<512x128xf32>
    %div3A_361 = arith.divf %mul3A_359, %div3A_360 : vector<512x128xf32>
    %add3A_362 = vector.broadcast %get3A_268 : vector<1x128xf32> to vector<512x128xf32>
    %add3A_363 = arith.addf %div3A_361, %add3A_362 : vector<512x128xf32>
    %ge3A_364 = arith.constant 0.000000e+00 : f32
    %ge3A_365 = vector.broadcast %ge3A_364 : f32 to vector<512x128xf32>
    %ge3A_366 = arith.cmpf oge, %add3A_363, %ge3A_365 : vector<512x128xf32>
    %mul3A_367 = arith.constant 2.000000e-01 : f32
    %mul3A_368 = vector.broadcast %mul3A_367 : f32 to vector<512x128xf32>
    %mul3A_369 = arith.mulf %mul3A_368, %add3A_363 : vector<512x128xf32>
    %select_n3A_370 = arith.select %ge3A_366, %add3A_363, %mul3A_369 : vector<512x128xi1>, vector<512x128xf32>
    %mul3A_371 = arith.mulf %select_n3A_370, %div3A_337 : vector<512x128xf32>
    %div3A_372 = arith.divf %exp3A_230, %add3A_251 : vector<512x128xf32>
    %get3A_373 = arith.constant 0 : index
    %get3A_374 = arith.constant 3 : index
    %get3A_375 = arith.constant 0 : index
    %get3A_376 = arith.constant 0 : index
    %get3A_377 = vector.load %arg3[%get3A_373, %get3A_374, %get3A_375, %get3A_376] : memref<1x10x512x128xf32, #tpu.memory_space<vmem>>, vector<1x1x512x128xf32>
    %get3A_378 = vector.shape_cast %get3A_377 : vector<1x1x512x128xf32> to vector<512x128xf32>
    %sub3A_379 = arith.subf %get3A_378, %get3A_256 : vector<512x128xf32>
    %concatenate3A_380 = tpu.concatenate %get3A_256, %sub3A_379 in 1 : vector<512x128xf32>, vector<512x128xf32> -> vector<512x256xf32>
    %get3A_381 = arith.constant 0 : index
    %get3A_382 = arith.constant 0 : index
    %get3A_383 = vector.load %arg5[%get3A_381, %get3A_382] : memref<256x128xf32, #tpu.memory_space<vmem>>, vector<256x128xf32>
    %dot_general3A_384 = arith.constant dense<0.000000e+00> : vector<512x128xf32>
    %dot_general3A_385 = tpu.matmul %concatenate3A_380, %get3A_383, %dot_general3A_384 {dimension_numbers = #tpu.dot_dimension_numbers<[1], [0], [0], [1], [0, 0, 1, 1], [], []>, transpose_lhs_hint = false} : vector<512x256xf32>, vector<256x128xf32>, vector<512x128xf32> -> vector<512x128xf32>
    %get3A_386 = arith.constant 0 : index
    %get3A_387 = arith.constant 0 : index
    %get3A_388 = vector.load %arg6[%get3A_386, %get3A_387] : memref<1x128xf32, #tpu.memory_space<vmem>>, vector<1x128xf32>
    %add3A_389 = vector.broadcast %get3A_388 : vector<1x128xf32> to vector<512x128xf32>
    %add3A_390 = arith.addf %dot_general3A_385, %add3A_389 : vector<512x128xf32>
    %sub3A_391 = vector.broadcast %get3A_262 : vector<1x128xf32> to vector<512x128xf32>
    %sub3A_392 = arith.subf %add3A_390, %sub3A_391 : vector<512x128xf32>
    %mul3A_393 = vector.broadcast %get3A_259 : vector<1x128xf32> to vector<512x128xf32>
    %mul3A_394 = arith.mulf %mul3A_393, %sub3A_392 : vector<512x128xf32>
    %div3A_395 = vector.broadcast %get3A_265 : vector<1x128xf32> to vector<512x128xf32>
    %div3A_396 = arith.divf %mul3A_394, %div3A_395 : vector<512x128xf32>
    %add3A_397 = vector.broadcast %get3A_268 : vector<1x128xf32> to vector<512x128xf32>
    %add3A_398 = arith.addf %div3A_396, %add3A_397 : vector<512x128xf32>
    %ge3A_399 = arith.constant 0.000000e+00 : f32
    %ge3A_400 = vector.broadcast %ge3A_399 : f32 to vector<512x128xf32>
    %ge3A_401 = arith.cmpf oge, %add3A_398, %ge3A_400 : vector<512x128xf32>
    %mul3A_402 = arith.constant 2.000000e-01 : f32
    %mul3A_403 = vector.broadcast %mul3A_402 : f32 to vector<512x128xf32>
    %mul3A_404 = arith.mulf %mul3A_403, %add3A_398 : vector<512x128xf32>
    %select_n3A_405 = arith.select %ge3A_401, %add3A_398, %mul3A_404 : vector<512x128xi1>, vector<512x128xf32>
    %mul3A_406 = arith.mulf %select_n3A_405, %div3A_372 : vector<512x128xf32>
    %div3A_407 = arith.divf %exp3A_232, %add3A_251 : vector<512x128xf32>
    %get3A_408 = arith.constant 0 : index
    %get3A_409 = arith.constant 4 : index
    %get3A_410 = arith.constant 0 : index
    %get3A_411 = arith.constant 0 : index
    %get3A_412 = vector.load %arg3[%get3A_408, %get3A_409, %get3A_410, %get3A_411] : memref<1x10x512x128xf32, #tpu.memory_space<vmem>>, vector<1x1x512x128xf32>
    %get3A_413 = vector.shape_cast %get3A_412 : vector<1x1x512x128xf32> to vector<512x128xf32>
    %sub3A_414 = arith.subf %get3A_413, %get3A_256 : vector<512x128xf32>
    %concatenate3A_415 = tpu.concatenate %get3A_256, %sub3A_414 in 1 : vector<512x128xf32>, vector<512x128xf32> -> vector<512x256xf32>
    %get3A_416 = arith.constant 0 : index
    %get3A_417 = arith.constant 0 : index
    %get3A_418 = vector.load %arg5[%get3A_416, %get3A_417] : memref<256x128xf32, #tpu.memory_space<vmem>>, vector<256x128xf32>
    %dot_general3A_419 = arith.constant dense<0.000000e+00> : vector<512x128xf32>
    %dot_general3A_420 = tpu.matmul %concatenate3A_415, %get3A_418, %dot_general3A_419 {dimension_numbers = #tpu.dot_dimension_numbers<[1], [0], [0], [1], [0, 0, 1, 1], [], []>, transpose_lhs_hint = false} : vector<512x256xf32>, vector<256x128xf32>, vector<512x128xf32> -> vector<512x128xf32>
    %get3A_421 = arith.constant 0 : index
    %get3A_422 = arith.constant 0 : index
    %get3A_423 = vector.load %arg6[%get3A_421, %get3A_422] : memref<1x128xf32, #tpu.memory_space<vmem>>, vector<1x128xf32>
    %add3A_424 = vector.broadcast %get3A_423 : vector<1x128xf32> to vector<512x128xf32>
    %add3A_425 = arith.addf %dot_general3A_420, %add3A_424 : vector<512x128xf32>
    %sub3A_426 = vector.broadcast %get3A_262 : vector<1x128xf32> to vector<512x128xf32>
    %sub3A_427 = arith.subf %add3A_425, %sub3A_426 : vector<512x128xf32>
    %mul3A_428 = vector.broadcast %get3A_259 : vector<1x128xf32> to vector<512x128xf32>
    %mul3A_429 = arith.mulf %mul3A_428, %sub3A_427 : vector<512x128xf32>
    %div3A_430 = vector.broadcast %get3A_265 : vector<1x128xf32> to vector<512x128xf32>
    %div3A_431 = arith.divf %mul3A_429, %div3A_430 : vector<512x128xf32>
    %add3A_432 = vector.broadcast %get3A_268 : vector<1x128xf32> to vector<512x128xf32>
    %add3A_433 = arith.addf %div3A_431, %add3A_432 : vector<512x128xf32>
    %ge3A_434 = arith.constant 0.000000e+00 : f32
    %ge3A_435 = vector.broadcast %ge3A_434 : f32 to vector<512x128xf32>
    %ge3A_436 = arith.cmpf oge, %add3A_433, %ge3A_435 : vector<512x128xf32>
    %mul3A_437 = arith.constant 2.000000e-01 : f32
    %mul3A_438 = vector.broadcast %mul3A_437 : f32 to vector<512x128xf32>
    %mul3A_439 = arith.mulf %mul3A_438, %add3A_433 : vector<512x128xf32>
    %select_n3A_440 = arith.select %ge3A_436, %add3A_433, %mul3A_439 : vector<512x128xi1>, vector<512x128xf32>
    %mul3A_441 = arith.mulf %select_n3A_440, %div3A_407 : vector<512x128xf32>
    %div3A_442 = arith.divf %exp3A_234, %add3A_251 : vector<512x128xf32>
    %get3A_443 = arith.constant 0 : index
    %get3A_444 = arith.constant 5 : index
    %get3A_445 = arith.constant 0 : index
    %get3A_446 = arith.constant 0 : index
    %get3A_447 = vector.load %arg3[%get3A_443, %get3A_444, %get3A_445, %get3A_446] : memref<1x10x512x128xf32, #tpu.memory_space<vmem>>, vector<1x1x512x128xf32>
    %get3A_448 = vector.shape_cast %get3A_447 : vector<1x1x512x128xf32> to vector<512x128xf32>
    %sub3A_449 = arith.subf %get3A_448, %get3A_256 : vector<512x128xf32>
    %concatenate3A_450 = tpu.concatenate %get3A_256, %sub3A_449 in 1 : vector<512x128xf32>, vector<512x128xf32> -> vector<512x256xf32>
    %get3A_451 = arith.constant 0 : index
    %get3A_452 = arith.constant 0 : index
    %get3A_453 = vector.load %arg5[%get3A_451, %get3A_452] : memref<256x128xf32, #tpu.memory_space<vmem>>, vector<256x128xf32>
    %dot_general3A_454 = arith.constant dense<0.000000e+00> : vector<512x128xf32>
    %dot_general3A_455 = tpu.matmul %concatenate3A_450, %get3A_453, %dot_general3A_454 {dimension_numbers = #tpu.dot_dimension_numbers<[1], [0], [0], [1], [0, 0, 1, 1], [], []>, transpose_lhs_hint = false} : vector<512x256xf32>, vector<256x128xf32>, vector<512x128xf32> -> vector<512x128xf32>
    %get3A_456 = arith.constant 0 : index
    %get3A_457 = arith.constant 0 : index
    %get3A_458 = vector.load %arg6[%get3A_456, %get3A_457] : memref<1x128xf32, #tpu.memory_space<vmem>>, vector<1x128xf32>
    %add3A_459 = vector.broadcast %get3A_458 : vector<1x128xf32> to vector<512x128xf32>
    %add3A_460 = arith.addf %dot_general3A_455, %add3A_459 : vector<512x128xf32>
    %sub3A_461 = vector.broadcast %get3A_262 : vector<1x128xf32> to vector<512x128xf32>
    %sub3A_462 = arith.subf %add3A_460, %sub3A_461 : vector<512x128xf32>
    %mul3A_463 = vector.broadcast %get3A_259 : vector<1x128xf32> to vector<512x128xf32>
    %mul3A_464 = arith.mulf %mul3A_463, %sub3A_462 : vector<512x128xf32>
    %div3A_465 = vector.broadcast %get3A_265 : vector<1x128xf32> to vector<512x128xf32>
    %div3A_466 = arith.divf %mul3A_464, %div3A_465 : vector<512x128xf32>
    %add3A_467 = vector.broadcast %get3A_268 : vector<1x128xf32> to vector<512x128xf32>
    %add3A_468 = arith.addf %div3A_466, %add3A_467 : vector<512x128xf32>
    %ge3A_469 = arith.constant 0.000000e+00 : f32
    %ge3A_470 = vector.broadcast %ge3A_469 : f32 to vector<512x128xf32>
    %ge3A_471 = arith.cmpf oge, %add3A_468, %ge3A_470 : vector<512x128xf32>
    %mul3A_472 = arith.constant 2.000000e-01 : f32
    %mul3A_473 = vector.broadcast %mul3A_472 : f32 to vector<512x128xf32>
    %mul3A_474 = arith.mulf %mul3A_473, %add3A_468 : vector<512x128xf32>
    %select_n3A_475 = arith.select %ge3A_471, %add3A_468, %mul3A_474 : vector<512x128xi1>, vector<512x128xf32>
    %mul3A_476 = arith.mulf %select_n3A_475, %div3A_442 : vector<512x128xf32>
    %div3A_477 = arith.divf %exp3A_236, %add3A_251 : vector<512x128xf32>
    %get3A_478 = arith.constant 0 : index
    %get3A_479 = arith.constant 6 : index
    %get3A_480 = arith.constant 0 : index
    %get3A_481 = arith.constant 0 : index
    %get3A_482 = vector.load %arg3[%get3A_478, %get3A_479, %get3A_480, %get3A_481] : memref<1x10x512x128xf32, #tpu.memory_space<vmem>>, vector<1x1x512x128xf32>
    %get3A_483 = vector.shape_cast %get3A_482 : vector<1x1x512x128xf32> to vector<512x128xf32>
    %sub3A_484 = arith.subf %get3A_483, %get3A_256 : vector<512x128xf32>
    %concatenate3A_485 = tpu.concatenate %get3A_256, %sub3A_484 in 1 : vector<512x128xf32>, vector<512x128xf32> -> vector<512x256xf32>
    %get3A_486 = arith.constant 0 : index
    %get3A_487 = arith.constant 0 : index
    %get3A_488 = vector.load %arg5[%get3A_486, %get3A_487] : memref<256x128xf32, #tpu.memory_space<vmem>>, vector<256x128xf32>
    %dot_general3A_489 = arith.constant dense<0.000000e+00> : vector<512x128xf32>
    %dot_general3A_490 = tpu.matmul %concatenate3A_485, %get3A_488, %dot_general3A_489 {dimension_numbers = #tpu.dot_dimension_numbers<[1], [0], [0], [1], [0, 0, 1, 1], [], []>, transpose_lhs_hint = false} : vector<512x256xf32>, vector<256x128xf32>, vector<512x128xf32> -> vector<512x128xf32>
    %get3A_491 = arith.constant 0 : index
    %get3A_492 = arith.constant 0 : index
    %get3A_493 = vector.load %arg6[%get3A_491, %get3A_492] : memref<1x128xf32, #tpu.memory_space<vmem>>, vector<1x128xf32>
    %add3A_494 = vector.broadcast %get3A_493 : vector<1x128xf32> to vector<512x128xf32>
    %add3A_495 = arith.addf %dot_general3A_490, %add3A_494 : vector<512x128xf32>
    %sub3A_496 = vector.broadcast %get3A_262 : vector<1x128xf32> to vector<512x128xf32>
    %sub3A_497 = arith.subf %add3A_495, %sub3A_496 : vector<512x128xf32>
    %mul3A_498 = vector.broadcast %get3A_259 : vector<1x128xf32> to vector<512x128xf32>
    %mul3A_499 = arith.mulf %mul3A_498, %sub3A_497 : vector<512x128xf32>
    %div3A_500 = vector.broadcast %get3A_265 : vector<1x128xf32> to vector<512x128xf32>
    %div3A_501 = arith.divf %mul3A_499, %div3A_500 : vector<512x128xf32>
    %add3A_502 = vector.broadcast %get3A_268 : vector<1x128xf32> to vector<512x128xf32>
    %add3A_503 = arith.addf %div3A_501, %add3A_502 : vector<512x128xf32>
    %ge3A_504 = arith.constant 0.000000e+00 : f32
    %ge3A_505 = vector.broadcast %ge3A_504 : f32 to vector<512x128xf32>
    %ge3A_506 = arith.cmpf oge, %add3A_503, %ge3A_505 : vector<512x128xf32>
    %mul3A_507 = arith.constant 2.000000e-01 : f32
    %mul3A_508 = vector.broadcast %mul3A_507 : f32 to vector<512x128xf32>
    %mul3A_509 = arith.mulf %mul3A_508, %add3A_503 : vector<512x128xf32>
    %select_n3A_510 = arith.select %ge3A_506, %add3A_503, %mul3A_509 : vector<512x128xi1>, vector<512x128xf32>
    %mul3A_511 = arith.mulf %select_n3A_510, %div3A_477 : vector<512x128xf32>
    %div3A_512 = arith.divf %exp3A_238, %add3A_251 : vector<512x128xf32>
    %get3A_513 = arith.constant 0 : index
    %get3A_514 = arith.constant 7 : index
    %get3A_515 = arith.constant 0 : index
    %get3A_516 = arith.constant 0 : index
    %get3A_517 = vector.load %arg3[%get3A_513, %get3A_514, %get3A_515, %get3A_516] : memref<1x10x512x128xf32, #tpu.memory_space<vmem>>, vector<1x1x512x128xf32>
    %get3A_518 = vector.shape_cast %get3A_517 : vector<1x1x512x128xf32> to vector<512x128xf32>
    %sub3A_519 = arith.subf %get3A_518, %get3A_256 : vector<512x128xf32>
    %concatenate3A_520 = tpu.concatenate %get3A_256, %sub3A_519 in 1 : vector<512x128xf32>, vector<512x128xf32> -> vector<512x256xf32>
    %get3A_521 = arith.constant 0 : index
    %get3A_522 = arith.constant 0 : index
    %get3A_523 = vector.load %arg5[%get3A_521, %get3A_522] : memref<256x128xf32, #tpu.memory_space<vmem>>, vector<256x128xf32>
    %dot_general3A_524 = arith.constant dense<0.000000e+00> : vector<512x128xf32>
    %dot_general3A_525 = tpu.matmul %concatenate3A_520, %get3A_523, %dot_general3A_524 {dimension_numbers = #tpu.dot_dimension_numbers<[1], [0], [0], [1], [0, 0, 1, 1], [], []>, transpose_lhs_hint = false} : vector<512x256xf32>, vector<256x128xf32>, vector<512x128xf32> -> vector<512x128xf32>
    %get3A_526 = arith.constant 0 : index
    %get3A_527 = arith.constant 0 : index
    %get3A_528 = vector.load %arg6[%get3A_526, %get3A_527] : memref<1x128xf32, #tpu.memory_space<vmem>>, vector<1x128xf32>
    %add3A_529 = vector.broadcast %get3A_528 : vector<1x128xf32> to vector<512x128xf32>
    %add3A_530 = arith.addf %dot_general3A_525, %add3A_529 : vector<512x128xf32>
    %sub3A_531 = vector.broadcast %get3A_262 : vector<1x128xf32> to vector<512x128xf32>
    %sub3A_532 = arith.subf %add3A_530, %sub3A_531 : vector<512x128xf32>
    %mul3A_533 = vector.broadcast %get3A_259 : vector<1x128xf32> to vector<512x128xf32>
    %mul3A_534 = arith.mulf %mul3A_533, %sub3A_532 : vector<512x128xf32>
    %div3A_535 = vector.broadcast %get3A_265 : vector<1x128xf32> to vector<512x128xf32>
    %div3A_536 = arith.divf %mul3A_534, %div3A_535 : vector<512x128xf32>
    %add3A_537 = vector.broadcast %get3A_268 : vector<1x128xf32> to vector<512x128xf32>
    %add3A_538 = arith.addf %div3A_536, %add3A_537 : vector<512x128xf32>
    %ge3A_539 = arith.constant 0.000000e+00 : f32
    %ge3A_540 = vector.broadcast %ge3A_539 : f32 to vector<512x128xf32>
    %ge3A_541 = arith.cmpf oge, %add3A_538, %ge3A_540 : vector<512x128xf32>
    %mul3A_542 = arith.constant 2.000000e-01 : f32
    %mul3A_543 = vector.broadcast %mul3A_542 : f32 to vector<512x128xf32>
    %mul3A_544 = arith.mulf %mul3A_543, %add3A_538 : vector<512x128xf32>
    %select_n3A_545 = arith.select %ge3A_541, %add3A_538, %mul3A_544 : vector<512x128xi1>, vector<512x128xf32>
    %mul3A_546 = arith.mulf %select_n3A_545, %div3A_512 : vector<512x128xf32>
    %div3A_547 = arith.divf %exp3A_240, %add3A_251 : vector<512x128xf32>
    %get3A_548 = arith.constant 0 : index
    %get3A_549 = arith.constant 8 : index
    %get3A_550 = arith.constant 0 : index
    %get3A_551 = arith.constant 0 : index
    %get3A_552 = vector.load %arg3[%get3A_548, %get3A_549, %get3A_550, %get3A_551] : memref<1x10x512x128xf32, #tpu.memory_space<vmem>>, vector<1x1x512x128xf32>
    %get3A_553 = vector.shape_cast %get3A_552 : vector<1x1x512x128xf32> to vector<512x128xf32>
    %sub3A_554 = arith.subf %get3A_553, %get3A_256 : vector<512x128xf32>
    %concatenate3A_555 = tpu.concatenate %get3A_256, %sub3A_554 in 1 : vector<512x128xf32>, vector<512x128xf32> -> vector<512x256xf32>
    %get3A_556 = arith.constant 0 : index
    %get3A_557 = arith.constant 0 : index
    %get3A_558 = vector.load %arg5[%get3A_556, %get3A_557] : memref<256x128xf32, #tpu.memory_space<vmem>>, vector<256x128xf32>
    %dot_general3A_559 = arith.constant dense<0.000000e+00> : vector<512x128xf32>
    %dot_general3A_560 = tpu.matmul %concatenate3A_555, %get3A_558, %dot_general3A_559 {dimension_numbers = #tpu.dot_dimension_numbers<[1], [0], [0], [1], [0, 0, 1, 1], [], []>, transpose_lhs_hint = false} : vector<512x256xf32>, vector<256x128xf32>, vector<512x128xf32> -> vector<512x128xf32>
    %get3A_561 = arith.constant 0 : index
    %get3A_562 = arith.constant 0 : index
    %get3A_563 = vector.load %arg6[%get3A_561, %get3A_562] : memref<1x128xf32, #tpu.memory_space<vmem>>, vector<1x128xf32>
    %add3A_564 = vector.broadcast %get3A_563 : vector<1x128xf32> to vector<512x128xf32>
    %add3A_565 = arith.addf %dot_general3A_560, %add3A_564 : vector<512x128xf32>
    %sub3A_566 = vector.broadcast %get3A_262 : vector<1x128xf32> to vector<512x128xf32>
    %sub3A_567 = arith.subf %add3A_565, %sub3A_566 : vector<512x128xf32>
    %mul3A_568 = vector.broadcast %get3A_259 : vector<1x128xf32> to vector<512x128xf32>
    %mul3A_569 = arith.mulf %mul3A_568, %sub3A_567 : vector<512x128xf32>
    %div3A_570 = vector.broadcast %get3A_265 : vector<1x128xf32> to vector<512x128xf32>
    %div3A_571 = arith.divf %mul3A_569, %div3A_570 : vector<512x128xf32>
    %add3A_572 = vector.broadcast %get3A_268 : vector<1x128xf32> to vector<512x128xf32>
    %add3A_573 = arith.addf %div3A_571, %add3A_572 : vector<512x128xf32>
    %ge3A_574 = arith.constant 0.000000e+00 : f32
    %ge3A_575 = vector.broadcast %ge3A_574 : f32 to vector<512x128xf32>
    %ge3A_576 = arith.cmpf oge, %add3A_573, %ge3A_575 : vector<512x128xf32>
    %mul3A_577 = arith.constant 2.000000e-01 : f32
    %mul3A_578 = vector.broadcast %mul3A_577 : f32 to vector<512x128xf32>
    %mul3A_579 = arith.mulf %mul3A_578, %add3A_573 : vector<512x128xf32>
    %select_n3A_580 = arith.select %ge3A_576, %add3A_573, %mul3A_579 : vector<512x128xi1>, vector<512x128xf32>
    %mul3A_581 = arith.mulf %select_n3A_580, %div3A_547 : vector<512x128xf32>
    %div3A_582 = arith.divf %exp3A_242, %add3A_251 : vector<512x128xf32>
    %get3A_583 = arith.constant 0 : index
    %get3A_584 = arith.constant 9 : index
    %get3A_585 = arith.constant 0 : index
    %get3A_586 = arith.constant 0 : index
    %get3A_587 = vector.load %arg3[%get3A_583, %get3A_584, %get3A_585, %get3A_586] : memref<1x10x512x128xf32, #tpu.memory_space<vmem>>, vector<1x1x512x128xf32>
    %get3A_588 = vector.shape_cast %get3A_587 : vector<1x1x512x128xf32> to vector<512x128xf32>
    %sub3A_589 = arith.subf %get3A_588, %get3A_256 : vector<512x128xf32>
    %concatenate3A_590 = tpu.concatenate %get3A_256, %sub3A_589 in 1 : vector<512x128xf32>, vector<512x128xf32> -> vector<512x256xf32>
    %get3A_591 = arith.constant 0 : index
    %get3A_592 = arith.constant 0 : index
    %get3A_593 = vector.load %arg5[%get3A_591, %get3A_592] : memref<256x128xf32, #tpu.memory_space<vmem>>, vector<256x128xf32>
    %dot_general3A_594 = arith.constant dense<0.000000e+00> : vector<512x128xf32>
    %dot_general3A_595 = tpu.matmul %concatenate3A_590, %get3A_593, %dot_general3A_594 {dimension_numbers = #tpu.dot_dimension_numbers<[1], [0], [0], [1], [0, 0, 1, 1], [], []>, transpose_lhs_hint = false} : vector<512x256xf32>, vector<256x128xf32>, vector<512x128xf32> -> vector<512x128xf32>
    %get3A_596 = arith.constant 0 : index
    %get3A_597 = arith.constant 0 : index
    %get3A_598 = vector.load %arg6[%get3A_596, %get3A_597] : memref<1x128xf32, #tpu.memory_space<vmem>>, vector<1x128xf32>
    %add3A_599 = vector.broadcast %get3A_598 : vector<1x128xf32> to vector<512x128xf32>
    %add3A_600 = arith.addf %dot_general3A_595, %add3A_599 : vector<512x128xf32>
    %sub3A_601 = vector.broadcast %get3A_262 : vector<1x128xf32> to vector<512x128xf32>
    %sub3A_602 = arith.subf %add3A_600, %sub3A_601 : vector<512x128xf32>
    %mul3A_603 = vector.broadcast %get3A_259 : vector<1x128xf32> to vector<512x128xf32>
    %mul3A_604 = arith.mulf %mul3A_603, %sub3A_602 : vector<512x128xf32>
    %div3A_605 = vector.broadcast %get3A_265 : vector<1x128xf32> to vector<512x128xf32>
    %div3A_606 = arith.divf %mul3A_604, %div3A_605 : vector<512x128xf32>
    %add3A_607 = vector.broadcast %get3A_268 : vector<1x128xf32> to vector<512x128xf32>
    %add3A_608 = arith.addf %div3A_606, %add3A_607 : vector<512x128xf32>
    %ge3A_609 = arith.constant 0.000000e+00 : f32
    %ge3A_610 = vector.broadcast %ge3A_609 : f32 to vector<512x128xf32>
    %ge3A_611 = arith.cmpf oge, %add3A_608, %ge3A_610 : vector<512x128xf32>
    %mul3A_612 = arith.constant 2.000000e-01 : f32
    %mul3A_613 = vector.broadcast %mul3A_612 : f32 to vector<512x128xf32>
    %mul3A_614 = arith.mulf %mul3A_613, %add3A_608 : vector<512x128xf32>
    %select_n3A_615 = arith.select %ge3A_611, %add3A_608, %mul3A_614 : vector<512x128xi1>, vector<512x128xf32>
    %mul3A_616 = arith.mulf %select_n3A_615, %div3A_582 : vector<512x128xf32>
    %concatenate3A_617 = tpu.concatenate %mul3A_301, %mul3A_336, %mul3A_371, %mul3A_406, %mul3A_441, %mul3A_476, %mul3A_511, %mul3A_546, %mul3A_581, %mul3A_616 in 1 : vector<512x128xf32>, vector<512x128xf32>, vector<512x128xf32>, vector<512x128xf32>, vector<512x128xf32>, vector<512x128xf32>, vector<512x128xf32>, vector<512x128xf32>, vector<512x128xf32>, vector<512x128xf32> -> vector<512x1280xf32>
    %get3A_618 = arith.constant 0 : index
    %get3A_619 = arith.constant 0 : index
    %get3A_620 = vector.load %arg15[%get3A_618, %get3A_619] : memref<1280x128xf32, #tpu.memory_space<vmem>>, vector<1280x128xf32>
    %dot_general3A_621 = arith.constant dense<0.000000e+00> : vector<512x128xf32>
    %dot_general3A_622 = tpu.matmul %concatenate3A_617, %get3A_620, %dot_general3A_621 {dimension_numbers = #tpu.dot_dimension_numbers<[1], [0], [0], [1], [0, 0, 1, 1], [], []>, transpose_lhs_hint = false} : vector<512x1280xf32>, vector<1280x128xf32>, vector<512x128xf32> -> vector<512x128xf32>
    %get3A_623 = arith.constant 0 : index
    %get3A_624 = arith.constant 0 : index
    %get3A_625 = vector.load %arg16[%get3A_623, %get3A_624] : memref<1x128xf32, #tpu.memory_space<vmem>>, vector<1x128xf32>
    %add3A_626 = vector.broadcast %get3A_625 : vector<1x128xf32> to vector<512x128xf32>
    %add3A_627 = arith.addf %dot_general3A_622, %add3A_626 : vector<512x128xf32>
    %swap3A = arith.constant 0 : index
    %swap3A_628 = arith.constant 0 : index
    %swap3A_629 = arith.constant 0 : index
    %swap3A_630 = vector.load %arg17[%swap3A, %swap3A_628, %swap3A_629] : memref<1x512x128xf32, #tpu.memory_space<vmem>>, vector<1x512x128xf32>
    %swap3A_631 = vector.shape_cast %swap3A_630 : vector<1x512x128xf32> to vector<512x128xf32>
    %swap3A_632 = vector.shape_cast %add3A_627 : vector<512x128xf32> to vector<1x512x128xf32>
    tpu.vector_store %arg17[%swap3A, %swap3A_628, %swap3A_629], %swap3A_632 {strides = array<i32>} : memref<1x512x128xf32, #tpu.memory_space<vmem>>, vector<1x512x128xf32>,
    %convert_element_type3A = arith.extui %eq3A_0 : i1 to i32
    %cond3A = arith.constant 0 : i32
    %cond3A_633 = arith.cmpi ne, %convert_element_type3A, %cond3A : i32
    scf.if %cond3A_633 {
      %broadcast_in_dim3A_647 = arith.constant 0.000000e+00 : f32
      %broadcast_in_dim3A_648 = vector.broadcast %broadcast_in_dim3A_647 : f32 to vector<1x1x128xf32>
      %swap3A_649 = arith.constant 0 : index
      %swap3A_650 = arith.constant 0 : index
      %swap3A_651 = arith.constant 0 : index
      %swap3A_652 = vector.load %arg18[%swap3A_649, %swap3A_650, %swap3A_651] : memref<1x1x128xf32, #tpu.memory_space<vmem>>, vector<1x1x128xf32>
      tpu.vector_store %arg18[%swap3A_649, %swap3A_650, %swap3A_651], %broadcast_in_dim3A_648 {strides = array<i32>} : memref<1x1x128xf32, #tpu.memory_space<vmem>>, vector<1x1x128xf32>,
    } else {
    }
    %get3A_634 = arith.constant 0 : index
    %get3A_635 = arith.constant 0 : index
    %get3A_636 = arith.constant 0 : index
    %get3A_637 = vector.load %arg18[%get3A_634, %get3A_635, %get3A_636] : memref<1x1x128xf32, #tpu.memory_space<vmem>>, vector<1x1x128xf32>
    %get3A_638 = vector.shape_cast %get3A_637 : vector<1x1x128xf32> to vector<1x128xf32>
    %reduce_sum3A = arith.constant dense<0.000000e+00> : vector<128xf32>
    %reduce_sum3A_639 = vector.multi_reduction <add>, %add3A_627, %reduce_sum3A [0] : vector<512x128xf32> to vector<128xf32>
    %broadcast_in_dim3A = vector.shape_cast %reduce_sum3A_639 : vector<128xf32> to vector<1x128xf32>
    %add3A_640 = arith.addf %get3A_638, %broadcast_in_dim3A : vector<1x128xf32>
    %swap3A_641 = arith.constant 0 : index
    %swap3A_642 = arith.constant 0 : index
    %swap3A_643 = arith.constant 0 : index
    %swap3A_644 = vector.load %arg18[%swap3A_641, %swap3A_642, %swap3A_643] : memref<1x1x128xf32, #tpu.memory_space<vmem>>, vector<1x1x128xf32>
    %swap3A_645 = vector.shape_cast %swap3A_644 : vector<1x1x128xf32> to vector<1x128xf32>
    %swap3A_646 = vector.shape_cast %add3A_640 : vector<1x128xf32> to vector<1x1x128xf32>
    tpu.vector_store %arg18[%swap3A_641, %swap3A_642, %swap3A_643], %swap3A_646 {strides = array<i32>} : memref<1x1x128xf32, #tpu.memory_space<vmem>>, vector<1x1x128xf32>,
    return
  }
  func.func @transform_0(%arg0: i32, %arg1: i32) -> (i32, i32, i32, i32) {
    %c0_i32 = arith.constant 0 : i32
    %c0_i32_0 = arith.constant 0 : i32
    %c0_i32_1 = arith.constant 0 : i32
    return %arg0, %c0_i32, %arg1, %c0_i32_0 : i32, i32, i32, i32
  }
  func.func @transform_1(%arg0: i32, %arg1: i32) -> (i32, i32, i32, i32) {
    %c0_i32 = arith.constant 0 : i32
    %c0_i32_0 = arith.constant 0 : i32
    %c0_i32_1 = arith.constant 0 : i32
    return %arg0, %c0_i32, %arg1, %c0_i32_0 : i32, i32, i32, i32
  }
  func.func @transform_2(%arg0: i32, %arg1: i32) -> (i32, i32, i32) {
    %c0_i32 = arith.constant 0 : i32
    %c0_i32_0 = arith.constant 0 : i32
    return %arg0, %arg1, %c0_i32 : i32, i32, i32
  }
  func.func @transform_3(%arg0: i32, %arg1: i32) -> (i32, i32) {
    %c0_i32 = arith.constant 0 : i32
    %c0_i32_0 = arith.constant 0 : i32
    %c0_i32_1 = arith.constant 0 : i32
    return %c0_i32, %c0_i32_0 : i32, i32
  }
  func.func @transform_4(%arg0: i32, %arg1: i32) -> (i32, i32) {
    %c0_i32 = arith.constant 0 : i32
    %c0_i32_0 = arith.constant 0 : i32
    %c0_i32_1 = arith.constant 0 : i32
    return %c0_i32, %c0_i32_0 : i32, i32
  }
  func.func @transform_5(%arg0: i32, %arg1: i32) -> (i32, i32) {
    %c0_i32 = arith.constant 0 : i32
    %c0_i32_0 = arith.constant 0 : i32
    %c0_i32_1 = arith.constant 0 : i32
    return %c0_i32, %c0_i32_0 : i32, i32
  }
  func.func @transform_6(%arg0: i32, %arg1: i32) -> (i32, i32) {
    %c0_i32 = arith.constant 0 : i32
    %c0_i32_0 = arith.constant 0 : i32
    %c0_i32_1 = arith.constant 0 : i32
    return %c0_i32, %c0_i32_0 : i32, i32
  }
  func.func @transform_7(%arg0: i32, %arg1: i32) -> (i32, i32) {
    %c0_i32 = arith.constant 0 : i32
    %c0_i32_0 = arith.constant 0 : i32
    %c0_i32_1 = arith.constant 0 : i32
    return %c0_i32, %c0_i32_0 : i32, i32
  }
  func.func @transform_8(%arg0: i32, %arg1: i32) -> (i32, i32) {
    %c0_i32 = arith.constant 0 : i32
    %c0_i32_0 = arith.constant 0 : i32
    %c0_i32_1 = arith.constant 0 : i32
    return %c0_i32, %c0_i32_0 : i32, i32
  }
  func.func @transform_9(%arg0: i32, %arg1: i32) -> (i32, i32) {
    %c0_i32 = arith.constant 0 : i32
    %c0_i32_0 = arith.constant 0 : i32
    %c0_i32_1 = arith.constant 0 : i32
    return %c0_i32, %c0_i32_0 : i32, i32
  }
  func.func @transform_10(%arg0: i32, %arg1: i32) -> (i32, i32) {
    %c0_i32 = arith.constant 0 : i32
    %c0_i32_0 = arith.constant 0 : i32
    %c0_i32_1 = arith.constant 0 : i32
    return %c0_i32, %c0_i32_0 : i32, i32
  }
  func.func @transform_11(%arg0: i32, %arg1: i32) -> (i32, i32) {
    %c0_i32 = arith.constant 0 : i32
    %c0_i32_0 = arith.constant 0 : i32
    %c0_i32_1 = arith.constant 0 : i32
    return %c0_i32, %c0_i32_0 : i32, i32
  }
  func.func @transform_12(%arg0: i32, %arg1: i32) -> (i32, i32) {
    %c0_i32 = arith.constant 0 : i32
    %c0_i32_0 = arith.constant 0 : i32
    %c0_i32_1 = arith.constant 0 : i32
    return %c0_i32, %c0_i32_0 : i32, i32
  }
  func.func @transform_13(%arg0: i32, %arg1: i32) -> (i32, i32) {
    %c0_i32 = arith.constant 0 : i32
    %c0_i32_0 = arith.constant 0 : i32
    %c0_i32_1 = arith.constant 0 : i32
    return %c0_i32, %c0_i32_0 : i32, i32
  }
  func.func @transform_14(%arg0: i32, %arg1: i32) -> (i32, i32) {
    %c0_i32 = arith.constant 0 : i32
    %c0_i32_0 = arith.constant 0 : i32
    %c0_i32_1 = arith.constant 0 : i32
    return %c0_i32, %c0_i32_0 : i32, i32
  }
  func.func @transform_15(%arg0: i32, %arg1: i32) -> (i32, i32, i32) {
    %c0_i32 = arith.constant 0 : i32
    %c0_i32_0 = arith.constant 0 : i32
    return %arg0, %arg1, %c0_i32 : i32, i32, i32
  }
  func.func @transform_16(%arg0: i32, %arg1: i32) -> (i32, i32, i32) {
    %c0_i32 = arith.constant 0 : i32
    %c0_i32_0 = arith.constant 0 : i32
    %c0_i32_1 = arith.constant 0 : i32
    return %arg0, %c0_i32, %c0_i32_0 : i32, i32, i32
  }
}

module attributes {stable_mosaic.version = 14 : i64} {
  func.func @_e4_block1_body(%arg0: i32, %arg1: i32, %arg2: memref<1x512x128xf32, #tpu.memory_space<vmem>>, %arg3: memref<1x512x128xf32, #tpu.memory_space<vmem>>, %arg4: memref<1x1x128xf32, #tpu.memory_space<vmem>>, %arg5: memref<1x1x128xf32, #tpu.memory_space<vmem>>, %arg6: memref<128x256xf32, #tpu.memory_space<vmem>>, %arg7: memref<1x256xf32, #tpu.memory_space<vmem>>, %arg8: memref<1x512x128xf32, #tpu.memory_space<vmem>>, %arg9: memref<1x1x128xf32, #tpu.memory_space<vmem>>) attributes {dimension_semantics = [#tpu.dimension_semantics<arbitrary>, #tpu.dimension_semantics<arbitrary>], iteration_bounds = array<i64: 8, 4>, scalar_prefetch = 0 : i64, scratch_operands = 0 : i64, tpu.core_type = #tpu.core_type<tc>, window_params = [{transform_indices = @transform_0, window_bounds = array<i64: 1, 512, 128>}, {transform_indices = @transform_1, window_bounds = array<i64: 1, 512, 128>}, {transform_indices = @transform_2, window_bounds = array<i64: 1, 1, 128>}, {transform_indices = @transform_3, window_bounds = array<i64: 1, 1, 128>}, {pipeline_mode = #tpu.pipeline_mode<synchronous>, transform_indices = @transform_4, window_bounds = array<i64: 128, 256>}, {pipeline_mode = #tpu.pipeline_mode<synchronous>, transform_indices = @transform_5, window_bounds = array<i64: 1, 256>}, {transform_indices = @transform_6, window_bounds = array<i64: 1, 512, 128>}, {transform_indices = @transform_7, window_bounds = array<i64: 1, 1, 128>}]} {
    %get3A = arith.constant 0 : index
    %get3A_0 = arith.constant 0 : index
    %get3A_1 = arith.constant 0 : index
    %get3A_2 = vector.load %arg2[%get3A, %get3A_0, %get3A_1] : memref<1x512x128xf32, #tpu.memory_space<vmem>>, vector<1x512x128xf32>
    %get3A_3 = vector.shape_cast %get3A_2 : vector<1x512x128xf32> to vector<512x128xf32>
    %get3A_4 = arith.constant 0 : index
    %get3A_5 = arith.constant 0 : index
    %get3A_6 = arith.constant 0 : index
    %get3A_7 = vector.load %arg4[%get3A_4, %get3A_5, %get3A_6] : memref<1x1x128xf32, #tpu.memory_space<vmem>>, vector<1x1x128xf32>
    %get3A_8 = vector.shape_cast %get3A_7 : vector<1x1x128xf32> to vector<1x128xf32>
    %sub3A = vector.broadcast %get3A_8 : vector<1x128xf32> to vector<512x128xf32>
    %sub3A_9 = arith.subf %get3A_3, %sub3A : vector<512x128xf32>
    %get3A_10 = arith.constant 0 : index
    %get3A_11 = arith.constant 0 : index
    %get3A_12 = arith.constant 0 : index
    %get3A_13 = vector.load %arg5[%get3A_10, %get3A_11, %get3A_12] : memref<1x1x128xf32, #tpu.memory_space<vmem>>, vector<1x1x128xf32>
    %get3A_14 = vector.shape_cast %get3A_13 : vector<1x1x128xf32> to vector<1x128xf32>
    %div3A = vector.broadcast %get3A_14 : vector<1x128xf32> to vector<512x128xf32>
    %div3A_15 = arith.divf %sub3A_9, %div3A : vector<512x128xf32>
    %get3A_16 = arith.constant 0 : index
    %get3A_17 = arith.constant 0 : index
    %get3A_18 = arith.constant 0 : index
    %get3A_19 = vector.load %arg3[%get3A_16, %get3A_17, %get3A_18] : memref<1x512x128xf32, #tpu.memory_space<vmem>>, vector<1x512x128xf32>
    %get3A_20 = vector.shape_cast %get3A_19 : vector<1x512x128xf32> to vector<512x128xf32>
    %get3A_21 = arith.constant 0 : index
    %get3A_22 = arith.constant 0 : index
    %get3A_23 = vector.load %arg6[%get3A_21, %get3A_22] : memref<128x256xf32, #tpu.memory_space<vmem>>, vector<128x256xf32>
    %dot_general3A = arith.constant dense<0.000000e+00> : vector<512x256xf32>
    %dot_general3A_24 = tpu.matmul %get3A_20, %get3A_23, %dot_general3A {dimension_numbers = #tpu.dot_dimension_numbers<[1], [0], [0], [1], [0, 0, 1, 1], [], []>, transpose_lhs_hint = false} : vector<512x128xf32>, vector<128x256xf32>, vector<512x256xf32> -> vector<512x256xf32>
    %get3A_25 = arith.constant 0 : index
    %get3A_26 = arith.constant 0 : index
    %get3A_27 = vector.load %arg7[%get3A_25, %get3A_26] : memref<1x256xf32, #tpu.memory_space<vmem>>, vector<1x256xf32>
    %add3A = vector.broadcast %get3A_27 : vector<1x256xf32> to vector<512x256xf32>
    %add3A_28 = arith.addf %dot_general3A_24, %add3A : vector<512x256xf32>
    %slice3A = vector.extract_strided_slice %add3A_28 {offsets = [0, 0], sizes = [512, 128], strides = [1, 1]} : vector<512x256xf32> to vector<512x128xf32>
    %mul3A = arith.mulf %slice3A, %div3A_15 : vector<512x128xf32>
    %slice3A_29 = vector.extract_strided_slice %add3A_28 {offsets = [0, 128], sizes = [512, 128], strides = [1, 1]} : vector<512x256xf32> to vector<512x128xf32>
    %add3A_30 = arith.addf %mul3A, %slice3A_29 : vector<512x128xf32>
    %ge3A = arith.constant 0.000000e+00 : f32
    %ge3A_31 = vector.broadcast %ge3A : f32 to vector<512x128xf32>
    %ge3A_32 = arith.cmpf oge, %add3A_30, %ge3A_31 : vector<512x128xf32>
    %mul3A_33 = arith.constant 2.000000e-01 : f32
    %mul3A_34 = vector.broadcast %mul3A_33 : f32 to vector<512x128xf32>
    %mul3A_35 = arith.mulf %mul3A_34, %add3A_30 : vector<512x128xf32>
    %select_n3A = arith.select %ge3A_32, %add3A_30, %mul3A_35 : vector<512x128xi1>, vector<512x128xf32>
    %swap3A = arith.constant 0 : index
    %swap3A_36 = arith.constant 0 : index
    %swap3A_37 = arith.constant 0 : index
    %swap3A_38 = vector.load %arg8[%swap3A, %swap3A_36, %swap3A_37] : memref<1x512x128xf32, #tpu.memory_space<vmem>>, vector<1x512x128xf32>
    %swap3A_39 = vector.shape_cast %swap3A_38 : vector<1x512x128xf32> to vector<512x128xf32>
    %swap3A_40 = vector.shape_cast %select_n3A : vector<512x128xf32> to vector<1x512x128xf32>
    tpu.vector_store %arg8[%swap3A, %swap3A_36, %swap3A_37], %swap3A_40 {strides = array<i32>} : memref<1x512x128xf32, #tpu.memory_space<vmem>>, vector<1x512x128xf32>,
    %reduce_max3A = arith.constant dense<0xFF800000> : vector<128xf32>
    %reduce_max3A_41 = vector.multi_reduction <maximumf>, %select_n3A, %reduce_max3A [0] : vector<512x128xf32> to vector<128xf32>
    %broadcast_in_dim3A = vector.shape_cast %reduce_max3A_41 : vector<128xf32> to vector<1x128xf32>
    %eq3A = arith.constant 0 : i32
    %eq3A_42 = arith.cmpi eq, %arg1, %eq3A : i32
    %convert_element_type3A = arith.extui %eq3A_42 : i1 to i32
    %cond3A = arith.constant 0 : i32
    %cond3A_43 = arith.cmpi ne, %convert_element_type3A, %cond3A : i32
    scf.if %cond3A_43 {
      %swap3A_48 = arith.constant 0 : index
      %swap3A_49 = arith.constant 0 : index
      %swap3A_50 = arith.constant 0 : index
      %swap3A_51 = vector.load %arg9[%swap3A_48, %swap3A_49, %swap3A_50] : memref<1x1x128xf32, #tpu.memory_space<vmem>>, vector<1x1x128xf32>
      %swap3A_52 = vector.shape_cast %swap3A_51 : vector<1x1x128xf32> to vector<1x128xf32>
      %swap3A_53 = vector.shape_cast %broadcast_in_dim3A : vector<1x128xf32> to vector<1x1x128xf32>
      tpu.vector_store %arg9[%swap3A_48, %swap3A_49, %swap3A_50], %swap3A_53 {strides = array<i32>} : memref<1x1x128xf32, #tpu.memory_space<vmem>>, vector<1x1x128xf32>,
    } else {
    }
    %gt3A = arith.constant 0 : i32
    %gt3A_44 = arith.cmpi sgt, %arg1, %gt3A : i32
    %convert_element_type3A_45 = arith.extui %gt3A_44 : i1 to i32
    %cond3A_46 = arith.constant 0 : i32
    %cond3A_47 = arith.cmpi ne, %convert_element_type3A_45, %cond3A_46 : i32
    scf.if %cond3A_47 {
      %get3A_48 = arith.constant 0 : index
      %get3A_49 = arith.constant 0 : index
      %get3A_50 = arith.constant 0 : index
      %get3A_51 = vector.load %arg9[%get3A_48, %get3A_49, %get3A_50] : memref<1x1x128xf32, #tpu.memory_space<vmem>>, vector<1x1x128xf32>
      %get3A_52 = vector.shape_cast %get3A_51 : vector<1x1x128xf32> to vector<1x128xf32>
      %max3A = arith.maximumf %get3A_52, %broadcast_in_dim3A : vector<1x128xf32>
      %swap3A_53 = arith.constant 0 : index
      %swap3A_54 = arith.constant 0 : index
      %swap3A_55 = arith.constant 0 : index
      %swap3A_56 = vector.load %arg9[%swap3A_53, %swap3A_54, %swap3A_55] : memref<1x1x128xf32, #tpu.memory_space<vmem>>, vector<1x1x128xf32>
      %swap3A_57 = vector.shape_cast %swap3A_56 : vector<1x1x128xf32> to vector<1x128xf32>
      %swap3A_58 = vector.shape_cast %max3A : vector<1x128xf32> to vector<1x1x128xf32>
      tpu.vector_store %arg9[%swap3A_53, %swap3A_54, %swap3A_55], %swap3A_58 {strides = array<i32>} : memref<1x1x128xf32, #tpu.memory_space<vmem>>, vector<1x1x128xf32>,
    } else {
    }
    return
  }
  func.func @transform_0(%arg0: i32, %arg1: i32) -> (i32, i32, i32) {
    %c0_i32 = arith.constant 0 : i32
    %c0_i32_0 = arith.constant 0 : i32
    return %arg0, %arg1, %c0_i32 : i32, i32, i32
  }
  func.func @transform_1(%arg0: i32, %arg1: i32) -> (i32, i32, i32) {
    %c0_i32 = arith.constant 0 : i32
    %c0_i32_0 = arith.constant 0 : i32
    return %arg0, %arg1, %c0_i32 : i32, i32, i32
  }
  func.func @transform_2(%arg0: i32, %arg1: i32) -> (i32, i32, i32) {
    %c0_i32 = arith.constant 0 : i32
    %c0_i32_0 = arith.constant 0 : i32
    %c0_i32_1 = arith.constant 0 : i32
    return %arg0, %c0_i32, %c0_i32_0 : i32, i32, i32
  }
  func.func @transform_3(%arg0: i32, %arg1: i32) -> (i32, i32, i32) {
    %c0_i32 = arith.constant 0 : i32
    %c0_i32_0 = arith.constant 0 : i32
    %c0_i32_1 = arith.constant 0 : i32
    return %arg0, %c0_i32, %c0_i32_0 : i32, i32, i32
  }
  func.func @transform_4(%arg0: i32, %arg1: i32) -> (i32, i32) {
    %c0_i32 = arith.constant 0 : i32
    %c0_i32_0 = arith.constant 0 : i32
    %c0_i32_1 = arith.constant 0 : i32
    return %c0_i32, %c0_i32_0 : i32, i32
  }
  func.func @transform_5(%arg0: i32, %arg1: i32) -> (i32, i32) {
    %c0_i32 = arith.constant 0 : i32
    %c0_i32_0 = arith.constant 0 : i32
    %c0_i32_1 = arith.constant 0 : i32
    return %c0_i32, %c0_i32_0 : i32, i32
  }
  func.func @transform_6(%arg0: i32, %arg1: i32) -> (i32, i32, i32) {
    %c0_i32 = arith.constant 0 : i32
    %c0_i32_0 = arith.constant 0 : i32
    return %arg0, %arg1, %c0_i32 : i32, i32, i32
  }
  func.func @transform_7(%arg0: i32, %arg1: i32) -> (i32, i32, i32) {
    %c0_i32 = arith.constant 0 : i32
    %c0_i32_0 = arith.constant 0 : i32
    %c0_i32_1 = arith.constant 0 : i32
    return %arg0, %c0_i32, %c0_i32_0 : i32, i32, i32
  }
}

module attributes {stable_mosaic.version = 14 : i64} {
  func.func @_g_body(%arg0: i32, %arg1: memref<8x128xf32, #tpu.memory_space<vmem>>, %arg2: memref<128x128xf32, #tpu.memory_space<vmem>>, %arg3: memref<1x128xf32, #tpu.memory_space<vmem>>, %arg4: memref<1x128xf32, #tpu.memory_space<vmem>>, %arg5: memref<1x128xf32, #tpu.memory_space<vmem>>, %arg6: memref<128x512xf32, #tpu.memory_space<vmem>>, %arg7: memref<1x512xf32, #tpu.memory_space<vmem>>, %arg8: memref<1x512xf32, #tpu.memory_space<vmem>>, %arg9: memref<1x512xf32, #tpu.memory_space<vmem>>, %arg10: memref<8x512xf32, #tpu.memory_space<vmem>>) attributes {dimension_semantics = [#tpu.dimension_semantics<arbitrary>], iteration_bounds = array<i64: 1>, scalar_prefetch = 0 : i64, scratch_operands = 0 : i64, tpu.core_type = #tpu.core_type<tc>, window_params = [{pipeline_mode = #tpu.pipeline_mode<synchronous>, transform_indices = @transform_0, window_bounds = array<i64: 8, 128>}, {pipeline_mode = #tpu.pipeline_mode<synchronous>, transform_indices = @transform_1, window_bounds = array<i64: 128, 128>}, {pipeline_mode = #tpu.pipeline_mode<synchronous>, transform_indices = @transform_2, window_bounds = array<i64: 1, 128>}, {pipeline_mode = #tpu.pipeline_mode<synchronous>, transform_indices = @transform_3, window_bounds = array<i64: 1, 128>}, {pipeline_mode = #tpu.pipeline_mode<synchronous>, transform_indices = @transform_4, window_bounds = array<i64: 1, 128>}, {pipeline_mode = #tpu.pipeline_mode<synchronous>, transform_indices = @transform_5, window_bounds = array<i64: 128, 512>}, {pipeline_mode = #tpu.pipeline_mode<synchronous>, transform_indices = @transform_6, window_bounds = array<i64: 1, 512>}, {pipeline_mode = #tpu.pipeline_mode<synchronous>, transform_indices = @transform_7, window_bounds = array<i64: 1, 512>}, {pipeline_mode = #tpu.pipeline_mode<synchronous>, transform_indices = @transform_8, window_bounds = array<i64: 1, 512>}, {pipeline_mode = #tpu.pipeline_mode<synchronous>, transform_indices = @transform_9, window_bounds = array<i64: 8, 512>}]} {
    %get3A = arith.constant 0 : index
    %get3A_0 = arith.constant 0 : index
    %get3A_1 = vector.load %arg1[%get3A, %get3A_0] : memref<8x128xf32, #tpu.memory_space<vmem>>, vector<8x128xf32>
    %get3A_2 = arith.constant 0 : index
    %get3A_3 = arith.constant 0 : index
    %get3A_4 = vector.load %arg2[%get3A_2, %get3A_3] : memref<128x128xf32, #tpu.memory_space<vmem>>, vector<128x128xf32>
    %dot_general3A = arith.constant dense<0.000000e+00> : vector<8x128xf32>
    %dot_general3A_5 = tpu.matmul %get3A_1, %get3A_4, %dot_general3A {dimension_numbers = #tpu.dot_dimension_numbers<[1], [0], [0], [1], [0, 0, 1, 1], [], []>, transpose_lhs_hint = false} : vector<8x128xf32>, vector<128x128xf32>, vector<8x128xf32> -> vector<8x128xf32>
    %get3A_6 = arith.constant 0 : index
    %get3A_7 = arith.constant 0 : index
    %get3A_8 = vector.load %arg3[%get3A_6, %get3A_7] : memref<1x128xf32, #tpu.memory_space<vmem>>, vector<1x128xf32>
    %add3A = vector.broadcast %get3A_8 : vector<1x128xf32> to vector<8x128xf32>
    %add3A_9 = arith.addf %dot_general3A_5, %add3A : vector<8x128xf32>
    %reduce_sum3A = arith.constant dense<0.000000e+00> : vector<128xf32>
    %reduce_sum3A_10 = vector.multi_reduction <add>, %add3A_9, %reduce_sum3A [0] : vector<8x128xf32> to vector<128xf32>
    %broadcast_in_dim3A = vector.shape_cast %reduce_sum3A_10 : vector<128xf32> to vector<1x128xf32>
    %div3A = arith.constant 8.000000e+00 : f32
    %div3A_11 = vector.broadcast %div3A : f32 to vector<1x128xf32>
    %div3A_12 = arith.divf %broadcast_in_dim3A, %div3A_11 : vector<1x128xf32>
    %sub3A = vector.broadcast %div3A_12 : vector<1x128xf32> to vector<8x128xf32>
    %sub3A_13 = arith.subf %add3A_9, %sub3A : vector<8x128xf32>
    %sub3A_14 = vector.broadcast %div3A_12 : vector<1x128xf32> to vector<8x128xf32>
    %sub3A_15 = arith.subf %add3A_9, %sub3A_14 : vector<8x128xf32>
    %mul3A = arith.mulf %sub3A_13, %sub3A_15 : vector<8x128xf32>
    %reduce_sum3A_16 = arith.constant dense<0.000000e+00> : vector<128xf32>
    %reduce_sum3A_17 = vector.multi_reduction <add>, %mul3A, %reduce_sum3A_16 [0] : vector<8x128xf32> to vector<128xf32>
    %broadcast_in_dim3A_18 = vector.shape_cast %reduce_sum3A_17 : vector<128xf32> to vector<1x128xf32>
    %div3A_19 = arith.constant 8.000000e+00 : f32
    %div3A_20 = vector.broadcast %div3A_19 : f32 to vector<1x128xf32>
    %div3A_21 = arith.divf %broadcast_in_dim3A_18, %div3A_20 : vector<1x128xf32>
    %get3A_22 = arith.constant 0 : index
    %get3A_23 = arith.constant 0 : index
    %get3A_24 = vector.load %arg4[%get3A_22, %get3A_23] : memref<1x128xf32, #tpu.memory_space<vmem>>, vector<1x128xf32>
    %sub3A_25 = vector.broadcast %div3A_12 : vector<1x128xf32> to vector<8x128xf32>
    %sub3A_26 = arith.subf %add3A_9, %sub3A_25 : vector<8x128xf32>
    %mul3A_27 = vector.broadcast %get3A_24 : vector<1x128xf32> to vector<8x128xf32>
    %mul3A_28 = arith.mulf %mul3A_27, %sub3A_26 : vector<8x128xf32>
    %add3A_29 = arith.constant 9.99999974E-6 : f32
    %add3A_30 = vector.broadcast %add3A_29 : f32 to vector<1x128xf32>
    %add3A_31 = arith.addf %div3A_21, %add3A_30 : vector<1x128xf32>
    %sqrt3A = math.sqrt %add3A_31 : vector<1x128xf32>
    %div3A_32 = vector.broadcast %sqrt3A : vector<1x128xf32> to vector<8x128xf32>
    %div3A_33 = arith.divf %mul3A_28, %div3A_32 : vector<8x128xf32>
    %get3A_34 = arith.constant 0 : index
    %get3A_35 = arith.constant 0 : index
    %get3A_36 = vector.load %arg5[%get3A_34, %get3A_35] : memref<1x128xf32, #tpu.memory_space<vmem>>, vector<1x128xf32>
    %add3A_37 = vector.broadcast %get3A_36 : vector<1x128xf32> to vector<8x128xf32>
    %add3A_38 = arith.addf %div3A_33, %add3A_37 : vector<8x128xf32>
    %ge3A = arith.constant 0.000000e+00 : f32
    %ge3A_39 = vector.broadcast %ge3A : f32 to vector<8x128xf32>
    %ge3A_40 = arith.cmpf oge, %add3A_38, %ge3A_39 : vector<8x128xf32>
    %mul3A_41 = arith.constant 0.00999999977 : f32
    %mul3A_42 = vector.broadcast %mul3A_41 : f32 to vector<8x128xf32>
    %mul3A_43 = arith.mulf %mul3A_42, %add3A_38 : vector<8x128xf32>
    %select_n3A = arith.select %ge3A_40, %add3A_38, %mul3A_43 : vector<8x128xi1>, vector<8x128xf32>
    %get3A_44 = arith.constant 0 : index
    %get3A_45 = arith.constant 0 : index
    %get3A_46 = vector.load %arg6[%get3A_44, %get3A_45] : memref<128x512xf32, #tpu.memory_space<vmem>>, vector<128x512xf32>
    %dot_general3A_47 = arith.constant dense<0.000000e+00> : vector<8x512xf32>
    %dot_general3A_48 = tpu.matmul %select_n3A, %get3A_46, %dot_general3A_47 {dimension_numbers = #tpu.dot_dimension_numbers<[1], [0], [0], [1], [0, 0, 1, 1], [], []>, transpose_lhs_hint = false} : vector<8x128xf32>, vector<128x512xf32>, vector<8x512xf32> -> vector<8x512xf32>
    %get3A_49 = arith.constant 0 : index
    %get3A_50 = arith.constant 0 : index
    %get3A_51 = vector.load %arg7[%get3A_49, %get3A_50] : memref<1x512xf32, #tpu.memory_space<vmem>>, vector<1x512xf32>
    %add3A_52 = vector.broadcast %get3A_51 : vector<1x512xf32> to vector<8x512xf32>
    %add3A_53 = arith.addf %dot_general3A_48, %add3A_52 : vector<8x512xf32>
    %reduce_sum3A_54 = arith.constant dense<0.000000e+00> : vector<512xf32>
    %reduce_sum3A_55 = vector.multi_reduction <add>, %add3A_53, %reduce_sum3A_54 [0] : vector<8x512xf32> to vector<512xf32>
    %broadcast_in_dim3A_56 = vector.shape_cast %reduce_sum3A_55 : vector<512xf32> to vector<1x512xf32>
    %div3A_57 = arith.constant 8.000000e+00 : f32
    %div3A_58 = vector.broadcast %div3A_57 : f32 to vector<1x512xf32>
    %div3A_59 = arith.divf %broadcast_in_dim3A_56, %div3A_58 : vector<1x512xf32>
    %sub3A_60 = vector.broadcast %div3A_59 : vector<1x512xf32> to vector<8x512xf32>
    %sub3A_61 = arith.subf %add3A_53, %sub3A_60 : vector<8x512xf32>
    %sub3A_62 = vector.broadcast %div3A_59 : vector<1x512xf32> to vector<8x512xf32>
    %sub3A_63 = arith.subf %add3A_53, %sub3A_62 : vector<8x512xf32>
    %mul3A_64 = arith.mulf %sub3A_61, %sub3A_63 : vector<8x512xf32>
    %reduce_sum3A_65 = arith.constant dense<0.000000e+00> : vector<512xf32>
    %reduce_sum3A_66 = vector.multi_reduction <add>, %mul3A_64, %reduce_sum3A_65 [0] : vector<8x512xf32> to vector<512xf32>
    %broadcast_in_dim3A_67 = vector.shape_cast %reduce_sum3A_66 : vector<512xf32> to vector<1x512xf32>
    %div3A_68 = arith.constant 8.000000e+00 : f32
    %div3A_69 = vector.broadcast %div3A_68 : f32 to vector<1x512xf32>
    %div3A_70 = arith.divf %broadcast_in_dim3A_67, %div3A_69 : vector<1x512xf32>
    %get3A_71 = arith.constant 0 : index
    %get3A_72 = arith.constant 0 : index
    %get3A_73 = vector.load %arg8[%get3A_71, %get3A_72] : memref<1x512xf32, #tpu.memory_space<vmem>>, vector<1x512xf32>
    %sub3A_74 = vector.broadcast %div3A_59 : vector<1x512xf32> to vector<8x512xf32>
    %sub3A_75 = arith.subf %add3A_53, %sub3A_74 : vector<8x512xf32>
    %mul3A_76 = vector.broadcast %get3A_73 : vector<1x512xf32> to vector<8x512xf32>
    %mul3A_77 = arith.mulf %mul3A_76, %sub3A_75 : vector<8x512xf32>
    %add3A_78 = arith.constant 9.99999974E-6 : f32
    %add3A_79 = vector.broadcast %add3A_78 : f32 to vector<1x512xf32>
    %add3A_80 = arith.addf %div3A_70, %add3A_79 : vector<1x512xf32>
    %sqrt3A_81 = math.sqrt %add3A_80 : vector<1x512xf32>
    %div3A_82 = vector.broadcast %sqrt3A_81 : vector<1x512xf32> to vector<8x512xf32>
    %div3A_83 = arith.divf %mul3A_77, %div3A_82 : vector<8x512xf32>
    %get3A_84 = arith.constant 0 : index
    %get3A_85 = arith.constant 0 : index
    %get3A_86 = vector.load %arg9[%get3A_84, %get3A_85] : memref<1x512xf32, #tpu.memory_space<vmem>>, vector<1x512xf32>
    %add3A_87 = vector.broadcast %get3A_86 : vector<1x512xf32> to vector<8x512xf32>
    %add3A_88 = arith.addf %div3A_83, %add3A_87 : vector<8x512xf32>
    %ge3A_89 = arith.constant 0.000000e+00 : f32
    %ge3A_90 = vector.broadcast %ge3A_89 : f32 to vector<8x512xf32>
    %ge3A_91 = arith.cmpf oge, %add3A_88, %ge3A_90 : vector<8x512xf32>
    %mul3A_92 = arith.constant 0.00999999977 : f32
    %mul3A_93 = vector.broadcast %mul3A_92 : f32 to vector<8x512xf32>
    %mul3A_94 = arith.mulf %mul3A_93, %add3A_88 : vector<8x512xf32>
    %select_n3A_95 = arith.select %ge3A_91, %add3A_88, %mul3A_94 : vector<8x512xi1>, vector<8x512xf32>
    %swap3A = arith.constant 0 : index
    %swap3A_96 = arith.constant 0 : index
    %swap3A_97 = vector.load %arg10[%swap3A, %swap3A_96] : memref<8x512xf32, #tpu.memory_space<vmem>>, vector<8x512xf32>
    tpu.vector_store %arg10[%swap3A, %swap3A_96], %select_n3A_95 {strides = array<i32>} : memref<8x512xf32, #tpu.memory_space<vmem>>, vector<8x512xf32>,
    return
  }
  func.func @transform_0(%arg0: i32) -> (i32, i32) {
    %c0_i32 = arith.constant 0 : i32
    %c0_i32_0 = arith.constant 0 : i32
    %c0_i32_1 = arith.constant 0 : i32
    return %c0_i32, %c0_i32_0 : i32, i32
  }
  func.func @transform_1(%arg0: i32) -> (i32, i32) {
    %c0_i32 = arith.constant 0 : i32
    %c0_i32_0 = arith.constant 0 : i32
    %c0_i32_1 = arith.constant 0 : i32
    return %c0_i32, %c0_i32_0 : i32, i32
  }
  func.func @transform_2(%arg0: i32) -> (i32, i32) {
    %c0_i32 = arith.constant 0 : i32
    %c0_i32_0 = arith.constant 0 : i32
    %c0_i32_1 = arith.constant 0 : i32
    return %c0_i32, %c0_i32_0 : i32, i32
  }
  func.func @transform_3(%arg0: i32) -> (i32, i32) {
    %c0_i32 = arith.constant 0 : i32
    %c0_i32_0 = arith.constant 0 : i32
    %c0_i32_1 = arith.constant 0 : i32
    return %c0_i32, %c0_i32_0 : i32, i32
  }
  func.func @transform_4(%arg0: i32) -> (i32, i32) {
    %c0_i32 = arith.constant 0 : i32
    %c0_i32_0 = arith.constant 0 : i32
    %c0_i32_1 = arith.constant 0 : i32
    return %c0_i32, %c0_i32_0 : i32, i32
  }
  func.func @transform_5(%arg0: i32) -> (i32, i32) {
    %c0_i32 = arith.constant 0 : i32
    %c0_i32_0 = arith.constant 0 : i32
    %c0_i32_1 = arith.constant 0 : i32
    return %c0_i32, %c0_i32_0 : i32, i32
  }
  func.func @transform_6(%arg0: i32) -> (i32, i32) {
    %c0_i32 = arith.constant 0 : i32
    %c0_i32_0 = arith.constant 0 : i32
    %c0_i32_1 = arith.constant 0 : i32
    return %c0_i32, %c0_i32_0 : i32, i32
  }
  func.func @transform_7(%arg0: i32) -> (i32, i32) {
    %c0_i32 = arith.constant 0 : i32
    %c0_i32_0 = arith.constant 0 : i32
    %c0_i32_1 = arith.constant 0 : i32
    return %c0_i32, %c0_i32_0 : i32, i32
  }
  func.func @transform_8(%arg0: i32) -> (i32, i32) {
    %c0_i32 = arith.constant 0 : i32
    %c0_i32_0 = arith.constant 0 : i32
    %c0_i32_1 = arith.constant 0 : i32
    return %c0_i32, %c0_i32_0 : i32, i32
  }
  func.func @transform_9(%arg0: i32) -> (i32, i32) {
    %c0_i32 = arith.constant 0 : i32
    %c0_i32_0 = arith.constant 0 : i32
    %c0_i32_1 = arith.constant 0 : i32
    return %c0_i32, %c0_i32_0 : i32, i32
  }
}

module attributes {stable_mosaic.version = 14 : i64} {
  func.func @_asm_body(%arg0: i32, %arg1: i32, %arg2: memref<1x1x512xf32, #tpu.memory_space<vmem>>, %arg3: memref<1x512x128xf32, #tpu.memory_space<vmem>>, %arg4: memref<1x512x640xf32, #tpu.memory_space<vmem>>) attributes {dimension_semantics = [#tpu.dimension_semantics<arbitrary>, #tpu.dimension_semantics<arbitrary>], iteration_bounds = array<i64: 8, 4>, scalar_prefetch = 0 : i64, scratch_operands = 0 : i64, tpu.core_type = #tpu.core_type<tc>, window_params = [{transform_indices = @transform_0, window_bounds = array<i64: 1, 1, 512>}, {transform_indices = @transform_1, window_bounds = array<i64: 1, 512, 128>}, {transform_indices = @transform_2, window_bounds = array<i64: 1, 512, 640>}]} {
    %get3A = arith.constant 0 : index
    %get3A_0 = arith.constant 0 : index
    %get3A_1 = arith.constant 0 : index
    %get3A_2 = vector.load %arg2[%get3A, %get3A_0, %get3A_1] : memref<1x1x512xf32, #tpu.memory_space<vmem>>, vector<1x1x512xf32>
    %get3A_3 = vector.shape_cast %get3A_2 : vector<1x1x512xf32> to vector<1x512xf32>
    %broadcast_in_dim3A = vector.shape_cast %get3A_3 : vector<1x512xf32> to vector<1x512xf32>
    %broadcast_in_dim3A_4 = vector.broadcast %broadcast_in_dim3A : vector<1x512xf32> to vector<512x512xf32>
    %swap3A = arith.constant 0 : index
    %swap3A_5 = arith.constant 0 : index
    %swap3A_6 = arith.constant 0 : index
    %swap3A_7 = vector.load %arg4[%swap3A, %swap3A_5, %swap3A_6] : memref<1x512x640xf32, #tpu.memory_space<vmem>>, vector<1x512x512xf32>
    %swap3A_8 = vector.shape_cast %swap3A_7 : vector<1x512x512xf32> to vector<512x512xf32>
    %swap3A_9 = vector.shape_cast %broadcast_in_dim3A_4 : vector<512x512xf32> to vector<1x512x512xf32>
    tpu.vector_store %arg4[%swap3A, %swap3A_5, %swap3A_6], %swap3A_9 {strides = array<i32>} : memref<1x512x640xf32, #tpu.memory_space<vmem>>, vector<1x512x512xf32>,
    %get3A_10 = arith.constant 0 : index
    %get3A_11 = arith.constant 0 : index
    %get3A_12 = arith.constant 0 : index
    %get3A_13 = vector.load %arg3[%get3A_10, %get3A_11, %get3A_12] : memref<1x512x128xf32, #tpu.memory_space<vmem>>, vector<1x512x128xf32>
    %get3A_14 = vector.shape_cast %get3A_13 : vector<1x512x128xf32> to vector<512x128xf32>
    %swap3A_15 = arith.constant 0 : index
    %swap3A_16 = arith.constant 0 : index
    %swap3A_17 = arith.constant 512 : index
    %swap3A_18 = vector.load %arg4[%swap3A_15, %swap3A_16, %swap3A_17] : memref<1x512x640xf32, #tpu.memory_space<vmem>>, vector<1x512x128xf32>
    %swap3A_19 = vector.shape_cast %swap3A_18 : vector<1x512x128xf32> to vector<512x128xf32>
    %swap3A_20 = vector.shape_cast %get3A_14 : vector<512x128xf32> to vector<1x512x128xf32>
    tpu.vector_store %arg4[%swap3A_15, %swap3A_16, %swap3A_17], %swap3A_20 {strides = array<i32>} : memref<1x512x640xf32, #tpu.memory_space<vmem>>, vector<1x512x128xf32>,
    return
  }
  func.func @transform_0(%arg0: i32, %arg1: i32) -> (i32, i32, i32) {
    %c0_i32 = arith.constant 0 : i32
    %c0_i32_0 = arith.constant 0 : i32
    %c0_i32_1 = arith.constant 0 : i32
    return %arg0, %c0_i32, %c0_i32_0 : i32, i32, i32
  }
  func.func @transform_1(%arg0: i32, %arg1: i32) -> (i32, i32, i32) {
    %c0_i32 = arith.constant 0 : i32
    %c0_i32_0 = arith.constant 0 : i32
    return %arg0, %arg1, %c0_i32 : i32, i32, i32
  }
  func.func @transform_2(%arg0: i32, %arg1: i32) -> (i32, i32, i32) {
    %c0_i32 = arith.constant 0 : i32
    %c0_i32_0 = arith.constant 0 : i32
    return %arg0, %arg1, %c0_i32 : i32, i32, i32
  }
}

</mosaic_0001>

<sc_bundles>
// kernel: kernel.23.cloned.1.call-start
scs
__scs_entry_jumppad:
0x0: {  	(pc) =	sbr.rel $0x88, $3  }
0x1: {  	(tag) =	ssettag $0x0;
	lr =	simm.s32 $0x1  }
0x2: {  	[smem:$0x3F73] =	sst lr;
	_ =	strace $0xD0000000  }
0x3: {  	_ = 	snop  }
0x4: {  	_ = 	snop  }
0x5: {  	_ = 	snop  }
0x6: {  	_ = 	snop  }
0x7: {  	_ = 	snop  }
__scs_overlays_trampoline_lowered:
0x8: {  	[smem:$0x3F82] =	sst s0  }
0x9: {  	[smem:$0x3F83] =	sst s1  }
0xa: {  	[smem:$0x3F84] =	sst s2  }
0xb: {  	[smem:$0x3F85] =	sst s3  }
0xc: {  	[smem:$0x3F86] =	sst s4  }
0xd: {  	[smem:$0x3F87] =	sst s5  }
0xe: {  	[smem:$0x3F88] =	sst s6  }
0xf: {  	[smem:$0x3F89] =	sst s7  }
0x10: {  	[smem:$0x3F8A] =	sst s8  }
0x11: {  	[smem:$0x3F8B] =	sst s9;
	s0 =	simm.s32 @!p0 $0x0  }
0x12: {  	s1 =	sld [smem:$0x3F71];
	s0 =	simm.s32 @p0 $0x1  }
0x13: {  	[smem:$0x3F8C] =	sst s0;
	s0 =	simm.s32 @!p1 $0x0  }
0x14: {  	s2 =	sld [smem:$0x3F70];
	s0 =	simm.s32 @p1 $0x1  }
0x15: {  	[smem:$0x3F8D] =	sst s0;
	s0 =	simm.s32 @!p2 $0x0  }
0x16: {  	s3 =	sld [smem:$0x3FDB];
	s0 =	simm.s32 @p2 $0x1  }
0x17: {  	s4 =	simm.s32 $0x1BF5;
	[smem:$0x3F8F] =	sst s0  }
0x18: {  	s0 =	sld [smem:$0x3F72];
	_ =	swait.ge [sflag:s4], $0x0  }
0x19: {  	s7 =	sld [smem:$0x3F73]  }
0x1a: {  	s8 =	sadd.s32 $0xFFFFE003, lr  }
0x1b: {  	s9 =	sadd.s32 $0xFFFFFEF7, lr;
	s5 =	simm.s32 $0xFFFFFFFF;
	p2 =	slt.u32 s8, $0xFFFFF086  }
0x1c: {  	p1 =	slt.u32 s9, $0xF7A;
	s5 =	simm.s32 @!p2 $0x0  }
0x1d: {  	s5 =	simm.s32 @p1 $0x1;
	p0 =	seq.s32 s7, s2  }
0x1e: {  	s7 =	smul.u32 @!p0 $0xF7A, s2;
	p2 =	seq.s32 @!p0 s5, $0x0  }
0x1f: {  	s9 =	smul.u32 $0xF7A, s1;
	s8 =	simm.s32 @!p0 $0x1BF5;
	p2 =	por !p2, p0  }
0x20: {  	[sflag:s8] =	ssyncset.s32 @!p0 $0xFFFFF086;
	s6 =	sadd.s32 @!p0 s3, s7;
	s7 =	simm.s32 @!p0 $0x108  }
0x21: {  	s3 =	sadd.s32 s3, s9;
	s6 =	sadd.s32 @!p0 $0x88, s6;
	s7 =	simm.s32 @p2 $0x1082  }
0x22: {  	[simem:s7], [sflag:s8] =	dma.local @!p0 [hbm:s6], $0xF7A  }
0x23: {  	s9 =	sor.u32 $0xD0000000, s2;
	s6 =	simm.s32 $0x108;
	_ =	swait.ge @!p0 [sflag:s8], $0x0  }
0x24: {  	s3 =	sadd.s32 $0x88, s3;
	s6 =	simm.s32 @!p1 $0x1082;
	[sflag:s4] =	ssyncset.s32 $0xFFFFF086  }
0x25: {  	[simem:s6], [sflag:s4] =	dma.local [hbm:s3], $0xF7A  }
0x26: {  	[smem:$0x3F73] =	sst s1;
	(tag) =	ssettag s2;
	_ =	strace s9  }
0x27: {  	s1 =	sld [smem:$0x3F83]  }
0x28: {  	s2 =	sld [smem:$0x3F84]  }
0x29: {  	s4 =	sld [smem:$0x3F86]  }
0x2a: {  	p0 =	seq.s32 s5, $0x0;
	s5 =	sld [smem:$0x3F87]  }
0x2b: {  	s6 =	sld [smem:$0x3F88]  }
0x2c: {  	s7 =	sld [smem:$0x3F89]  }
0x2d: {  	s3 =	simm.s32 $0x108;
	s8 =	sld [smem:$0x3F8A]  }
0x2e: {  	s3 =	simm.s32 @!p0 $0x1082;
	s9 =	sld [smem:$0x3F8B]  }
0x2f: {  	lr =	sadd.s32 s0, s3;
	s0 =	sld [smem:$0x3F82]  }
0x30: {  	s3 =	sld [smem:$0x3F85]  }
0x31: {  	[smem:$0x3F8E] =	sst s10  }
0x32: {  	s10 =	sld [smem:$0x3F8C];
	_ =	sdelay $0x3  }
0x33: {  	p0 =	seq.s32 s10, $0x1;
	s10 =	sld [smem:$0x3F8E];
	_ =	sdelay $0x3  }
0x34: {  	[smem:$0x3F8E] =	sst s10  }
0x35: {  	s10 =	sld [smem:$0x3F8D];
	_ =	sdelay $0x3  }
0x36: {  	p1 =	seq.s32 s10, $0x1;
	s10 =	sld [smem:$0x3F8E];
	_ =	sdelay $0x3  }
0x37: {  	[smem:$0x3F8E] =	sst s10  }
0x38: {  	s10 =	sld [smem:$0x3F8F]  }
0x39: {  	_ = 	snop;
	(pc) =	sbr.ind lr, $3  }
0x3a: {  	_ = 	snop  }
0x3b: {  	_ = 	snop  }
0x3c: {  	p2 =	seq.s32 s10, $0x1;
	s10 =	sld [smem:$0x3F8E]  }
0x3d: {  	_ =	shalt  }
0x3e: {  	_ =	shalt  }
0x3f: {  	_ =	shalt  }
0x40: {  	_ =	shalt  }
0x41: {  	_ =	shalt  }
0x42: {  	_ =	shalt  }
0x43: {  	_ =	shalt  }
0x44: {  	_ =	shalt  }
0x45: {  	_ =	shalt  }
0x46: {  	_ =	shalt  }
0x47: {  	_ =	shalt  }
0x48: {  	_ =	shalt  }
0x49: {  	_ =	shalt  }
0x4a: {  	_ =	shalt  }
0x4b: {  	_ =	shalt  }
0x4c: {  	_ =	shalt  }
0x4d: {  	_ =	shalt  }
0x4e: {  	_ =	shalt  }
0x4f: {  	_ =	shalt  }
0x50: {  	_ =	shalt  }
0x51: {  	_ =	shalt  }
0x52: {  	_ =	shalt  }
0x53: {  	_ =	shalt  }
0x54: {  	_ =	shalt  }
0x55: {  	_ =	shalt  }
0x56: {  	_ =	shalt  }
0x57: {  	_ =	shalt  }
0x58: {  	_ =	shalt  }
0x59: {  	_ =	shalt  }
0x5a: {  	_ =	shalt  }
0x5b: {  	_ =	shalt  }
0x5c: {  	_ =	shalt  }
0x5d: {  	_ =	shalt  }
0x5e: {  	_ =	shalt  }
0x5f: {  	_ =	shalt  }
0x60: {  	_ =	shalt  }
0x61: {  	_ =	shalt  }
0x62: {  	_ =	shalt  }
0x63: {  	_ =	shalt  }
0x64: {  	_ =	shalt  }
0x65: {  	_ =	shalt  }
0x66: {  	_ =	shalt  }
0x67: {  	_ =	shalt  }
0x68: {  	_ =	shalt  }
0x69: {  	_ =	shalt  }
0x6a: {  	_ =	shalt  }
0x6b: {  	_ =	shalt  }
0x6c: {  	_ =	shalt  }
0x6d: {  	_ =	shalt  }
0x6e: {  	_ =	shalt  }
0x6f: {  	_ =	shalt  }
0x70: {  	_ =	shalt  }
0x71: {  	_ =	shalt  }
0x72: {  	_ =	shalt  }
0x73: {  	_ =	shalt  }
0x74: {  	_ =	shalt  }
0x75: {  	_ =	shalt  }
0x76: {  	_ =	shalt  }
0x77: {  	_ =	shalt  }
0x78: {  	_ =	shalt  }
0x79: {  	_ =	shalt  }
0x7a: {  	_ =	shalt  }
0x7b: {  	_ =	shalt  }
0x7c: {  	_ =	shalt  }
0x7d: {  	_ =	shalt  }
0x7e: {  	_ =	shalt  }
0x7f: {  	_ =	shalt  }
0x80: {  	_ =	shalt  }
0x81: {  	_ =	shalt  }
0x82: {  	_ =	shalt  }
0x83: {  	_ =	shalt  }
0x84: {  	_ =	shalt  }
0x85: {  	_ =	shalt  }
0x86: {  	_ =	shalt  }
0x87: {  	_ =	shalt  }
.Lfunc_end0:
.L_simem_size_0:
called_computation_lowered:
.L_overlay_start_0:
0x88: {  	s2 =	sld [smem:$0x3FD9]  }
0x89: {  	s3 =	sld [smem:$0x3FFE];
	_ =	sdelay $0x1  }
0x8a: {  	s1 =	srdreg.scid  }
0x8b: {  	s0 =	sand.u32 $0x1, s1  }
0x8c: {  	s17 =	sshll.u32 s0, $0xA;
	s2 =	sadd.s32 s3, s2  }
0x8d: {  	s2 =	sadd.s32 s2, s17  }
0x8e: {  	[smem:$0x3F9A] =	sst s2  }
0x8f: {  	_ = 	snop  }
0x90: {  	s2 =	sld [smem:$0x3FD0];
	(tm) =	ssettm $0x1  }
0x91: {  	s18 =	sld [smem:$0x3FFB];
	_ =	sdelay $0x3  }
0x92: {  	_ =	strace s18  }
0x93: {  	s3 =	sld [smem:$0x3FFC];
	_ =	sdelay $0x3  }
0x94: {  	_ =	strace s3  }
0x95: {  	s3 =	sld [smem:$0x3FFD];
	_ =	sdelay $0x3  }
0x96: {  	_ =	strace s3  }
0x97: {  	_ =	strace $0x8FFFFFFF  }
0x98: {  	s19 =	sld [smem:$0x3FDB];
	_ =	sdelay $0x1  }
0x99: {  	s4 =	simm.s32 $_scs_section_size  }
0x9a: {  	s5 =	simm.s32 $_size__tile_overlayer_lowered;
	s6 =	simm.s32 $_tile_overlayer_lowered  }
0x9b: {  	s22 =	simm.s32 $0x1BFF;
	s21 =	sshll.u32 s6, $0x1;
	s3 =	sadd.s32 s4, s19  }
0x9c: {  	s7 =	simm.s32 $0x0;
	s20 =	sshll.u32 s5, $0x1;
	s5 =	sadd.s32 s21, s3  }
0x9d: {  	[timem:s7], [sflag:s22] =	dma.local [hbm:s5], s20  }
0x9e: {  	_ =	swait.ge [sflag:s22], s20  }
0x9f: {  	s4 =	ssub.s32 $0x0, s20;
	[sflag:s22] =	ssyncset.done $0x0  }
0xa0: {  	[sflag:s22] =	ssyncadd.s32 s4;
	_ =	sdelay $0x1  }
0xa1: {  	s23 =	simm.s32 $0x1B8B  }
0xa2: {  	_ =	swait.ge [sflag:s23], $0x1  }
0xa3: {  	[sflag:s23] =	ssyncset.done $0x0  }
0xa4: {  	s25 =	simm.s32 $0x1B8E;
	s24 =	sld [smem:$0x3FFE];
	[sflag:s23] =	ssyncadd.s32 $0xFFFFFFFF  }
0xa5: {  	s26 =	simm.s32 $execute0_lowered;
	[smem:$0x3FD2] =	sst s25  }
0xa6: {  	s5 =	sshll.u32 s26, $0x1;
	_ =	strace $0x80000046;
	[dreg:$0x1] =	wrdreg $0xFFFFFFFF  }
0xa7: {  	s28 =	simm.s32 $_size_execute0_lowered;
	s3 =	sadd.s32 s3, s5;
	[dreg:$0x0] =	wrdreg $0x0  }
0xa8: {  	s5 =	sshll.u32 s28, $0x1;
	[dreg:$0x2] =	wrdreg s3  }
0xa9: {  	[dreg:$0x3] =	wrdreg s5  }
0xaa: {  	[dreg:$0x4] =	wrdreg $0xC0  }
0xab: {  	_ =	task [dreg:s7], $0x5FFFF  }
0xac: {  	[dreg:$0x1] =	wrdreg $0xFFFFFFFF  }
0xad: {  	[dreg:$0x0] =	wrdreg $0x60  }
0xae: {  	[dreg:$0x2] =	wrdreg s2  }
0xaf: {  	[dreg:$0x3] =	wrdreg s24  }
0xb0: {  	[dreg:$0x4] =	wrdreg $0x9  }
0xb1: {  	_ =	task.clear_ibuf [dreg:s7], $0x5FFFF;
	_ =	strace $0x90000046  }
0xb2: {  	s29 =	simm.s32 $0x9;
	_ =	strace $0x80000048  }
0xb3: {  	_ =	swait.ge [sflag:s29], $0x1  }
0xb4: {  	[sflag:s29] =	ssyncadd.s32 $0xFFFFFFFF  }
0xb5: {  	_ =	strace $0x90000048  }
0xb6: {  	_ =	sfence  }
0xb7: {  	s30 =	sld [smem:$0x0];
	_ =	sdelay $0x2  }
0xb8: {  	s31 =	sshll.u32 s1, $0xD;
	s1 =	sshrl.u32 s1, $0x2  }
0xb9: {  	s3 =	sand.u32 $0x4000, s31;
	s1 =	sadd.s32 s1, s30  }
0xba: {  	s0 =	sor.u32 s3, s0;
	s1 =	sshll.u32 s1, $0x11  }
0xbb: {  	s0 =	sor.u32 s1, s0  }
0xbc: {  	s0 =	sadd.s32 $0x8F2B, s0  }
0xbd: {  	[sflag:s0] =	ssyncadd.remote.s32 $0x1  }
0xbe: {  	_ =	sfence.sel $0xFFFF  }
0xbf: {  	[dreg:$0x0] =	wrdreg $0xFFFFFFFF;
	(pc) =	sbr.abs _section_cstart, $3  }
0xc0: {  	[dreg:$0x1] =	wrdreg $0xFFFFFFFF  }
0xc1: {  	_ =	task.clear_ibuf [dreg:s7], $0x2FFFF;
	_ =	strace $0x9FFFFFFF  }
0xc2: {  	(tm) =	ssettm $0x7FFFFFFF  }
0xc3: {  	_ =	shalt  }
tec
execute0_lowered:
.L_overlay_start_1:
0x0: {  	(tag) =	ssettag $0x1  }
0x1: {  	s2 =	rddreg [dreg:$0x0]  }
0x2: {  	s4 =	rddreg [dreg:$0x1]  }
0x3: {  	s0 =	rddreg [dreg:$0x2];
	s1 =	stileid.u32  }
0x4: {  	s5 =	srdreg.scid;
	s3 =	simm.s32 $0x0;
	s6 =	smul.u32 $0x2800, s1  }
0x5: {  	s10 =	simm.s32 $0x0;
	s5 =	sand.u32 $0x1, s5;
	s8 =	smul.u32 $0x28000, s1  }
0x6: {  	[smem:$0x7FF] =	sst s3;
	s7 =	smul.u32 $0x1400, s5;
	s9 =	ssub.s32 $0x2, s5  }
0x7: {  	_ =	strace $0x80000047;
	s5 =	smul.u32 $0x14000, s5;
	s31 =	sshrl.u32 s9, $0x1  }
0x8: {  	s8 =	sadd.s32 s8, s4;
	s6 =	sadd.s32 s7, s6;
	s7 =	ssub.s32 s9, s31  }
0x9: {  	s5 =	sadd.s32 s5, s8;
	s8 =	simm.s32 $0x80;
	s6 =	sshrl.u32 s6, $0x3  }
0xa: {  	s9 =	simm.s32 $0x1;
	s5 =	sadd.s32 $0x4DE00, s5;
	s6 =	sadd.s32 s6, s4  }
0xb: {  	s4 =	smax.u32 s7, $0x1;
	s7 =	simm.s32 $0x2;
	s6 =	sadd.s32 $0x8E00, s6  }
.LBB2_1:
0xc: {  	s11 =	sadd.s32 $0x0, s6  }
0xd: {  	[tilespmem:s3], [sflag:$0x2] =	stream.linear.gather [hbm4b:s11+s3], $0x80, $0x38;
	[tilespmem:$0x4080] =	vst v63  }
0xe: {  	_ =	swait.ge [sflag:s7], $0x80  }
0xf: {  	[sflag:s7] =	ssyncset.done $0x0  }
0x10: {  	[sflag:s7] =	ssyncadd.s32 $0xFFFFFF80  }
0x11: {  	[tilespmem:s8], [sflag:$0x1] =	stream.indirect.gather [hbm4b:s2+s8], $0x80, s3, s8, $0xb8;
	[tilespmem:$0x4080] =	vst v63  }
0x12: {  	_ =	swait.ge [sflag:s9], $0x4000  }
0x13: {  	[sflag:s9] =	ssyncset.done $0x0  }
0x14: {  	[sflag:s9] =	ssyncadd.s32 $0xFFFFC000  }
0x15: {  	[hbm4b:s5+s3] =	stream.linear.scatter [tilespmem:s8], [sflag:$0x2], $0x4000, $0x38;
	[tilespmem:$0x4080] =	vst v63  }
0x16: {  	s12 =	simm.s32 $0x10;
	_ =	swait.ge [sflag:s7], $0x4000  }
0x17: {  	s13 =	simm.s32 $0x20;
	s11 =	sadd.s32 $0x800, s5;
	[sflag:s7] =	ssyncset.done $0x0  }
.LBB2_2:
0x18: {  	s14 =	sadd.s32 s12, s6  }
0x19: {  	[sflag:s7] =	ssyncadd.s32 $0xFFFFC000;
	s12 =	smov.u32 s13;
	s15 =	sadd.s32 $0x10, s13  }
0x1a: {  	[tilespmem:s3], [sflag:$0x2] =	stream.linear.gather [hbm4b:s14+s3], $0x80, $0x38;
	[tilespmem:$0x4080] =	vst v63  }
0x1b: {  	p0 =	sne.s32 s13, $0x270;
	_ =	swait.ge [sflag:s7], $0x80  }
0x1c: {  	[sflag:s7] =	ssyncset.done $0x0  }
0x1d: {  	[sflag:s7] =	ssyncadd.s32 $0xFFFFFF80  }
0x1e: {  	[tilespmem:s8], [sflag:$0x1] =	stream.indirect.gather [hbm4b:s2+s8], $0x80, s3, s8, $0xb8;
	[tilespmem:$0x4080] =	vst v63  }
0x1f: {  	_ =	swait.ge [sflag:s9], $0x4000  }
.Ltmp0:
0x20: {  	[sflag:s9] =	ssyncset.done $0x0;
	(pc) =	sbr.rel @p0 .LBB2_2-.Ltmp0, $4  }
0x21: {  	[sflag:s9] =	ssyncadd.s32 $0xFFFFC000  }
0x22: {  	[hbm4b:s11+s3] =	stream.linear.scatter [tilespmem:s8], [sflag:$0x2], $0x4000, $0x38;
	[tilespmem:$0x4080] =	vst v63  }
0x23: {  	_ =	swait.ge [sflag:s7], $0x4000  }
0x24: {  	s13 =	smov.u32 s15;
	s11 =	sadd.s32 $0x800, s11;
	[sflag:s7] =	ssyncset.done $0x0  }
0x25: {  	s12 =	sadd.s32 s12, s6;
	[sflag:s7] =	ssyncadd.s32 $0xFFFFC000  }
0x26: {  	[tilespmem:s3], [sflag:$0x2] =	stream.linear.gather [hbm4b:s12+s3], $0x80, $0x38;
	[tilespmem:$0x4080] =	vst v63  }
0x27: {  	_ =	swait.ge [sflag:s7], $0x80  }
0x28: {  	[sflag:s7] =	ssyncset.done $0x0  }
0x29: {  	[sflag:s7] =	ssyncadd.s32 $0xFFFFFF80  }
0x2a: {  	[tilespmem:s8], [sflag:$0x1] =	stream.indirect.gather [hbm4b:s2+s8], $0x80, s3, s8, $0xb8;
	[tilespmem:$0x4080] =	vst v63  }
0x2b: {  	s10 =	sadd.s32 $0x1, s10;
	_ =	swait.ge [sflag:s9], $0x4000  }
0x2c: {  	p0 =	sne.s32 s10, s4;
	[sflag:s9] =	ssyncset.done $0x0  }
.Ltmp1:
0x2d: {  	[sflag:s9] =	ssyncadd.s32 $0xFFFFC000;
	(pc) =	sbr.rel @p0 .LBB2_1-.Ltmp1, $4  }
0x2e: {  	[hbm4b:s11+s3] =	stream.linear.scatter [tilespmem:s8], [sflag:$0x2], $0x4000, $0x38;
	[tilespmem:$0x4080] =	vst v63  }
0x2f: {  	_ =	swait.ge [sflag:s7], $0x4000  }
0x30: {  	[sflag:s7] =	ssyncset.done $0x0  }
0x31: {  	[sflag:s7] =	ssyncadd.s32 $0xFFFFC000  }
0x32: {  	_ =	sfence.sel $0x180000  }
0x33: {  	[bflag:$0x0] =	sbarrier.arrive $0xFFFF  }
0x34: {  	p0 =	sne.s32 s1, $0x0;
	_ =	strace $0x90000047  }
0x35: {  	s0 =	sadd.s32 @!p0 $0x100000, s0;
	[bflag:$0x2] =	sbarrier.arrive $0xFFFF  }
0x36: {  	[sflag:s0] =	ssyncadd.tile.s32 @!p0 $0x1;
	_ =	shalt  }
.Lfunc_end2:
_tile_overlayer_lowered:
.L_overlay_start_2:
0x37: {  	(tag) =	ssettag $0x2  }
0x38: {  	s0 =	rddreg [dreg:$0x0];
	s2 =	stileid.u32  }
0x39: {  	s1 =	rddreg [dreg:$0x1];
	p0 =	sne.s32 s2, $0x0  }
0x3a: {  	s3 =	rddreg [dreg:$0x2];
	[bflag:$0x3] =	sbarrier.arrive $0xFFFF;
	s2 =	simm.s32 @!p0 $0x1C02  }
0x3b: {  	[timem:s3], [sflag:s2] =	dma.local @!p0 [hbm:s0], s1  }
0x3c: {  	s0 =	simm.s32 @!p0 $0x2  }
0x3d: {  	_ =	swait.ge @!p0 [sflag:s0], s1  }
0x3e: {  	s1 =	ssub.s32 @!p0 $0x0, s1;
	[sflag:s0] =	ssyncset.done @!p0 $0x0  }
0x3f: {  	[sflag:s0] =	ssyncadd.s32 @!p0 s1  }
0x40: {  	[bflag:$0x3] =	sbarrier.arrive $0xFFFF  }
0x41: {  	_ =	shalt  }

// kernel: kernel.26.cloned.1.call-start
scs
__scs_entry_jumppad:
0x0: {  	(pc) =	sbr.rel $0x88, $3  }
0x1: {  	(tag) =	ssettag $0x0;
	lr =	simm.s32 $0x1  }
0x2: {  	[smem:$0x3F73] =	sst lr;
	_ =	strace $0xD0000000  }
0x3: {  	_ = 	snop  }
0x4: {  	_ = 	snop  }
0x5: {  	_ = 	snop  }
0x6: {  	_ = 	snop  }
0x7: {  	_ = 	snop  }
__scs_overlays_trampoline_lowered:
0x8: {  	[smem:$0x3F82] =	sst s0  }
0x9: {  	[smem:$0x3F83] =	sst s1  }
0xa: {  	[smem:$0x3F84] =	sst s2  }
0xb: {  	[smem:$0x3F85] =	sst s3  }
0xc: {  	[smem:$0x3F86] =	sst s4  }
0xd: {  	[smem:$0x3F87] =	sst s5  }
0xe: {  	[smem:$0x3F88] =	sst s6  }
0xf: {  	[smem:$0x3F89] =	sst s7  }
0x10: {  	[smem:$0x3F8A] =	sst s8  }
0x11: {  	[smem:$0x3F8B] =	sst s9;
	s0 =	simm.s32 @!p0 $0x0  }
0x12: {  	s1 =	sld [smem:$0x3F71];
	s0 =	simm.s32 @p0 $0x1  }
0x13: {  	[smem:$0x3F8C] =	sst s0;
	s0 =	simm.s32 @!p1 $0x0  }
0x14: {  	s2 =	sld [smem:$0x3F70];
	s0 =	simm.s32 @p1 $0x1  }
0x15: {  	[smem:$0x3F8D] =	sst s0;
	s0 =	simm.s32 @!p2 $0x0  }
0x16: {  	s3 =	sld [smem:$0x3FDB];
	s0 =	simm.s32 @p2 $0x1  }
0x17: {  	s4 =	simm.s32 $0x1BF5;
	[smem:$0x3F8F] =	sst s0  }
0x18: {  	s0 =	sld [smem:$0x3F72];
	_ =	swait.ge [sflag:s4], $0x0  }
0x19: {  	s7 =	sld [smem:$0x3F73]  }
0x1a: {  	s8 =	sadd.s32 $0xFFFFE003, lr  }
0x1b: {  	s9 =	sadd.s32 $0xFFFFFEF7, lr;
	s5 =	simm.s32 $0xFFFFFFFF;
	p2 =	slt.u32 s8, $0xFFFFF086  }
0x1c: {  	p1 =	slt.u32 s9, $0xF7A;
	s5 =	simm.s32 @!p2 $0x0  }
0x1d: {  	s5 =	simm.s32 @p1 $0x1;
	p0 =	seq.s32 s7, s2  }
0x1e: {  	s7 =	smul.u32 @!p0 $0xF7A, s2;
	p2 =	seq.s32 @!p0 s5, $0x0  }
0x1f: {  	s9 =	smul.u32 $0xF7A, s1;
	s8 =	simm.s32 @!p0 $0x1BF5;
	p2 =	por !p2, p0  }
0x20: {  	[sflag:s8] =	ssyncset.s32 @!p0 $0xFFFFF086;
	s6 =	sadd.s32 @!p0 s3, s7;
	s7 =	simm.s32 @!p0 $0x108  }
0x21: {  	s3 =	sadd.s32 s3, s9;
	s6 =	sadd.s32 @!p0 $0x88, s6;
	s7 =	simm.s32 @p2 $0x1082  }
0x22: {  	[simem:s7], [sflag:s8] =	dma.local @!p0 [hbm:s6], $0xF7A  }
0x23: {  	s9 =	sor.u32 $0xD0000000, s2;
	s6 =	simm.s32 $0x108;
	_ =	swait.ge @!p0 [sflag:s8], $0x0  }
0x24: {  	s3 =	sadd.s32 $0x88, s3;
	s6 =	simm.s32 @!p1 $0x1082;
	[sflag:s4] =	ssyncset.s32 $0xFFFFF086  }
0x25: {  	[simem:s6], [sflag:s4] =	dma.local [hbm:s3], $0xF7A  }
0x26: {  	[smem:$0x3F73] =	sst s1;
	(tag) =	ssettag s2;
	_ =	strace s9  }
0x27: {  	s1 =	sld [smem:$0x3F83]  }
0x28: {  	s2 =	sld [smem:$0x3F84]  }
0x29: {  	s4 =	sld [smem:$0x3F86]  }
0x2a: {  	p0 =	seq.s32 s5, $0x0;
	s5 =	sld [smem:$0x3F87]  }
0x2b: {  	s6 =	sld [smem:$0x3F88]  }
0x2c: {  	s7 =	sld [smem:$0x3F89]  }
0x2d: {  	s3 =	simm.s32 $0x108;
	s8 =	sld [smem:$0x3F8A]  }
0x2e: {  	s3 =	simm.s32 @!p0 $0x1082;
	s9 =	sld [smem:$0x3F8B]  }
0x2f: {  	lr =	sadd.s32 s0, s3;
	s0 =	sld [smem:$0x3F82]  }
0x30: {  	s3 =	sld [smem:$0x3F85]  }
0x31: {  	[smem:$0x3F8E] =	sst s10  }
0x32: {  	s10 =	sld [smem:$0x3F8C];
	_ =	sdelay $0x3  }
0x33: {  	p0 =	seq.s32 s10, $0x1;
	s10 =	sld [smem:$0x3F8E];
	_ =	sdelay $0x3  }
0x34: {  	[smem:$0x3F8E] =	sst s10  }
0x35: {  	s10 =	sld [smem:$0x3F8D];
	_ =	sdelay $0x3  }
0x36: {  	p1 =	seq.s32 s10, $0x1;
	s10 =	sld [smem:$0x3F8E];
	_ =	sdelay $0x3  }
0x37: {  	[smem:$0x3F8E] =	sst s10  }
0x38: {  	s10 =	sld [smem:$0x3F8F]  }
0x39: {  	_ = 	snop;
	(pc) =	sbr.ind lr, $3  }
0x3a: {  	_ = 	snop  }
0x3b: {  	_ = 	snop  }
0x3c: {  	p2 =	seq.s32 s10, $0x1;
	s10 =	sld [smem:$0x3F8E]  }
0x3d: {  	_ =	shalt  }
0x3e: {  	_ =	shalt  }
0x3f: {  	_ =	shalt  }
0x40: {  	_ =	shalt  }
0x41: {  	_ =	shalt  }
0x42: {  	_ =	shalt  }
0x43: {  	_ =	shalt  }
0x44: {  	_ =	shalt  }
0x45: {  	_ =	shalt  }
0x46: {  	_ =	shalt  }
0x47: {  	_ =	shalt  }
0x48: {  	_ =	shalt  }
0x49: {  	_ =	shalt  }
0x4a: {  	_ =	shalt  }
0x4b: {  	_ =	shalt  }
0x4c: {  	_ =	shalt  }
0x4d: {  	_ =	shalt  }
0x4e: {  	_ =	shalt  }
0x4f: {  	_ =	shalt  }
0x50: {  	_ =	shalt  }
0x51: {  	_ =	shalt  }
0x52: {  	_ =	shalt  }
0x53: {  	_ =	shalt  }
0x54: {  	_ =	shalt  }
0x55: {  	_ =	shalt  }
0x56: {  	_ =	shalt  }
0x57: {  	_ =	shalt  }
0x58: {  	_ =	shalt  }
0x59: {  	_ =	shalt  }
0x5a: {  	_ =	shalt  }
0x5b: {  	_ =	shalt  }
0x5c: {  	_ =	shalt  }
0x5d: {  	_ =	shalt  }
0x5e: {  	_ =	shalt  }
0x5f: {  	_ =	shalt  }
0x60: {  	_ =	shalt  }
0x61: {  	_ =	shalt  }
0x62: {  	_ =	shalt  }
0x63: {  	_ =	shalt  }
0x64: {  	_ =	shalt  }
0x65: {  	_ =	shalt  }
0x66: {  	_ =	shalt  }
0x67: {  	_ =	shalt  }
0x68: {  	_ =	shalt  }
0x69: {  	_ =	shalt  }
0x6a: {  	_ =	shalt  }
0x6b: {  	_ =	shalt  }
0x6c: {  	_ =	shalt  }
0x6d: {  	_ =	shalt  }
0x6e: {  	_ =	shalt  }
0x6f: {  	_ =	shalt  }
0x70: {  	_ =	shalt  }
0x71: {  	_ =	shalt  }
0x72: {  	_ =	shalt  }
0x73: {  	_ =	shalt  }
0x74: {  	_ =	shalt  }
0x75: {  	_ =	shalt  }
0x76: {  	_ =	shalt  }
0x77: {  	_ =	shalt  }
0x78: {  	_ =	shalt  }
0x79: {  	_ =	shalt  }
0x7a: {  	_ =	shalt  }
0x7b: {  	_ =	shalt  }
0x7c: {  	_ =	shalt  }
0x7d: {  	_ =	shalt  }
0x7e: {  	_ =	shalt  }
0x7f: {  	_ =	shalt  }
0x80: {  	_ =	shalt  }
0x81: {  	_ =	shalt  }
0x82: {  	_ =	shalt  }
0x83: {  	_ =	shalt  }
0x84: {  	_ =	shalt  }
0x85: {  	_ =	shalt  }
0x86: {  	_ =	shalt  }
0x87: {  	_ =	shalt  }
.Lfunc_end0:
.L_simem_size_0:
called_computation.1_lowered:
.L_overlay_start_0:
0x88: {  	s2 =	sld [smem:$0x3FD9]  }
0x89: {  	s3 =	sld [smem:$0x3FFE];
	_ =	sdelay $0x1  }
0x8a: {  	s1 =	srdreg.scid  }
0x8b: {  	s0 =	sand.u32 $0x1, s1  }
0x8c: {  	s17 =	sshll.u32 s0, $0xA;
	s2 =	sadd.s32 s3, s2  }
0x8d: {  	s2 =	sadd.s32 s2, s17  }
0x8e: {  	[smem:$0x3F9A] =	sst s2  }
0x8f: {  	_ = 	snop  }
0x90: {  	s2 =	sld [smem:$0x3FD0];
	(tm) =	ssettm $0x1  }
0x91: {  	s18 =	sld [smem:$0x3FFB];
	_ =	sdelay $0x3  }
0x92: {  	_ =	strace s18  }
0x93: {  	s3 =	sld [smem:$0x3FFC];
	_ =	sdelay $0x3  }
0x94: {  	_ =	strace s3  }
0x95: {  	s3 =	sld [smem:$0x3FFD];
	_ =	sdelay $0x3  }
0x96: {  	_ =	strace s3  }
0x97: {  	_ =	strace $0x8FFFFFFF  }
0x98: {  	s19 =	sld [smem:$0x3FDB];
	_ =	sdelay $0x1  }
0x99: {  	s4 =	simm.s32 $_scs_section_size  }
0x9a: {  	s5 =	simm.s32 $_size__tile_overlayer_lowered;
	s6 =	simm.s32 $_tile_overlayer_lowered  }
0x9b: {  	s22 =	simm.s32 $0x1BFF;
	s21 =	sshll.u32 s6, $0x1;
	s3 =	sadd.s32 s4, s19  }
0x9c: {  	s7 =	simm.s32 $0x0;
	s20 =	sshll.u32 s5, $0x1;
	s5 =	sadd.s32 s21, s3  }
0x9d: {  	[timem:s7], [sflag:s22] =	dma.local [hbm:s5], s20  }
0x9e: {  	_ =	swait.ge [sflag:s22], s20  }
0x9f: {  	s4 =	ssub.s32 $0x0, s20;
	[sflag:s22] =	ssyncset.done $0x0  }
0xa0: {  	[sflag:s22] =	ssyncadd.s32 s4;
	_ =	sdelay $0x1  }
0xa1: {  	s23 =	simm.s32 $0x1B8B  }
0xa2: {  	_ =	swait.ge [sflag:s23], $0x1  }
0xa3: {  	[sflag:s23] =	ssyncset.done $0x0  }
0xa4: {  	s25 =	simm.s32 $0x1B8E;
	s24 =	sld [smem:$0x3FFE];
	[sflag:s23] =	ssyncadd.s32 $0xFFFFFFFF  }
0xa5: {  	s26 =	simm.s32 $execute0_lowered;
	[smem:$0x3FD2] =	sst s25  }
0xa6: {  	s5 =	sshll.u32 s26, $0x1;
	_ =	strace $0x80000049;
	[dreg:$0x1] =	wrdreg $0xFFFFFFFF  }
0xa7: {  	s28 =	simm.s32 $_size_execute0_lowered;
	s3 =	sadd.s32 s3, s5;
	[dreg:$0x0] =	wrdreg $0x0  }
0xa8: {  	s5 =	sshll.u32 s28, $0x1;
	[dreg:$0x2] =	wrdreg s3  }
0xa9: {  	[dreg:$0x3] =	wrdreg s5  }
0xaa: {  	[dreg:$0x4] =	wrdreg $0xC0  }
0xab: {  	_ =	task [dreg:s7], $0x5FFFF  }
0xac: {  	[dreg:$0x1] =	wrdreg $0xFFFFFFFF  }
0xad: {  	[dreg:$0x0] =	wrdreg $0x60  }
0xae: {  	[dreg:$0x2] =	wrdreg s2  }
0xaf: {  	[dreg:$0x3] =	wrdreg s24  }
0xb0: {  	[dreg:$0x4] =	wrdreg $0x9  }
0xb1: {  	_ =	task.clear_ibuf [dreg:s7], $0x5FFFF;
	_ =	strace $0x90000049  }
0xb2: {  	s29 =	simm.s32 $0x9;
	_ =	strace $0x8000004B  }
0xb3: {  	_ =	swait.ge [sflag:s29], $0x1  }
0xb4: {  	[sflag:s29] =	ssyncadd.s32 $0xFFFFFFFF  }
0xb5: {  	_ =	strace $0x9000004B  }
0xb6: {  	_ =	sfence  }
0xb7: {  	s30 =	sld [smem:$0x0];
	_ =	sdelay $0x2  }
0xb8: {  	s31 =	sshll.u32 s1, $0xD;
	s1 =	sshrl.u32 s1, $0x2  }
0xb9: {  	s3 =	sand.u32 $0x4000, s31;
	s1 =	sadd.s32 s1, s30  }
0xba: {  	s0 =	sor.u32 s3, s0;
	s1 =	sshll.u32 s1, $0x11  }
0xbb: {  	s0 =	sor.u32 s1, s0  }
0xbc: {  	s0 =	sadd.s32 $0x8F2B, s0  }
0xbd: {  	[sflag:s0] =	ssyncadd.remote.s32 $0x1  }
0xbe: {  	_ =	sfence.sel $0xFFFF  }
0xbf: {  	[dreg:$0x0] =	wrdreg $0xFFFFFFFF;
	(pc) =	sbr.abs _section_cstart, $3  }
0xc0: {  	[dreg:$0x1] =	wrdreg $0xFFFFFFFF  }
0xc1: {  	_ =	task.clear_ibuf [dreg:s7], $0x2FFFF;
	_ =	strace $0x9FFFFFFF  }
0xc2: {  	(tm) =	ssettm $0x7FFFFFFF  }
0xc3: {  	_ =	shalt  }
tec
execute0_lowered:
.L_overlay_start_1:
0x0: {  	(tag) =	ssettag $0x1  }
0x1: {  	s2 =	rddreg [dreg:$0x0]  }
0x2: {  	s4 =	rddreg [dreg:$0x1]  }
0x3: {  	s0 =	rddreg [dreg:$0x2];
	s1 =	stileid.u32  }
0x4: {  	s5 =	srdreg.scid;
	s3 =	simm.s32 $0x0;
	s6 =	smul.u32 $0x2800, s1  }
0x5: {  	s10 =	simm.s32 $0x0;
	s5 =	sand.u32 $0x1, s5;
	s8 =	smul.u32 $0x28000, s1  }
0x6: {  	[smem:$0x7FF] =	sst s3;
	s7 =	smul.u32 $0x1400, s5;
	s9 =	ssub.s32 $0x2, s5  }
0x7: {  	_ =	strace $0x8000004A;
	s5 =	smul.u32 $0x14000, s5;
	s31 =	sshrl.u32 s9, $0x1  }
0x8: {  	s8 =	sadd.s32 s8, s4;
	s6 =	sadd.s32 s7, s6;
	s7 =	ssub.s32 s9, s31  }
0x9: {  	s5 =	sadd.s32 s5, s8;
	s8 =	simm.s32 $0x80;
	s6 =	sshrl.u32 s6, $0x3  }
0xa: {  	s9 =	simm.s32 $0x1;
	s5 =	sadd.s32 $0x4DE00, s5;
	s6 =	sadd.s32 s6, s4  }
0xb: {  	s4 =	smax.u32 s7, $0x1;
	s7 =	simm.s32 $0x2;
	s6 =	sadd.s32 $0x8E00, s6  }
.LBB2_1:
0xc: {  	s11 =	sadd.s32 $0x0, s6  }
0xd: {  	[tilespmem:s3], [sflag:$0x2] =	stream.linear.gather [hbm4b:s11+s3], $0x80, $0x38;
	[tilespmem:$0x4080] =	vst v63  }
0xe: {  	_ =	swait.ge [sflag:s7], $0x80  }
0xf: {  	[sflag:s7] =	ssyncset.done $0x0  }
0x10: {  	[sflag:s7] =	ssyncadd.s32 $0xFFFFFF80  }
0x11: {  	[tilespmem:s8], [sflag:$0x1] =	stream.indirect.gather [hbm4b:s2+s8], $0x80, s3, s8, $0xb8;
	[tilespmem:$0x4080] =	vst v63  }
0x12: {  	_ =	swait.ge [sflag:s9], $0x4000  }
0x13: {  	[sflag:s9] =	ssyncset.done $0x0  }
0x14: {  	[sflag:s9] =	ssyncadd.s32 $0xFFFFC000  }
0x15: {  	[hbm4b:s5+s3] =	stream.linear.scatter [tilespmem:s8], [sflag:$0x2], $0x4000, $0x38;
	[tilespmem:$0x4080] =	vst v63  }
0x16: {  	s12 =	simm.s32 $0x10;
	_ =	swait.ge [sflag:s7], $0x4000  }
0x17: {  	s13 =	simm.s32 $0x20;
	s11 =	sadd.s32 $0x800, s5;
	[sflag:s7] =	ssyncset.done $0x0  }
.LBB2_2:
0x18: {  	s14 =	sadd.s32 s12, s6  }
0x19: {  	[sflag:s7] =	ssyncadd.s32 $0xFFFFC000;
	s12 =	smov.u32 s13;
	s15 =	sadd.s32 $0x10, s13  }
0x1a: {  	[tilespmem:s3], [sflag:$0x2] =	stream.linear.gather [hbm4b:s14+s3], $0x80, $0x38;
	[tilespmem:$0x4080] =	vst v63  }
0x1b: {  	p0 =	sne.s32 s13, $0x270;
	_ =	swait.ge [sflag:s7], $0x80  }
0x1c: {  	[sflag:s7] =	ssyncset.done $0x0  }
0x1d: {  	[sflag:s7] =	ssyncadd.s32 $0xFFFFFF80  }
0x1e: {  	[tilespmem:s8], [sflag:$0x1] =	stream.indirect.gather [hbm4b:s2+s8], $0x80, s3, s8, $0xb8;
	[tilespmem:$0x4080] =	vst v63  }
0x1f: {  	_ =	swait.ge [sflag:s9], $0x4000  }
.Ltmp0:
0x20: {  	[sflag:s9] =	ssyncset.done $0x0;
	(pc) =	sbr.rel @p0 .LBB2_2-.Ltmp0, $4  }
0x21: {  	[sflag:s9] =	ssyncadd.s32 $0xFFFFC000  }
0x22: {  	[hbm4b:s11+s3] =	stream.linear.scatter [tilespmem:s8], [sflag:$0x2], $0x4000, $0x38;
	[tilespmem:$0x4080] =	vst v63  }
0x23: {  	_ =	swait.ge [sflag:s7], $0x4000  }
0x24: {  	s13 =	smov.u32 s15;
	s11 =	sadd.s32 $0x800, s11;
	[sflag:s7] =	ssyncset.done $0x0  }
0x25: {  	s12 =	sadd.s32 s12, s6;
	[sflag:s7] =	ssyncadd.s32 $0xFFFFC000  }
0x26: {  	[tilespmem:s3], [sflag:$0x2] =	stream.linear.gather [hbm4b:s12+s3], $0x80, $0x38;
	[tilespmem:$0x4080] =	vst v63  }
0x27: {  	_ =	swait.ge [sflag:s7], $0x80  }
0x28: {  	[sflag:s7] =	ssyncset.done $0x0  }
0x29: {  	[sflag:s7] =	ssyncadd.s32 $0xFFFFFF80  }
0x2a: {  	[tilespmem:s8], [sflag:$0x1] =	stream.indirect.gather [hbm4b:s2+s8], $0x80, s3, s8, $0xb8;
	[tilespmem:$0x4080] =	vst v63  }
0x2b: {  	s10 =	sadd.s32 $0x1, s10;
	_ =	swait.ge [sflag:s9], $0x4000  }
0x2c: {  	p0 =	sne.s32 s10, s4;
	[sflag:s9] =	ssyncset.done $0x0  }
.Ltmp1:
0x2d: {  	[sflag:s9] =	ssyncadd.s32 $0xFFFFC000;
	(pc) =	sbr.rel @p0 .LBB2_1-.Ltmp1, $4  }
0x2e: {  	[hbm4b:s11+s3] =	stream.linear.scatter [tilespmem:s8], [sflag:$0x2], $0x4000, $0x38;
	[tilespmem:$0x4080] =	vst v63  }
0x2f: {  	_ =	swait.ge [sflag:s7], $0x4000  }
0x30: {  	[sflag:s7] =	ssyncset.done $0x0  }
0x31: {  	[sflag:s7] =	ssyncadd.s32 $0xFFFFC000  }
0x32: {  	_ =	sfence.sel $0x180000  }
0x33: {  	[bflag:$0x0] =	sbarrier.arrive $0xFFFF  }
0x34: {  	p0 =	sne.s32 s1, $0x0;
	_ =	strace $0x9000004A  }
0x35: {  	s0 =	sadd.s32 @!p0 $0x100000, s0;
	[bflag:$0x2] =	sbarrier.arrive $0xFFFF  }
0x36: {  	[sflag:s0] =	ssyncadd.tile.s32 @!p0 $0x1;
	_ =	shalt  }
.Lfunc_end2:
_tile_overlayer_lowered:
.L_overlay_start_2:
0x37: {  	(tag) =	ssettag $0x2  }
0x38: {  	s0 =	rddreg [dreg:$0x0];
	s2 =	stileid.u32  }
0x39: {  	s1 =	rddreg [dreg:$0x1];
	p0 =	sne.s32 s2, $0x0  }
0x3a: {  	s3 =	rddreg [dreg:$0x2];
	[bflag:$0x3] =	sbarrier.arrive $0xFFFF;
	s2 =	simm.s32 @!p0 $0x1C02  }
0x3b: {  	[timem:s3], [sflag:s2] =	dma.local @!p0 [hbm:s0], s1  }
0x3c: {  	s0 =	simm.s32 @!p0 $0x2  }
0x3d: {  	_ =	swait.ge @!p0 [sflag:s0], s1  }
0x3e: {  	s1 =	ssub.s32 @!p0 $0x0, s1;
	[sflag:s0] =	ssyncset.done @!p0 $0x0  }
0x3f: {  	[sflag:s0] =	ssyncadd.s32 @!p0 s1  }
0x40: {  	[bflag:$0x3] =	sbarrier.arrive $0xFFFF  }
0x41: {  	_ =	shalt  }

</sc_bundles>
